<compile_context>
chip_gen: v7x
topology: tpu7x:2x2x1
jax: 0.10.2.dev20260603
libtpu: 0.0.44.dev20260713+nightly
codegen_flags: <defaults>
</compile_context>

<pallas_src>
import jax
import jax.numpy as jnp
from jax import lax
from jax.experimental import pallas as pl
from jax.experimental.pallas import tpu as pltpu
from jax.experimental.pallas import tpu_sc as plsc

N = 10000
E = 320000
F = 128
HID = 32
P = 12

NC = 2
NS = 16

CW = 128
CH = (2 * HID * P) // CW
EB = 80
TE_SC = E // NS
TE_A = E // (NC * NS)
NPAD = 10240
RPT = NPAD // NS

_mesh = plsc.VectorSubcoreMesh(
    core_axis_name="c", subcore_axis_name="s", num_cores=NC, num_subcores=NS)


DW = 128
NB_A = TE_A // EB


def _deg_body(dst_hbm, ones_hbm, z_hbm, out_hbm, dstb, dstc, onesb, sdeg):
    c = lax.axis_index("c")
    s = lax.axis_index("s")
    w = s * NC + c
    pltpu.sync_copy(dst_hbm.at[pl.ds(w * TE_A, TE_A)], dstb)
    pltpu.sync_copy(ones_hbm, onesb)
    pltpu.sync_copy(z_hbm, sdeg.at[pl.ds(s * RPT, RPT)])
    plsc.subcore_barrier()

    def astep(b, carry):
        for k in range(EB // 16):
            dstc[pl.ds(k * 16, 16)] = dstb[pl.ds(b * EB + k * 16, 16)]
        pltpu.sync_copy(onesb, sdeg.at[dstc], add=True)
        return carry

    lax.fori_loop(0, NB_A, astep, 0)
    plsc.subcore_barrier()
    pltpu.sync_copy(sdeg.at[pl.ds(s * RPT, RPT)],
                    out_hbm.at[pl.ds(c * NPAD + s * RPT, RPT)])


_deg_call = pl.kernel(
    _deg_body,
    out_type=jax.ShapeDtypeStruct((NC * NPAD, DW), jnp.float32),
    mesh=_mesh,
    scratch_types=[
        pltpu.VMEM((TE_A,), jnp.int32),
        pltpu.VMEM((EB,), jnp.int32),
        pltpu.VMEM((EB, DW), jnp.float32),
        pltpu.VMEM_SHARED((NPAD, DW), jnp.float32),
    ],
)


def _dis_body(deg_ref, dis_ref):
    deg = deg_ref[0, 0:N, 0:1] + deg_ref[1, 0:N, 0:1]
    dis_ref[...] = lax.rsqrt(deg + 1.0)


_dis_call = pl.pallas_call(
    _dis_body,
    out_shape=jax.ShapeDtypeStruct((N, 1), jnp.float32),
)


_BN = 1000


def _proj_body(x_ref, dis_ref, Wz_ref, Wh_ref, LzW_ref, LhW_ref, y_ref):
    f32 = jnp.float32
    Wz2 = jnp.dot(Wz_ref[...], LzW_ref[0:HID, :], preferred_element_type=f32)
    Wh2 = jnp.dot(Wh_ref[...], LhW_ref[0:HID, :], preferred_element_type=f32)
    dis = dis_ref[...]
    zs = [jnp.dot(x_ref[p], Wz2, preferred_element_type=f32) for p in range(P)]
    hs = [jnp.dot(x_ref[p], Wh2, preferred_element_type=f32) for p in range(P)]
    for i in range(CH // 2):
        y_ref[i] = dis * jnp.concatenate(zs[4 * i:4 * i + 4], axis=1)
        y_ref[CH // 2 + i] = dis * jnp.concatenate(hs[4 * i:4 * i + 4], axis=1)


_proj_call = pl.pallas_call(
    _proj_body,
    grid=(N // _BN,),
    in_specs=[
        pl.BlockSpec((P, _BN, F), lambda i: (0, i, 0)),
        pl.BlockSpec((_BN, 1), lambda i: (i, 0)),
        pl.BlockSpec((F, HID), lambda i: (0, 0)),
        pl.BlockSpec((F, HID), lambda i: (0, 0)),
        pl.BlockSpec((2 * HID, HID), lambda i: (0, 0)),
        pl.BlockSpec((2 * HID, HID), lambda i: (0, 0)),
    ],
    out_specs=pl.BlockSpec((CH, _BN, CW), lambda i: (0, i, 0)),
    out_shape=jax.ShapeDtypeStruct((CH, NPAD, CW), jnp.float32),
)


SB = 4000
NSB = TE_SC // SB
NB_I = SB // EB
NTRI = (NB_I - 2) // 3


def _agg_body(y_hbm, src_hbm, dst_hbm, z_hbm, out_hbm,
              srcb, dstb, rows0, rows1, rows2, idx0, idx1, idx2,
              dstc0, dstc1, dstc2, ssh, sem0, sem1, sem2):
    c = lax.axis_index("c")
    s = lax.axis_index("s")
    for q in range(CH // NC):
        chunk = c * (CH // NC) + q
        off = chunk * NPAD
        pltpu.sync_copy(z_hbm, ssh.at[pl.ds(s * RPT, RPT)])
        plsc.subcore_barrier()

        def fill(b, idxr, dstcr):
            for k in range(EB // 16):
                idxr[pl.ds(k * 16, 16)] = srcb[pl.ds(b * EB + k * 16, 16)] + off
                dstcr[pl.ds(k * 16, 16)] = dstb[pl.ds(b * EB + k * 16, 16)]

        def sbstep(sb, carry):
            base = s * TE_SC + sb * SB
            pltpu.sync_copy(src_hbm.at[pl.ds(base, SB)], srcb)
            pltpu.sync_copy(dst_hbm.at[pl.ds(base, SB)], dstb)
            fill(0, idx0, dstc0)
            pltpu.async_copy(y_hbm.at[idx0], rows0, sem0)
            fill(1, idx1, dstc1)
            pltpu.async_copy(y_hbm.at[idx1], rows1, sem1)

            def triple(bb, carry2):
                b0 = bb * 3
                fill(b0 + 2, idx2, dstc2)
                pltpu.async_copy(y_hbm.at[idx2], rows2, sem2)
                pltpu.make_async_copy(y_hbm.at[idx0], rows0, sem0).wait()
                pltpu.sync_copy(rows0, ssh.at[dstc0], add=True)
                fill(b0 + 3, idx0, dstc0)
                pltpu.async_copy(y_hbm.at[idx0], rows0, sem0)
                pltpu.make_async_copy(y_hbm.at[idx1], rows1, sem1).wait()
                pltpu.sync_copy(rows1, ssh.at[dstc1], add=True)
                fill(b0 + 4, idx1, dstc1)
                pltpu.async_copy(y_hbm.at[idx1], rows1, sem1)
                pltpu.make_async_copy(y_hbm.at[idx2], rows2, sem2).wait()
                pltpu.sync_copy(rows2, ssh.at[dstc2], add=True)
                return carry2

            lax.fori_loop(0, NTRI, triple, 0)
            pltpu.make_async_copy(y_hbm.at[idx0], rows0, sem0).wait()
            pltpu.sync_copy(rows0, ssh.at[dstc0], add=True)
            pltpu.make_async_copy(y_hbm.at[idx1], rows1, sem1).wait()
            pltpu.sync_copy(rows1, ssh.at[dstc1], add=True)
            return carry

        lax.fori_loop(0, NSB, sbstep, 0)
        plsc.subcore_barrier()
        pltpu.sync_copy(ssh.at[pl.ds(s * RPT, RPT)],
                        out_hbm.at[pl.ds(off + s * RPT, RPT)])
        plsc.subcore_barrier()


_agg_call = pl.kernel(
    _agg_body,
    out_type=jax.ShapeDtypeStruct((CH * NPAD, CW), jnp.float32),
    mesh=_mesh,
    scratch_types=[
        pltpu.VMEM((SB,), jnp.int32),
        pltpu.VMEM((SB,), jnp.int32),
        pltpu.VMEM((EB, CW), jnp.float32),
        pltpu.VMEM((EB, CW), jnp.float32),
        pltpu.VMEM((EB, CW), jnp.float32),
        pltpu.VMEM((EB,), jnp.int32),
        pltpu.VMEM((EB,), jnp.int32),
        pltpu.VMEM((EB,), jnp.int32),
        pltpu.VMEM((EB,), jnp.int32),
        pltpu.VMEM((EB,), jnp.int32),
        pltpu.VMEM((EB,), jnp.int32),
        pltpu.VMEM_SHARED((NPAD, CW), jnp.float32),
        pltpu.SemaphoreType.DMA,
        pltpu.SemaphoreType.DMA,
        pltpu.SemaphoreType.DMA,
    ],
)


def _out_body(s_ref, y_ref, dis_ref, att_ref, cz_ref, ch_ref,
              linW_ref, linb_ref, o_ref):
    f32 = jnp.float32
    dis = dis_ref[...]
    g = [(s_ref[i] + y_ref[i]) * dis for i in range(CH)]
    Zall = jnp.concatenate(g[:CH // 2], axis=1) + cz_ref[...]
    Hall = jnp.concatenate(g[CH // 2:], axis=1) + ch_ref[...]
    AB = (1.0 - jax.nn.sigmoid(Zall)) * jnp.tanh(Hall)
    att = att_ref[...]
    m = jnp.max(att, axis=1, keepdims=True)
    e = jnp.exp(att - m)
    probs = e / jnp.sum(e, axis=1, keepdims=True)
    r12 = lax.broadcasted_iota(jnp.int32, (P * HID, P), 0) // HID
    c12 = lax.broadcasted_iota(jnp.int32, (P * HID, P), 1)
    onehot = (r12 == c12).astype(f32)
    pv = lax.dot_general(onehot, probs, (((1,), (1,)), ((), ())),
                         preferred_element_type=f32)
    ri = lax.broadcasted_iota(jnp.int32, (P * HID, HID), 0) % HID
    ci = lax.broadcasted_iota(jnp.int32, (P * HID, HID), 1)
    Pmat = jnp.where(ri == ci, pv, 0.0)
    H = jnp.dot(AB, Pmat, preferred_element_type=f32)
    o_ref[...] = jnp.dot(jnp.maximum(H, 0.0), linW_ref[...],
                         preferred_element_type=f32) + linb_ref[...]


_out_call = pl.pallas_call(
    _out_body,
    grid=(N // _BN,),
    in_specs=[
        pl.BlockSpec((CH, _BN, CW), lambda i: (0, i, 0)),
        pl.BlockSpec((CH, _BN, CW), lambda i: (0, i, 0)),
        pl.BlockSpec((_BN, 1), lambda i: (i, 0)),
        pl.BlockSpec((1, P), lambda i: (0, 0)),
        pl.BlockSpec((1, P * HID), lambda i: (0, 0)),
        pl.BlockSpec((1, P * HID), lambda i: (0, 0)),
        pl.BlockSpec((HID, P), lambda i: (0, 0)),
        pl.BlockSpec((1, P), lambda i: (0, 0)),
    ],
    out_specs=pl.BlockSpec((_BN, P), lambda i: (i, 0)),
    out_shape=jax.ShapeDtypeStruct((N, P), jnp.float32),
)


def kernel(x, edge_index, att, Wz, bz, Wr, br, Wh, bh,
           LzW, Lzb, LrW, Lrb, LhW, Lhb, linW, linb):
    src = edge_index[0]
    dst = edge_index[1]
    x3 = jnp.transpose(x, (2, 0, 1))
    zrows = jnp.zeros((RPT, CW), jnp.float32)
    zdeg = jnp.zeros((RPT, DW), jnp.float32)
    ones = jnp.ones((EB, DW), jnp.float32)

    degp = _deg_call(dst, ones, zdeg).reshape(NC, NPAD, DW)
    dis = _dis_call(degp)
    y = _proj_call(x3, dis, Wz, Wh, LzW, LhW)
    yflat = y.reshape(CH * NPAD, CW)
    s_flat = _agg_call(yflat, src, dst, zrows)
    s4 = s_flat.reshape(CH, NPAD, CW)

    cz = jnp.tile(bz @ LzW[:HID] + Lzb, P).reshape(1, P * HID)
    ch = jnp.tile(bh @ LhW[:HID] + Lhb, P).reshape(1, P * HID)
    return _out_call(s4, y, dis, att.reshape(1, P), cz, ch,
                     linW, linb.reshape(1, P))

# --- scband reference (transcript-rebuilt; emitter-appended) ---
"""Pipeline reference for scband-gnn-a3-tgcn-48653389529155 (READ-ONLY COPY).

The authoritative reference and input builder live on the scoring server;
editing this copy changes nothing except your own understanding.
"""

import jax, jax.numpy as jnp
import numpy as np

N = 10000
E = 320000
F_IN = 128
HID = 32
P = 12


def setup_inputs(seed: int = 0) -> dict:
    key = jax.random.key(seed)
    ks = jax.random.split(key, 18)

    def w(k, shape, scale=0.1):
        return jax.random.normal(k, shape, dtype=jnp.float32) * scale

    inp = {}
    inp["x"] = jax.random.normal(ks[0], (N, F_IN, P), dtype=jnp.float32)
    inp["edge_index"] = jax.random.randint(ks[1], (2, E), 0, N, dtype=jnp.int32)
    # A3TGCN attention over periods (init: uniform)
    inp["att"] = jax.random.uniform(ks[2], (P,), dtype=jnp.float32)
    # TGCN: three GCNConv layers (weight [in, out], bias [out])
    inp["Wz"] = w(ks[3], (F_IN, HID)); inp["bz"] = jnp.zeros((HID,), jnp.float32)
    inp["Wr"] = w(ks[4], (F_IN, HID)); inp["br"] = jnp.zeros((HID,), jnp.float32)
    inp["Wh"] = w(ks[5], (F_IN, HID)); inp["bh"] = jnp.zeros((HID,), jnp.float32)
    # TGCN: three Linear(2*out, out) layers
    inp["LzW"] = w(ks[6], (2 * HID, HID)); inp["Lzb"] = w(ks[7], (HID,))
    inp["LrW"] = w(ks[8], (2 * HID, HID)); inp["Lrb"] = w(ks[9], (HID,))
    inp["LhW"] = w(ks[10], (2 * HID, HID)); inp["Lhb"] = w(ks[11], (HID,))
    # Final Linear(hidden, periods)
    inp["linW"] = w(ks[12], (HID, P)); inp["linb"] = w(ks[13], (P,))
    return inp


def reference(x, edge_index, att, Wz, bz, Wr, br, Wh, bh, LzW, Lzb, LrW, Lrb, LhW, Lhb, linW, linb):
    n = x.shape[0]
    src = edge_index[0]
    dst = edge_index[1]
    # gcn_norm with add_self_loops=True, edge_weight=1
    loop = jnp.arange(n, dtype=src.dtype)
    s = jnp.concatenate([src, loop])
    d = jnp.concatenate([dst, loop])
    ew = jnp.ones(s.shape[0], dtype=x.dtype)
    deg = jnp.zeros((n,), x.dtype).at[d].add(ew)
    dis = jnp.where(deg > 0, jax.lax.rsqrt(deg), 0.0)
    norm = dis[s] * ew * dis[d]

    def gcn_conv(xt, W, b):
        xw = xt @ W
        msg = norm[:, None] * xw[s]
        out = jnp.zeros((n, W.shape[1]), x.dtype).at[d].add(msg)
        return out + b

    probs = jax.nn.softmax(att)
    H0 = jnp.zeros((n, HID), x.dtype)  # hidden state (A3TGCN passes the same H=None each period)
    H_accum = jnp.zeros((n, HID), x.dtype)
    for p in range(x.shape[2]):
        xt = x[:, :, p]
        Z = jax.nn.sigmoid(jnp.concatenate([gcn_conv(xt, Wz, bz), H0], axis=1) @ LzW + Lzb)
        R = jax.nn.sigmoid(jnp.concatenate([gcn_conv(xt, Wr, br), H0], axis=1) @ LrW + Lrb)
        H_tilde = jnp.tanh(jnp.concatenate([gcn_conv(xt, Wh, bh), H0 * R], axis=1) @ LhW + Lhb)
        H = Z * H0 + (1.0 - Z) * H_tilde
        H_accum = H_accum + probs[p] * H
    h = jax.nn.relu(H_accum)
    return h @ linW + linb

if __name__ == "__main__":
    import jax
    _d = setup_inputs()
    print(jax.jit(kernel)(*tuple(_d.values())))

</pallas_src>

<mosaic_0001>
#map = affine_map<(d0, d1) -> (0, 0)>
#map1 = affine_map<(d0, d1) -> (0)>
module attributes {stable_mosaic.version = 14 : i64} {
  func.func @_agg_body(%arg0: i32, %arg1: i32, %arg2: memref<61440x128xf32, #tpu.memory_space<hbm>>, %arg3: memref<320000xi32, #tpu.memory_space<hbm>>, %arg4: memref<320000xi32, #tpu.memory_space<hbm>>, %arg5: memref<640x128xf32, #tpu.memory_space<hbm>>, %arg6: memref<61440x128xf32, #tpu.memory_space<hbm>>, %arg7: memref<4000xi32, #tpu.memory_space<vmem>>, %arg8: memref<4000xi32, #tpu.memory_space<vmem>>, %arg9: memref<80x128xf32, #tpu.memory_space<vmem>>, %arg10: memref<80x128xf32, #tpu.memory_space<vmem>>, %arg11: memref<80x128xf32, #tpu.memory_space<vmem>>, %arg12: memref<80xi32, #tpu.memory_space<vmem>>, %arg13: memref<80xi32, #tpu.memory_space<vmem>>, %arg14: memref<80xi32, #tpu.memory_space<vmem>>, %arg15: memref<80xi32, #tpu.memory_space<vmem>>, %arg16: memref<80xi32, #tpu.memory_space<vmem>>, %arg17: memref<80xi32, #tpu.memory_space<vmem>>, %arg18: memref<10240x128xf32, #tpu.memory_space<vmem_shared>>, %arg19: memref<!tpu.dma_semaphore, #tpu.memory_space<semaphore_mem>>, %arg20: memref<!tpu.dma_semaphore, #tpu.memory_space<semaphore_mem>>, %arg21: memref<!tpu.dma_semaphore, #tpu.memory_space<semaphore_mem>>) attributes {dimension_semantics = [#tpu.dimension_semantics<core_parallel>, #tpu.dimension_semantics<subcore_parallel>], iteration_bounds = array<i64: 2, 16>, scalar_prefetch = 0 : i64, scratch_operands = 15 : i64, tpu.core_type = #tpu.core_type<sc_vector_subcore>, window_params = [{transform_indices = #map}, {transform_indices = #map1}, {transform_indices = #map1}, {transform_indices = #map}, {transform_indices = #map}]} {
    %mul3A = arith.constant 3 : i32
    %mul3A_0 = arith.muli %arg0, %mul3A : i32
    %add3A = arith.constant 0 : i32
    %add3A_1 = arith.addi %mul3A_0, %add3A : i32
    %mul3A_2 = arith.constant 10240 : i32
    %mul3A_3 = arith.muli %add3A_1, %mul3A_2 : i32
    %mul3A_4 = arith.constant 640 : i32
    %mul3A_5 = arith.muli %arg1, %mul3A_4 : i32
    "tpu.region"() ({
      %run_scoped3A = tpu.sem_alloc : memref<!tpu.dma_semaphore, #tpu.memory_space<semaphore_mem>>
      %dma_start3A = arith.constant 0 : i32
      %dma_start3A_62 = tpu.memref_slice %arg18[%mul3A_5, %dma_start3A] : memref<10240x128xf32, #tpu.memory_space<vmem_shared>> -> memref<640x128xf32, #tpu.memory_space<vmem_shared>>
      tpu.enqueue_dma source(%arg5 : memref<640x128xf32, #tpu.memory_space<hbm>>) target(%dma_start3A_62 : memref<640x128xf32, #tpu.memory_space<vmem_shared>>) target_semaphore(%run_scoped3A : memref<!tpu.dma_semaphore, #tpu.memory_space<semaphore_mem>>)
      %dma_wait3A = arith.constant 0 : i32
      %dma_wait3A_63 = tpu.memref_slice %arg18[%mul3A_5, %dma_wait3A] : memref<10240x128xf32, #tpu.memory_space<vmem_shared>> -> memref<640x128xf32, #tpu.memory_space<vmem_shared>>
      tpu.wait_dma2 semaphore(%run_scoped3A : memref<!tpu.dma_semaphore, #tpu.memory_space<semaphore_mem>>) src(%arg5 : memref<640x128xf32, #tpu.memory_space<hbm>>) dst(%dma_wait3A_63 : memref<640x128xf32, #tpu.memory_space<vmem_shared>>)
      tpu.yield
    }) : () -> ()
    %barrier3A = arith.constant 0 : index
    tpu.barrier barrier_id(%barrier3A)
    %scan3A = arith.constant 0 : i32
    %scan3A_6 = arith.constant 0 : i32
    %scan3A_7 = arith.constant 5 : i32
    %scan3A_8 = arith.addi %scan3A_6, %scan3A_7 : i32
    %scan3A_9 = arith.constant 1 : i32
    scf.for %scan3A_62 = %scan3A_6 to %scan3A_8 step %scan3A_9  : i32 {
      %mul3A_63 = arith.constant 20000 : i32
      %mul3A_64 = arith.muli %arg1, %mul3A_63 : i32
      %mul3A_65 = arith.constant 4000 : i32
      %mul3A_66 = arith.muli %scan3A_62, %mul3A_65 : i32
      %add3A_67 = arith.addi %mul3A_64, %mul3A_66 : i32
      "tpu.region"() ({
        %run_scoped3A = tpu.sem_alloc : memref<!tpu.dma_semaphore, #tpu.memory_space<semaphore_mem>>
        %dma_start3A_242 = tpu.memref_slice %arg3[%add3A_67] : memref<320000xi32, #tpu.memory_space<hbm>> -> memref<4000xi32, #tpu.memory_space<hbm>>
        %dma_start3A_243 = tpu.memref_slice %arg3[%add3A_67] : memref<320000xi32, #tpu.memory_space<hbm>> -> memref<4000xi32, #tpu.memory_space<hbm>>
        tpu.enqueue_dma source(%dma_start3A_243 : memref<4000xi32, #tpu.memory_space<hbm>>) target(%arg7 : memref<4000xi32, #tpu.memory_space<vmem>>) target_semaphore(%run_scoped3A : memref<!tpu.dma_semaphore, #tpu.memory_space<semaphore_mem>>)
        %dma_wait3A_244 = tpu.memref_slice %arg3[%add3A_67] : memref<320000xi32, #tpu.memory_space<hbm>> -> memref<4000xi32, #tpu.memory_space<hbm>>
        %dma_wait3A_245 = tpu.memref_slice %arg3[%add3A_67] : memref<320000xi32, #tpu.memory_space<hbm>> -> memref<4000xi32, #tpu.memory_space<hbm>>
        tpu.wait_dma2 semaphore(%run_scoped3A : memref<!tpu.dma_semaphore, #tpu.memory_space<semaphore_mem>>) src(%dma_wait3A_245 : memref<4000xi32, #tpu.memory_space<hbm>>) dst(%arg7 : memref<4000xi32, #tpu.memory_space<vmem>>)
        tpu.yield
      }) : () -> ()
      "tpu.region"() ({
        %run_scoped3A = tpu.sem_alloc : memref<!tpu.dma_semaphore, #tpu.memory_space<semaphore_mem>>
        %dma_start3A_242 = tpu.memref_slice %arg4[%add3A_67] : memref<320000xi32, #tpu.memory_space<hbm>> -> memref<4000xi32, #tpu.memory_space<hbm>>
        %dma_start3A_243 = tpu.memref_slice %arg4[%add3A_67] : memref<320000xi32, #tpu.memory_space<hbm>> -> memref<4000xi32, #tpu.memory_space<hbm>>
        tpu.enqueue_dma source(%dma_start3A_243 : memref<4000xi32, #tpu.memory_space<hbm>>) target(%arg8 : memref<4000xi32, #tpu.memory_space<vmem>>) target_semaphore(%run_scoped3A : memref<!tpu.dma_semaphore, #tpu.memory_space<semaphore_mem>>)
        %dma_wait3A_244 = tpu.memref_slice %arg4[%add3A_67] : memref<320000xi32, #tpu.memory_space<hbm>> -> memref<4000xi32, #tpu.memory_space<hbm>>
        %dma_wait3A_245 = tpu.memref_slice %arg4[%add3A_67] : memref<320000xi32, #tpu.memory_space<hbm>> -> memref<4000xi32, #tpu.memory_space<hbm>>
        tpu.wait_dma2 semaphore(%run_scoped3A : memref<!tpu.dma_semaphore, #tpu.memory_space<semaphore_mem>>) src(%dma_wait3A_245 : memref<4000xi32, #tpu.memory_space<hbm>>) dst(%arg8 : memref<4000xi32, #tpu.memory_space<vmem>>)
        tpu.yield
      }) : () -> ()
      %get3A = arith.constant 0 : index
      %get3A_68 = tpu.vector_load %arg7[%get3A] {strides = array<i32>} : memref<4000xi32, #tpu.memory_space<vmem>>, vector<16xi32>,
      %get3A_69 = vector.shape_cast %get3A_68 : vector<16xi32> to vector<16xi32>
      %add3A_70 = vector.broadcast %mul3A_3 : i32 to vector<16xi32>
      %add3A_71 = arith.addi %get3A_69, %add3A_70 : vector<16xi32>
      %swap3A = arith.constant 0 : index
      %swap3A_72 = tpu.vector_load %arg12[%swap3A] {strides = array<i32>} : memref<80xi32, #tpu.memory_space<vmem>>, vector<16xi32>,
      %swap3A_73 = vector.shape_cast %swap3A_72 : vector<16xi32> to vector<16xi32>
      %swap3A_74 = vector.shape_cast %add3A_71 : vector<16xi32> to vector<16xi32>
      tpu.vector_store %arg12[%swap3A], %swap3A_74 {strides = array<i32>} : memref<80xi32, #tpu.memory_space<vmem>>, vector<16xi32>,
      %get3A_75 = arith.constant 0 : index
      %get3A_76 = tpu.vector_load %arg8[%get3A_75] {strides = array<i32>} : memref<4000xi32, #tpu.memory_space<vmem>>, vector<16xi32>,
      %get3A_77 = vector.shape_cast %get3A_76 : vector<16xi32> to vector<16xi32>
      %swap3A_78 = arith.constant 0 : index
      %swap3A_79 = tpu.vector_load %arg15[%swap3A_78] {strides = array<i32>} : memref<80xi32, #tpu.memory_space<vmem>>, vector<16xi32>,
      %swap3A_80 = vector.shape_cast %swap3A_79 : vector<16xi32> to vector<16xi32>
      %swap3A_81 = vector.shape_cast %get3A_77 : vector<16xi32> to vector<16xi32>
      tpu.vector_store %arg15[%swap3A_78], %swap3A_81 {strides = array<i32>} : memref<80xi32, #tpu.memory_space<vmem>>, vector<16xi32>,
      %get3A_82 = arith.constant 16 : index
      %get3A_83 = tpu.vector_load %arg7[%get3A_82] {strides = array<i32>} : memref<4000xi32, #tpu.memory_space<vmem>>, vector<16xi32>,
      %get3A_84 = vector.shape_cast %get3A_83 : vector<16xi32> to vector<16xi32>
      %add3A_85 = vector.broadcast %mul3A_3 : i32 to vector<16xi32>
      %add3A_86 = arith.addi %get3A_84, %add3A_85 : vector<16xi32>
      %swap3A_87 = arith.constant 16 : index
      %swap3A_88 = tpu.vector_load %arg12[%swap3A_87] {strides = array<i32>} : memref<80xi32, #tpu.memory_space<vmem>>, vector<16xi32>,
      %swap3A_89 = vector.shape_cast %swap3A_88 : vector<16xi32> to vector<16xi32>
      %swap3A_90 = vector.shape_cast %add3A_86 : vector<16xi32> to vector<16xi32>
      tpu.vector_store %arg12[%swap3A_87], %swap3A_90 {strides = array<i32>} : memref<80xi32, #tpu.memory_space<vmem>>, vector<16xi32>,
      %get3A_91 = arith.constant 16 : index
      %get3A_92 = tpu.vector_load %arg8[%get3A_91] {strides = array<i32>} : memref<4000xi32, #tpu.memory_space<vmem>>, vector<16xi32>,
      %get3A_93 = vector.shape_cast %get3A_92 : vector<16xi32> to vector<16xi32>
      %swap3A_94 = arith.constant 16 : index
      %swap3A_95 = tpu.vector_load %arg15[%swap3A_94] {strides = array<i32>} : memref<80xi32, #tpu.memory_space<vmem>>, vector<16xi32>,
      %swap3A_96 = vector.shape_cast %swap3A_95 : vector<16xi32> to vector<16xi32>
      %swap3A_97 = vector.shape_cast %get3A_93 : vector<16xi32> to vector<16xi32>
      tpu.vector_store %arg15[%swap3A_94], %swap3A_97 {strides = array<i32>} : memref<80xi32, #tpu.memory_space<vmem>>, vector<16xi32>,
      %get3A_98 = arith.constant 32 : index
      %get3A_99 = tpu.vector_load %arg7[%get3A_98] {strides = array<i32>} : memref<4000xi32, #tpu.memory_space<vmem>>, vector<16xi32>,
      %get3A_100 = vector.shape_cast %get3A_99 : vector<16xi32> to vector<16xi32>
      %add3A_101 = vector.broadcast %mul3A_3 : i32 to vector<16xi32>
      %add3A_102 = arith.addi %get3A_100, %add3A_101 : vector<16xi32>
      %swap3A_103 = arith.constant 32 : index
      %swap3A_104 = tpu.vector_load %arg12[%swap3A_103] {strides = array<i32>} : memref<80xi32, #tpu.memory_space<vmem>>, vector<16xi32>,
      %swap3A_105 = vector.shape_cast %swap3A_104 : vector<16xi32> to vector<16xi32>
      %swap3A_106 = vector.shape_cast %add3A_102 : vector<16xi32> to vector<16xi32>
      tpu.vector_store %arg12[%swap3A_103], %swap3A_106 {strides = array<i32>} : memref<80xi32, #tpu.memory_space<vmem>>, vector<16xi32>,
      %get3A_107 = arith.constant 32 : index
      %get3A_108 = tpu.vector_load %arg8[%get3A_107] {strides = array<i32>} : memref<4000xi32, #tpu.memory_space<vmem>>, vector<16xi32>,
      %get3A_109 = vector.shape_cast %get3A_108 : vector<16xi32> to vector<16xi32>
      %swap3A_110 = arith.constant 32 : index
      %swap3A_111 = tpu.vector_load %arg15[%swap3A_110] {strides = array<i32>} : memref<80xi32, #tpu.memory_space<vmem>>, vector<16xi32>,
      %swap3A_112 = vector.shape_cast %swap3A_111 : vector<16xi32> to vector<16xi32>
      %swap3A_113 = vector.shape_cast %get3A_109 : vector<16xi32> to vector<16xi32>
      tpu.vector_store %arg15[%swap3A_110], %swap3A_113 {strides = array<i32>} : memref<80xi32, #tpu.memory_space<vmem>>, vector<16xi32>,
      %get3A_114 = arith.constant 48 : index
      %get3A_115 = tpu.vector_load %arg7[%get3A_114] {strides = array<i32>} : memref<4000xi32, #tpu.memory_space<vmem>>, vector<16xi32>,
      %get3A_116 = vector.shape_cast %get3A_115 : vector<16xi32> to vector<16xi32>
      %add3A_117 = vector.broadcast %mul3A_3 : i32 to vector<16xi32>
      %add3A_118 = arith.addi %get3A_116, %add3A_117 : vector<16xi32>
      %swap3A_119 = arith.constant 48 : index
      %swap3A_120 = tpu.vector_load %arg12[%swap3A_119] {strides = array<i32>} : memref<80xi32, #tpu.memory_space<vmem>>, vector<16xi32>,
      %swap3A_121 = vector.shape_cast %swap3A_120 : vector<16xi32> to vector<16xi32>
      %swap3A_122 = vector.shape_cast %add3A_118 : vector<16xi32> to vector<16xi32>
      tpu.vector_store %arg12[%swap3A_119], %swap3A_122 {strides = array<i32>} : memref<80xi32, #tpu.memory_space<vmem>>, vector<16xi32>,
      %get3A_123 = arith.constant 48 : index
      %get3A_124 = tpu.vector_load %arg8[%get3A_123] {strides = array<i32>} : memref<4000xi32, #tpu.memory_space<vmem>>, vector<16xi32>,
      %get3A_125 = vector.shape_cast %get3A_124 : vector<16xi32> to vector<16xi32>
      %swap3A_126 = arith.constant 48 : index
      %swap3A_127 = tpu.vector_load %arg15[%swap3A_126] {strides = array<i32>} : memref<80xi32, #tpu.memory_space<vmem>>, vector<16xi32>,
      %swap3A_128 = vector.shape_cast %swap3A_127 : vector<16xi32> to vector<16xi32>
      %swap3A_129 = vector.shape_cast %get3A_125 : vector<16xi32> to vector<16xi32>
      tpu.vector_store %arg15[%swap3A_126], %swap3A_129 {strides = array<i32>} : memref<80xi32, #tpu.memory_space<vmem>>, vector<16xi32>,
      %get3A_130 = arith.constant 64 : index
      %get3A_131 = tpu.vector_load %arg7[%get3A_130] {strides = array<i32>} : memref<4000xi32, #tpu.memory_space<vmem>>, vector<16xi32>,
      %get3A_132 = vector.shape_cast %get3A_131 : vector<16xi32> to vector<16xi32>
      %add3A_133 = vector.broadcast %mul3A_3 : i32 to vector<16xi32>
      %add3A_134 = arith.addi %get3A_132, %add3A_133 : vector<16xi32>
      %swap3A_135 = arith.constant 64 : index
      %swap3A_136 = tpu.vector_load %arg12[%swap3A_135] {strides = array<i32>} : memref<80xi32, #tpu.memory_space<vmem>>, vector<16xi32>,
      %swap3A_137 = vector.shape_cast %swap3A_136 : vector<16xi32> to vector<16xi32>
      %swap3A_138 = vector.shape_cast %add3A_134 : vector<16xi32> to vector<16xi32>
      tpu.vector_store %arg12[%swap3A_135], %swap3A_138 {strides = array<i32>} : memref<80xi32, #tpu.memory_space<vmem>>, vector<16xi32>,
      %get3A_139 = arith.constant 64 : index
      %get3A_140 = tpu.vector_load %arg8[%get3A_139] {strides = array<i32>} : memref<4000xi32, #tpu.memory_space<vmem>>, vector<16xi32>,
      %get3A_141 = vector.shape_cast %get3A_140 : vector<16xi32> to vector<16xi32>
      %swap3A_142 = arith.constant 64 : index
      %swap3A_143 = tpu.vector_load %arg15[%swap3A_142] {strides = array<i32>} : memref<80xi32, #tpu.memory_space<vmem>>, vector<16xi32>,
      %swap3A_144 = vector.shape_cast %swap3A_143 : vector<16xi32> to vector<16xi32>
      %swap3A_145 = vector.shape_cast %get3A_141 : vector<16xi32> to vector<16xi32>
      tpu.vector_store %arg15[%swap3A_142], %swap3A_145 {strides = array<i32>} : memref<80xi32, #tpu.memory_space<vmem>>, vector<16xi32>,
      %dma_start3A = arith.constant 0 : i32
      %dma_start3A_146 = arith.constant 0 : i32
      %dma_start3A_147 = tpu.memref_slice %arg2[%dma_start3A, %dma_start3A_146] : memref<61440x128xf32, #tpu.memory_space<hbm>> -> memref<61440x128xf32, #tpu.memory_space<hbm>>
      tpu.enqueue_indirect_dma source(%dma_start3A_147 : memref<61440x128xf32, #tpu.memory_space<hbm>>) target(%arg9 : memref<80x128xf32, #tpu.memory_space<vmem>>) offsets(%arg12 : memref<80xi32, #tpu.memory_space<vmem>>) semaphore(%arg19 : memref<!tpu.dma_semaphore, #tpu.memory_space<semaphore_mem>>)
      %get3A_148 = arith.constant 80 : index
      %get3A_149 = tpu.vector_load %arg7[%get3A_148] {strides = array<i32>} : memref<4000xi32, #tpu.memory_space<vmem>>, vector<16xi32>,
      %get3A_150 = vector.shape_cast %get3A_149 : vector<16xi32> to vector<16xi32>
      %add3A_151 = vector.broadcast %mul3A_3 : i32 to vector<16xi32>
      %add3A_152 = arith.addi %get3A_150, %add3A_151 : vector<16xi32>
      %swap3A_153 = arith.constant 0 : index
      %swap3A_154 = tpu.vector_load %arg13[%swap3A_153] {strides = array<i32>} : memref<80xi32, #tpu.memory_space<vmem>>, vector<16xi32>,
      %swap3A_155 = vector.shape_cast %swap3A_154 : vector<16xi32> to vector<16xi32>
      %swap3A_156 = vector.shape_cast %add3A_152 : vector<16xi32> to vector<16xi32>
      tpu.vector_store %arg13[%swap3A_153], %swap3A_156 {strides = array<i32>} : memref<80xi32, #tpu.memory_space<vmem>>, vector<16xi32>,
      %get3A_157 = arith.constant 80 : index
      %get3A_158 = tpu.vector_load %arg8[%get3A_157] {strides = array<i32>} : memref<4000xi32, #tpu.memory_space<vmem>>, vector<16xi32>,
      %get3A_159 = vector.shape_cast %get3A_158 : vector<16xi32> to vector<16xi32>
      %swap3A_160 = arith.constant 0 : index
      %swap3A_161 = tpu.vector_load %arg16[%swap3A_160] {strides = array<i32>} : memref<80xi32, #tpu.memory_space<vmem>>, vector<16xi32>,
      %swap3A_162 = vector.shape_cast %swap3A_161 : vector<16xi32> to vector<16xi32>
      %swap3A_163 = vector.shape_cast %get3A_159 : vector<16xi32> to vector<16xi32>
      tpu.vector_store %arg16[%swap3A_160], %swap3A_163 {strides = array<i32>} : memref<80xi32, #tpu.memory_space<vmem>>, vector<16xi32>,
      %get3A_164 = arith.constant 96 : index
      %get3A_165 = tpu.vector_load %arg7[%get3A_164] {strides = array<i32>} : memref<4000xi32, #tpu.memory_space<vmem>>, vector<16xi32>,
      %get3A_166 = vector.shape_cast %get3A_165 : vector<16xi32> to vector<16xi32>
      %add3A_167 = vector.broadcast %mul3A_3 : i32 to vector<16xi32>
      %add3A_168 = arith.addi %get3A_166, %add3A_167 : vector<16xi32>
      %swap3A_169 = arith.constant 16 : index
      %swap3A_170 = tpu.vector_load %arg13[%swap3A_169] {strides = array<i32>} : memref<80xi32, #tpu.memory_space<vmem>>, vector<16xi32>,
      %swap3A_171 = vector.shape_cast %swap3A_170 : vector<16xi32> to vector<16xi32>
      %swap3A_172 = vector.shape_cast %add3A_168 : vector<16xi32> to vector<16xi32>
      tpu.vector_store %arg13[%swap3A_169], %swap3A_172 {strides = array<i32>} : memref<80xi32, #tpu.memory_space<vmem>>, vector<16xi32>,
      %get3A_173 = arith.constant 96 : index
      %get3A_174 = tpu.vector_load %arg8[%get3A_173] {strides = array<i32>} : memref<4000xi32, #tpu.memory_space<vmem>>, vector<16xi32>,
      %get3A_175 = vector.shape_cast %get3A_174 : vector<16xi32> to vector<16xi32>
      %swap3A_176 = arith.constant 16 : index
      %swap3A_177 = tpu.vector_load %arg16[%swap3A_176] {strides = array<i32>} : memref<80xi32, #tpu.memory_space<vmem>>, vector<16xi32>,
      %swap3A_178 = vector.shape_cast %swap3A_177 : vector<16xi32> to vector<16xi32>
      %swap3A_179 = vector.shape_cast %get3A_175 : vector<16xi32> to vector<16xi32>
      tpu.vector_store %arg16[%swap3A_176], %swap3A_179 {strides = array<i32>} : memref<80xi32, #tpu.memory_space<vmem>>, vector<16xi32>,
      %get3A_180 = arith.constant 112 : index
      %get3A_181 = tpu.vector_load %arg7[%get3A_180] {strides = array<i32>} : memref<4000xi32, #tpu.memory_space<vmem>>, vector<16xi32>,
      %get3A_182 = vector.shape_cast %get3A_181 : vector<16xi32> to vector<16xi32>
      %add3A_183 = vector.broadcast %mul3A_3 : i32 to vector<16xi32>
      %add3A_184 = arith.addi %get3A_182, %add3A_183 : vector<16xi32>
      %swap3A_185 = arith.constant 32 : index
      %swap3A_186 = tpu.vector_load %arg13[%swap3A_185] {strides = array<i32>} : memref<80xi32, #tpu.memory_space<vmem>>, vector<16xi32>,
      %swap3A_187 = vector.shape_cast %swap3A_186 : vector<16xi32> to vector<16xi32>
      %swap3A_188 = vector.shape_cast %add3A_184 : vector<16xi32> to vector<16xi32>
      tpu.vector_store %arg13[%swap3A_185], %swap3A_188 {strides = array<i32>} : memref<80xi32, #tpu.memory_space<vmem>>, vector<16xi32>,
      %get3A_189 = arith.constant 112 : index
      %get3A_190 = tpu.vector_load %arg8[%get3A_189] {strides = array<i32>} : memref<4000xi32, #tpu.memory_space<vmem>>, vector<16xi32>,
      %get3A_191 = vector.shape_cast %get3A_190 : vector<16xi32> to vector<16xi32>
      %swap3A_192 = arith.constant 32 : index
      %swap3A_193 = tpu.vector_load %arg16[%swap3A_192] {strides = array<i32>} : memref<80xi32, #tpu.memory_space<vmem>>, vector<16xi32>,
      %swap3A_194 = vector.shape_cast %swap3A_193 : vector<16xi32> to vector<16xi32>
      %swap3A_195 = vector.shape_cast %get3A_191 : vector<16xi32> to vector<16xi32>
      tpu.vector_store %arg16[%swap3A_192], %swap3A_195 {strides = array<i32>} : memref<80xi32, #tpu.memory_space<vmem>>, vector<16xi32>,
      %get3A_196 = arith.constant 128 : index
      %get3A_197 = tpu.vector_load %arg7[%get3A_196] {strides = array<i32>} : memref<4000xi32, #tpu.memory_space<vmem>>, vector<16xi32>,
      %get3A_198 = vector.shape_cast %get3A_197 : vector<16xi32> to vector<16xi32>
      %add3A_199 = vector.broadcast %mul3A_3 : i32 to vector<16xi32>
      %add3A_200 = arith.addi %get3A_198, %add3A_199 : vector<16xi32>
      %swap3A_201 = arith.constant 48 : index
      %swap3A_202 = tpu.vector_load %arg13[%swap3A_201] {strides = array<i32>} : memref<80xi32, #tpu.memory_space<vmem>>, vector<16xi32>,
      %swap3A_203 = vector.shape_cast %swap3A_202 : vector<16xi32> to vector<16xi32>
      %swap3A_204 = vector.shape_cast %add3A_200 : vector<16xi32> to vector<16xi32>
      tpu.vector_store %arg13[%swap3A_201], %swap3A_204 {strides = array<i32>} : memref<80xi32, #tpu.memory_space<vmem>>, vector<16xi32>,
      %get3A_205 = arith.constant 128 : index
      %get3A_206 = tpu.vector_load %arg8[%get3A_205] {strides = array<i32>} : memref<4000xi32, #tpu.memory_space<vmem>>, vector<16xi32>,
      %get3A_207 = vector.shape_cast %get3A_206 : vector<16xi32> to vector<16xi32>
      %swap3A_208 = arith.constant 48 : index
      %swap3A_209 = tpu.vector_load %arg16[%swap3A_208] {strides = array<i32>} : memref<80xi32, #tpu.memory_space<vmem>>, vector<16xi32>,
      %swap3A_210 = vector.shape_cast %swap3A_209 : vector<16xi32> to vector<16xi32>
      %swap3A_211 = vector.shape_cast %get3A_207 : vector<16xi32> to vector<16xi32>
      tpu.vector_store %arg16[%swap3A_208], %swap3A_211 {strides = array<i32>} : memref<80xi32, #tpu.memory_space<vmem>>, vector<16xi32>,
      %get3A_212 = arith.constant 144 : index
      %get3A_213 = tpu.vector_load %arg7[%get3A_212] {strides = array<i32>} : memref<4000xi32, #tpu.memory_space<vmem>>, vector<16xi32>,
      %get3A_214 = vector.shape_cast %get3A_213 : vector<16xi32> to vector<16xi32>
      %add3A_215 = vector.broadcast %mul3A_3 : i32 to vector<16xi32>
      %add3A_216 = arith.addi %get3A_214, %add3A_215 : vector<16xi32>
      %swap3A_217 = arith.constant 64 : index
      %swap3A_218 = tpu.vector_load %arg13[%swap3A_217] {strides = array<i32>} : memref<80xi32, #tpu.memory_space<vmem>>, vector<16xi32>,
      %swap3A_219 = vector.shape_cast %swap3A_218 : vector<16xi32> to vector<16xi32>
      %swap3A_220 = vector.shape_cast %add3A_216 : vector<16xi32> to vector<16xi32>
      tpu.vector_store %arg13[%swap3A_217], %swap3A_220 {strides = array<i32>} : memref<80xi32, #tpu.memory_space<vmem>>, vector<16xi32>,
      %get3A_221 = arith.constant 144 : index
      %get3A_222 = tpu.vector_load %arg8[%get3A_221] {strides = array<i32>} : memref<4000xi32, #tpu.memory_space<vmem>>, vector<16xi32>,
      %get3A_223 = vector.shape_cast %get3A_222 : vector<16xi32> to vector<16xi32>
      %swap3A_224 = arith.constant 64 : index
      %swap3A_225 = tpu.vector_load %arg16[%swap3A_224] {strides = array<i32>} : memref<80xi32, #tpu.memory_space<vmem>>, vector<16xi32>,
      %swap3A_226 = vector.shape_cast %swap3A_225 : vector<16xi32> to vector<16xi32>
      %swap3A_227 = vector.shape_cast %get3A_223 : vector<16xi32> to vector<16xi32>
      tpu.vector_store %arg16[%swap3A_224], %swap3A_227 {strides = array<i32>} : memref<80xi32, #tpu.memory_space<vmem>>, vector<16xi32>,
      %dma_start3A_228 = arith.constant 0 : i32
      %dma_start3A_229 = arith.constant 0 : i32
      %dma_start3A_230 = tpu.memref_slice %arg2[%dma_start3A_228, %dma_start3A_229] : memref<61440x128xf32, #tpu.memory_space<hbm>> -> memref<61440x128xf32, #tpu.memory_space<hbm>>
      tpu.enqueue_indirect_dma source(%dma_start3A_230 : memref<61440x128xf32, #tpu.memory_space<hbm>>) target(%arg10 : memref<80x128xf32, #tpu.memory_space<vmem>>) offsets(%arg13 : memref<80xi32, #tpu.memory_space<vmem>>) semaphore(%arg20 : memref<!tpu.dma_semaphore, #tpu.memory_space<semaphore_mem>>)
      %scan3A_231 = arith.constant 0 : i32
      %scan3A_232 = arith.constant 0 : i32
      %scan3A_233 = arith.constant 16 : i32
      %scan3A_234 = arith.addi %scan3A_232, %scan3A_233 : i32
      %scan3A_235 = arith.constant 1 : i32
      scf.for %scan3A_242 = %scan3A_232 to %scan3A_234 step %scan3A_235  : i32 {
        %mul3A_243 = arith.constant 3 : i32
        %mul3A_244 = arith.muli %scan3A_242, %mul3A_243 : i32
        %add3A_245 = arith.constant 2 : i32
        %add3A_246 = arith.addi %mul3A_244, %add3A_245 : i32
        %mul3A_247 = arith.constant 80 : i32
        %mul3A_248 = arith.muli %add3A_246, %mul3A_247 : i32
        %add3A_249 = arith.constant 0 : i32
        %add3A_250 = arith.addi %mul3A_248, %add3A_249 : i32
        %get3A_251 = arith.index_cast %add3A_250 : i32 to index
        %get3A_252 = tpu.vector_load %arg7[%get3A_251] {strides = array<i32>} : memref<4000xi32, #tpu.memory_space<vmem>>, vector<16xi32>,
        %get3A_253 = vector.shape_cast %get3A_252 : vector<16xi32> to vector<16xi32>
        %add3A_254 = vector.broadcast %mul3A_3 : i32 to vector<16xi32>
        %add3A_255 = arith.addi %get3A_253, %add3A_254 : vector<16xi32>
        %swap3A_256 = arith.constant 0 : index
        %swap3A_257 = tpu.vector_load %arg14[%swap3A_256] {strides = array<i32>} : memref<80xi32, #tpu.memory_space<vmem>>, vector<16xi32>,
        %swap3A_258 = vector.shape_cast %swap3A_257 : vector<16xi32> to vector<16xi32>
        %swap3A_259 = vector.shape_cast %add3A_255 : vector<16xi32> to vector<16xi32>
        tpu.vector_store %arg14[%swap3A_256], %swap3A_259 {strides = array<i32>} : memref<80xi32, #tpu.memory_space<vmem>>, vector<16xi32>,
        %mul3A_260 = arith.constant 80 : i32
        %mul3A_261 = arith.muli %add3A_246, %mul3A_260 : i32
        %add3A_262 = arith.constant 0 : i32
        %add3A_263 = arith.addi %mul3A_261, %add3A_262 : i32
        %get3A_264 = arith.index_cast %add3A_263 : i32 to index
        %get3A_265 = tpu.vector_load %arg8[%get3A_264] {strides = array<i32>} : memref<4000xi32, #tpu.memory_space<vmem>>, vector<16xi32>,
        %get3A_266 = vector.shape_cast %get3A_265 : vector<16xi32> to vector<16xi32>
        %swap3A_267 = arith.constant 0 : index
        %swap3A_268 = tpu.vector_load %arg17[%swap3A_267] {strides = array<i32>} : memref<80xi32, #tpu.memory_space<vmem>>, vector<16xi32>,
        %swap3A_269 = vector.shape_cast %swap3A_268 : vector<16xi32> to vector<16xi32>
        %swap3A_270 = vector.shape_cast %get3A_266 : vector<16xi32> to vector<16xi32>
        tpu.vector_store %arg17[%swap3A_267], %swap3A_270 {strides = array<i32>} : memref<80xi32, #tpu.memory_space<vmem>>, vector<16xi32>,
        %mul3A_271 = arith.constant 80 : i32
        %mul3A_272 = arith.muli %add3A_246, %mul3A_271 : i32
        %add3A_273 = arith.constant 16 : i32
        %add3A_274 = arith.addi %mul3A_272, %add3A_273 : i32
        %get3A_275 = arith.index_cast %add3A_274 : i32 to index
        %get3A_276 = tpu.vector_load %arg7[%get3A_275] {strides = array<i32>} : memref<4000xi32, #tpu.memory_space<vmem>>, vector<16xi32>,
        %get3A_277 = vector.shape_cast %get3A_276 : vector<16xi32> to vector<16xi32>
        %add3A_278 = vector.broadcast %mul3A_3 : i32 to vector<16xi32>
        %add3A_279 = arith.addi %get3A_277, %add3A_278 : vector<16xi32>
        %swap3A_280 = arith.constant 16 : index
        %swap3A_281 = tpu.vector_load %arg14[%swap3A_280] {strides = array<i32>} : memref<80xi32, #tpu.memory_space<vmem>>, vector<16xi32>,
        %swap3A_282 = vector.shape_cast %swap3A_281 : vector<16xi32> to vector<16xi32>
        %swap3A_283 = vector.shape_cast %add3A_279 : vector<16xi32> to vector<16xi32>
        tpu.vector_store %arg14[%swap3A_280], %swap3A_283 {strides = array<i32>} : memref<80xi32, #tpu.memory_space<vmem>>, vector<16xi32>,
        %mul3A_284 = arith.constant 80 : i32
        %mul3A_285 = arith.muli %add3A_246, %mul3A_284 : i32
        %add3A_286 = arith.constant 16 : i32
        %add3A_287 = arith.addi %mul3A_285, %add3A_286 : i32
        %get3A_288 = arith.index_cast %add3A_287 : i32 to index
        %get3A_289 = tpu.vector_load %arg8[%get3A_288] {strides = array<i32>} : memref<4000xi32, #tpu.memory_space<vmem>>, vector<16xi32>,
        %get3A_290 = vector.shape_cast %get3A_289 : vector<16xi32> to vector<16xi32>
        %swap3A_291 = arith.constant 16 : index
        %swap3A_292 = tpu.vector_load %arg17[%swap3A_291] {strides = array<i32>} : memref<80xi32, #tpu.memory_space<vmem>>, vector<16xi32>,
        %swap3A_293 = vector.shape_cast %swap3A_292 : vector<16xi32> to vector<16xi32>
        %swap3A_294 = vector.shape_cast %get3A_290 : vector<16xi32> to vector<16xi32>
        tpu.vector_store %arg17[%swap3A_291], %swap3A_294 {strides = array<i32>} : memref<80xi32, #tpu.memory_space<vmem>>, vector<16xi32>,
        %mul3A_295 = arith.constant 80 : i32
        %mul3A_296 = arith.muli %add3A_246, %mul3A_295 : i32
        %add3A_297 = arith.constant 32 : i32
        %add3A_298 = arith.addi %mul3A_296, %add3A_297 : i32
        %get3A_299 = arith.index_cast %add3A_298 : i32 to index
        %get3A_300 = tpu.vector_load %arg7[%get3A_299] {strides = array<i32>} : memref<4000xi32, #tpu.memory_space<vmem>>, vector<16xi32>,
        %get3A_301 = vector.shape_cast %get3A_300 : vector<16xi32> to vector<16xi32>
        %add3A_302 = vector.broadcast %mul3A_3 : i32 to vector<16xi32>
        %add3A_303 = arith.addi %get3A_301, %add3A_302 : vector<16xi32>
        %swap3A_304 = arith.constant 32 : index
        %swap3A_305 = tpu.vector_load %arg14[%swap3A_304] {strides = array<i32>} : memref<80xi32, #tpu.memory_space<vmem>>, vector<16xi32>,
        %swap3A_306 = vector.shape_cast %swap3A_305 : vector<16xi32> to vector<16xi32>
        %swap3A_307 = vector.shape_cast %add3A_303 : vector<16xi32> to vector<16xi32>
        tpu.vector_store %arg14[%swap3A_304], %swap3A_307 {strides = array<i32>} : memref<80xi32, #tpu.memory_space<vmem>>, vector<16xi32>,
        %mul3A_308 = arith.constant 80 : i32
        %mul3A_309 = arith.muli %add3A_246, %mul3A_308 : i32
        %add3A_310 = arith.constant 32 : i32
        %add3A_311 = arith.addi %mul3A_309, %add3A_310 : i32
        %get3A_312 = arith.index_cast %add3A_311 : i32 to index
        %get3A_313 = tpu.vector_load %arg8[%get3A_312] {strides = array<i32>} : memref<4000xi32, #tpu.memory_space<vmem>>, vector<16xi32>,
        %get3A_314 = vector.shape_cast %get3A_313 : vector<16xi32> to vector<16xi32>
        %swap3A_315 = arith.constant 32 : index
        %swap3A_316 = tpu.vector_load %arg17[%swap3A_315] {strides = array<i32>} : memref<80xi32, #tpu.memory_space<vmem>>, vector<16xi32>,
        %swap3A_317 = vector.shape_cast %swap3A_316 : vector<16xi32> to vector<16xi32>
        %swap3A_318 = vector.shape_cast %get3A_314 : vector<16xi32> to vector<16xi32>
        tpu.vector_store %arg17[%swap3A_315], %swap3A_318 {strides = array<i32>} : memref<80xi32, #tpu.memory_space<vmem>>, vector<16xi32>,
        %mul3A_319 = arith.constant 80 : i32
        %mul3A_320 = arith.muli %add3A_246, %mul3A_319 : i32
        %add3A_321 = arith.constant 48 : i32
        %add3A_322 = arith.addi %mul3A_320, %add3A_321 : i32
        %get3A_323 = arith.index_cast %add3A_322 : i32 to index
        %get3A_324 = tpu.vector_load %arg7[%get3A_323] {strides = array<i32>} : memref<4000xi32, #tpu.memory_space<vmem>>, vector<16xi32>,
        %get3A_325 = vector.shape_cast %get3A_324 : vector<16xi32> to vector<16xi32>
        %add3A_326 = vector.broadcast %mul3A_3 : i32 to vector<16xi32>
        %add3A_327 = arith.addi %get3A_325, %add3A_326 : vector<16xi32>
        %swap3A_328 = arith.constant 48 : index
        %swap3A_329 = tpu.vector_load %arg14[%swap3A_328] {strides = array<i32>} : memref<80xi32, #tpu.memory_space<vmem>>, vector<16xi32>,
        %swap3A_330 = vector.shape_cast %swap3A_329 : vector<16xi32> to vector<16xi32>
        %swap3A_331 = vector.shape_cast %add3A_327 : vector<16xi32> to vector<16xi32>
        tpu.vector_store %arg14[%swap3A_328], %swap3A_331 {strides = array<i32>} : memref<80xi32, #tpu.memory_space<vmem>>, vector<16xi32>,
        %mul3A_332 = arith.constant 80 : i32
        %mul3A_333 = arith.muli %add3A_246, %mul3A_332 : i32
        %add3A_334 = arith.constant 48 : i32
        %add3A_335 = arith.addi %mul3A_333, %add3A_334 : i32
        %get3A_336 = arith.index_cast %add3A_335 : i32 to index
        %get3A_337 = tpu.vector_load %arg8[%get3A_336] {strides = array<i32>} : memref<4000xi32, #tpu.memory_space<vmem>>, vector<16xi32>,
        %get3A_338 = vector.shape_cast %get3A_337 : vector<16xi32> to vector<16xi32>
        %swap3A_339 = arith.constant 48 : index
        %swap3A_340 = tpu.vector_load %arg17[%swap3A_339] {strides = array<i32>} : memref<80xi32, #tpu.memory_space<vmem>>, vector<16xi32>,
        %swap3A_341 = vector.shape_cast %swap3A_340 : vector<16xi32> to vector<16xi32>
        %swap3A_342 = vector.shape_cast %get3A_338 : vector<16xi32> to vector<16xi32>
        tpu.vector_store %arg17[%swap3A_339], %swap3A_342 {strides = array<i32>} : memref<80xi32, #tpu.memory_space<vmem>>, vector<16xi32>,
        %mul3A_343 = arith.constant 80 : i32
        %mul3A_344 = arith.muli %add3A_246, %mul3A_343 : i32
        %add3A_345 = arith.constant 64 : i32
        %add3A_346 = arith.addi %mul3A_344, %add3A_345 : i32
        %get3A_347 = arith.index_cast %add3A_346 : i32 to index
        %get3A_348 = tpu.vector_load %arg7[%get3A_347] {strides = array<i32>} : memref<4000xi32, #tpu.memory_space<vmem>>, vector<16xi32>,
        %get3A_349 = vector.shape_cast %get3A_348 : vector<16xi32> to vector<16xi32>
        %add3A_350 = vector.broadcast %mul3A_3 : i32 to vector<16xi32>
        %add3A_351 = arith.addi %get3A_349, %add3A_350 : vector<16xi32>
        %swap3A_352 = arith.constant 64 : index
        %swap3A_353 = tpu.vector_load %arg14[%swap3A_352] {strides = array<i32>} : memref<80xi32, #tpu.memory_space<vmem>>, vector<16xi32>,
        %swap3A_354 = vector.shape_cast %swap3A_353 : vector<16xi32> to vector<16xi32>
        %swap3A_355 = vector.shape_cast %add3A_351 : vector<16xi32> to vector<16xi32>
        tpu.vector_store %arg14[%swap3A_352], %swap3A_355 {strides = array<i32>} : memref<80xi32, #tpu.memory_space<vmem>>, vector<16xi32>,
        %mul3A_356 = arith.constant 80 : i32
        %mul3A_357 = arith.muli %add3A_246, %mul3A_356 : i32
        %add3A_358 = arith.constant 64 : i32
        %add3A_359 = arith.addi %mul3A_357, %add3A_358 : i32
        %get3A_360 = arith.index_cast %add3A_359 : i32 to index
        %get3A_361 = tpu.vector_load %arg8[%get3A_360] {strides = array<i32>} : memref<4000xi32, #tpu.memory_space<vmem>>, vector<16xi32>,
        %get3A_362 = vector.shape_cast %get3A_361 : vector<16xi32> to vector<16xi32>
        %swap3A_363 = arith.constant 64 : index
        %swap3A_364 = tpu.vector_load %arg17[%swap3A_363] {strides = array<i32>} : memref<80xi32, #tpu.memory_space<vmem>>, vector<16xi32>,
        %swap3A_365 = vector.shape_cast %swap3A_364 : vector<16xi32> to vector<16xi32>
        %swap3A_366 = vector.shape_cast %get3A_362 : vector<16xi32> to vector<16xi32>
        tpu.vector_store %arg17[%swap3A_363], %swap3A_366 {strides = array<i32>} : memref<80xi32, #tpu.memory_space<vmem>>, vector<16xi32>,
        %dma_start3A_367 = arith.constant 0 : i32
        %dma_start3A_368 = arith.constant 0 : i32
        %dma_start3A_369 = tpu.memref_slice %arg2[%dma_start3A_367, %dma_start3A_368] : memref<61440x128xf32, #tpu.memory_space<hbm>> -> memref<61440x128xf32, #tpu.memory_space<hbm>>
        tpu.enqueue_indirect_dma source(%dma_start3A_369 : memref<61440x128xf32, #tpu.memory_space<hbm>>) target(%arg11 : memref<80x128xf32, #tpu.memory_space<vmem>>) offsets(%arg14 : memref<80xi32, #tpu.memory_space<vmem>>) semaphore(%arg21 : memref<!tpu.dma_semaphore, #tpu.memory_space<semaphore_mem>>)
        %dma_wait3A_370 = arith.constant 0 : i32
        %dma_wait3A_371 = arith.constant 0 : i32
        %dma_wait3A_372 = tpu.memref_slice %arg2[%dma_wait3A_370, %dma_wait3A_371] : memref<61440x128xf32, #tpu.memory_space<hbm>> -> memref<61440x128xf32, #tpu.memory_space<hbm>>
        tpu.wait_indirect_dma semaphore(%arg19 : memref<!tpu.dma_semaphore, #tpu.memory_space<semaphore_mem>>) src(%dma_wait3A_372 : memref<61440x128xf32, #tpu.memory_space<hbm>>) dst(%arg9 : memref<80x128xf32, #tpu.memory_space<vmem>>)
        "tpu.region"() ({
          %run_scoped3A = tpu.sem_alloc : memref<!tpu.dma_semaphore, #tpu.memory_space<semaphore_mem>>
          %dma_start3A_629 = arith.constant 0 : i32
          %dma_start3A_630 = arith.constant 0 : i32
          %dma_start3A_631 = tpu.memref_slice %arg18[%dma_start3A_629, %dma_start3A_630] : memref<10240x128xf32, #tpu.memory_space<vmem_shared>> -> memref<10240x128xf32, #tpu.memory_space<vmem_shared>>
          tpu.enqueue_indirect_dma source(%arg9 : memref<80x128xf32, #tpu.memory_space<vmem>>) target(%dma_start3A_631 : memref<10240x128xf32, #tpu.memory_space<vmem_shared>>) offsets(%arg15 : memref<80xi32, #tpu.memory_space<vmem>>) semaphore(%run_scoped3A : memref<!tpu.dma_semaphore, #tpu.memory_space<semaphore_mem>>) {add = true}
          %dma_wait3A_632 = arith.constant 0 : i32
          %dma_wait3A_633 = arith.constant 0 : i32
          %dma_wait3A_634 = tpu.memref_slice %arg18[%dma_wait3A_632, %dma_wait3A_633] : memref<10240x128xf32, #tpu.memory_space<vmem_shared>> -> memref<10240x128xf32, #tpu.memory_space<vmem_shared>>
          tpu.wait_indirect_dma semaphore(%run_scoped3A : memref<!tpu.dma_semaphore, #tpu.memory_space<semaphore_mem>>) src(%arg9 : memref<80x128xf32, #tpu.memory_space<vmem>>) dst(%dma_wait3A_634 : memref<10240x128xf32, #tpu.memory_space<vmem_shared>>)
          tpu.yield
        }) : () -> ()
        %add3A_373 = arith.constant 3 : i32
        %add3A_374 = arith.addi %mul3A_244, %add3A_373 : i32
        %mul3A_375 = arith.constant 80 : i32
        %mul3A_376 = arith.muli %add3A_374, %mul3A_375 : i32
        %add3A_377 = arith.constant 0 : i32
        %add3A_378 = arith.addi %mul3A_376, %add3A_377 : i32
        %get3A_379 = arith.index_cast %add3A_378 : i32 to index
        %get3A_380 = tpu.vector_load %arg7[%get3A_379] {strides = array<i32>} : memref<4000xi32, #tpu.memory_space<vmem>>, vector<16xi32>,
        %get3A_381 = vector.shape_cast %get3A_380 : vector<16xi32> to vector<16xi32>
        %add3A_382 = vector.broadcast %mul3A_3 : i32 to vector<16xi32>
        %add3A_383 = arith.addi %get3A_381, %add3A_382 : vector<16xi32>
        %swap3A_384 = arith.constant 0 : index
        %swap3A_385 = tpu.vector_load %arg12[%swap3A_384] {strides = array<i32>} : memref<80xi32, #tpu.memory_space<vmem>>, vector<16xi32>,
        %swap3A_386 = vector.shape_cast %swap3A_385 : vector<16xi32> to vector<16xi32>
        %swap3A_387 = vector.shape_cast %add3A_383 : vector<16xi32> to vector<16xi32>
        tpu.vector_store %arg12[%swap3A_384], %swap3A_387 {strides = array<i32>} : memref<80xi32, #tpu.memory_space<vmem>>, vector<16xi32>,
        %mul3A_388 = arith.constant 80 : i32
        %mul3A_389 = arith.muli %add3A_374, %mul3A_388 : i32
        %add3A_390 = arith.constant 0 : i32
        %add3A_391 = arith.addi %mul3A_389, %add3A_390 : i32
        %get3A_392 = arith.index_cast %add3A_391 : i32 to index
        %get3A_393 = tpu.vector_load %arg8[%get3A_392] {strides = array<i32>} : memref<4000xi32, #tpu.memory_space<vmem>>, vector<16xi32>,
        %get3A_394 = vector.shape_cast %get3A_393 : vector<16xi32> to vector<16xi32>
        %swap3A_395 = arith.constant 0 : index
        %swap3A_396 = tpu.vector_load %arg15[%swap3A_395] {strides = array<i32>} : memref<80xi32, #tpu.memory_space<vmem>>, vector<16xi32>,
        %swap3A_397 = vector.shape_cast %swap3A_396 : vector<16xi32> to vector<16xi32>
        %swap3A_398 = vector.shape_cast %get3A_394 : vector<16xi32> to vector<16xi32>
        tpu.vector_store %arg15[%swap3A_395], %swap3A_398 {strides = array<i32>} : memref<80xi32, #tpu.memory_space<vmem>>, vector<16xi32>,
        %mul3A_399 = arith.constant 80 : i32
        %mul3A_400 = arith.muli %add3A_374, %mul3A_399 : i32
        %add3A_401 = arith.constant 16 : i32
        %add3A_402 = arith.addi %mul3A_400, %add3A_401 : i32
        %get3A_403 = arith.index_cast %add3A_402 : i32 to index
        %get3A_404 = tpu.vector_load %arg7[%get3A_403] {strides = array<i32>} : memref<4000xi32, #tpu.memory_space<vmem>>, vector<16xi32>,
        %get3A_405 = vector.shape_cast %get3A_404 : vector<16xi32> to vector<16xi32>
        %add3A_406 = vector.broadcast %mul3A_3 : i32 to vector<16xi32>
        %add3A_407 = arith.addi %get3A_405, %add3A_406 : vector<16xi32>
        %swap3A_408 = arith.constant 16 : index
        %swap3A_409 = tpu.vector_load %arg12[%swap3A_408] {strides = array<i32>} : memref<80xi32, #tpu.memory_space<vmem>>, vector<16xi32>,
        %swap3A_410 = vector.shape_cast %swap3A_409 : vector<16xi32> to vector<16xi32>
        %swap3A_411 = vector.shape_cast %add3A_407 : vector<16xi32> to vector<16xi32>
        tpu.vector_store %arg12[%swap3A_408], %swap3A_411 {strides = array<i32>} : memref<80xi32, #tpu.memory_space<vmem>>, vector<16xi32>,
        %mul3A_412 = arith.constant 80 : i32
        %mul3A_413 = arith.muli %add3A_374, %mul3A_412 : i32
        %add3A_414 = arith.constant 16 : i32
        %add3A_415 = arith.addi %mul3A_413, %add3A_414 : i32
        %get3A_416 = arith.index_cast %add3A_415 : i32 to index
        %get3A_417 = tpu.vector_load %arg8[%get3A_416] {strides = array<i32>} : memref<4000xi32, #tpu.memory_space<vmem>>, vector<16xi32>,
        %get3A_418 = vector.shape_cast %get3A_417 : vector<16xi32> to vector<16xi32>
        %swap3A_419 = arith.constant 16 : index
        %swap3A_420 = tpu.vector_load %arg15[%swap3A_419] {strides = array<i32>} : memref<80xi32, #tpu.memory_space<vmem>>, vector<16xi32>,
        %swap3A_421 = vector.shape_cast %swap3A_420 : vector<16xi32> to vector<16xi32>
        %swap3A_422 = vector.shape_cast %get3A_418 : vector<16xi32> to vector<16xi32>
        tpu.vector_store %arg15[%swap3A_419], %swap3A_422 {strides = array<i32>} : memref<80xi32, #tpu.memory_space<vmem>>, vector<16xi32>,
        %mul3A_423 = arith.constant 80 : i32
        %mul3A_424 = arith.muli %add3A_374, %mul3A_423 : i32
        %add3A_425 = arith.constant 32 : i32
        %add3A_426 = arith.addi %mul3A_424, %add3A_425 : i32
        %get3A_427 = arith.index_cast %add3A_426 : i32 to index
        %get3A_428 = tpu.vector_load %arg7[%get3A_427] {strides = array<i32>} : memref<4000xi32, #tpu.memory_space<vmem>>, vector<16xi32>,
        %get3A_429 = vector.shape_cast %get3A_428 : vector<16xi32> to vector<16xi32>
        %add3A_430 = vector.broadcast %mul3A_3 : i32 to vector<16xi32>
        %add3A_431 = arith.addi %get3A_429, %add3A_430 : vector<16xi32>
        %swap3A_432 = arith.constant 32 : index
        %swap3A_433 = tpu.vector_load %arg12[%swap3A_432] {strides = array<i32>} : memref<80xi32, #tpu.memory_space<vmem>>, vector<16xi32>,
        %swap3A_434 = vector.shape_cast %swap3A_433 : vector<16xi32> to vector<16xi32>
        %swap3A_435 = vector.shape_cast %add3A_431 : vector<16xi32> to vector<16xi32>
        tpu.vector_store %arg12[%swap3A_432], %swap3A_435 {strides = array<i32>} : memref<80xi32, #tpu.memory_space<vmem>>, vector<16xi32>,
        %mul3A_436 = arith.constant 80 : i32
        %mul3A_437 = arith.muli %add3A_374, %mul3A_436 : i32
        %add3A_438 = arith.constant 32 : i32
        %add3A_439 = arith.addi %mul3A_437, %add3A_438 : i32
        %get3A_440 = arith.index_cast %add3A_439 : i32 to index
        %get3A_441 = tpu.vector_load %arg8[%get3A_440] {strides = array<i32>} : memref<4000xi32, #tpu.memory_space<vmem>>, vector<16xi32>,
        %get3A_442 = vector.shape_cast %get3A_441 : vector<16xi32> to vector<16xi32>
        %swap3A_443 = arith.constant 32 : index
        %swap3A_444 = tpu.vector_load %arg15[%swap3A_443] {strides = array<i32>} : memref<80xi32, #tpu.memory_space<vmem>>, vector<16xi32>,
        %swap3A_445 = vector.shape_cast %swap3A_444 : vector<16xi32> to vector<16xi32>
        %swap3A_446 = vector.shape_cast %get3A_442 : vector<16xi32> to vector<16xi32>
        tpu.vector_store %arg15[%swap3A_443], %swap3A_446 {strides = array<i32>} : memref<80xi32, #tpu.memory_space<vmem>>, vector<16xi32>,
        %mul3A_447 = arith.constant 80 : i32
        %mul3A_448 = arith.muli %add3A_374, %mul3A_447 : i32
        %add3A_449 = arith.constant 48 : i32
        %add3A_450 = arith.addi %mul3A_448, %add3A_449 : i32
        %get3A_451 = arith.index_cast %add3A_450 : i32 to index
        %get3A_452 = tpu.vector_load %arg7[%get3A_451] {strides = array<i32>} : memref<4000xi32, #tpu.memory_space<vmem>>, vector<16xi32>,
        %get3A_453 = vector.shape_cast %get3A_452 : vector<16xi32> to vector<16xi32>
        %add3A_454 = vector.broadcast %mul3A_3 : i32 to vector<16xi32>
        %add3A_455 = arith.addi %get3A_453, %add3A_454 : vector<16xi32>
        %swap3A_456 = arith.constant 48 : index
        %swap3A_457 = tpu.vector_load %arg12[%swap3A_456] {strides = array<i32>} : memref<80xi32, #tpu.memory_space<vmem>>, vector<16xi32>,
        %swap3A_458 = vector.shape_cast %swap3A_457 : vector<16xi32> to vector<16xi32>
        %swap3A_459 = vector.shape_cast %add3A_455 : vector<16xi32> to vector<16xi32>
        tpu.vector_store %arg12[%swap3A_456], %swap3A_459 {strides = array<i32>} : memref<80xi32, #tpu.memory_space<vmem>>, vector<16xi32>,
        %mul3A_460 = arith.constant 80 : i32
        %mul3A_461 = arith.muli %add3A_374, %mul3A_460 : i32
        %add3A_462 = arith.constant 48 : i32
        %add3A_463 = arith.addi %mul3A_461, %add3A_462 : i32
        %get3A_464 = arith.index_cast %add3A_463 : i32 to index
        %get3A_465 = tpu.vector_load %arg8[%get3A_464] {strides = array<i32>} : memref<4000xi32, #tpu.memory_space<vmem>>, vector<16xi32>,
        %get3A_466 = vector.shape_cast %get3A_465 : vector<16xi32> to vector<16xi32>
        %swap3A_467 = arith.constant 48 : index
        %swap3A_468 = tpu.vector_load %arg15[%swap3A_467] {strides = array<i32>} : memref<80xi32, #tpu.memory_space<vmem>>, vector<16xi32>,
        %swap3A_469 = vector.shape_cast %swap3A_468 : vector<16xi32> to vector<16xi32>
        %swap3A_470 = vector.shape_cast %get3A_466 : vector<16xi32> to vector<16xi32>
        tpu.vector_store %arg15[%swap3A_467], %swap3A_470 {strides = array<i32>} : memref<80xi32, #tpu.memory_space<vmem>>, vector<16xi32>,
        %mul3A_471 = arith.constant 80 : i32
        %mul3A_472 = arith.muli %add3A_374, %mul3A_471 : i32
        %add3A_473 = arith.constant 64 : i32
        %add3A_474 = arith.addi %mul3A_472, %add3A_473 : i32
        %get3A_475 = arith.index_cast %add3A_474 : i32 to index
        %get3A_476 = tpu.vector_load %arg7[%get3A_475] {strides = array<i32>} : memref<4000xi32, #tpu.memory_space<vmem>>, vector<16xi32>,
        %get3A_477 = vector.shape_cast %get3A_476 : vector<16xi32> to vector<16xi32>
        %add3A_478 = vector.broadcast %mul3A_3 : i32 to vector<16xi32>
        %add3A_479 = arith.addi %get3A_477, %add3A_478 : vector<16xi32>
        %swap3A_480 = arith.constant 64 : index
        %swap3A_481 = tpu.vector_load %arg12[%swap3A_480] {strides = array<i32>} : memref<80xi32, #tpu.memory_space<vmem>>, vector<16xi32>,
        %swap3A_482 = vector.shape_cast %swap3A_481 : vector<16xi32> to vector<16xi32>
        %swap3A_483 = vector.shape_cast %add3A_479 : vector<16xi32> to vector<16xi32>
        tpu.vector_store %arg12[%swap3A_480], %swap3A_483 {strides = array<i32>} : memref<80xi32, #tpu.memory_space<vmem>>, vector<16xi32>,
        %mul3A_484 = arith.constant 80 : i32
        %mul3A_485 = arith.muli %add3A_374, %mul3A_484 : i32
        %add3A_486 = arith.constant 64 : i32
        %add3A_487 = arith.addi %mul3A_485, %add3A_486 : i32
        %get3A_488 = arith.index_cast %add3A_487 : i32 to index
        %get3A_489 = tpu.vector_load %arg8[%get3A_488] {strides = array<i32>} : memref<4000xi32, #tpu.memory_space<vmem>>, vector<16xi32>,
        %get3A_490 = vector.shape_cast %get3A_489 : vector<16xi32> to vector<16xi32>
        %swap3A_491 = arith.constant 64 : index
        %swap3A_492 = tpu.vector_load %arg15[%swap3A_491] {strides = array<i32>} : memref<80xi32, #tpu.memory_space<vmem>>, vector<16xi32>,
        %swap3A_493 = vector.shape_cast %swap3A_492 : vector<16xi32> to vector<16xi32>
        %swap3A_494 = vector.shape_cast %get3A_490 : vector<16xi32> to vector<16xi32>
        tpu.vector_store %arg15[%swap3A_491], %swap3A_494 {strides = array<i32>} : memref<80xi32, #tpu.memory_space<vmem>>, vector<16xi32>,
        %dma_start3A_495 = arith.constant 0 : i32
        %dma_start3A_496 = arith.constant 0 : i32
        %dma_start3A_497 = tpu.memref_slice %arg2[%dma_start3A_495, %dma_start3A_496] : memref<61440x128xf32, #tpu.memory_space<hbm>> -> memref<61440x128xf32, #tpu.memory_space<hbm>>
        tpu.enqueue_indirect_dma source(%dma_start3A_497 : memref<61440x128xf32, #tpu.memory_space<hbm>>) target(%arg9 : memref<80x128xf32, #tpu.memory_space<vmem>>) offsets(%arg12 : memref<80xi32, #tpu.memory_space<vmem>>) semaphore(%arg19 : memref<!tpu.dma_semaphore, #tpu.memory_space<semaphore_mem>>)
        %dma_wait3A_498 = arith.constant 0 : i32
        %dma_wait3A_499 = arith.constant 0 : i32
        %dma_wait3A_500 = tpu.memref_slice %arg2[%dma_wait3A_498, %dma_wait3A_499] : memref<61440x128xf32, #tpu.memory_space<hbm>> -> memref<61440x128xf32, #tpu.memory_space<hbm>>
        tpu.wait_indirect_dma semaphore(%arg20 : memref<!tpu.dma_semaphore, #tpu.memory_space<semaphore_mem>>) src(%dma_wait3A_500 : memref<61440x128xf32, #tpu.memory_space<hbm>>) dst(%arg10 : memref<80x128xf32, #tpu.memory_space<vmem>>)
        "tpu.region"() ({
          %run_scoped3A = tpu.sem_alloc : memref<!tpu.dma_semaphore, #tpu.memory_space<semaphore_mem>>
          %dma_start3A_629 = arith.constant 0 : i32
          %dma_start3A_630 = arith.constant 0 : i32
          %dma_start3A_631 = tpu.memref_slice %arg18[%dma_start3A_629, %dma_start3A_630] : memref<10240x128xf32, #tpu.memory_space<vmem_shared>> -> memref<10240x128xf32, #tpu.memory_space<vmem_shared>>
          tpu.enqueue_indirect_dma source(%arg10 : memref<80x128xf32, #tpu.memory_space<vmem>>) target(%dma_start3A_631 : memref<10240x128xf32, #tpu.memory_space<vmem_shared>>) offsets(%arg16 : memref<80xi32, #tpu.memory_space<vmem>>) semaphore(%run_scoped3A : memref<!tpu.dma_semaphore, #tpu.memory_space<semaphore_mem>>) {add = true}
          %dma_wait3A_632 = arith.constant 0 : i32
          %dma_wait3A_633 = arith.constant 0 : i32
          %dma_wait3A_634 = tpu.memref_slice %arg18[%dma_wait3A_632, %dma_wait3A_633] : memref<10240x128xf32, #tpu.memory_space<vmem_shared>> -> memref<10240x128xf32, #tpu.memory_space<vmem_shared>>
          tpu.wait_indirect_dma semaphore(%run_scoped3A : memref<!tpu.dma_semaphore, #tpu.memory_space<semaphore_mem>>) src(%arg10 : memref<80x128xf32, #tpu.memory_space<vmem>>) dst(%dma_wait3A_634 : memref<10240x128xf32, #tpu.memory_space<vmem_shared>>)
          tpu.yield
        }) : () -> ()
        %add3A_501 = arith.constant 4 : i32
        %add3A_502 = arith.addi %mul3A_244, %add3A_501 : i32
        %mul3A_503 = arith.constant 80 : i32
        %mul3A_504 = arith.muli %add3A_502, %mul3A_503 : i32
        %add3A_505 = arith.constant 0 : i32
        %add3A_506 = arith.addi %mul3A_504, %add3A_505 : i32
        %get3A_507 = arith.index_cast %add3A_506 : i32 to index
        %get3A_508 = tpu.vector_load %arg7[%get3A_507] {strides = array<i32>} : memref<4000xi32, #tpu.memory_space<vmem>>, vector<16xi32>,
        %get3A_509 = vector.shape_cast %get3A_508 : vector<16xi32> to vector<16xi32>
        %add3A_510 = vector.broadcast %mul3A_3 : i32 to vector<16xi32>
        %add3A_511 = arith.addi %get3A_509, %add3A_510 : vector<16xi32>
        %swap3A_512 = arith.constant 0 : index
        %swap3A_513 = tpu.vector_load %arg13[%swap3A_512] {strides = array<i32>} : memref<80xi32, #tpu.memory_space<vmem>>, vector<16xi32>,
        %swap3A_514 = vector.shape_cast %swap3A_513 : vector<16xi32> to vector<16xi32>
        %swap3A_515 = vector.shape_cast %add3A_511 : vector<16xi32> to vector<16xi32>
        tpu.vector_store %arg13[%swap3A_512], %swap3A_515 {strides = array<i32>} : memref<80xi32, #tpu.memory_space<vmem>>, vector<16xi32>,
        %mul3A_516 = arith.constant 80 : i32
        %mul3A_517 = arith.muli %add3A_502, %mul3A_516 : i32
        %add3A_518 = arith.constant 0 : i32
        %add3A_519 = arith.addi %mul3A_517, %add3A_518 : i32
        %get3A_520 = arith.index_cast %add3A_519 : i32 to index
        %get3A_521 = tpu.vector_load %arg8[%get3A_520] {strides = array<i32>} : memref<4000xi32, #tpu.memory_space<vmem>>, vector<16xi32>,
        %get3A_522 = vector.shape_cast %get3A_521 : vector<16xi32> to vector<16xi32>
        %swap3A_523 = arith.constant 0 : index
        %swap3A_524 = tpu.vector_load %arg16[%swap3A_523] {strides = array<i32>} : memref<80xi32, #tpu.memory_space<vmem>>, vector<16xi32>,
        %swap3A_525 = vector.shape_cast %swap3A_524 : vector<16xi32> to vector<16xi32>
        %swap3A_526 = vector.shape_cast %get3A_522 : vector<16xi32> to vector<16xi32>
        tpu.vector_store %arg16[%swap3A_523], %swap3A_526 {strides = array<i32>} : memref<80xi32, #tpu.memory_space<vmem>>, vector<16xi32>,
        %mul3A_527 = arith.constant 80 : i32
        %mul3A_528 = arith.muli %add3A_502, %mul3A_527 : i32
        %add3A_529 = arith.constant 16 : i32
        %add3A_530 = arith.addi %mul3A_528, %add3A_529 : i32
        %get3A_531 = arith.index_cast %add3A_530 : i32 to index
        %get3A_532 = tpu.vector_load %arg7[%get3A_531] {strides = array<i32>} : memref<4000xi32, #tpu.memory_space<vmem>>, vector<16xi32>,
        %get3A_533 = vector.shape_cast %get3A_532 : vector<16xi32> to vector<16xi32>
        %add3A_534 = vector.broadcast %mul3A_3 : i32 to vector<16xi32>
        %add3A_535 = arith.addi %get3A_533, %add3A_534 : vector<16xi32>
        %swap3A_536 = arith.constant 16 : index
        %swap3A_537 = tpu.vector_load %arg13[%swap3A_536] {strides = array<i32>} : memref<80xi32, #tpu.memory_space<vmem>>, vector<16xi32>,
        %swap3A_538 = vector.shape_cast %swap3A_537 : vector<16xi32> to vector<16xi32>
        %swap3A_539 = vector.shape_cast %add3A_535 : vector<16xi32> to vector<16xi32>
        tpu.vector_store %arg13[%swap3A_536], %swap3A_539 {strides = array<i32>} : memref<80xi32, #tpu.memory_space<vmem>>, vector<16xi32>,
        %mul3A_540 = arith.constant 80 : i32
        %mul3A_541 = arith.muli %add3A_502, %mul3A_540 : i32
        %add3A_542 = arith.constant 16 : i32
        %add3A_543 = arith.addi %mul3A_541, %add3A_542 : i32
        %get3A_544 = arith.index_cast %add3A_543 : i32 to index
        %get3A_545 = tpu.vector_load %arg8[%get3A_544] {strides = array<i32>} : memref<4000xi32, #tpu.memory_space<vmem>>, vector<16xi32>,
        %get3A_546 = vector.shape_cast %get3A_545 : vector<16xi32> to vector<16xi32>
        %swap3A_547 = arith.constant 16 : index
        %swap3A_548 = tpu.vector_load %arg16[%swap3A_547] {strides = array<i32>} : memref<80xi32, #tpu.memory_space<vmem>>, vector<16xi32>,
        %swap3A_549 = vector.shape_cast %swap3A_548 : vector<16xi32> to vector<16xi32>
        %swap3A_550 = vector.shape_cast %get3A_546 : vector<16xi32> to vector<16xi32>
        tpu.vector_store %arg16[%swap3A_547], %swap3A_550 {strides = array<i32>} : memref<80xi32, #tpu.memory_space<vmem>>, vector<16xi32>,
        %mul3A_551 = arith.constant 80 : i32
        %mul3A_552 = arith.muli %add3A_502, %mul3A_551 : i32
        %add3A_553 = arith.constant 32 : i32
        %add3A_554 = arith.addi %mul3A_552, %add3A_553 : i32
        %get3A_555 = arith.index_cast %add3A_554 : i32 to index
        %get3A_556 = tpu.vector_load %arg7[%get3A_555] {strides = array<i32>} : memref<4000xi32, #tpu.memory_space<vmem>>, vector<16xi32>,
        %get3A_557 = vector.shape_cast %get3A_556 : vector<16xi32> to vector<16xi32>
        %add3A_558 = vector.broadcast %mul3A_3 : i32 to vector<16xi32>
        %add3A_559 = arith.addi %get3A_557, %add3A_558 : vector<16xi32>
        %swap3A_560 = arith.constant 32 : index
        %swap3A_561 = tpu.vector_load %arg13[%swap3A_560] {strides = array<i32>} : memref<80xi32, #tpu.memory_space<vmem>>, vector<16xi32>,
        %swap3A_562 = vector.shape_cast %swap3A_561 : vector<16xi32> to vector<16xi32>
        %swap3A_563 = vector.shape_cast %add3A_559 : vector<16xi32> to vector<16xi32>
        tpu.vector_store %arg13[%swap3A_560], %swap3A_563 {strides = array<i32>} : memref<80xi32, #tpu.memory_space<vmem>>, vector<16xi32>,
        %mul3A_564 = arith.constant 80 : i32
        %mul3A_565 = arith.muli %add3A_502, %mul3A_564 : i32
        %add3A_566 = arith.constant 32 : i32
        %add3A_567 = arith.addi %mul3A_565, %add3A_566 : i32
        %get3A_568 = arith.index_cast %add3A_567 : i32 to index
        %get3A_569 = tpu.vector_load %arg8[%get3A_568] {strides = array<i32>} : memref<4000xi32, #tpu.memory_space<vmem>>, vector<16xi32>,
        %get3A_570 = vector.shape_cast %get3A_569 : vector<16xi32> to vector<16xi32>
        %swap3A_571 = arith.constant 32 : index
        %swap3A_572 = tpu.vector_load %arg16[%swap3A_571] {strides = array<i32>} : memref<80xi32, #tpu.memory_space<vmem>>, vector<16xi32>,
        %swap3A_573 = vector.shape_cast %swap3A_572 : vector<16xi32> to vector<16xi32>
        %swap3A_574 = vector.shape_cast %get3A_570 : vector<16xi32> to vector<16xi32>
        tpu.vector_store %arg16[%swap3A_571], %swap3A_574 {strides = array<i32>} : memref<80xi32, #tpu.memory_space<vmem>>, vector<16xi32>,
        %mul3A_575 = arith.constant 80 : i32
        %mul3A_576 = arith.muli %add3A_502, %mul3A_575 : i32
        %add3A_577 = arith.constant 48 : i32
        %add3A_578 = arith.addi %mul3A_576, %add3A_577 : i32
        %get3A_579 = arith.index_cast %add3A_578 : i32 to index
        %get3A_580 = tpu.vector_load %arg7[%get3A_579] {strides = array<i32>} : memref<4000xi32, #tpu.memory_space<vmem>>, vector<16xi32>,
        %get3A_581 = vector.shape_cast %get3A_580 : vector<16xi32> to vector<16xi32>
        %add3A_582 = vector.broadcast %mul3A_3 : i32 to vector<16xi32>
        %add3A_583 = arith.addi %get3A_581, %add3A_582 : vector<16xi32>
        %swap3A_584 = arith.constant 48 : index
        %swap3A_585 = tpu.vector_load %arg13[%swap3A_584] {strides = array<i32>} : memref<80xi32, #tpu.memory_space<vmem>>, vector<16xi32>,
        %swap3A_586 = vector.shape_cast %swap3A_585 : vector<16xi32> to vector<16xi32>
        %swap3A_587 = vector.shape_cast %add3A_583 : vector<16xi32> to vector<16xi32>
        tpu.vector_store %arg13[%swap3A_584], %swap3A_587 {strides = array<i32>} : memref<80xi32, #tpu.memory_space<vmem>>, vector<16xi32>,
        %mul3A_588 = arith.constant 80 : i32
        %mul3A_589 = arith.muli %add3A_502, %mul3A_588 : i32
        %add3A_590 = arith.constant 48 : i32
        %add3A_591 = arith.addi %mul3A_589, %add3A_590 : i32
        %get3A_592 = arith.index_cast %add3A_591 : i32 to index
        %get3A_593 = tpu.vector_load %arg8[%get3A_592] {strides = array<i32>} : memref<4000xi32, #tpu.memory_space<vmem>>, vector<16xi32>,
        %get3A_594 = vector.shape_cast %get3A_593 : vector<16xi32> to vector<16xi32>
        %swap3A_595 = arith.constant 48 : index
        %swap3A_596 = tpu.vector_load %arg16[%swap3A_595] {strides = array<i32>} : memref<80xi32, #tpu.memory_space<vmem>>, vector<16xi32>,
        %swap3A_597 = vector.shape_cast %swap3A_596 : vector<16xi32> to vector<16xi32>
        %swap3A_598 = vector.shape_cast %get3A_594 : vector<16xi32> to vector<16xi32>
        tpu.vector_store %arg16[%swap3A_595], %swap3A_598 {strides = array<i32>} : memref<80xi32, #tpu.memory_space<vmem>>, vector<16xi32>,
        %mul3A_599 = arith.constant 80 : i32
        %mul3A_600 = arith.muli %add3A_502, %mul3A_599 : i32
        %add3A_601 = arith.constant 64 : i32
        %add3A_602 = arith.addi %mul3A_600, %add3A_601 : i32
        %get3A_603 = arith.index_cast %add3A_602 : i32 to index
        %get3A_604 = tpu.vector_load %arg7[%get3A_603] {strides = array<i32>} : memref<4000xi32, #tpu.memory_space<vmem>>, vector<16xi32>,
        %get3A_605 = vector.shape_cast %get3A_604 : vector<16xi32> to vector<16xi32>
        %add3A_606 = vector.broadcast %mul3A_3 : i32 to vector<16xi32>
        %add3A_607 = arith.addi %get3A_605, %add3A_606 : vector<16xi32>
        %swap3A_608 = arith.constant 64 : index
        %swap3A_609 = tpu.vector_load %arg13[%swap3A_608] {strides = array<i32>} : memref<80xi32, #tpu.memory_space<vmem>>, vector<16xi32>,
        %swap3A_610 = vector.shape_cast %swap3A_609 : vector<16xi32> to vector<16xi32>
        %swap3A_611 = vector.shape_cast %add3A_607 : vector<16xi32> to vector<16xi32>
        tpu.vector_store %arg13[%swap3A_608], %swap3A_611 {strides = array<i32>} : memref<80xi32, #tpu.memory_space<vmem>>, vector<16xi32>,
        %mul3A_612 = arith.constant 80 : i32
        %mul3A_613 = arith.muli %add3A_502, %mul3A_612 : i32
        %add3A_614 = arith.constant 64 : i32
        %add3A_615 = arith.addi %mul3A_613, %add3A_614 : i32
        %get3A_616 = arith.index_cast %add3A_615 : i32 to index
        %get3A_617 = tpu.vector_load %arg8[%get3A_616] {strides = array<i32>} : memref<4000xi32, #tpu.memory_space<vmem>>, vector<16xi32>,
        %get3A_618 = vector.shape_cast %get3A_617 : vector<16xi32> to vector<16xi32>
        %swap3A_619 = arith.constant 64 : index
        %swap3A_620 = tpu.vector_load %arg16[%swap3A_619] {strides = array<i32>} : memref<80xi32, #tpu.memory_space<vmem>>, vector<16xi32>,
        %swap3A_621 = vector.shape_cast %swap3A_620 : vector<16xi32> to vector<16xi32>
        %swap3A_622 = vector.shape_cast %get3A_618 : vector<16xi32> to vector<16xi32>
        tpu.vector_store %arg16[%swap3A_619], %swap3A_622 {strides = array<i32>} : memref<80xi32, #tpu.memory_space<vmem>>, vector<16xi32>,
        %dma_start3A_623 = arith.constant 0 : i32
        %dma_start3A_624 = arith.constant 0 : i32
        %dma_start3A_625 = tpu.memref_slice %arg2[%dma_start3A_623, %dma_start3A_624] : memref<61440x128xf32, #tpu.memory_space<hbm>> -> memref<61440x128xf32, #tpu.memory_space<hbm>>
        tpu.enqueue_indirect_dma source(%dma_start3A_625 : memref<61440x128xf32, #tpu.memory_space<hbm>>) target(%arg10 : memref<80x128xf32, #tpu.memory_space<vmem>>) offsets(%arg13 : memref<80xi32, #tpu.memory_space<vmem>>) semaphore(%arg20 : memref<!tpu.dma_semaphore, #tpu.memory_space<semaphore_mem>>)
        %dma_wait3A_626 = arith.constant 0 : i32
        %dma_wait3A_627 = arith.constant 0 : i32
        %dma_wait3A_628 = tpu.memref_slice %arg2[%dma_wait3A_626, %dma_wait3A_627] : memref<61440x128xf32, #tpu.memory_space<hbm>> -> memref<61440x128xf32, #tpu.memory_space<hbm>>
        tpu.wait_indirect_dma semaphore(%arg21 : memref<!tpu.dma_semaphore, #tpu.memory_space<semaphore_mem>>) src(%dma_wait3A_628 : memref<61440x128xf32, #tpu.memory_space<hbm>>) dst(%arg11 : memref<80x128xf32, #tpu.memory_space<vmem>>)
        "tpu.region"() ({
          %run_scoped3A = tpu.sem_alloc : memref<!tpu.dma_semaphore, #tpu.memory_space<semaphore_mem>>
          %dma_start3A_629 = arith.constant 0 : i32
          %dma_start3A_630 = arith.constant 0 : i32
          %dma_start3A_631 = tpu.memref_slice %arg18[%dma_start3A_629, %dma_start3A_630] : memref<10240x128xf32, #tpu.memory_space<vmem_shared>> -> memref<10240x128xf32, #tpu.memory_space<vmem_shared>>
          tpu.enqueue_indirect_dma source(%arg11 : memref<80x128xf32, #tpu.memory_space<vmem>>) target(%dma_start3A_631 : memref<10240x128xf32, #tpu.memory_space<vmem_shared>>) offsets(%arg17 : memref<80xi32, #tpu.memory_space<vmem>>) semaphore(%run_scoped3A : memref<!tpu.dma_semaphore, #tpu.memory_space<semaphore_mem>>) {add = true}
          %dma_wait3A_632 = arith.constant 0 : i32
          %dma_wait3A_633 = arith.constant 0 : i32
          %dma_wait3A_634 = tpu.memref_slice %arg18[%dma_wait3A_632, %dma_wait3A_633] : memref<10240x128xf32, #tpu.memory_space<vmem_shared>> -> memref<10240x128xf32, #tpu.memory_space<vmem_shared>>
          tpu.wait_indirect_dma semaphore(%run_scoped3A : memref<!tpu.dma_semaphore, #tpu.memory_space<semaphore_mem>>) src(%arg11 : memref<80x128xf32, #tpu.memory_space<vmem>>) dst(%dma_wait3A_634 : memref<10240x128xf32, #tpu.memory_space<vmem_shared>>)
          tpu.yield
        }) : () -> ()
      }
      %scan3A_236 = arith.constant 16 : i32
      %dma_wait3A = arith.constant 0 : i32
      %dma_wait3A_237 = arith.constant 0 : i32
      %dma_wait3A_238 = tpu.memref_slice %arg2[%dma_wait3A, %dma_wait3A_237] : memref<61440x128xf32, #tpu.memory_space<hbm>> -> memref<61440x128xf32, #tpu.memory_space<hbm>>
      tpu.wait_indirect_dma semaphore(%arg19 : memref<!tpu.dma_semaphore, #tpu.memory_space<semaphore_mem>>) src(%dma_wait3A_238 : memref<61440x128xf32, #tpu.memory_space<hbm>>) dst(%arg9 : memref<80x128xf32, #tpu.memory_space<vmem>>)
      "tpu.region"() ({
        %run_scoped3A = tpu.sem_alloc : memref<!tpu.dma_semaphore, #tpu.memory_space<semaphore_mem>>
        %dma_start3A_242 = arith.constant 0 : i32
        %dma_start3A_243 = arith.constant 0 : i32
        %dma_start3A_244 = tpu.memref_slice %arg18[%dma_start3A_242, %dma_start3A_243] : memref<10240x128xf32, #tpu.memory_space<vmem_shared>> -> memref<10240x128xf32, #tpu.memory_space<vmem_shared>>
        tpu.enqueue_indirect_dma source(%arg9 : memref<80x128xf32, #tpu.memory_space<vmem>>) target(%dma_start3A_244 : memref<10240x128xf32, #tpu.memory_space<vmem_shared>>) offsets(%arg15 : memref<80xi32, #tpu.memory_space<vmem>>) semaphore(%run_scoped3A : memref<!tpu.dma_semaphore, #tpu.memory_space<semaphore_mem>>) {add = true}
        %dma_wait3A_245 = arith.constant 0 : i32
        %dma_wait3A_246 = arith.constant 0 : i32
        %dma_wait3A_247 = tpu.memref_slice %arg18[%dma_wait3A_245, %dma_wait3A_246] : memref<10240x128xf32, #tpu.memory_space<vmem_shared>> -> memref<10240x128xf32, #tpu.memory_space<vmem_shared>>
        tpu.wait_indirect_dma semaphore(%run_scoped3A : memref<!tpu.dma_semaphore, #tpu.memory_space<semaphore_mem>>) src(%arg9 : memref<80x128xf32, #tpu.memory_space<vmem>>) dst(%dma_wait3A_247 : memref<10240x128xf32, #tpu.memory_space<vmem_shared>>)
        tpu.yield
      }) : () -> ()
      %dma_wait3A_239 = arith.constant 0 : i32
      %dma_wait3A_240 = arith.constant 0 : i32
      %dma_wait3A_241 = tpu.memref_slice %arg2[%dma_wait3A_239, %dma_wait3A_240] : memref<61440x128xf32, #tpu.memory_space<hbm>> -> memref<61440x128xf32, #tpu.memory_space<hbm>>
      tpu.wait_indirect_dma semaphore(%arg20 : memref<!tpu.dma_semaphore, #tpu.memory_space<semaphore_mem>>) src(%dma_wait3A_241 : memref<61440x128xf32, #tpu.memory_space<hbm>>) dst(%arg10 : memref<80x128xf32, #tpu.memory_space<vmem>>)
      "tpu.region"() ({
        %run_scoped3A = tpu.sem_alloc : memref<!tpu.dma_semaphore, #tpu.memory_space<semaphore_mem>>
        %dma_start3A_242 = arith.constant 0 : i32
        %dma_start3A_243 = arith.constant 0 : i32
        %dma_start3A_244 = tpu.memref_slice %arg18[%dma_start3A_242, %dma_start3A_243] : memref<10240x128xf32, #tpu.memory_space<vmem_shared>> -> memref<10240x128xf32, #tpu.memory_space<vmem_shared>>
        tpu.enqueue_indirect_dma source(%arg10 : memref<80x128xf32, #tpu.memory_space<vmem>>) target(%dma_start3A_244 : memref<10240x128xf32, #tpu.memory_space<vmem_shared>>) offsets(%arg16 : memref<80xi32, #tpu.memory_space<vmem>>) semaphore(%run_scoped3A : memref<!tpu.dma_semaphore, #tpu.memory_space<semaphore_mem>>) {add = true}
        %dma_wait3A_245 = arith.constant 0 : i32
        %dma_wait3A_246 = arith.constant 0 : i32
        %dma_wait3A_247 = tpu.memref_slice %arg18[%dma_wait3A_245, %dma_wait3A_246] : memref<10240x128xf32, #tpu.memory_space<vmem_shared>> -> memref<10240x128xf32, #tpu.memory_space<vmem_shared>>
        tpu.wait_indirect_dma semaphore(%run_scoped3A : memref<!tpu.dma_semaphore, #tpu.memory_space<semaphore_mem>>) src(%arg10 : memref<80x128xf32, #tpu.memory_space<vmem>>) dst(%dma_wait3A_247 : memref<10240x128xf32, #tpu.memory_space<vmem_shared>>)
        tpu.yield
      }) : () -> ()
    }
    %scan3A_10 = arith.constant 5 : i32
    %barrier3A_11 = arith.constant 0 : index
    tpu.barrier barrier_id(%barrier3A_11)
    %mul3A_12 = arith.constant 640 : i32
    %mul3A_13 = arith.muli %arg1, %mul3A_12 : i32
    %mul3A_14 = arith.constant 640 : i32
    %mul3A_15 = arith.muli %arg1, %mul3A_14 : i32
    %add3A_16 = arith.addi %mul3A_3, %mul3A_15 : i32
    "tpu.region"() ({
      %run_scoped3A = tpu.sem_alloc : memref<!tpu.dma_semaphore, #tpu.memory_space<semaphore_mem>>
      %dma_start3A = arith.constant 0 : i32
      %dma_start3A_62 = tpu.memref_slice %arg6[%add3A_16, %dma_start3A] : memref<61440x128xf32, #tpu.memory_space<hbm>> -> memref<640x128xf32, #tpu.memory_space<hbm>>
      %dma_start3A_63 = arith.constant 0 : i32
      %dma_start3A_64 = tpu.memref_slice %arg18[%mul3A_13, %dma_start3A_63] : memref<10240x128xf32, #tpu.memory_space<vmem_shared>> -> memref<640x128xf32, #tpu.memory_space<vmem_shared>>
      tpu.enqueue_dma source(%dma_start3A_64 : memref<640x128xf32, #tpu.memory_space<vmem_shared>>) target(%dma_start3A_62 : memref<640x128xf32, #tpu.memory_space<hbm>>) target_semaphore(%run_scoped3A : memref<!tpu.dma_semaphore, #tpu.memory_space<semaphore_mem>>)
      %dma_wait3A = arith.constant 0 : i32
      %dma_wait3A_65 = tpu.memref_slice %arg6[%add3A_16, %dma_wait3A] : memref<61440x128xf32, #tpu.memory_space<hbm>> -> memref<640x128xf32, #tpu.memory_space<hbm>>
      %dma_wait3A_66 = arith.constant 0 : i32
      %dma_wait3A_67 = tpu.memref_slice %arg18[%mul3A_13, %dma_wait3A_66] : memref<10240x128xf32, #tpu.memory_space<vmem_shared>> -> memref<640x128xf32, #tpu.memory_space<vmem_shared>>
      tpu.wait_dma2 semaphore(%run_scoped3A : memref<!tpu.dma_semaphore, #tpu.memory_space<semaphore_mem>>) src(%dma_wait3A_67 : memref<640x128xf32, #tpu.memory_space<vmem_shared>>) dst(%dma_wait3A_65 : memref<640x128xf32, #tpu.memory_space<hbm>>)
      tpu.yield
    }) : () -> ()
    %barrier3A_17 = arith.constant 0 : index
    tpu.barrier barrier_id(%barrier3A_17)
    %mul3A_18 = arith.constant 3 : i32
    %mul3A_19 = arith.muli %arg0, %mul3A_18 : i32
    %add3A_20 = arith.constant 1 : i32
    %add3A_21 = arith.addi %mul3A_19, %add3A_20 : i32
    %mul3A_22 = arith.constant 10240 : i32
    %mul3A_23 = arith.muli %add3A_21, %mul3A_22 : i32
    %mul3A_24 = arith.constant 640 : i32
    %mul3A_25 = arith.muli %arg1, %mul3A_24 : i32
    "tpu.region"() ({
      %run_scoped3A = tpu.sem_alloc : memref<!tpu.dma_semaphore, #tpu.memory_space<semaphore_mem>>
      %dma_start3A = arith.constant 0 : i32
      %dma_start3A_62 = tpu.memref_slice %arg18[%mul3A_25, %dma_start3A] : memref<10240x128xf32, #tpu.memory_space<vmem_shared>> -> memref<640x128xf32, #tpu.memory_space<vmem_shared>>
      tpu.enqueue_dma source(%arg5 : memref<640x128xf32, #tpu.memory_space<hbm>>) target(%dma_start3A_62 : memref<640x128xf32, #tpu.memory_space<vmem_shared>>) target_semaphore(%run_scoped3A : memref<!tpu.dma_semaphore, #tpu.memory_space<semaphore_mem>>)
      %dma_wait3A = arith.constant 0 : i32
      %dma_wait3A_63 = tpu.memref_slice %arg18[%mul3A_25, %dma_wait3A] : memref<10240x128xf32, #tpu.memory_space<vmem_shared>> -> memref<640x128xf32, #tpu.memory_space<vmem_shared>>
      tpu.wait_dma2 semaphore(%run_scoped3A : memref<!tpu.dma_semaphore, #tpu.memory_space<semaphore_mem>>) src(%arg5 : memref<640x128xf32, #tpu.memory_space<hbm>>) dst(%dma_wait3A_63 : memref<640x128xf32, #tpu.memory_space<vmem_shared>>)
      tpu.yield
    }) : () -> ()
    %barrier3A_26 = arith.constant 0 : index
    tpu.barrier barrier_id(%barrier3A_26)
    %scan3A_27 = arith.constant 0 : i32
    %scan3A_28 = arith.constant 0 : i32
    %scan3A_29 = arith.constant 5 : i32
    %scan3A_30 = arith.addi %scan3A_28, %scan3A_29 : i32
    %scan3A_31 = arith.constant 1 : i32
    scf.for %scan3A_62 = %scan3A_28 to %scan3A_30 step %scan3A_31  : i32 {
      %mul3A_63 = arith.constant 20000 : i32
      %mul3A_64 = arith.muli %arg1, %mul3A_63 : i32
      %mul3A_65 = arith.constant 4000 : i32
      %mul3A_66 = arith.muli %scan3A_62, %mul3A_65 : i32
      %add3A_67 = arith.addi %mul3A_64, %mul3A_66 : i32
      "tpu.region"() ({
        %run_scoped3A = tpu.sem_alloc : memref<!tpu.dma_semaphore, #tpu.memory_space<semaphore_mem>>
        %dma_start3A_242 = tpu.memref_slice %arg3[%add3A_67] : memref<320000xi32, #tpu.memory_space<hbm>> -> memref<4000xi32, #tpu.memory_space<hbm>>
        %dma_start3A_243 = tpu.memref_slice %arg3[%add3A_67] : memref<320000xi32, #tpu.memory_space<hbm>> -> memref<4000xi32, #tpu.memory_space<hbm>>
        tpu.enqueue_dma source(%dma_start3A_243 : memref<4000xi32, #tpu.memory_space<hbm>>) target(%arg7 : memref<4000xi32, #tpu.memory_space<vmem>>) target_semaphore(%run_scoped3A : memref<!tpu.dma_semaphore, #tpu.memory_space<semaphore_mem>>)
        %dma_wait3A_244 = tpu.memref_slice %arg3[%add3A_67] : memref<320000xi32, #tpu.memory_space<hbm>> -> memref<4000xi32, #tpu.memory_space<hbm>>
        %dma_wait3A_245 = tpu.memref_slice %arg3[%add3A_67] : memref<320000xi32, #tpu.memory_space<hbm>> -> memref<4000xi32, #tpu.memory_space<hbm>>
        tpu.wait_dma2 semaphore(%run_scoped3A : memref<!tpu.dma_semaphore, #tpu.memory_space<semaphore_mem>>) src(%dma_wait3A_245 : memref<4000xi32, #tpu.memory_space<hbm>>) dst(%arg7 : memref<4000xi32, #tpu.memory_space<vmem>>)
        tpu.yield
      }) : () -> ()
      "tpu.region"() ({
        %run_scoped3A = tpu.sem_alloc : memref<!tpu.dma_semaphore, #tpu.memory_space<semaphore_mem>>
        %dma_start3A_242 = tpu.memref_slice %arg4[%add3A_67] : memref<320000xi32, #tpu.memory_space<hbm>> -> memref<4000xi32, #tpu.memory_space<hbm>>
        %dma_start3A_243 = tpu.memref_slice %arg4[%add3A_67] : memref<320000xi32, #tpu.memory_space<hbm>> -> memref<4000xi32, #tpu.memory_space<hbm>>
        tpu.enqueue_dma source(%dma_start3A_243 : memref<4000xi32, #tpu.memory_space<hbm>>) target(%arg8 : memref<4000xi32, #tpu.memory_space<vmem>>) target_semaphore(%run_scoped3A : memref<!tpu.dma_semaphore, #tpu.memory_space<semaphore_mem>>)
        %dma_wait3A_244 = tpu.memref_slice %arg4[%add3A_67] : memref<320000xi32, #tpu.memory_space<hbm>> -> memref<4000xi32, #tpu.memory_space<hbm>>
        %dma_wait3A_245 = tpu.memref_slice %arg4[%add3A_67] : memref<320000xi32, #tpu.memory_space<hbm>> -> memref<4000xi32, #tpu.memory_space<hbm>>
        tpu.wait_dma2 semaphore(%run_scoped3A : memref<!tpu.dma_semaphore, #tpu.memory_space<semaphore_mem>>) src(%dma_wait3A_245 : memref<4000xi32, #tpu.memory_space<hbm>>) dst(%arg8 : memref<4000xi32, #tpu.memory_space<vmem>>)
        tpu.yield
      }) : () -> ()
      %get3A = arith.constant 0 : index
      %get3A_68 = tpu.vector_load %arg7[%get3A] {strides = array<i32>} : memref<4000xi32, #tpu.memory_space<vmem>>, vector<16xi32>,
      %get3A_69 = vector.shape_cast %get3A_68 : vector<16xi32> to vector<16xi32>
      %add3A_70 = vector.broadcast %mul3A_23 : i32 to vector<16xi32>
      %add3A_71 = arith.addi %get3A_69, %add3A_70 : vector<16xi32>
      %swap3A = arith.constant 0 : index
      %swap3A_72 = tpu.vector_load %arg12[%swap3A] {strides = array<i32>} : memref<80xi32, #tpu.memory_space<vmem>>, vector<16xi32>,
      %swap3A_73 = vector.shape_cast %swap3A_72 : vector<16xi32> to vector<16xi32>
      %swap3A_74 = vector.shape_cast %add3A_71 : vector<16xi32> to vector<16xi32>
      tpu.vector_store %arg12[%swap3A], %swap3A_74 {strides = array<i32>} : memref<80xi32, #tpu.memory_space<vmem>>, vector<16xi32>,
      %get3A_75 = arith.constant 0 : index
      %get3A_76 = tpu.vector_load %arg8[%get3A_75] {strides = array<i32>} : memref<4000xi32, #tpu.memory_space<vmem>>, vector<16xi32>,
      %get3A_77 = vector.shape_cast %get3A_76 : vector<16xi32> to vector<16xi32>
      %swap3A_78 = arith.constant 0 : index
      %swap3A_79 = tpu.vector_load %arg15[%swap3A_78] {strides = array<i32>} : memref<80xi32, #tpu.memory_space<vmem>>, vector<16xi32>,
      %swap3A_80 = vector.shape_cast %swap3A_79 : vector<16xi32> to vector<16xi32>
      %swap3A_81 = vector.shape_cast %get3A_77 : vector<16xi32> to vector<16xi32>
      tpu.vector_store %arg15[%swap3A_78], %swap3A_81 {strides = array<i32>} : memref<80xi32, #tpu.memory_space<vmem>>, vector<16xi32>,
      %get3A_82 = arith.constant 16 : index
      %get3A_83 = tpu.vector_load %arg7[%get3A_82] {strides = array<i32>} : memref<4000xi32, #tpu.memory_space<vmem>>, vector<16xi32>,
      %get3A_84 = vector.shape_cast %get3A_83 : vector<16xi32> to vector<16xi32>
      %add3A_85 = vector.broadcast %mul3A_23 : i32 to vector<16xi32>
      %add3A_86 = arith.addi %get3A_84, %add3A_85 : vector<16xi32>
      %swap3A_87 = arith.constant 16 : index
      %swap3A_88 = tpu.vector_load %arg12[%swap3A_87] {strides = array<i32>} : memref<80xi32, #tpu.memory_space<vmem>>, vector<16xi32>,
      %swap3A_89 = vector.shape_cast %swap3A_88 : vector<16xi32> to vector<16xi32>
      %swap3A_90 = vector.shape_cast %add3A_86 : vector<16xi32> to vector<16xi32>
      tpu.vector_store %arg12[%swap3A_87], %swap3A_90 {strides = array<i32>} : memref<80xi32, #tpu.memory_space<vmem>>, vector<16xi32>,
      %get3A_91 = arith.constant 16 : index
      %get3A_92 = tpu.vector_load %arg8[%get3A_91] {strides = array<i32>} : memref<4000xi32, #tpu.memory_space<vmem>>, vector<16xi32>,
      %get3A_93 = vector.shape_cast %get3A_92 : vector<16xi32> to vector<16xi32>
      %swap3A_94 = arith.constant 16 : index
      %swap3A_95 = tpu.vector_load %arg15[%swap3A_94] {strides = array<i32>} : memref<80xi32, #tpu.memory_space<vmem>>, vector<16xi32>,
      %swap3A_96 = vector.shape_cast %swap3A_95 : vector<16xi32> to vector<16xi32>
      %swap3A_97 = vector.shape_cast %get3A_93 : vector<16xi32> to vector<16xi32>
      tpu.vector_store %arg15[%swap3A_94], %swap3A_97 {strides = array<i32>} : memref<80xi32, #tpu.memory_space<vmem>>, vector<16xi32>,
      %get3A_98 = arith.constant 32 : index
      %get3A_99 = tpu.vector_load %arg7[%get3A_98] {strides = array<i32>} : memref<4000xi32, #tpu.memory_space<vmem>>, vector<16xi32>,
      %get3A_100 = vector.shape_cast %get3A_99 : vector<16xi32> to vector<16xi32>
      %add3A_101 = vector.broadcast %mul3A_23 : i32 to vector<16xi32>
      %add3A_102 = arith.addi %get3A_100, %add3A_101 : vector<16xi32>
      %swap3A_103 = arith.constant 32 : index
      %swap3A_104 = tpu.vector_load %arg12[%swap3A_103] {strides = array<i32>} : memref<80xi32, #tpu.memory_space<vmem>>, vector<16xi32>,
      %swap3A_105 = vector.shape_cast %swap3A_104 : vector<16xi32> to vector<16xi32>
      %swap3A_106 = vector.shape_cast %add3A_102 : vector<16xi32> to vector<16xi32>
      tpu.vector_store %arg12[%swap3A_103], %swap3A_106 {strides = array<i32>} : memref<80xi32, #tpu.memory_space<vmem>>, vector<16xi32>,
      %get3A_107 = arith.constant 32 : index
      %get3A_108 = tpu.vector_load %arg8[%get3A_107] {strides = array<i32>} : memref<4000xi32, #tpu.memory_space<vmem>>, vector<16xi32>,
      %get3A_109 = vector.shape_cast %get3A_108 : vector<16xi32> to vector<16xi32>
      %swap3A_110 = arith.constant 32 : index
      %swap3A_111 = tpu.vector_load %arg15[%swap3A_110] {strides = array<i32>} : memref<80xi32, #tpu.memory_space<vmem>>, vector<16xi32>,
      %swap3A_112 = vector.shape_cast %swap3A_111 : vector<16xi32> to vector<16xi32>
      %swap3A_113 = vector.shape_cast %get3A_109 : vector<16xi32> to vector<16xi32>
      tpu.vector_store %arg15[%swap3A_110], %swap3A_113 {strides = array<i32>} : memref<80xi32, #tpu.memory_space<vmem>>, vector<16xi32>,
      %get3A_114 = arith.constant 48 : index
      %get3A_115 = tpu.vector_load %arg7[%get3A_114] {strides = array<i32>} : memref<4000xi32, #tpu.memory_space<vmem>>, vector<16xi32>,
      %get3A_116 = vector.shape_cast %get3A_115 : vector<16xi32> to vector<16xi32>
      %add3A_117 = vector.broadcast %mul3A_23 : i32 to vector<16xi32>
      %add3A_118 = arith.addi %get3A_116, %add3A_117 : vector<16xi32>
      %swap3A_119 = arith.constant 48 : index
      %swap3A_120 = tpu.vector_load %arg12[%swap3A_119] {strides = array<i32>} : memref<80xi32, #tpu.memory_space<vmem>>, vector<16xi32>,
      %swap3A_121 = vector.shape_cast %swap3A_120 : vector<16xi32> to vector<16xi32>
      %swap3A_122 = vector.shape_cast %add3A_118 : vector<16xi32> to vector<16xi32>
      tpu.vector_store %arg12[%swap3A_119], %swap3A_122 {strides = array<i32>} : memref<80xi32, #tpu.memory_space<vmem>>, vector<16xi32>,
      %get3A_123 = arith.constant 48 : index
      %get3A_124 = tpu.vector_load %arg8[%get3A_123] {strides = array<i32>} : memref<4000xi32, #tpu.memory_space<vmem>>, vector<16xi32>,
      %get3A_125 = vector.shape_cast %get3A_124 : vector<16xi32> to vector<16xi32>
      %swap3A_126 = arith.constant 48 : index
      %swap3A_127 = tpu.vector_load %arg15[%swap3A_126] {strides = array<i32>} : memref<80xi32, #tpu.memory_space<vmem>>, vector<16xi32>,
      %swap3A_128 = vector.shape_cast %swap3A_127 : vector<16xi32> to vector<16xi32>
      %swap3A_129 = vector.shape_cast %get3A_125 : vector<16xi32> to vector<16xi32>
      tpu.vector_store %arg15[%swap3A_126], %swap3A_129 {strides = array<i32>} : memref<80xi32, #tpu.memory_space<vmem>>, vector<16xi32>,
      %get3A_130 = arith.constant 64 : index
      %get3A_131 = tpu.vector_load %arg7[%get3A_130] {strides = array<i32>} : memref<4000xi32, #tpu.memory_space<vmem>>, vector<16xi32>,
      %get3A_132 = vector.shape_cast %get3A_131 : vector<16xi32> to vector<16xi32>
      %add3A_133 = vector.broadcast %mul3A_23 : i32 to vector<16xi32>
      %add3A_134 = arith.addi %get3A_132, %add3A_133 : vector<16xi32>
      %swap3A_135 = arith.constant 64 : index
      %swap3A_136 = tpu.vector_load %arg12[%swap3A_135] {strides = array<i32>} : memref<80xi32, #tpu.memory_space<vmem>>, vector<16xi32>,
      %swap3A_137 = vector.shape_cast %swap3A_136 : vector<16xi32> to vector<16xi32>
      %swap3A_138 = vector.shape_cast %add3A_134 : vector<16xi32> to vector<16xi32>
      tpu.vector_store %arg12[%swap3A_135], %swap3A_138 {strides = array<i32>} : memref<80xi32, #tpu.memory_space<vmem>>, vector<16xi32>,
      %get3A_139 = arith.constant 64 : index
      %get3A_140 = tpu.vector_load %arg8[%get3A_139] {strides = array<i32>} : memref<4000xi32, #tpu.memory_space<vmem>>, vector<16xi32>,
      %get3A_141 = vector.shape_cast %get3A_140 : vector<16xi32> to vector<16xi32>
      %swap3A_142 = arith.constant 64 : index
      %swap3A_143 = tpu.vector_load %arg15[%swap3A_142] {strides = array<i32>} : memref<80xi32, #tpu.memory_space<vmem>>, vector<16xi32>,
      %swap3A_144 = vector.shape_cast %swap3A_143 : vector<16xi32> to vector<16xi32>
      %swap3A_145 = vector.shape_cast %get3A_141 : vector<16xi32> to vector<16xi32>
      tpu.vector_store %arg15[%swap3A_142], %swap3A_145 {strides = array<i32>} : memref<80xi32, #tpu.memory_space<vmem>>, vector<16xi32>,
      %dma_start3A = arith.constant 0 : i32
      %dma_start3A_146 = arith.constant 0 : i32
      %dma_start3A_147 = tpu.memref_slice %arg2[%dma_start3A, %dma_start3A_146] : memref<61440x128xf32, #tpu.memory_space<hbm>> -> memref<61440x128xf32, #tpu.memory_space<hbm>>
      tpu.enqueue_indirect_dma source(%dma_start3A_147 : memref<61440x128xf32, #tpu.memory_space<hbm>>) target(%arg9 : memref<80x128xf32, #tpu.memory_space<vmem>>) offsets(%arg12 : memref<80xi32, #tpu.memory_space<vmem>>) semaphore(%arg19 : memref<!tpu.dma_semaphore, #tpu.memory_space<semaphore_mem>>)
      %get3A_148 = arith.constant 80 : index
      %get3A_149 = tpu.vector_load %arg7[%get3A_148] {strides = array<i32>} : memref<4000xi32, #tpu.memory_space<vmem>>, vector<16xi32>,
      %get3A_150 = vector.shape_cast %get3A_149 : vector<16xi32> to vector<16xi32>
      %add3A_151 = vector.broadcast %mul3A_23 : i32 to vector<16xi32>
      %add3A_152 = arith.addi %get3A_150, %add3A_151 : vector<16xi32>
      %swap3A_153 = arith.constant 0 : index
      %swap3A_154 = tpu.vector_load %arg13[%swap3A_153] {strides = array<i32>} : memref<80xi32, #tpu.memory_space<vmem>>, vector<16xi32>,
      %swap3A_155 = vector.shape_cast %swap3A_154 : vector<16xi32> to vector<16xi32>
      %swap3A_156 = vector.shape_cast %add3A_152 : vector<16xi32> to vector<16xi32>
      tpu.vector_store %arg13[%swap3A_153], %swap3A_156 {strides = array<i32>} : memref<80xi32, #tpu.memory_space<vmem>>, vector<16xi32>,
      %get3A_157 = arith.constant 80 : index
      %get3A_158 = tpu.vector_load %arg8[%get3A_157] {strides = array<i32>} : memref<4000xi32, #tpu.memory_space<vmem>>, vector<16xi32>,
      %get3A_159 = vector.shape_cast %get3A_158 : vector<16xi32> to vector<16xi32>
      %swap3A_160 = arith.constant 0 : index
      %swap3A_161 = tpu.vector_load %arg16[%swap3A_160] {strides = array<i32>} : memref<80xi32, #tpu.memory_space<vmem>>, vector<16xi32>,
      %swap3A_162 = vector.shape_cast %swap3A_161 : vector<16xi32> to vector<16xi32>
      %swap3A_163 = vector.shape_cast %get3A_159 : vector<16xi32> to vector<16xi32>
      tpu.vector_store %arg16[%swap3A_160], %swap3A_163 {strides = array<i32>} : memref<80xi32, #tpu.memory_space<vmem>>, vector<16xi32>,
      %get3A_164 = arith.constant 96 : index
      %get3A_165 = tpu.vector_load %arg7[%get3A_164] {strides = array<i32>} : memref<4000xi32, #tpu.memory_space<vmem>>, vector<16xi32>,
      %get3A_166 = vector.shape_cast %get3A_165 : vector<16xi32> to vector<16xi32>
      %add3A_167 = vector.broadcast %mul3A_23 : i32 to vector<16xi32>
      %add3A_168 = arith.addi %get3A_166, %add3A_167 : vector<16xi32>
      %swap3A_169 = arith.constant 16 : index
      %swap3A_170 = tpu.vector_load %arg13[%swap3A_169] {strides = array<i32>} : memref<80xi32, #tpu.memory_space<vmem>>, vector<16xi32>,
      %swap3A_171 = vector.shape_cast %swap3A_170 : vector<16xi32> to vector<16xi32>
      %swap3A_172 = vector.shape_cast %add3A_168 : vector<16xi32> to vector<16xi32>
      tpu.vector_store %arg13[%swap3A_169], %swap3A_172 {strides = array<i32>} : memref<80xi32, #tpu.memory_space<vmem>>, vector<16xi32>,
      %get3A_173 = arith.constant 96 : index
      %get3A_174 = tpu.vector_load %arg8[%get3A_173] {strides = array<i32>} : memref<4000xi32, #tpu.memory_space<vmem>>, vector<16xi32>,
      %get3A_175 = vector.shape_cast %get3A_174 : vector<16xi32> to vector<16xi32>
      %swap3A_176 = arith.constant 16 : index
      %swap3A_177 = tpu.vector_load %arg16[%swap3A_176] {strides = array<i32>} : memref<80xi32, #tpu.memory_space<vmem>>, vector<16xi32>,
      %swap3A_178 = vector.shape_cast %swap3A_177 : vector<16xi32> to vector<16xi32>
      %swap3A_179 = vector.shape_cast %get3A_175 : vector<16xi32> to vector<16xi32>
      tpu.vector_store %arg16[%swap3A_176], %swap3A_179 {strides = array<i32>} : memref<80xi32, #tpu.memory_space<vmem>>, vector<16xi32>,
      %get3A_180 = arith.constant 112 : index
      %get3A_181 = tpu.vector_load %arg7[%get3A_180] {strides = array<i32>} : memref<4000xi32, #tpu.memory_space<vmem>>, vector<16xi32>,
      %get3A_182 = vector.shape_cast %get3A_181 : vector<16xi32> to vector<16xi32>
      %add3A_183 = vector.broadcast %mul3A_23 : i32 to vector<16xi32>
      %add3A_184 = arith.addi %get3A_182, %add3A_183 : vector<16xi32>
      %swap3A_185 = arith.constant 32 : index
      %swap3A_186 = tpu.vector_load %arg13[%swap3A_185] {strides = array<i32>} : memref<80xi32, #tpu.memory_space<vmem>>, vector<16xi32>,
      %swap3A_187 = vector.shape_cast %swap3A_186 : vector<16xi32> to vector<16xi32>
      %swap3A_188 = vector.shape_cast %add3A_184 : vector<16xi32> to vector<16xi32>
      tpu.vector_store %arg13[%swap3A_185], %swap3A_188 {strides = array<i32>} : memref<80xi32, #tpu.memory_space<vmem>>, vector<16xi32>,
      %get3A_189 = arith.constant 112 : index
      %get3A_190 = tpu.vector_load %arg8[%get3A_189] {strides = array<i32>} : memref<4000xi32, #tpu.memory_space<vmem>>, vector<16xi32>,
      %get3A_191 = vector.shape_cast %get3A_190 : vector<16xi32> to vector<16xi32>
      %swap3A_192 = arith.constant 32 : index
      %swap3A_193 = tpu.vector_load %arg16[%swap3A_192] {strides = array<i32>} : memref<80xi32, #tpu.memory_space<vmem>>, vector<16xi32>,
      %swap3A_194 = vector.shape_cast %swap3A_193 : vector<16xi32> to vector<16xi32>
      %swap3A_195 = vector.shape_cast %get3A_191 : vector<16xi32> to vector<16xi32>
      tpu.vector_store %arg16[%swap3A_192], %swap3A_195 {strides = array<i32>} : memref<80xi32, #tpu.memory_space<vmem>>, vector<16xi32>,
      %get3A_196 = arith.constant 128 : index
      %get3A_197 = tpu.vector_load %arg7[%get3A_196] {strides = array<i32>} : memref<4000xi32, #tpu.memory_space<vmem>>, vector<16xi32>,
      %get3A_198 = vector.shape_cast %get3A_197 : vector<16xi32> to vector<16xi32>
      %add3A_199 = vector.broadcast %mul3A_23 : i32 to vector<16xi32>
      %add3A_200 = arith.addi %get3A_198, %add3A_199 : vector<16xi32>
      %swap3A_201 = arith.constant 48 : index
      %swap3A_202 = tpu.vector_load %arg13[%swap3A_201] {strides = array<i32>} : memref<80xi32, #tpu.memory_space<vmem>>, vector<16xi32>,
      %swap3A_203 = vector.shape_cast %swap3A_202 : vector<16xi32> to vector<16xi32>
      %swap3A_204 = vector.shape_cast %add3A_200 : vector<16xi32> to vector<16xi32>
      tpu.vector_store %arg13[%swap3A_201], %swap3A_204 {strides = array<i32>} : memref<80xi32, #tpu.memory_space<vmem>>, vector<16xi32>,
      %get3A_205 = arith.constant 128 : index
      %get3A_206 = tpu.vector_load %arg8[%get3A_205] {strides = array<i32>} : memref<4000xi32, #tpu.memory_space<vmem>>, vector<16xi32>,
      %get3A_207 = vector.shape_cast %get3A_206 : vector<16xi32> to vector<16xi32>
      %swap3A_208 = arith.constant 48 : index
      %swap3A_209 = tpu.vector_load %arg16[%swap3A_208] {strides = array<i32>} : memref<80xi32, #tpu.memory_space<vmem>>, vector<16xi32>,
      %swap3A_210 = vector.shape_cast %swap3A_209 : vector<16xi32> to vector<16xi32>
      %swap3A_211 = vector.shape_cast %get3A_207 : vector<16xi32> to vector<16xi32>
      tpu.vector_store %arg16[%swap3A_208], %swap3A_211 {strides = array<i32>} : memref<80xi32, #tpu.memory_space<vmem>>, vector<16xi32>,
      %get3A_212 = arith.constant 144 : index
      %get3A_213 = tpu.vector_load %arg7[%get3A_212] {strides = array<i32>} : memref<4000xi32, #tpu.memory_space<vmem>>, vector<16xi32>,
      %get3A_214 = vector.shape_cast %get3A_213 : vector<16xi32> to vector<16xi32>
      %add3A_215 = vector.broadcast %mul3A_23 : i32 to vector<16xi32>
      %add3A_216 = arith.addi %get3A_214, %add3A_215 : vector<16xi32>
      %swap3A_217 = arith.constant 64 : index
      %swap3A_218 = tpu.vector_load %arg13[%swap3A_217] {strides = array<i32>} : memref<80xi32, #tpu.memory_space<vmem>>, vector<16xi32>,
      %swap3A_219 = vector.shape_cast %swap3A_218 : vector<16xi32> to vector<16xi32>
      %swap3A_220 = vector.shape_cast %add3A_216 : vector<16xi32> to vector<16xi32>
      tpu.vector_store %arg13[%swap3A_217], %swap3A_220 {strides = array<i32>} : memref<80xi32, #tpu.memory_space<vmem>>, vector<16xi32>,
      %get3A_221 = arith.constant 144 : index
      %get3A_222 = tpu.vector_load %arg8[%get3A_221] {strides = array<i32>} : memref<4000xi32, #tpu.memory_space<vmem>>, vector<16xi32>,
      %get3A_223 = vector.shape_cast %get3A_222 : vector<16xi32> to vector<16xi32>
      %swap3A_224 = arith.constant 64 : index
      %swap3A_225 = tpu.vector_load %arg16[%swap3A_224] {strides = array<i32>} : memref<80xi32, #tpu.memory_space<vmem>>, vector<16xi32>,
      %swap3A_226 = vector.shape_cast %swap3A_225 : vector<16xi32> to vector<16xi32>
      %swap3A_227 = vector.shape_cast %get3A_223 : vector<16xi32> to vector<16xi32>
      tpu.vector_store %arg16[%swap3A_224], %swap3A_227 {strides = array<i32>} : memref<80xi32, #tpu.memory_space<vmem>>, vector<16xi32>,
      %dma_start3A_228 = arith.constant 0 : i32
      %dma_start3A_229 = arith.constant 0 : i32
      %dma_start3A_230 = tpu.memref_slice %arg2[%dma_start3A_228, %dma_start3A_229] : memref<61440x128xf32, #tpu.memory_space<hbm>> -> memref<61440x128xf32, #tpu.memory_space<hbm>>
      tpu.enqueue_indirect_dma source(%dma_start3A_230 : memref<61440x128xf32, #tpu.memory_space<hbm>>) target(%arg10 : memref<80x128xf32, #tpu.memory_space<vmem>>) offsets(%arg13 : memref<80xi32, #tpu.memory_space<vmem>>) semaphore(%arg20 : memref<!tpu.dma_semaphore, #tpu.memory_space<semaphore_mem>>)
      %scan3A_231 = arith.constant 0 : i32
      %scan3A_232 = arith.constant 0 : i32
      %scan3A_233 = arith.constant 16 : i32
      %scan3A_234 = arith.addi %scan3A_232, %scan3A_233 : i32
      %scan3A_235 = arith.constant 1 : i32
      scf.for %scan3A_242 = %scan3A_232 to %scan3A_234 step %scan3A_235  : i32 {
        %mul3A_243 = arith.constant 3 : i32
        %mul3A_244 = arith.muli %scan3A_242, %mul3A_243 : i32
        %add3A_245 = arith.constant 2 : i32
        %add3A_246 = arith.addi %mul3A_244, %add3A_245 : i32
        %mul3A_247 = arith.constant 80 : i32
        %mul3A_248 = arith.muli %add3A_246, %mul3A_247 : i32
        %add3A_249 = arith.constant 0 : i32
        %add3A_250 = arith.addi %mul3A_248, %add3A_249 : i32
        %get3A_251 = arith.index_cast %add3A_250 : i32 to index
        %get3A_252 = tpu.vector_load %arg7[%get3A_251] {strides = array<i32>} : memref<4000xi32, #tpu.memory_space<vmem>>, vector<16xi32>,
        %get3A_253 = vector.shape_cast %get3A_252 : vector<16xi32> to vector<16xi32>
        %add3A_254 = vector.broadcast %mul3A_23 : i32 to vector<16xi32>
        %add3A_255 = arith.addi %get3A_253, %add3A_254 : vector<16xi32>
        %swap3A_256 = arith.constant 0 : index
        %swap3A_257 = tpu.vector_load %arg14[%swap3A_256] {strides = array<i32>} : memref<80xi32, #tpu.memory_space<vmem>>, vector<16xi32>,
        %swap3A_258 = vector.shape_cast %swap3A_257 : vector<16xi32> to vector<16xi32>
        %swap3A_259 = vector.shape_cast %add3A_255 : vector<16xi32> to vector<16xi32>
        tpu.vector_store %arg14[%swap3A_256], %swap3A_259 {strides = array<i32>} : memref<80xi32, #tpu.memory_space<vmem>>, vector<16xi32>,
        %mul3A_260 = arith.constant 80 : i32
        %mul3A_261 = arith.muli %add3A_246, %mul3A_260 : i32
        %add3A_262 = arith.constant 0 : i32
        %add3A_263 = arith.addi %mul3A_261, %add3A_262 : i32
        %get3A_264 = arith.index_cast %add3A_263 : i32 to index
        %get3A_265 = tpu.vector_load %arg8[%get3A_264] {strides = array<i32>} : memref<4000xi32, #tpu.memory_space<vmem>>, vector<16xi32>,
        %get3A_266 = vector.shape_cast %get3A_265 : vector<16xi32> to vector<16xi32>
        %swap3A_267 = arith.constant 0 : index
        %swap3A_268 = tpu.vector_load %arg17[%swap3A_267] {strides = array<i32>} : memref<80xi32, #tpu.memory_space<vmem>>, vector<16xi32>,
        %swap3A_269 = vector.shape_cast %swap3A_268 : vector<16xi32> to vector<16xi32>
        %swap3A_270 = vector.shape_cast %get3A_266 : vector<16xi32> to vector<16xi32>
        tpu.vector_store %arg17[%swap3A_267], %swap3A_270 {strides = array<i32>} : memref<80xi32, #tpu.memory_space<vmem>>, vector<16xi32>,
        %mul3A_271 = arith.constant 80 : i32
        %mul3A_272 = arith.muli %add3A_246, %mul3A_271 : i32
        %add3A_273 = arith.constant 16 : i32
        %add3A_274 = arith.addi %mul3A_272, %add3A_273 : i32
        %get3A_275 = arith.index_cast %add3A_274 : i32 to index
        %get3A_276 = tpu.vector_load %arg7[%get3A_275] {strides = array<i32>} : memref<4000xi32, #tpu.memory_space<vmem>>, vector<16xi32>,
        %get3A_277 = vector.shape_cast %get3A_276 : vector<16xi32> to vector<16xi32>
        %add3A_278 = vector.broadcast %mul3A_23 : i32 to vector<16xi32>
        %add3A_279 = arith.addi %get3A_277, %add3A_278 : vector<16xi32>
        %swap3A_280 = arith.constant 16 : index
        %swap3A_281 = tpu.vector_load %arg14[%swap3A_280] {strides = array<i32>} : memref<80xi32, #tpu.memory_space<vmem>>, vector<16xi32>,
        %swap3A_282 = vector.shape_cast %swap3A_281 : vector<16xi32> to vector<16xi32>
        %swap3A_283 = vector.shape_cast %add3A_279 : vector<16xi32> to vector<16xi32>
        tpu.vector_store %arg14[%swap3A_280], %swap3A_283 {strides = array<i32>} : memref<80xi32, #tpu.memory_space<vmem>>, vector<16xi32>,
        %mul3A_284 = arith.constant 80 : i32
        %mul3A_285 = arith.muli %add3A_246, %mul3A_284 : i32
        %add3A_286 = arith.constant 16 : i32
        %add3A_287 = arith.addi %mul3A_285, %add3A_286 : i32
        %get3A_288 = arith.index_cast %add3A_287 : i32 to index
        %get3A_289 = tpu.vector_load %arg8[%get3A_288] {strides = array<i32>} : memref<4000xi32, #tpu.memory_space<vmem>>, vector<16xi32>,
        %get3A_290 = vector.shape_cast %get3A_289 : vector<16xi32> to vector<16xi32>
        %swap3A_291 = arith.constant 16 : index
        %swap3A_292 = tpu.vector_load %arg17[%swap3A_291] {strides = array<i32>} : memref<80xi32, #tpu.memory_space<vmem>>, vector<16xi32>,
        %swap3A_293 = vector.shape_cast %swap3A_292 : vector<16xi32> to vector<16xi32>
        %swap3A_294 = vector.shape_cast %get3A_290 : vector<16xi32> to vector<16xi32>
        tpu.vector_store %arg17[%swap3A_291], %swap3A_294 {strides = array<i32>} : memref<80xi32, #tpu.memory_space<vmem>>, vector<16xi32>,
        %mul3A_295 = arith.constant 80 : i32
        %mul3A_296 = arith.muli %add3A_246, %mul3A_295 : i32
        %add3A_297 = arith.constant 32 : i32
        %add3A_298 = arith.addi %mul3A_296, %add3A_297 : i32
        %get3A_299 = arith.index_cast %add3A_298 : i32 to index
        %get3A_300 = tpu.vector_load %arg7[%get3A_299] {strides = array<i32>} : memref<4000xi32, #tpu.memory_space<vmem>>, vector<16xi32>,
        %get3A_301 = vector.shape_cast %get3A_300 : vector<16xi32> to vector<16xi32>
        %add3A_302 = vector.broadcast %mul3A_23 : i32 to vector<16xi32>
        %add3A_303 = arith.addi %get3A_301, %add3A_302 : vector<16xi32>
        %swap3A_304 = arith.constant 32 : index
        %swap3A_305 = tpu.vector_load %arg14[%swap3A_304] {strides = array<i32>} : memref<80xi32, #tpu.memory_space<vmem>>, vector<16xi32>,
        %swap3A_306 = vector.shape_cast %swap3A_305 : vector<16xi32> to vector<16xi32>
        %swap3A_307 = vector.shape_cast %add3A_303 : vector<16xi32> to vector<16xi32>
        tpu.vector_store %arg14[%swap3A_304], %swap3A_307 {strides = array<i32>} : memref<80xi32, #tpu.memory_space<vmem>>, vector<16xi32>,
        %mul3A_308 = arith.constant 80 : i32
        %mul3A_309 = arith.muli %add3A_246, %mul3A_308 : i32
        %add3A_310 = arith.constant 32 : i32
        %add3A_311 = arith.addi %mul3A_309, %add3A_310 : i32
        %get3A_312 = arith.index_cast %add3A_311 : i32 to index
        %get3A_313 = tpu.vector_load %arg8[%get3A_312] {strides = array<i32>} : memref<4000xi32, #tpu.memory_space<vmem>>, vector<16xi32>,
        %get3A_314 = vector.shape_cast %get3A_313 : vector<16xi32> to vector<16xi32>
        %swap3A_315 = arith.constant 32 : index
        %swap3A_316 = tpu.vector_load %arg17[%swap3A_315] {strides = array<i32>} : memref<80xi32, #tpu.memory_space<vmem>>, vector<16xi32>,
        %swap3A_317 = vector.shape_cast %swap3A_316 : vector<16xi32> to vector<16xi32>
        %swap3A_318 = vector.shape_cast %get3A_314 : vector<16xi32> to vector<16xi32>
        tpu.vector_store %arg17[%swap3A_315], %swap3A_318 {strides = array<i32>} : memref<80xi32, #tpu.memory_space<vmem>>, vector<16xi32>,
        %mul3A_319 = arith.constant 80 : i32
        %mul3A_320 = arith.muli %add3A_246, %mul3A_319 : i32
        %add3A_321 = arith.constant 48 : i32
        %add3A_322 = arith.addi %mul3A_320, %add3A_321 : i32
        %get3A_323 = arith.index_cast %add3A_322 : i32 to index
        %get3A_324 = tpu.vector_load %arg7[%get3A_323] {strides = array<i32>} : memref<4000xi32, #tpu.memory_space<vmem>>, vector<16xi32>,
        %get3A_325 = vector.shape_cast %get3A_324 : vector<16xi32> to vector<16xi32>
        %add3A_326 = vector.broadcast %mul3A_23 : i32 to vector<16xi32>
        %add3A_327 = arith.addi %get3A_325, %add3A_326 : vector<16xi32>
        %swap3A_328 = arith.constant 48 : index
        %swap3A_329 = tpu.vector_load %arg14[%swap3A_328] {strides = array<i32>} : memref<80xi32, #tpu.memory_space<vmem>>, vector<16xi32>,
        %swap3A_330 = vector.shape_cast %swap3A_329 : vector<16xi32> to vector<16xi32>
        %swap3A_331 = vector.shape_cast %add3A_327 : vector<16xi32> to vector<16xi32>
        tpu.vector_store %arg14[%swap3A_328], %swap3A_331 {strides = array<i32>} : memref<80xi32, #tpu.memory_space<vmem>>, vector<16xi32>,
        %mul3A_332 = arith.constant 80 : i32
        %mul3A_333 = arith.muli %add3A_246, %mul3A_332 : i32
        %add3A_334 = arith.constant 48 : i32
        %add3A_335 = arith.addi %mul3A_333, %add3A_334 : i32
        %get3A_336 = arith.index_cast %add3A_335 : i32 to index
        %get3A_337 = tpu.vector_load %arg8[%get3A_336] {strides = array<i32>} : memref<4000xi32, #tpu.memory_space<vmem>>, vector<16xi32>,
        %get3A_338 = vector.shape_cast %get3A_337 : vector<16xi32> to vector<16xi32>
        %swap3A_339 = arith.constant 48 : index
        %swap3A_340 = tpu.vector_load %arg17[%swap3A_339] {strides = array<i32>} : memref<80xi32, #tpu.memory_space<vmem>>, vector<16xi32>,
        %swap3A_341 = vector.shape_cast %swap3A_340 : vector<16xi32> to vector<16xi32>
        %swap3A_342 = vector.shape_cast %get3A_338 : vector<16xi32> to vector<16xi32>
        tpu.vector_store %arg17[%swap3A_339], %swap3A_342 {strides = array<i32>} : memref<80xi32, #tpu.memory_space<vmem>>, vector<16xi32>,
        %mul3A_343 = arith.constant 80 : i32
        %mul3A_344 = arith.muli %add3A_246, %mul3A_343 : i32
        %add3A_345 = arith.constant 64 : i32
        %add3A_346 = arith.addi %mul3A_344, %add3A_345 : i32
        %get3A_347 = arith.index_cast %add3A_346 : i32 to index
        %get3A_348 = tpu.vector_load %arg7[%get3A_347] {strides = array<i32>} : memref<4000xi32, #tpu.memory_space<vmem>>, vector<16xi32>,
        %get3A_349 = vector.shape_cast %get3A_348 : vector<16xi32> to vector<16xi32>
        %add3A_350 = vector.broadcast %mul3A_23 : i32 to vector<16xi32>
        %add3A_351 = arith.addi %get3A_349, %add3A_350 : vector<16xi32>
        %swap3A_352 = arith.constant 64 : index
        %swap3A_353 = tpu.vector_load %arg14[%swap3A_352] {strides = array<i32>} : memref<80xi32, #tpu.memory_space<vmem>>, vector<16xi32>,
        %swap3A_354 = vector.shape_cast %swap3A_353 : vector<16xi32> to vector<16xi32>
        %swap3A_355 = vector.shape_cast %add3A_351 : vector<16xi32> to vector<16xi32>
        tpu.vector_store %arg14[%swap3A_352], %swap3A_355 {strides = array<i32>} : memref<80xi32, #tpu.memory_space<vmem>>, vector<16xi32>,
        %mul3A_356 = arith.constant 80 : i32
        %mul3A_357 = arith.muli %add3A_246, %mul3A_356 : i32
        %add3A_358 = arith.constant 64 : i32
        %add3A_359 = arith.addi %mul3A_357, %add3A_358 : i32
        %get3A_360 = arith.index_cast %add3A_359 : i32 to index
        %get3A_361 = tpu.vector_load %arg8[%get3A_360] {strides = array<i32>} : memref<4000xi32, #tpu.memory_space<vmem>>, vector<16xi32>,
        %get3A_362 = vector.shape_cast %get3A_361 : vector<16xi32> to vector<16xi32>
        %swap3A_363 = arith.constant 64 : index
        %swap3A_364 = tpu.vector_load %arg17[%swap3A_363] {strides = array<i32>} : memref<80xi32, #tpu.memory_space<vmem>>, vector<16xi32>,
        %swap3A_365 = vector.shape_cast %swap3A_364 : vector<16xi32> to vector<16xi32>
        %swap3A_366 = vector.shape_cast %get3A_362 : vector<16xi32> to vector<16xi32>
        tpu.vector_store %arg17[%swap3A_363], %swap3A_366 {strides = array<i32>} : memref<80xi32, #tpu.memory_space<vmem>>, vector<16xi32>,
        %dma_start3A_367 = arith.constant 0 : i32
        %dma_start3A_368 = arith.constant 0 : i32
        %dma_start3A_369 = tpu.memref_slice %arg2[%dma_start3A_367, %dma_start3A_368] : memref<61440x128xf32, #tpu.memory_space<hbm>> -> memref<61440x128xf32, #tpu.memory_space<hbm>>
        tpu.enqueue_indirect_dma source(%dma_start3A_369 : memref<61440x128xf32, #tpu.memory_space<hbm>>) target(%arg11 : memref<80x128xf32, #tpu.memory_space<vmem>>) offsets(%arg14 : memref<80xi32, #tpu.memory_space<vmem>>) semaphore(%arg21 : memref<!tpu.dma_semaphore, #tpu.memory_space<semaphore_mem>>)
        %dma_wait3A_370 = arith.constant 0 : i32
        %dma_wait3A_371 = arith.constant 0 : i32
        %dma_wait3A_372 = tpu.memref_slice %arg2[%dma_wait3A_370, %dma_wait3A_371] : memref<61440x128xf32, #tpu.memory_space<hbm>> -> memref<61440x128xf32, #tpu.memory_space<hbm>>
        tpu.wait_indirect_dma semaphore(%arg19 : memref<!tpu.dma_semaphore, #tpu.memory_space<semaphore_mem>>) src(%dma_wait3A_372 : memref<61440x128xf32, #tpu.memory_space<hbm>>) dst(%arg9 : memref<80x128xf32, #tpu.memory_space<vmem>>)
        "tpu.region"() ({
          %run_scoped3A = tpu.sem_alloc : memref<!tpu.dma_semaphore, #tpu.memory_space<semaphore_mem>>
          %dma_start3A_629 = arith.constant 0 : i32
          %dma_start3A_630 = arith.constant 0 : i32
          %dma_start3A_631 = tpu.memref_slice %arg18[%dma_start3A_629, %dma_start3A_630] : memref<10240x128xf32, #tpu.memory_space<vmem_shared>> -> memref<10240x128xf32, #tpu.memory_space<vmem_shared>>
          tpu.enqueue_indirect_dma source(%arg9 : memref<80x128xf32, #tpu.memory_space<vmem>>) target(%dma_start3A_631 : memref<10240x128xf32, #tpu.memory_space<vmem_shared>>) offsets(%arg15 : memref<80xi32, #tpu.memory_space<vmem>>) semaphore(%run_scoped3A : memref<!tpu.dma_semaphore, #tpu.memory_space<semaphore_mem>>) {add = true}
          %dma_wait3A_632 = arith.constant 0 : i32
          %dma_wait3A_633 = arith.constant 0 : i32
          %dma_wait3A_634 = tpu.memref_slice %arg18[%dma_wait3A_632, %dma_wait3A_633] : memref<10240x128xf32, #tpu.memory_space<vmem_shared>> -> memref<10240x128xf32, #tpu.memory_space<vmem_shared>>
          tpu.wait_indirect_dma semaphore(%run_scoped3A : memref<!tpu.dma_semaphore, #tpu.memory_space<semaphore_mem>>) src(%arg9 : memref<80x128xf32, #tpu.memory_space<vmem>>) dst(%dma_wait3A_634 : memref<10240x128xf32, #tpu.memory_space<vmem_shared>>)
          tpu.yield
        }) : () -> ()
        %add3A_373 = arith.constant 3 : i32
        %add3A_374 = arith.addi %mul3A_244, %add3A_373 : i32
        %mul3A_375 = arith.constant 80 : i32
        %mul3A_376 = arith.muli %add3A_374, %mul3A_375 : i32
        %add3A_377 = arith.constant 0 : i32
        %add3A_378 = arith.addi %mul3A_376, %add3A_377 : i32
        %get3A_379 = arith.index_cast %add3A_378 : i32 to index
        %get3A_380 = tpu.vector_load %arg7[%get3A_379] {strides = array<i32>} : memref<4000xi32, #tpu.memory_space<vmem>>, vector<16xi32>,
        %get3A_381 = vector.shape_cast %get3A_380 : vector<16xi32> to vector<16xi32>
        %add3A_382 = vector.broadcast %mul3A_23 : i32 to vector<16xi32>
        %add3A_383 = arith.addi %get3A_381, %add3A_382 : vector<16xi32>
        %swap3A_384 = arith.constant 0 : index
        %swap3A_385 = tpu.vector_load %arg12[%swap3A_384] {strides = array<i32>} : memref<80xi32, #tpu.memory_space<vmem>>, vector<16xi32>,
        %swap3A_386 = vector.shape_cast %swap3A_385 : vector<16xi32> to vector<16xi32>
        %swap3A_387 = vector.shape_cast %add3A_383 : vector<16xi32> to vector<16xi32>
        tpu.vector_store %arg12[%swap3A_384], %swap3A_387 {strides = array<i32>} : memref<80xi32, #tpu.memory_space<vmem>>, vector<16xi32>,
        %mul3A_388 = arith.constant 80 : i32
        %mul3A_389 = arith.muli %add3A_374, %mul3A_388 : i32
        %add3A_390 = arith.constant 0 : i32
        %add3A_391 = arith.addi %mul3A_389, %add3A_390 : i32
        %get3A_392 = arith.index_cast %add3A_391 : i32 to index
        %get3A_393 = tpu.vector_load %arg8[%get3A_392] {strides = array<i32>} : memref<4000xi32, #tpu.memory_space<vmem>>, vector<16xi32>,
        %get3A_394 = vector.shape_cast %get3A_393 : vector<16xi32> to vector<16xi32>
        %swap3A_395 = arith.constant 0 : index
        %swap3A_396 = tpu.vector_load %arg15[%swap3A_395] {strides = array<i32>} : memref<80xi32, #tpu.memory_space<vmem>>, vector<16xi32>,
        %swap3A_397 = vector.shape_cast %swap3A_396 : vector<16xi32> to vector<16xi32>
        %swap3A_398 = vector.shape_cast %get3A_394 : vector<16xi32> to vector<16xi32>
        tpu.vector_store %arg15[%swap3A_395], %swap3A_398 {strides = array<i32>} : memref<80xi32, #tpu.memory_space<vmem>>, vector<16xi32>,
        %mul3A_399 = arith.constant 80 : i32
        %mul3A_400 = arith.muli %add3A_374, %mul3A_399 : i32
        %add3A_401 = arith.constant 16 : i32
        %add3A_402 = arith.addi %mul3A_400, %add3A_401 : i32
        %get3A_403 = arith.index_cast %add3A_402 : i32 to index
        %get3A_404 = tpu.vector_load %arg7[%get3A_403] {strides = array<i32>} : memref<4000xi32, #tpu.memory_space<vmem>>, vector<16xi32>,
        %get3A_405 = vector.shape_cast %get3A_404 : vector<16xi32> to vector<16xi32>
        %add3A_406 = vector.broadcast %mul3A_23 : i32 to vector<16xi32>
        %add3A_407 = arith.addi %get3A_405, %add3A_406 : vector<16xi32>
        %swap3A_408 = arith.constant 16 : index
        %swap3A_409 = tpu.vector_load %arg12[%swap3A_408] {strides = array<i32>} : memref<80xi32, #tpu.memory_space<vmem>>, vector<16xi32>,
        %swap3A_410 = vector.shape_cast %swap3A_409 : vector<16xi32> to vector<16xi32>
        %swap3A_411 = vector.shape_cast %add3A_407 : vector<16xi32> to vector<16xi32>
        tpu.vector_store %arg12[%swap3A_408], %swap3A_411 {strides = array<i32>} : memref<80xi32, #tpu.memory_space<vmem>>, vector<16xi32>,
        %mul3A_412 = arith.constant 80 : i32
        %mul3A_413 = arith.muli %add3A_374, %mul3A_412 : i32
        %add3A_414 = arith.constant 16 : i32
        %add3A_415 = arith.addi %mul3A_413, %add3A_414 : i32
        %get3A_416 = arith.index_cast %add3A_415 : i32 to index
        %get3A_417 = tpu.vector_load %arg8[%get3A_416] {strides = array<i32>} : memref<4000xi32, #tpu.memory_space<vmem>>, vector<16xi32>,
        %get3A_418 = vector.shape_cast %get3A_417 : vector<16xi32> to vector<16xi32>
        %swap3A_419 = arith.constant 16 : index
        %swap3A_420 = tpu.vector_load %arg15[%swap3A_419] {strides = array<i32>} : memref<80xi32, #tpu.memory_space<vmem>>, vector<16xi32>,
        %swap3A_421 = vector.shape_cast %swap3A_420 : vector<16xi32> to vector<16xi32>
        %swap3A_422 = vector.shape_cast %get3A_418 : vector<16xi32> to vector<16xi32>
        tpu.vector_store %arg15[%swap3A_419], %swap3A_422 {strides = array<i32>} : memref<80xi32, #tpu.memory_space<vmem>>, vector<16xi32>,
        %mul3A_423 = arith.constant 80 : i32
        %mul3A_424 = arith.muli %add3A_374, %mul3A_423 : i32
        %add3A_425 = arith.constant 32 : i32
        %add3A_426 = arith.addi %mul3A_424, %add3A_425 : i32
        %get3A_427 = arith.index_cast %add3A_426 : i32 to index
        %get3A_428 = tpu.vector_load %arg7[%get3A_427] {strides = array<i32>} : memref<4000xi32, #tpu.memory_space<vmem>>, vector<16xi32>,
        %get3A_429 = vector.shape_cast %get3A_428 : vector<16xi32> to vector<16xi32>
        %add3A_430 = vector.broadcast %mul3A_23 : i32 to vector<16xi32>
        %add3A_431 = arith.addi %get3A_429, %add3A_430 : vector<16xi32>
        %swap3A_432 = arith.constant 32 : index
        %swap3A_433 = tpu.vector_load %arg12[%swap3A_432] {strides = array<i32>} : memref<80xi32, #tpu.memory_space<vmem>>, vector<16xi32>,
        %swap3A_434 = vector.shape_cast %swap3A_433 : vector<16xi32> to vector<16xi32>
        %swap3A_435 = vector.shape_cast %add3A_431 : vector<16xi32> to vector<16xi32>
        tpu.vector_store %arg12[%swap3A_432], %swap3A_435 {strides = array<i32>} : memref<80xi32, #tpu.memory_space<vmem>>, vector<16xi32>,
        %mul3A_436 = arith.constant 80 : i32
        %mul3A_437 = arith.muli %add3A_374, %mul3A_436 : i32
        %add3A_438 = arith.constant 32 : i32
        %add3A_439 = arith.addi %mul3A_437, %add3A_438 : i32
        %get3A_440 = arith.index_cast %add3A_439 : i32 to index
        %get3A_441 = tpu.vector_load %arg8[%get3A_440] {strides = array<i32>} : memref<4000xi32, #tpu.memory_space<vmem>>, vector<16xi32>,
        %get3A_442 = vector.shape_cast %get3A_441 : vector<16xi32> to vector<16xi32>
        %swap3A_443 = arith.constant 32 : index
        %swap3A_444 = tpu.vector_load %arg15[%swap3A_443] {strides = array<i32>} : memref<80xi32, #tpu.memory_space<vmem>>, vector<16xi32>,
        %swap3A_445 = vector.shape_cast %swap3A_444 : vector<16xi32> to vector<16xi32>
        %swap3A_446 = vector.shape_cast %get3A_442 : vector<16xi32> to vector<16xi32>
        tpu.vector_store %arg15[%swap3A_443], %swap3A_446 {strides = array<i32>} : memref<80xi32, #tpu.memory_space<vmem>>, vector<16xi32>,
        %mul3A_447 = arith.constant 80 : i32
        %mul3A_448 = arith.muli %add3A_374, %mul3A_447 : i32
        %add3A_449 = arith.constant 48 : i32
        %add3A_450 = arith.addi %mul3A_448, %add3A_449 : i32
        %get3A_451 = arith.index_cast %add3A_450 : i32 to index
        %get3A_452 = tpu.vector_load %arg7[%get3A_451] {strides = array<i32>} : memref<4000xi32, #tpu.memory_space<vmem>>, vector<16xi32>,
        %get3A_453 = vector.shape_cast %get3A_452 : vector<16xi32> to vector<16xi32>
        %add3A_454 = vector.broadcast %mul3A_23 : i32 to vector<16xi32>
        %add3A_455 = arith.addi %get3A_453, %add3A_454 : vector<16xi32>
        %swap3A_456 = arith.constant 48 : index
        %swap3A_457 = tpu.vector_load %arg12[%swap3A_456] {strides = array<i32>} : memref<80xi32, #tpu.memory_space<vmem>>, vector<16xi32>,
        %swap3A_458 = vector.shape_cast %swap3A_457 : vector<16xi32> to vector<16xi32>
        %swap3A_459 = vector.shape_cast %add3A_455 : vector<16xi32> to vector<16xi32>
        tpu.vector_store %arg12[%swap3A_456], %swap3A_459 {strides = array<i32>} : memref<80xi32, #tpu.memory_space<vmem>>, vector<16xi32>,
        %mul3A_460 = arith.constant 80 : i32
        %mul3A_461 = arith.muli %add3A_374, %mul3A_460 : i32
        %add3A_462 = arith.constant 48 : i32
        %add3A_463 = arith.addi %mul3A_461, %add3A_462 : i32
        %get3A_464 = arith.index_cast %add3A_463 : i32 to index
        %get3A_465 = tpu.vector_load %arg8[%get3A_464] {strides = array<i32>} : memref<4000xi32, #tpu.memory_space<vmem>>, vector<16xi32>,
        %get3A_466 = vector.shape_cast %get3A_465 : vector<16xi32> to vector<16xi32>
        %swap3A_467 = arith.constant 48 : index
        %swap3A_468 = tpu.vector_load %arg15[%swap3A_467] {strides = array<i32>} : memref<80xi32, #tpu.memory_space<vmem>>, vector<16xi32>,
        %swap3A_469 = vector.shape_cast %swap3A_468 : vector<16xi32> to vector<16xi32>
        %swap3A_470 = vector.shape_cast %get3A_466 : vector<16xi32> to vector<16xi32>
        tpu.vector_store %arg15[%swap3A_467], %swap3A_470 {strides = array<i32>} : memref<80xi32, #tpu.memory_space<vmem>>, vector<16xi32>,
        %mul3A_471 = arith.constant 80 : i32
        %mul3A_472 = arith.muli %add3A_374, %mul3A_471 : i32
        %add3A_473 = arith.constant 64 : i32
        %add3A_474 = arith.addi %mul3A_472, %add3A_473 : i32
        %get3A_475 = arith.index_cast %add3A_474 : i32 to index
        %get3A_476 = tpu.vector_load %arg7[%get3A_475] {strides = array<i32>} : memref<4000xi32, #tpu.memory_space<vmem>>, vector<16xi32>,
        %get3A_477 = vector.shape_cast %get3A_476 : vector<16xi32> to vector<16xi32>
        %add3A_478 = vector.broadcast %mul3A_23 : i32 to vector<16xi32>
        %add3A_479 = arith.addi %get3A_477, %add3A_478 : vector<16xi32>
        %swap3A_480 = arith.constant 64 : index
        %swap3A_481 = tpu.vector_load %arg12[%swap3A_480] {strides = array<i32>} : memref<80xi32, #tpu.memory_space<vmem>>, vector<16xi32>,
        %swap3A_482 = vector.shape_cast %swap3A_481 : vector<16xi32> to vector<16xi32>
        %swap3A_483 = vector.shape_cast %add3A_479 : vector<16xi32> to vector<16xi32>
        tpu.vector_store %arg12[%swap3A_480], %swap3A_483 {strides = array<i32>} : memref<80xi32, #tpu.memory_space<vmem>>, vector<16xi32>,
        %mul3A_484 = arith.constant 80 : i32
        %mul3A_485 = arith.muli %add3A_374, %mul3A_484 : i32
        %add3A_486 = arith.constant 64 : i32
        %add3A_487 = arith.addi %mul3A_485, %add3A_486 : i32
        %get3A_488 = arith.index_cast %add3A_487 : i32 to index
        %get3A_489 = tpu.vector_load %arg8[%get3A_488] {strides = array<i32>} : memref<4000xi32, #tpu.memory_space<vmem>>, vector<16xi32>,
        %get3A_490 = vector.shape_cast %get3A_489 : vector<16xi32> to vector<16xi32>
        %swap3A_491 = arith.constant 64 : index
        %swap3A_492 = tpu.vector_load %arg15[%swap3A_491] {strides = array<i32>} : memref<80xi32, #tpu.memory_space<vmem>>, vector<16xi32>,
        %swap3A_493 = vector.shape_cast %swap3A_492 : vector<16xi32> to vector<16xi32>
        %swap3A_494 = vector.shape_cast %get3A_490 : vector<16xi32> to vector<16xi32>
        tpu.vector_store %arg15[%swap3A_491], %swap3A_494 {strides = array<i32>} : memref<80xi32, #tpu.memory_space<vmem>>, vector<16xi32>,
        %dma_start3A_495 = arith.constant 0 : i32
        %dma_start3A_496 = arith.constant 0 : i32
        %dma_start3A_497 = tpu.memref_slice %arg2[%dma_start3A_495, %dma_start3A_496] : memref<61440x128xf32, #tpu.memory_space<hbm>> -> memref<61440x128xf32, #tpu.memory_space<hbm>>
        tpu.enqueue_indirect_dma source(%dma_start3A_497 : memref<61440x128xf32, #tpu.memory_space<hbm>>) target(%arg9 : memref<80x128xf32, #tpu.memory_space<vmem>>) offsets(%arg12 : memref<80xi32, #tpu.memory_space<vmem>>) semaphore(%arg19 : memref<!tpu.dma_semaphore, #tpu.memory_space<semaphore_mem>>)
        %dma_wait3A_498 = arith.constant 0 : i32
        %dma_wait3A_499 = arith.constant 0 : i32
        %dma_wait3A_500 = tpu.memref_slice %arg2[%dma_wait3A_498, %dma_wait3A_499] : memref<61440x128xf32, #tpu.memory_space<hbm>> -> memref<61440x128xf32, #tpu.memory_space<hbm>>
        tpu.wait_indirect_dma semaphore(%arg20 : memref<!tpu.dma_semaphore, #tpu.memory_space<semaphore_mem>>) src(%dma_wait3A_500 : memref<61440x128xf32, #tpu.memory_space<hbm>>) dst(%arg10 : memref<80x128xf32, #tpu.memory_space<vmem>>)
        "tpu.region"() ({
          %run_scoped3A = tpu.sem_alloc : memref<!tpu.dma_semaphore, #tpu.memory_space<semaphore_mem>>
          %dma_start3A_629 = arith.constant 0 : i32
          %dma_start3A_630 = arith.constant 0 : i32
          %dma_start3A_631 = tpu.memref_slice %arg18[%dma_start3A_629, %dma_start3A_630] : memref<10240x128xf32, #tpu.memory_space<vmem_shared>> -> memref<10240x128xf32, #tpu.memory_space<vmem_shared>>
          tpu.enqueue_indirect_dma source(%arg10 : memref<80x128xf32, #tpu.memory_space<vmem>>) target(%dma_start3A_631 : memref<10240x128xf32, #tpu.memory_space<vmem_shared>>) offsets(%arg16 : memref<80xi32, #tpu.memory_space<vmem>>) semaphore(%run_scoped3A : memref<!tpu.dma_semaphore, #tpu.memory_space<semaphore_mem>>) {add = true}
          %dma_wait3A_632 = arith.constant 0 : i32
          %dma_wait3A_633 = arith.constant 0 : i32
          %dma_wait3A_634 = tpu.memref_slice %arg18[%dma_wait3A_632, %dma_wait3A_633] : memref<10240x128xf32, #tpu.memory_space<vmem_shared>> -> memref<10240x128xf32, #tpu.memory_space<vmem_shared>>
          tpu.wait_indirect_dma semaphore(%run_scoped3A : memref<!tpu.dma_semaphore, #tpu.memory_space<semaphore_mem>>) src(%arg10 : memref<80x128xf32, #tpu.memory_space<vmem>>) dst(%dma_wait3A_634 : memref<10240x128xf32, #tpu.memory_space<vmem_shared>>)
          tpu.yield
        }) : () -> ()
        %add3A_501 = arith.constant 4 : i32
        %add3A_502 = arith.addi %mul3A_244, %add3A_501 : i32
        %mul3A_503 = arith.constant 80 : i32
        %mul3A_504 = arith.muli %add3A_502, %mul3A_503 : i32
        %add3A_505 = arith.constant 0 : i32
        %add3A_506 = arith.addi %mul3A_504, %add3A_505 : i32
        %get3A_507 = arith.index_cast %add3A_506 : i32 to index
        %get3A_508 = tpu.vector_load %arg7[%get3A_507] {strides = array<i32>} : memref<4000xi32, #tpu.memory_space<vmem>>, vector<16xi32>,
        %get3A_509 = vector.shape_cast %get3A_508 : vector<16xi32> to vector<16xi32>
        %add3A_510 = vector.broadcast %mul3A_23 : i32 to vector<16xi32>
        %add3A_511 = arith.addi %get3A_509, %add3A_510 : vector<16xi32>
        %swap3A_512 = arith.constant 0 : index
        %swap3A_513 = tpu.vector_load %arg13[%swap3A_512] {strides = array<i32>} : memref<80xi32, #tpu.memory_space<vmem>>, vector<16xi32>,
        %swap3A_514 = vector.shape_cast %swap3A_513 : vector<16xi32> to vector<16xi32>
        %swap3A_515 = vector.shape_cast %add3A_511 : vector<16xi32> to vector<16xi32>
        tpu.vector_store %arg13[%swap3A_512], %swap3A_515 {strides = array<i32>} : memref<80xi32, #tpu.memory_space<vmem>>, vector<16xi32>,
        %mul3A_516 = arith.constant 80 : i32
        %mul3A_517 = arith.muli %add3A_502, %mul3A_516 : i32
        %add3A_518 = arith.constant 0 : i32
        %add3A_519 = arith.addi %mul3A_517, %add3A_518 : i32
        %get3A_520 = arith.index_cast %add3A_519 : i32 to index
        %get3A_521 = tpu.vector_load %arg8[%get3A_520] {strides = array<i32>} : memref<4000xi32, #tpu.memory_space<vmem>>, vector<16xi32>,
        %get3A_522 = vector.shape_cast %get3A_521 : vector<16xi32> to vector<16xi32>
        %swap3A_523 = arith.constant 0 : index
        %swap3A_524 = tpu.vector_load %arg16[%swap3A_523] {strides = array<i32>} : memref<80xi32, #tpu.memory_space<vmem>>, vector<16xi32>,
        %swap3A_525 = vector.shape_cast %swap3A_524 : vector<16xi32> to vector<16xi32>
        %swap3A_526 = vector.shape_cast %get3A_522 : vector<16xi32> to vector<16xi32>
        tpu.vector_store %arg16[%swap3A_523], %swap3A_526 {strides = array<i32>} : memref<80xi32, #tpu.memory_space<vmem>>, vector<16xi32>,
        %mul3A_527 = arith.constant 80 : i32
        %mul3A_528 = arith.muli %add3A_502, %mul3A_527 : i32
        %add3A_529 = arith.constant 16 : i32
        %add3A_530 = arith.addi %mul3A_528, %add3A_529 : i32
        %get3A_531 = arith.index_cast %add3A_530 : i32 to index
        %get3A_532 = tpu.vector_load %arg7[%get3A_531] {strides = array<i32>} : memref<4000xi32, #tpu.memory_space<vmem>>, vector<16xi32>,
        %get3A_533 = vector.shape_cast %get3A_532 : vector<16xi32> to vector<16xi32>
        %add3A_534 = vector.broadcast %mul3A_23 : i32 to vector<16xi32>
        %add3A_535 = arith.addi %get3A_533, %add3A_534 : vector<16xi32>
        %swap3A_536 = arith.constant 16 : index
        %swap3A_537 = tpu.vector_load %arg13[%swap3A_536] {strides = array<i32>} : memref<80xi32, #tpu.memory_space<vmem>>, vector<16xi32>,
        %swap3A_538 = vector.shape_cast %swap3A_537 : vector<16xi32> to vector<16xi32>
        %swap3A_539 = vector.shape_cast %add3A_535 : vector<16xi32> to vector<16xi32>
        tpu.vector_store %arg13[%swap3A_536], %swap3A_539 {strides = array<i32>} : memref<80xi32, #tpu.memory_space<vmem>>, vector<16xi32>,
        %mul3A_540 = arith.constant 80 : i32
        %mul3A_541 = arith.muli %add3A_502, %mul3A_540 : i32
        %add3A_542 = arith.constant 16 : i32
        %add3A_543 = arith.addi %mul3A_541, %add3A_542 : i32
        %get3A_544 = arith.index_cast %add3A_543 : i32 to index
        %get3A_545 = tpu.vector_load %arg8[%get3A_544] {strides = array<i32>} : memref<4000xi32, #tpu.memory_space<vmem>>, vector<16xi32>,
        %get3A_546 = vector.shape_cast %get3A_545 : vector<16xi32> to vector<16xi32>
        %swap3A_547 = arith.constant 16 : index
        %swap3A_548 = tpu.vector_load %arg16[%swap3A_547] {strides = array<i32>} : memref<80xi32, #tpu.memory_space<vmem>>, vector<16xi32>,
        %swap3A_549 = vector.shape_cast %swap3A_548 : vector<16xi32> to vector<16xi32>
        %swap3A_550 = vector.shape_cast %get3A_546 : vector<16xi32> to vector<16xi32>
        tpu.vector_store %arg16[%swap3A_547], %swap3A_550 {strides = array<i32>} : memref<80xi32, #tpu.memory_space<vmem>>, vector<16xi32>,
        %mul3A_551 = arith.constant 80 : i32
        %mul3A_552 = arith.muli %add3A_502, %mul3A_551 : i32
        %add3A_553 = arith.constant 32 : i32
        %add3A_554 = arith.addi %mul3A_552, %add3A_553 : i32
        %get3A_555 = arith.index_cast %add3A_554 : i32 to index
        %get3A_556 = tpu.vector_load %arg7[%get3A_555] {strides = array<i32>} : memref<4000xi32, #tpu.memory_space<vmem>>, vector<16xi32>,
        %get3A_557 = vector.shape_cast %get3A_556 : vector<16xi32> to vector<16xi32>
        %add3A_558 = vector.broadcast %mul3A_23 : i32 to vector<16xi32>
        %add3A_559 = arith.addi %get3A_557, %add3A_558 : vector<16xi32>
        %swap3A_560 = arith.constant 32 : index
        %swap3A_561 = tpu.vector_load %arg13[%swap3A_560] {strides = array<i32>} : memref<80xi32, #tpu.memory_space<vmem>>, vector<16xi32>,
        %swap3A_562 = vector.shape_cast %swap3A_561 : vector<16xi32> to vector<16xi32>
        %swap3A_563 = vector.shape_cast %add3A_559 : vector<16xi32> to vector<16xi32>
        tpu.vector_store %arg13[%swap3A_560], %swap3A_563 {strides = array<i32>} : memref<80xi32, #tpu.memory_space<vmem>>, vector<16xi32>,
        %mul3A_564 = arith.constant 80 : i32
        %mul3A_565 = arith.muli %add3A_502, %mul3A_564 : i32
        %add3A_566 = arith.constant 32 : i32
        %add3A_567 = arith.addi %mul3A_565, %add3A_566 : i32
        %get3A_568 = arith.index_cast %add3A_567 : i32 to index
        %get3A_569 = tpu.vector_load %arg8[%get3A_568] {strides = array<i32>} : memref<4000xi32, #tpu.memory_space<vmem>>, vector<16xi32>,
        %get3A_570 = vector.shape_cast %get3A_569 : vector<16xi32> to vector<16xi32>
        %swap3A_571 = arith.constant 32 : index
        %swap3A_572 = tpu.vector_load %arg16[%swap3A_571] {strides = array<i32>} : memref<80xi32, #tpu.memory_space<vmem>>, vector<16xi32>,
        %swap3A_573 = vector.shape_cast %swap3A_572 : vector<16xi32> to vector<16xi32>
        %swap3A_574 = vector.shape_cast %get3A_570 : vector<16xi32> to vector<16xi32>
        tpu.vector_store %arg16[%swap3A_571], %swap3A_574 {strides = array<i32>} : memref<80xi32, #tpu.memory_space<vmem>>, vector<16xi32>,
        %mul3A_575 = arith.constant 80 : i32
        %mul3A_576 = arith.muli %add3A_502, %mul3A_575 : i32
        %add3A_577 = arith.constant 48 : i32
        %add3A_578 = arith.addi %mul3A_576, %add3A_577 : i32
        %get3A_579 = arith.index_cast %add3A_578 : i32 to index
        %get3A_580 = tpu.vector_load %arg7[%get3A_579] {strides = array<i32>} : memref<4000xi32, #tpu.memory_space<vmem>>, vector<16xi32>,
        %get3A_581 = vector.shape_cast %get3A_580 : vector<16xi32> to vector<16xi32>
        %add3A_582 = vector.broadcast %mul3A_23 : i32 to vector<16xi32>
        %add3A_583 = arith.addi %get3A_581, %add3A_582 : vector<16xi32>
        %swap3A_584 = arith.constant 48 : index
        %swap3A_585 = tpu.vector_load %arg13[%swap3A_584] {strides = array<i32>} : memref<80xi32, #tpu.memory_space<vmem>>, vector<16xi32>,
        %swap3A_586 = vector.shape_cast %swap3A_585 : vector<16xi32> to vector<16xi32>
        %swap3A_587 = vector.shape_cast %add3A_583 : vector<16xi32> to vector<16xi32>
        tpu.vector_store %arg13[%swap3A_584], %swap3A_587 {strides = array<i32>} : memref<80xi32, #tpu.memory_space<vmem>>, vector<16xi32>,
        %mul3A_588 = arith.constant 80 : i32
        %mul3A_589 = arith.muli %add3A_502, %mul3A_588 : i32
        %add3A_590 = arith.constant 48 : i32
        %add3A_591 = arith.addi %mul3A_589, %add3A_590 : i32
        %get3A_592 = arith.index_cast %add3A_591 : i32 to index
        %get3A_593 = tpu.vector_load %arg8[%get3A_592] {strides = array<i32>} : memref<4000xi32, #tpu.memory_space<vmem>>, vector<16xi32>,
        %get3A_594 = vector.shape_cast %get3A_593 : vector<16xi32> to vector<16xi32>
        %swap3A_595 = arith.constant 48 : index
        %swap3A_596 = tpu.vector_load %arg16[%swap3A_595] {strides = array<i32>} : memref<80xi32, #tpu.memory_space<vmem>>, vector<16xi32>,
        %swap3A_597 = vector.shape_cast %swap3A_596 : vector<16xi32> to vector<16xi32>
        %swap3A_598 = vector.shape_cast %get3A_594 : vector<16xi32> to vector<16xi32>
        tpu.vector_store %arg16[%swap3A_595], %swap3A_598 {strides = array<i32>} : memref<80xi32, #tpu.memory_space<vmem>>, vector<16xi32>,
        %mul3A_599 = arith.constant 80 : i32
        %mul3A_600 = arith.muli %add3A_502, %mul3A_599 : i32
        %add3A_601 = arith.constant 64 : i32
        %add3A_602 = arith.addi %mul3A_600, %add3A_601 : i32
        %get3A_603 = arith.index_cast %add3A_602 : i32 to index
        %get3A_604 = tpu.vector_load %arg7[%get3A_603] {strides = array<i32>} : memref<4000xi32, #tpu.memory_space<vmem>>, vector<16xi32>,
        %get3A_605 = vector.shape_cast %get3A_604 : vector<16xi32> to vector<16xi32>
        %add3A_606 = vector.broadcast %mul3A_23 : i32 to vector<16xi32>
        %add3A_607 = arith.addi %get3A_605, %add3A_606 : vector<16xi32>
        %swap3A_608 = arith.constant 64 : index
        %swap3A_609 = tpu.vector_load %arg13[%swap3A_608] {strides = array<i32>} : memref<80xi32, #tpu.memory_space<vmem>>, vector<16xi32>,
        %swap3A_610 = vector.shape_cast %swap3A_609 : vector<16xi32> to vector<16xi32>
        %swap3A_611 = vector.shape_cast %add3A_607 : vector<16xi32> to vector<16xi32>
        tpu.vector_store %arg13[%swap3A_608], %swap3A_611 {strides = array<i32>} : memref<80xi32, #tpu.memory_space<vmem>>, vector<16xi32>,
        %mul3A_612 = arith.constant 80 : i32
        %mul3A_613 = arith.muli %add3A_502, %mul3A_612 : i32
        %add3A_614 = arith.constant 64 : i32
        %add3A_615 = arith.addi %mul3A_613, %add3A_614 : i32
        %get3A_616 = arith.index_cast %add3A_615 : i32 to index
        %get3A_617 = tpu.vector_load %arg8[%get3A_616] {strides = array<i32>} : memref<4000xi32, #tpu.memory_space<vmem>>, vector<16xi32>,
        %get3A_618 = vector.shape_cast %get3A_617 : vector<16xi32> to vector<16xi32>
        %swap3A_619 = arith.constant 64 : index
        %swap3A_620 = tpu.vector_load %arg16[%swap3A_619] {strides = array<i32>} : memref<80xi32, #tpu.memory_space<vmem>>, vector<16xi32>,
        %swap3A_621 = vector.shape_cast %swap3A_620 : vector<16xi32> to vector<16xi32>
        %swap3A_622 = vector.shape_cast %get3A_618 : vector<16xi32> to vector<16xi32>
        tpu.vector_store %arg16[%swap3A_619], %swap3A_622 {strides = array<i32>} : memref<80xi32, #tpu.memory_space<vmem>>, vector<16xi32>,
        %dma_start3A_623 = arith.constant 0 : i32
        %dma_start3A_624 = arith.constant 0 : i32
        %dma_start3A_625 = tpu.memref_slice %arg2[%dma_start3A_623, %dma_start3A_624] : memref<61440x128xf32, #tpu.memory_space<hbm>> -> memref<61440x128xf32, #tpu.memory_space<hbm>>
        tpu.enqueue_indirect_dma source(%dma_start3A_625 : memref<61440x128xf32, #tpu.memory_space<hbm>>) target(%arg10 : memref<80x128xf32, #tpu.memory_space<vmem>>) offsets(%arg13 : memref<80xi32, #tpu.memory_space<vmem>>) semaphore(%arg20 : memref<!tpu.dma_semaphore, #tpu.memory_space<semaphore_mem>>)
        %dma_wait3A_626 = arith.constant 0 : i32
        %dma_wait3A_627 = arith.constant 0 : i32
        %dma_wait3A_628 = tpu.memref_slice %arg2[%dma_wait3A_626, %dma_wait3A_627] : memref<61440x128xf32, #tpu.memory_space<hbm>> -> memref<61440x128xf32, #tpu.memory_space<hbm>>
        tpu.wait_indirect_dma semaphore(%arg21 : memref<!tpu.dma_semaphore, #tpu.memory_space<semaphore_mem>>) src(%dma_wait3A_628 : memref<61440x128xf32, #tpu.memory_space<hbm>>) dst(%arg11 : memref<80x128xf32, #tpu.memory_space<vmem>>)
        "tpu.region"() ({
          %run_scoped3A = tpu.sem_alloc : memref<!tpu.dma_semaphore, #tpu.memory_space<semaphore_mem>>
          %dma_start3A_629 = arith.constant 0 : i32
          %dma_start3A_630 = arith.constant 0 : i32
          %dma_start3A_631 = tpu.memref_slice %arg18[%dma_start3A_629, %dma_start3A_630] : memref<10240x128xf32, #tpu.memory_space<vmem_shared>> -> memref<10240x128xf32, #tpu.memory_space<vmem_shared>>
          tpu.enqueue_indirect_dma source(%arg11 : memref<80x128xf32, #tpu.memory_space<vmem>>) target(%dma_start3A_631 : memref<10240x128xf32, #tpu.memory_space<vmem_shared>>) offsets(%arg17 : memref<80xi32, #tpu.memory_space<vmem>>) semaphore(%run_scoped3A : memref<!tpu.dma_semaphore, #tpu.memory_space<semaphore_mem>>) {add = true}
          %dma_wait3A_632 = arith.constant 0 : i32
          %dma_wait3A_633 = arith.constant 0 : i32
          %dma_wait3A_634 = tpu.memref_slice %arg18[%dma_wait3A_632, %dma_wait3A_633] : memref<10240x128xf32, #tpu.memory_space<vmem_shared>> -> memref<10240x128xf32, #tpu.memory_space<vmem_shared>>
          tpu.wait_indirect_dma semaphore(%run_scoped3A : memref<!tpu.dma_semaphore, #tpu.memory_space<semaphore_mem>>) src(%arg11 : memref<80x128xf32, #tpu.memory_space<vmem>>) dst(%dma_wait3A_634 : memref<10240x128xf32, #tpu.memory_space<vmem_shared>>)
          tpu.yield
        }) : () -> ()
      }
      %scan3A_236 = arith.constant 16 : i32
      %dma_wait3A = arith.constant 0 : i32
      %dma_wait3A_237 = arith.constant 0 : i32
      %dma_wait3A_238 = tpu.memref_slice %arg2[%dma_wait3A, %dma_wait3A_237] : memref<61440x128xf32, #tpu.memory_space<hbm>> -> memref<61440x128xf32, #tpu.memory_space<hbm>>
      tpu.wait_indirect_dma semaphore(%arg19 : memref<!tpu.dma_semaphore, #tpu.memory_space<semaphore_mem>>) src(%dma_wait3A_238 : memref<61440x128xf32, #tpu.memory_space<hbm>>) dst(%arg9 : memref<80x128xf32, #tpu.memory_space<vmem>>)
      "tpu.region"() ({
        %run_scoped3A = tpu.sem_alloc : memref<!tpu.dma_semaphore, #tpu.memory_space<semaphore_mem>>
        %dma_start3A_242 = arith.constant 0 : i32
        %dma_start3A_243 = arith.constant 0 : i32
        %dma_start3A_244 = tpu.memref_slice %arg18[%dma_start3A_242, %dma_start3A_243] : memref<10240x128xf32, #tpu.memory_space<vmem_shared>> -> memref<10240x128xf32, #tpu.memory_space<vmem_shared>>
        tpu.enqueue_indirect_dma source(%arg9 : memref<80x128xf32, #tpu.memory_space<vmem>>) target(%dma_start3A_244 : memref<10240x128xf32, #tpu.memory_space<vmem_shared>>) offsets(%arg15 : memref<80xi32, #tpu.memory_space<vmem>>) semaphore(%run_scoped3A : memref<!tpu.dma_semaphore, #tpu.memory_space<semaphore_mem>>) {add = true}
        %dma_wait3A_245 = arith.constant 0 : i32
        %dma_wait3A_246 = arith.constant 0 : i32
        %dma_wait3A_247 = tpu.memref_slice %arg18[%dma_wait3A_245, %dma_wait3A_246] : memref<10240x128xf32, #tpu.memory_space<vmem_shared>> -> memref<10240x128xf32, #tpu.memory_space<vmem_shared>>
        tpu.wait_indirect_dma semaphore(%run_scoped3A : memref<!tpu.dma_semaphore, #tpu.memory_space<semaphore_mem>>) src(%arg9 : memref<80x128xf32, #tpu.memory_space<vmem>>) dst(%dma_wait3A_247 : memref<10240x128xf32, #tpu.memory_space<vmem_shared>>)
        tpu.yield
      }) : () -> ()
      %dma_wait3A_239 = arith.constant 0 : i32
      %dma_wait3A_240 = arith.constant 0 : i32
      %dma_wait3A_241 = tpu.memref_slice %arg2[%dma_wait3A_239, %dma_wait3A_240] : memref<61440x128xf32, #tpu.memory_space<hbm>> -> memref<61440x128xf32, #tpu.memory_space<hbm>>
      tpu.wait_indirect_dma semaphore(%arg20 : memref<!tpu.dma_semaphore, #tpu.memory_space<semaphore_mem>>) src(%dma_wait3A_241 : memref<61440x128xf32, #tpu.memory_space<hbm>>) dst(%arg10 : memref<80x128xf32, #tpu.memory_space<vmem>>)
      "tpu.region"() ({
        %run_scoped3A = tpu.sem_alloc : memref<!tpu.dma_semaphore, #tpu.memory_space<semaphore_mem>>
        %dma_start3A_242 = arith.constant 0 : i32
        %dma_start3A_243 = arith.constant 0 : i32
        %dma_start3A_244 = tpu.memref_slice %arg18[%dma_start3A_242, %dma_start3A_243] : memref<10240x128xf32, #tpu.memory_space<vmem_shared>> -> memref<10240x128xf32, #tpu.memory_space<vmem_shared>>
        tpu.enqueue_indirect_dma source(%arg10 : memref<80x128xf32, #tpu.memory_space<vmem>>) target(%dma_start3A_244 : memref<10240x128xf32, #tpu.memory_space<vmem_shared>>) offsets(%arg16 : memref<80xi32, #tpu.memory_space<vmem>>) semaphore(%run_scoped3A : memref<!tpu.dma_semaphore, #tpu.memory_space<semaphore_mem>>) {add = true}
        %dma_wait3A_245 = arith.constant 0 : i32
        %dma_wait3A_246 = arith.constant 0 : i32
        %dma_wait3A_247 = tpu.memref_slice %arg18[%dma_wait3A_245, %dma_wait3A_246] : memref<10240x128xf32, #tpu.memory_space<vmem_shared>> -> memref<10240x128xf32, #tpu.memory_space<vmem_shared>>
        tpu.wait_indirect_dma semaphore(%run_scoped3A : memref<!tpu.dma_semaphore, #tpu.memory_space<semaphore_mem>>) src(%arg10 : memref<80x128xf32, #tpu.memory_space<vmem>>) dst(%dma_wait3A_247 : memref<10240x128xf32, #tpu.memory_space<vmem_shared>>)
        tpu.yield
      }) : () -> ()
    }
    %scan3A_32 = arith.constant 5 : i32
    %barrier3A_33 = arith.constant 0 : index
    tpu.barrier barrier_id(%barrier3A_33)
    %mul3A_34 = arith.constant 640 : i32
    %mul3A_35 = arith.muli %arg1, %mul3A_34 : i32
    %mul3A_36 = arith.constant 640 : i32
    %mul3A_37 = arith.muli %arg1, %mul3A_36 : i32
    %add3A_38 = arith.addi %mul3A_23, %mul3A_37 : i32
    "tpu.region"() ({
      %run_scoped3A = tpu.sem_alloc : memref<!tpu.dma_semaphore, #tpu.memory_space<semaphore_mem>>
      %dma_start3A = arith.constant 0 : i32
      %dma_start3A_62 = tpu.memref_slice %arg6[%add3A_38, %dma_start3A] : memref<61440x128xf32, #tpu.memory_space<hbm>> -> memref<640x128xf32, #tpu.memory_space<hbm>>
      %dma_start3A_63 = arith.constant 0 : i32
      %dma_start3A_64 = tpu.memref_slice %arg18[%mul3A_35, %dma_start3A_63] : memref<10240x128xf32, #tpu.memory_space<vmem_shared>> -> memref<640x128xf32, #tpu.memory_space<vmem_shared>>
      tpu.enqueue_dma source(%dma_start3A_64 : memref<640x128xf32, #tpu.memory_space<vmem_shared>>) target(%dma_start3A_62 : memref<640x128xf32, #tpu.memory_space<hbm>>) target_semaphore(%run_scoped3A : memref<!tpu.dma_semaphore, #tpu.memory_space<semaphore_mem>>)
      %dma_wait3A = arith.constant 0 : i32
      %dma_wait3A_65 = tpu.memref_slice %arg6[%add3A_38, %dma_wait3A] : memref<61440x128xf32, #tpu.memory_space<hbm>> -> memref<640x128xf32, #tpu.memory_space<hbm>>
      %dma_wait3A_66 = arith.constant 0 : i32
      %dma_wait3A_67 = tpu.memref_slice %arg18[%mul3A_35, %dma_wait3A_66] : memref<10240x128xf32, #tpu.memory_space<vmem_shared>> -> memref<640x128xf32, #tpu.memory_space<vmem_shared>>
      tpu.wait_dma2 semaphore(%run_scoped3A : memref<!tpu.dma_semaphore, #tpu.memory_space<semaphore_mem>>) src(%dma_wait3A_67 : memref<640x128xf32, #tpu.memory_space<vmem_shared>>) dst(%dma_wait3A_65 : memref<640x128xf32, #tpu.memory_space<hbm>>)
      tpu.yield
    }) : () -> ()
    %barrier3A_39 = arith.constant 0 : index
    tpu.barrier barrier_id(%barrier3A_39)
    %mul3A_40 = arith.constant 3 : i32
    %mul3A_41 = arith.muli %arg0, %mul3A_40 : i32
    %add3A_42 = arith.constant 2 : i32
    %add3A_43 = arith.addi %mul3A_41, %add3A_42 : i32
    %mul3A_44 = arith.constant 10240 : i32
    %mul3A_45 = arith.muli %add3A_43, %mul3A_44 : i32
    %mul3A_46 = arith.constant 640 : i32
    %mul3A_47 = arith.muli %arg1, %mul3A_46 : i32
    "tpu.region"() ({
      %run_scoped3A = tpu.sem_alloc : memref<!tpu.dma_semaphore, #tpu.memory_space<semaphore_mem>>
      %dma_start3A = arith.constant 0 : i32
      %dma_start3A_62 = tpu.memref_slice %arg18[%mul3A_47, %dma_start3A] : memref<10240x128xf32, #tpu.memory_space<vmem_shared>> -> memref<640x128xf32, #tpu.memory_space<vmem_shared>>
      tpu.enqueue_dma source(%arg5 : memref<640x128xf32, #tpu.memory_space<hbm>>) target(%dma_start3A_62 : memref<640x128xf32, #tpu.memory_space<vmem_shared>>) target_semaphore(%run_scoped3A : memref<!tpu.dma_semaphore, #tpu.memory_space<semaphore_mem>>)
      %dma_wait3A = arith.constant 0 : i32
      %dma_wait3A_63 = tpu.memref_slice %arg18[%mul3A_47, %dma_wait3A] : memref<10240x128xf32, #tpu.memory_space<vmem_shared>> -> memref<640x128xf32, #tpu.memory_space<vmem_shared>>
      tpu.wait_dma2 semaphore(%run_scoped3A : memref<!tpu.dma_semaphore, #tpu.memory_space<semaphore_mem>>) src(%arg5 : memref<640x128xf32, #tpu.memory_space<hbm>>) dst(%dma_wait3A_63 : memref<640x128xf32, #tpu.memory_space<vmem_shared>>)
      tpu.yield
    }) : () -> ()
    %barrier3A_48 = arith.constant 0 : index
    tpu.barrier barrier_id(%barrier3A_48)
    %scan3A_49 = arith.constant 0 : i32
    %scan3A_50 = arith.constant 0 : i32
    %scan3A_51 = arith.constant 5 : i32
    %scan3A_52 = arith.addi %scan3A_50, %scan3A_51 : i32
    %scan3A_53 = arith.constant 1 : i32
    scf.for %scan3A_62 = %scan3A_50 to %scan3A_52 step %scan3A_53  : i32 {
      %mul3A_63 = arith.constant 20000 : i32
      %mul3A_64 = arith.muli %arg1, %mul3A_63 : i32
      %mul3A_65 = arith.constant 4000 : i32
      %mul3A_66 = arith.muli %scan3A_62, %mul3A_65 : i32
      %add3A_67 = arith.addi %mul3A_64, %mul3A_66 : i32
      "tpu.region"() ({
        %run_scoped3A = tpu.sem_alloc : memref<!tpu.dma_semaphore, #tpu.memory_space<semaphore_mem>>
        %dma_start3A_242 = tpu.memref_slice %arg3[%add3A_67] : memref<320000xi32, #tpu.memory_space<hbm>> -> memref<4000xi32, #tpu.memory_space<hbm>>
        %dma_start3A_243 = tpu.memref_slice %arg3[%add3A_67] : memref<320000xi32, #tpu.memory_space<hbm>> -> memref<4000xi32, #tpu.memory_space<hbm>>
        tpu.enqueue_dma source(%dma_start3A_243 : memref<4000xi32, #tpu.memory_space<hbm>>) target(%arg7 : memref<4000xi32, #tpu.memory_space<vmem>>) target_semaphore(%run_scoped3A : memref<!tpu.dma_semaphore, #tpu.memory_space<semaphore_mem>>)
        %dma_wait3A_244 = tpu.memref_slice %arg3[%add3A_67] : memref<320000xi32, #tpu.memory_space<hbm>> -> memref<4000xi32, #tpu.memory_space<hbm>>
        %dma_wait3A_245 = tpu.memref_slice %arg3[%add3A_67] : memref<320000xi32, #tpu.memory_space<hbm>> -> memref<4000xi32, #tpu.memory_space<hbm>>
        tpu.wait_dma2 semaphore(%run_scoped3A : memref<!tpu.dma_semaphore, #tpu.memory_space<semaphore_mem>>) src(%dma_wait3A_245 : memref<4000xi32, #tpu.memory_space<hbm>>) dst(%arg7 : memref<4000xi32, #tpu.memory_space<vmem>>)
        tpu.yield
      }) : () -> ()
      "tpu.region"() ({
        %run_scoped3A = tpu.sem_alloc : memref<!tpu.dma_semaphore, #tpu.memory_space<semaphore_mem>>
        %dma_start3A_242 = tpu.memref_slice %arg4[%add3A_67] : memref<320000xi32, #tpu.memory_space<hbm>> -> memref<4000xi32, #tpu.memory_space<hbm>>
        %dma_start3A_243 = tpu.memref_slice %arg4[%add3A_67] : memref<320000xi32, #tpu.memory_space<hbm>> -> memref<4000xi32, #tpu.memory_space<hbm>>
        tpu.enqueue_dma source(%dma_start3A_243 : memref<4000xi32, #tpu.memory_space<hbm>>) target(%arg8 : memref<4000xi32, #tpu.memory_space<vmem>>) target_semaphore(%run_scoped3A : memref<!tpu.dma_semaphore, #tpu.memory_space<semaphore_mem>>)
        %dma_wait3A_244 = tpu.memref_slice %arg4[%add3A_67] : memref<320000xi32, #tpu.memory_space<hbm>> -> memref<4000xi32, #tpu.memory_space<hbm>>
        %dma_wait3A_245 = tpu.memref_slice %arg4[%add3A_67] : memref<320000xi32, #tpu.memory_space<hbm>> -> memref<4000xi32, #tpu.memory_space<hbm>>
        tpu.wait_dma2 semaphore(%run_scoped3A : memref<!tpu.dma_semaphore, #tpu.memory_space<semaphore_mem>>) src(%dma_wait3A_245 : memref<4000xi32, #tpu.memory_space<hbm>>) dst(%arg8 : memref<4000xi32, #tpu.memory_space<vmem>>)
        tpu.yield
      }) : () -> ()
      %get3A = arith.constant 0 : index
      %get3A_68 = tpu.vector_load %arg7[%get3A] {strides = array<i32>} : memref<4000xi32, #tpu.memory_space<vmem>>, vector<16xi32>,
      %get3A_69 = vector.shape_cast %get3A_68 : vector<16xi32> to vector<16xi32>
      %add3A_70 = vector.broadcast %mul3A_45 : i32 to vector<16xi32>
      %add3A_71 = arith.addi %get3A_69, %add3A_70 : vector<16xi32>
      %swap3A = arith.constant 0 : index
      %swap3A_72 = tpu.vector_load %arg12[%swap3A] {strides = array<i32>} : memref<80xi32, #tpu.memory_space<vmem>>, vector<16xi32>,
      %swap3A_73 = vector.shape_cast %swap3A_72 : vector<16xi32> to vector<16xi32>
      %swap3A_74 = vector.shape_cast %add3A_71 : vector<16xi32> to vector<16xi32>
      tpu.vector_store %arg12[%swap3A], %swap3A_74 {strides = array<i32>} : memref<80xi32, #tpu.memory_space<vmem>>, vector<16xi32>,
      %get3A_75 = arith.constant 0 : index
      %get3A_76 = tpu.vector_load %arg8[%get3A_75] {strides = array<i32>} : memref<4000xi32, #tpu.memory_space<vmem>>, vector<16xi32>,
      %get3A_77 = vector.shape_cast %get3A_76 : vector<16xi32> to vector<16xi32>
      %swap3A_78 = arith.constant 0 : index
      %swap3A_79 = tpu.vector_load %arg15[%swap3A_78] {strides = array<i32>} : memref<80xi32, #tpu.memory_space<vmem>>, vector<16xi32>,
      %swap3A_80 = vector.shape_cast %swap3A_79 : vector<16xi32> to vector<16xi32>
      %swap3A_81 = vector.shape_cast %get3A_77 : vector<16xi32> to vector<16xi32>
      tpu.vector_store %arg15[%swap3A_78], %swap3A_81 {strides = array<i32>} : memref<80xi32, #tpu.memory_space<vmem>>, vector<16xi32>,
      %get3A_82 = arith.constant 16 : index
      %get3A_83 = tpu.vector_load %arg7[%get3A_82] {strides = array<i32>} : memref<4000xi32, #tpu.memory_space<vmem>>, vector<16xi32>,
      %get3A_84 = vector.shape_cast %get3A_83 : vector<16xi32> to vector<16xi32>
      %add3A_85 = vector.broadcast %mul3A_45 : i32 to vector<16xi32>
      %add3A_86 = arith.addi %get3A_84, %add3A_85 : vector<16xi32>
      %swap3A_87 = arith.constant 16 : index
      %swap3A_88 = tpu.vector_load %arg12[%swap3A_87] {strides = array<i32>} : memref<80xi32, #tpu.memory_space<vmem>>, vector<16xi32>,
      %swap3A_89 = vector.shape_cast %swap3A_88 : vector<16xi32> to vector<16xi32>
      %swap3A_90 = vector.shape_cast %add3A_86 : vector<16xi32> to vector<16xi32>
      tpu.vector_store %arg12[%swap3A_87], %swap3A_90 {strides = array<i32>} : memref<80xi32, #tpu.memory_space<vmem>>, vector<16xi32>,
      %get3A_91 = arith.constant 16 : index
      %get3A_92 = tpu.vector_load %arg8[%get3A_91] {strides = array<i32>} : memref<4000xi32, #tpu.memory_space<vmem>>, vector<16xi32>,
      %get3A_93 = vector.shape_cast %get3A_92 : vector<16xi32> to vector<16xi32>
      %swap3A_94 = arith.constant 16 : index
      %swap3A_95 = tpu.vector_load %arg15[%swap3A_94] {strides = array<i32>} : memref<80xi32, #tpu.memory_space<vmem>>, vector<16xi32>,
      %swap3A_96 = vector.shape_cast %swap3A_95 : vector<16xi32> to vector<16xi32>
      %swap3A_97 = vector.shape_cast %get3A_93 : vector<16xi32> to vector<16xi32>
      tpu.vector_store %arg15[%swap3A_94], %swap3A_97 {strides = array<i32>} : memref<80xi32, #tpu.memory_space<vmem>>, vector<16xi32>,
      %get3A_98 = arith.constant 32 : index
      %get3A_99 = tpu.vector_load %arg7[%get3A_98] {strides = array<i32>} : memref<4000xi32, #tpu.memory_space<vmem>>, vector<16xi32>,
      %get3A_100 = vector.shape_cast %get3A_99 : vector<16xi32> to vector<16xi32>
      %add3A_101 = vector.broadcast %mul3A_45 : i32 to vector<16xi32>
      %add3A_102 = arith.addi %get3A_100, %add3A_101 : vector<16xi32>
      %swap3A_103 = arith.constant 32 : index
      %swap3A_104 = tpu.vector_load %arg12[%swap3A_103] {strides = array<i32>} : memref<80xi32, #tpu.memory_space<vmem>>, vector<16xi32>,
      %swap3A_105 = vector.shape_cast %swap3A_104 : vector<16xi32> to vector<16xi32>
      %swap3A_106 = vector.shape_cast %add3A_102 : vector<16xi32> to vector<16xi32>
      tpu.vector_store %arg12[%swap3A_103], %swap3A_106 {strides = array<i32>} : memref<80xi32, #tpu.memory_space<vmem>>, vector<16xi32>,
      %get3A_107 = arith.constant 32 : index
      %get3A_108 = tpu.vector_load %arg8[%get3A_107] {strides = array<i32>} : memref<4000xi32, #tpu.memory_space<vmem>>, vector<16xi32>,
      %get3A_109 = vector.shape_cast %get3A_108 : vector<16xi32> to vector<16xi32>
      %swap3A_110 = arith.constant 32 : index
      %swap3A_111 = tpu.vector_load %arg15[%swap3A_110] {strides = array<i32>} : memref<80xi32, #tpu.memory_space<vmem>>, vector<16xi32>,
      %swap3A_112 = vector.shape_cast %swap3A_111 : vector<16xi32> to vector<16xi32>
      %swap3A_113 = vector.shape_cast %get3A_109 : vector<16xi32> to vector<16xi32>
      tpu.vector_store %arg15[%swap3A_110], %swap3A_113 {strides = array<i32>} : memref<80xi32, #tpu.memory_space<vmem>>, vector<16xi32>,
      %get3A_114 = arith.constant 48 : index
      %get3A_115 = tpu.vector_load %arg7[%get3A_114] {strides = array<i32>} : memref<4000xi32, #tpu.memory_space<vmem>>, vector<16xi32>,
      %get3A_116 = vector.shape_cast %get3A_115 : vector<16xi32> to vector<16xi32>
      %add3A_117 = vector.broadcast %mul3A_45 : i32 to vector<16xi32>
      %add3A_118 = arith.addi %get3A_116, %add3A_117 : vector<16xi32>
      %swap3A_119 = arith.constant 48 : index
      %swap3A_120 = tpu.vector_load %arg12[%swap3A_119] {strides = array<i32>} : memref<80xi32, #tpu.memory_space<vmem>>, vector<16xi32>,
      %swap3A_121 = vector.shape_cast %swap3A_120 : vector<16xi32> to vector<16xi32>
      %swap3A_122 = vector.shape_cast %add3A_118 : vector<16xi32> to vector<16xi32>
      tpu.vector_store %arg12[%swap3A_119], %swap3A_122 {strides = array<i32>} : memref<80xi32, #tpu.memory_space<vmem>>, vector<16xi32>,
      %get3A_123 = arith.constant 48 : index
      %get3A_124 = tpu.vector_load %arg8[%get3A_123] {strides = array<i32>} : memref<4000xi32, #tpu.memory_space<vmem>>, vector<16xi32>,
      %get3A_125 = vector.shape_cast %get3A_124 : vector<16xi32> to vector<16xi32>
      %swap3A_126 = arith.constant 48 : index
      %swap3A_127 = tpu.vector_load %arg15[%swap3A_126] {strides = array<i32>} : memref<80xi32, #tpu.memory_space<vmem>>, vector<16xi32>,
      %swap3A_128 = vector.shape_cast %swap3A_127 : vector<16xi32> to vector<16xi32>
      %swap3A_129 = vector.shape_cast %get3A_125 : vector<16xi32> to vector<16xi32>
      tpu.vector_store %arg15[%swap3A_126], %swap3A_129 {strides = array<i32>} : memref<80xi32, #tpu.memory_space<vmem>>, vector<16xi32>,
      %get3A_130 = arith.constant 64 : index
      %get3A_131 = tpu.vector_load %arg7[%get3A_130] {strides = array<i32>} : memref<4000xi32, #tpu.memory_space<vmem>>, vector<16xi32>,
      %get3A_132 = vector.shape_cast %get3A_131 : vector<16xi32> to vector<16xi32>
      %add3A_133 = vector.broadcast %mul3A_45 : i32 to vector<16xi32>
      %add3A_134 = arith.addi %get3A_132, %add3A_133 : vector<16xi32>
      %swap3A_135 = arith.constant 64 : index
      %swap3A_136 = tpu.vector_load %arg12[%swap3A_135] {strides = array<i32>} : memref<80xi32, #tpu.memory_space<vmem>>, vector<16xi32>,
      %swap3A_137 = vector.shape_cast %swap3A_136 : vector<16xi32> to vector<16xi32>
      %swap3A_138 = vector.shape_cast %add3A_134 : vector<16xi32> to vector<16xi32>
      tpu.vector_store %arg12[%swap3A_135], %swap3A_138 {strides = array<i32>} : memref<80xi32, #tpu.memory_space<vmem>>, vector<16xi32>,
      %get3A_139 = arith.constant 64 : index
      %get3A_140 = tpu.vector_load %arg8[%get3A_139] {strides = array<i32>} : memref<4000xi32, #tpu.memory_space<vmem>>, vector<16xi32>,
      %get3A_141 = vector.shape_cast %get3A_140 : vector<16xi32> to vector<16xi32>
      %swap3A_142 = arith.constant 64 : index
      %swap3A_143 = tpu.vector_load %arg15[%swap3A_142] {strides = array<i32>} : memref<80xi32, #tpu.memory_space<vmem>>, vector<16xi32>,
      %swap3A_144 = vector.shape_cast %swap3A_143 : vector<16xi32> to vector<16xi32>
      %swap3A_145 = vector.shape_cast %get3A_141 : vector<16xi32> to vector<16xi32>
      tpu.vector_store %arg15[%swap3A_142], %swap3A_145 {strides = array<i32>} : memref<80xi32, #tpu.memory_space<vmem>>, vector<16xi32>,
      %dma_start3A = arith.constant 0 : i32
      %dma_start3A_146 = arith.constant 0 : i32
      %dma_start3A_147 = tpu.memref_slice %arg2[%dma_start3A, %dma_start3A_146] : memref<61440x128xf32, #tpu.memory_space<hbm>> -> memref<61440x128xf32, #tpu.memory_space<hbm>>
      tpu.enqueue_indirect_dma source(%dma_start3A_147 : memref<61440x128xf32, #tpu.memory_space<hbm>>) target(%arg9 : memref<80x128xf32, #tpu.memory_space<vmem>>) offsets(%arg12 : memref<80xi32, #tpu.memory_space<vmem>>) semaphore(%arg19 : memref<!tpu.dma_semaphore, #tpu.memory_space<semaphore_mem>>)
      %get3A_148 = arith.constant 80 : index
      %get3A_149 = tpu.vector_load %arg7[%get3A_148] {strides = array<i32>} : memref<4000xi32, #tpu.memory_space<vmem>>, vector<16xi32>,
      %get3A_150 = vector.shape_cast %get3A_149 : vector<16xi32> to vector<16xi32>
      %add3A_151 = vector.broadcast %mul3A_45 : i32 to vector<16xi32>
      %add3A_152 = arith.addi %get3A_150, %add3A_151 : vector<16xi32>
      %swap3A_153 = arith.constant 0 : index
      %swap3A_154 = tpu.vector_load %arg13[%swap3A_153] {strides = array<i32>} : memref<80xi32, #tpu.memory_space<vmem>>, vector<16xi32>,
      %swap3A_155 = vector.shape_cast %swap3A_154 : vector<16xi32> to vector<16xi32>
      %swap3A_156 = vector.shape_cast %add3A_152 : vector<16xi32> to vector<16xi32>
      tpu.vector_store %arg13[%swap3A_153], %swap3A_156 {strides = array<i32>} : memref<80xi32, #tpu.memory_space<vmem>>, vector<16xi32>,
      %get3A_157 = arith.constant 80 : index
      %get3A_158 = tpu.vector_load %arg8[%get3A_157] {strides = array<i32>} : memref<4000xi32, #tpu.memory_space<vmem>>, vector<16xi32>,
      %get3A_159 = vector.shape_cast %get3A_158 : vector<16xi32> to vector<16xi32>
      %swap3A_160 = arith.constant 0 : index
      %swap3A_161 = tpu.vector_load %arg16[%swap3A_160] {strides = array<i32>} : memref<80xi32, #tpu.memory_space<vmem>>, vector<16xi32>,
      %swap3A_162 = vector.shape_cast %swap3A_161 : vector<16xi32> to vector<16xi32>
      %swap3A_163 = vector.shape_cast %get3A_159 : vector<16xi32> to vector<16xi32>
      tpu.vector_store %arg16[%swap3A_160], %swap3A_163 {strides = array<i32>} : memref<80xi32, #tpu.memory_space<vmem>>, vector<16xi32>,
      %get3A_164 = arith.constant 96 : index
      %get3A_165 = tpu.vector_load %arg7[%get3A_164] {strides = array<i32>} : memref<4000xi32, #tpu.memory_space<vmem>>, vector<16xi32>,
      %get3A_166 = vector.shape_cast %get3A_165 : vector<16xi32> to vector<16xi32>
      %add3A_167 = vector.broadcast %mul3A_45 : i32 to vector<16xi32>
      %add3A_168 = arith.addi %get3A_166, %add3A_167 : vector<16xi32>
      %swap3A_169 = arith.constant 16 : index
      %swap3A_170 = tpu.vector_load %arg13[%swap3A_169] {strides = array<i32>} : memref<80xi32, #tpu.memory_space<vmem>>, vector<16xi32>,
      %swap3A_171 = vector.shape_cast %swap3A_170 : vector<16xi32> to vector<16xi32>
      %swap3A_172 = vector.shape_cast %add3A_168 : vector<16xi32> to vector<16xi32>
      tpu.vector_store %arg13[%swap3A_169], %swap3A_172 {strides = array<i32>} : memref<80xi32, #tpu.memory_space<vmem>>, vector<16xi32>,
      %get3A_173 = arith.constant 96 : index
      %get3A_174 = tpu.vector_load %arg8[%get3A_173] {strides = array<i32>} : memref<4000xi32, #tpu.memory_space<vmem>>, vector<16xi32>,
      %get3A_175 = vector.shape_cast %get3A_174 : vector<16xi32> to vector<16xi32>
      %swap3A_176 = arith.constant 16 : index
      %swap3A_177 = tpu.vector_load %arg16[%swap3A_176] {strides = array<i32>} : memref<80xi32, #tpu.memory_space<vmem>>, vector<16xi32>,
      %swap3A_178 = vector.shape_cast %swap3A_177 : vector<16xi32> to vector<16xi32>
      %swap3A_179 = vector.shape_cast %get3A_175 : vector<16xi32> to vector<16xi32>
      tpu.vector_store %arg16[%swap3A_176], %swap3A_179 {strides = array<i32>} : memref<80xi32, #tpu.memory_space<vmem>>, vector<16xi32>,
      %get3A_180 = arith.constant 112 : index
      %get3A_181 = tpu.vector_load %arg7[%get3A_180] {strides = array<i32>} : memref<4000xi32, #tpu.memory_space<vmem>>, vector<16xi32>,
      %get3A_182 = vector.shape_cast %get3A_181 : vector<16xi32> to vector<16xi32>
      %add3A_183 = vector.broadcast %mul3A_45 : i32 to vector<16xi32>
      %add3A_184 = arith.addi %get3A_182, %add3A_183 : vector<16xi32>
      %swap3A_185 = arith.constant 32 : index
      %swap3A_186 = tpu.vector_load %arg13[%swap3A_185] {strides = array<i32>} : memref<80xi32, #tpu.memory_space<vmem>>, vector<16xi32>,
      %swap3A_187 = vector.shape_cast %swap3A_186 : vector<16xi32> to vector<16xi32>
      %swap3A_188 = vector.shape_cast %add3A_184 : vector<16xi32> to vector<16xi32>
      tpu.vector_store %arg13[%swap3A_185], %swap3A_188 {strides = array<i32>} : memref<80xi32, #tpu.memory_space<vmem>>, vector<16xi32>,
      %get3A_189 = arith.constant 112 : index
      %get3A_190 = tpu.vector_load %arg8[%get3A_189] {strides = array<i32>} : memref<4000xi32, #tpu.memory_space<vmem>>, vector<16xi32>,
      %get3A_191 = vector.shape_cast %get3A_190 : vector<16xi32> to vector<16xi32>
      %swap3A_192 = arith.constant 32 : index
      %swap3A_193 = tpu.vector_load %arg16[%swap3A_192] {strides = array<i32>} : memref<80xi32, #tpu.memory_space<vmem>>, vector<16xi32>,
      %swap3A_194 = vector.shape_cast %swap3A_193 : vector<16xi32> to vector<16xi32>
      %swap3A_195 = vector.shape_cast %get3A_191 : vector<16xi32> to vector<16xi32>
      tpu.vector_store %arg16[%swap3A_192], %swap3A_195 {strides = array<i32>} : memref<80xi32, #tpu.memory_space<vmem>>, vector<16xi32>,
      %get3A_196 = arith.constant 128 : index
      %get3A_197 = tpu.vector_load %arg7[%get3A_196] {strides = array<i32>} : memref<4000xi32, #tpu.memory_space<vmem>>, vector<16xi32>,
      %get3A_198 = vector.shape_cast %get3A_197 : vector<16xi32> to vector<16xi32>
      %add3A_199 = vector.broadcast %mul3A_45 : i32 to vector<16xi32>
      %add3A_200 = arith.addi %get3A_198, %add3A_199 : vector<16xi32>
      %swap3A_201 = arith.constant 48 : index
      %swap3A_202 = tpu.vector_load %arg13[%swap3A_201] {strides = array<i32>} : memref<80xi32, #tpu.memory_space<vmem>>, vector<16xi32>,
      %swap3A_203 = vector.shape_cast %swap3A_202 : vector<16xi32> to vector<16xi32>
      %swap3A_204 = vector.shape_cast %add3A_200 : vector<16xi32> to vector<16xi32>
      tpu.vector_store %arg13[%swap3A_201], %swap3A_204 {strides = array<i32>} : memref<80xi32, #tpu.memory_space<vmem>>, vector<16xi32>,
      %get3A_205 = arith.constant 128 : index
      %get3A_206 = tpu.vector_load %arg8[%get3A_205] {strides = array<i32>} : memref<4000xi32, #tpu.memory_space<vmem>>, vector<16xi32>,
      %get3A_207 = vector.shape_cast %get3A_206 : vector<16xi32> to vector<16xi32>
      %swap3A_208 = arith.constant 48 : index
      %swap3A_209 = tpu.vector_load %arg16[%swap3A_208] {strides = array<i32>} : memref<80xi32, #tpu.memory_space<vmem>>, vector<16xi32>,
      %swap3A_210 = vector.shape_cast %swap3A_209 : vector<16xi32> to vector<16xi32>
      %swap3A_211 = vector.shape_cast %get3A_207 : vector<16xi32> to vector<16xi32>
      tpu.vector_store %arg16[%swap3A_208], %swap3A_211 {strides = array<i32>} : memref<80xi32, #tpu.memory_space<vmem>>, vector<16xi32>,
      %get3A_212 = arith.constant 144 : index
      %get3A_213 = tpu.vector_load %arg7[%get3A_212] {strides = array<i32>} : memref<4000xi32, #tpu.memory_space<vmem>>, vector<16xi32>,
      %get3A_214 = vector.shape_cast %get3A_213 : vector<16xi32> to vector<16xi32>
      %add3A_215 = vector.broadcast %mul3A_45 : i32 to vector<16xi32>
      %add3A_216 = arith.addi %get3A_214, %add3A_215 : vector<16xi32>
      %swap3A_217 = arith.constant 64 : index
      %swap3A_218 = tpu.vector_load %arg13[%swap3A_217] {strides = array<i32>} : memref<80xi32, #tpu.memory_space<vmem>>, vector<16xi32>,
      %swap3A_219 = vector.shape_cast %swap3A_218 : vector<16xi32> to vector<16xi32>
      %swap3A_220 = vector.shape_cast %add3A_216 : vector<16xi32> to vector<16xi32>
      tpu.vector_store %arg13[%swap3A_217], %swap3A_220 {strides = array<i32>} : memref<80xi32, #tpu.memory_space<vmem>>, vector<16xi32>,
      %get3A_221 = arith.constant 144 : index
      %get3A_222 = tpu.vector_load %arg8[%get3A_221] {strides = array<i32>} : memref<4000xi32, #tpu.memory_space<vmem>>, vector<16xi32>,
      %get3A_223 = vector.shape_cast %get3A_222 : vector<16xi32> to vector<16xi32>
      %swap3A_224 = arith.constant 64 : index
      %swap3A_225 = tpu.vector_load %arg16[%swap3A_224] {strides = array<i32>} : memref<80xi32, #tpu.memory_space<vmem>>, vector<16xi32>,
      %swap3A_226 = vector.shape_cast %swap3A_225 : vector<16xi32> to vector<16xi32>
      %swap3A_227 = vector.shape_cast %get3A_223 : vector<16xi32> to vector<16xi32>
      tpu.vector_store %arg16[%swap3A_224], %swap3A_227 {strides = array<i32>} : memref<80xi32, #tpu.memory_space<vmem>>, vector<16xi32>,
      %dma_start3A_228 = arith.constant 0 : i32
      %dma_start3A_229 = arith.constant 0 : i32
      %dma_start3A_230 = tpu.memref_slice %arg2[%dma_start3A_228, %dma_start3A_229] : memref<61440x128xf32, #tpu.memory_space<hbm>> -> memref<61440x128xf32, #tpu.memory_space<hbm>>
      tpu.enqueue_indirect_dma source(%dma_start3A_230 : memref<61440x128xf32, #tpu.memory_space<hbm>>) target(%arg10 : memref<80x128xf32, #tpu.memory_space<vmem>>) offsets(%arg13 : memref<80xi32, #tpu.memory_space<vmem>>) semaphore(%arg20 : memref<!tpu.dma_semaphore, #tpu.memory_space<semaphore_mem>>)
      %scan3A_231 = arith.constant 0 : i32
      %scan3A_232 = arith.constant 0 : i32
      %scan3A_233 = arith.constant 16 : i32
      %scan3A_234 = arith.addi %scan3A_232, %scan3A_233 : i32
      %scan3A_235 = arith.constant 1 : i32
      scf.for %scan3A_242 = %scan3A_232 to %scan3A_234 step %scan3A_235  : i32 {
        %mul3A_243 = arith.constant 3 : i32
        %mul3A_244 = arith.muli %scan3A_242, %mul3A_243 : i32
        %add3A_245 = arith.constant 2 : i32
        %add3A_246 = arith.addi %mul3A_244, %add3A_245 : i32
        %mul3A_247 = arith.constant 80 : i32
        %mul3A_248 = arith.muli %add3A_246, %mul3A_247 : i32
        %add3A_249 = arith.constant 0 : i32
        %add3A_250 = arith.addi %mul3A_248, %add3A_249 : i32
        %get3A_251 = arith.index_cast %add3A_250 : i32 to index
        %get3A_252 = tpu.vector_load %arg7[%get3A_251] {strides = array<i32>} : memref<4000xi32, #tpu.memory_space<vmem>>, vector<16xi32>,
        %get3A_253 = vector.shape_cast %get3A_252 : vector<16xi32> to vector<16xi32>
        %add3A_254 = vector.broadcast %mul3A_45 : i32 to vector<16xi32>
        %add3A_255 = arith.addi %get3A_253, %add3A_254 : vector<16xi32>
        %swap3A_256 = arith.constant 0 : index
        %swap3A_257 = tpu.vector_load %arg14[%swap3A_256] {strides = array<i32>} : memref<80xi32, #tpu.memory_space<vmem>>, vector<16xi32>,
        %swap3A_258 = vector.shape_cast %swap3A_257 : vector<16xi32> to vector<16xi32>
        %swap3A_259 = vector.shape_cast %add3A_255 : vector<16xi32> to vector<16xi32>
        tpu.vector_store %arg14[%swap3A_256], %swap3A_259 {strides = array<i32>} : memref<80xi32, #tpu.memory_space<vmem>>, vector<16xi32>,
        %mul3A_260 = arith.constant 80 : i32
        %mul3A_261 = arith.muli %add3A_246, %mul3A_260 : i32
        %add3A_262 = arith.constant 0 : i32
        %add3A_263 = arith.addi %mul3A_261, %add3A_262 : i32
        %get3A_264 = arith.index_cast %add3A_263 : i32 to index
        %get3A_265 = tpu.vector_load %arg8[%get3A_264] {strides = array<i32>} : memref<4000xi32, #tpu.memory_space<vmem>>, vector<16xi32>,
        %get3A_266 = vector.shape_cast %get3A_265 : vector<16xi32> to vector<16xi32>
        %swap3A_267 = arith.constant 0 : index
        %swap3A_268 = tpu.vector_load %arg17[%swap3A_267] {strides = array<i32>} : memref<80xi32, #tpu.memory_space<vmem>>, vector<16xi32>,
        %swap3A_269 = vector.shape_cast %swap3A_268 : vector<16xi32> to vector<16xi32>
        %swap3A_270 = vector.shape_cast %get3A_266 : vector<16xi32> to vector<16xi32>
        tpu.vector_store %arg17[%swap3A_267], %swap3A_270 {strides = array<i32>} : memref<80xi32, #tpu.memory_space<vmem>>, vector<16xi32>,
        %mul3A_271 = arith.constant 80 : i32
        %mul3A_272 = arith.muli %add3A_246, %mul3A_271 : i32
        %add3A_273 = arith.constant 16 : i32
        %add3A_274 = arith.addi %mul3A_272, %add3A_273 : i32
        %get3A_275 = arith.index_cast %add3A_274 : i32 to index
        %get3A_276 = tpu.vector_load %arg7[%get3A_275] {strides = array<i32>} : memref<4000xi32, #tpu.memory_space<vmem>>, vector<16xi32>,
        %get3A_277 = vector.shape_cast %get3A_276 : vector<16xi32> to vector<16xi32>
        %add3A_278 = vector.broadcast %mul3A_45 : i32 to vector<16xi32>
        %add3A_279 = arith.addi %get3A_277, %add3A_278 : vector<16xi32>
        %swap3A_280 = arith.constant 16 : index
        %swap3A_281 = tpu.vector_load %arg14[%swap3A_280] {strides = array<i32>} : memref<80xi32, #tpu.memory_space<vmem>>, vector<16xi32>,
        %swap3A_282 = vector.shape_cast %swap3A_281 : vector<16xi32> to vector<16xi32>
        %swap3A_283 = vector.shape_cast %add3A_279 : vector<16xi32> to vector<16xi32>
        tpu.vector_store %arg14[%swap3A_280], %swap3A_283 {strides = array<i32>} : memref<80xi32, #tpu.memory_space<vmem>>, vector<16xi32>,
        %mul3A_284 = arith.constant 80 : i32
        %mul3A_285 = arith.muli %add3A_246, %mul3A_284 : i32
        %add3A_286 = arith.constant 16 : i32
        %add3A_287 = arith.addi %mul3A_285, %add3A_286 : i32
        %get3A_288 = arith.index_cast %add3A_287 : i32 to index
        %get3A_289 = tpu.vector_load %arg8[%get3A_288] {strides = array<i32>} : memref<4000xi32, #tpu.memory_space<vmem>>, vector<16xi32>,
        %get3A_290 = vector.shape_cast %get3A_289 : vector<16xi32> to vector<16xi32>
        %swap3A_291 = arith.constant 16 : index
        %swap3A_292 = tpu.vector_load %arg17[%swap3A_291] {strides = array<i32>} : memref<80xi32, #tpu.memory_space<vmem>>, vector<16xi32>,
        %swap3A_293 = vector.shape_cast %swap3A_292 : vector<16xi32> to vector<16xi32>
        %swap3A_294 = vector.shape_cast %get3A_290 : vector<16xi32> to vector<16xi32>
        tpu.vector_store %arg17[%swap3A_291], %swap3A_294 {strides = array<i32>} : memref<80xi32, #tpu.memory_space<vmem>>, vector<16xi32>,
        %mul3A_295 = arith.constant 80 : i32
        %mul3A_296 = arith.muli %add3A_246, %mul3A_295 : i32
        %add3A_297 = arith.constant 32 : i32
        %add3A_298 = arith.addi %mul3A_296, %add3A_297 : i32
        %get3A_299 = arith.index_cast %add3A_298 : i32 to index
        %get3A_300 = tpu.vector_load %arg7[%get3A_299] {strides = array<i32>} : memref<4000xi32, #tpu.memory_space<vmem>>, vector<16xi32>,
        %get3A_301 = vector.shape_cast %get3A_300 : vector<16xi32> to vector<16xi32>
        %add3A_302 = vector.broadcast %mul3A_45 : i32 to vector<16xi32>
        %add3A_303 = arith.addi %get3A_301, %add3A_302 : vector<16xi32>
        %swap3A_304 = arith.constant 32 : index
        %swap3A_305 = tpu.vector_load %arg14[%swap3A_304] {strides = array<i32>} : memref<80xi32, #tpu.memory_space<vmem>>, vector<16xi32>,
        %swap3A_306 = vector.shape_cast %swap3A_305 : vector<16xi32> to vector<16xi32>
        %swap3A_307 = vector.shape_cast %add3A_303 : vector<16xi32> to vector<16xi32>
        tpu.vector_store %arg14[%swap3A_304], %swap3A_307 {strides = array<i32>} : memref<80xi32, #tpu.memory_space<vmem>>, vector<16xi32>,
        %mul3A_308 = arith.constant 80 : i32
        %mul3A_309 = arith.muli %add3A_246, %mul3A_308 : i32
        %add3A_310 = arith.constant 32 : i32
        %add3A_311 = arith.addi %mul3A_309, %add3A_310 : i32
        %get3A_312 = arith.index_cast %add3A_311 : i32 to index
        %get3A_313 = tpu.vector_load %arg8[%get3A_312] {strides = array<i32>} : memref<4000xi32, #tpu.memory_space<vmem>>, vector<16xi32>,
        %get3A_314 = vector.shape_cast %get3A_313 : vector<16xi32> to vector<16xi32>
        %swap3A_315 = arith.constant 32 : index
        %swap3A_316 = tpu.vector_load %arg17[%swap3A_315] {strides = array<i32>} : memref<80xi32, #tpu.memory_space<vmem>>, vector<16xi32>,
        %swap3A_317 = vector.shape_cast %swap3A_316 : vector<16xi32> to vector<16xi32>
        %swap3A_318 = vector.shape_cast %get3A_314 : vector<16xi32> to vector<16xi32>
        tpu.vector_store %arg17[%swap3A_315], %swap3A_318 {strides = array<i32>} : memref<80xi32, #tpu.memory_space<vmem>>, vector<16xi32>,
        %mul3A_319 = arith.constant 80 : i32
        %mul3A_320 = arith.muli %add3A_246, %mul3A_319 : i32
        %add3A_321 = arith.constant 48 : i32
        %add3A_322 = arith.addi %mul3A_320, %add3A_321 : i32
        %get3A_323 = arith.index_cast %add3A_322 : i32 to index
        %get3A_324 = tpu.vector_load %arg7[%get3A_323] {strides = array<i32>} : memref<4000xi32, #tpu.memory_space<vmem>>, vector<16xi32>,
        %get3A_325 = vector.shape_cast %get3A_324 : vector<16xi32> to vector<16xi32>
        %add3A_326 = vector.broadcast %mul3A_45 : i32 to vector<16xi32>
        %add3A_327 = arith.addi %get3A_325, %add3A_326 : vector<16xi32>
        %swap3A_328 = arith.constant 48 : index
        %swap3A_329 = tpu.vector_load %arg14[%swap3A_328] {strides = array<i32>} : memref<80xi32, #tpu.memory_space<vmem>>, vector<16xi32>,
        %swap3A_330 = vector.shape_cast %swap3A_329 : vector<16xi32> to vector<16xi32>
        %swap3A_331 = vector.shape_cast %add3A_327 : vector<16xi32> to vector<16xi32>
        tpu.vector_store %arg14[%swap3A_328], %swap3A_331 {strides = array<i32>} : memref<80xi32, #tpu.memory_space<vmem>>, vector<16xi32>,
        %mul3A_332 = arith.constant 80 : i32
        %mul3A_333 = arith.muli %add3A_246, %mul3A_332 : i32
        %add3A_334 = arith.constant 48 : i32
        %add3A_335 = arith.addi %mul3A_333, %add3A_334 : i32
        %get3A_336 = arith.index_cast %add3A_335 : i32 to index
        %get3A_337 = tpu.vector_load %arg8[%get3A_336] {strides = array<i32>} : memref<4000xi32, #tpu.memory_space<vmem>>, vector<16xi32>,
        %get3A_338 = vector.shape_cast %get3A_337 : vector<16xi32> to vector<16xi32>
        %swap3A_339 = arith.constant 48 : index
        %swap3A_340 = tpu.vector_load %arg17[%swap3A_339] {strides = array<i32>} : memref<80xi32, #tpu.memory_space<vmem>>, vector<16xi32>,
        %swap3A_341 = vector.shape_cast %swap3A_340 : vector<16xi32> to vector<16xi32>
        %swap3A_342 = vector.shape_cast %get3A_338 : vector<16xi32> to vector<16xi32>
        tpu.vector_store %arg17[%swap3A_339], %swap3A_342 {strides = array<i32>} : memref<80xi32, #tpu.memory_space<vmem>>, vector<16xi32>,
        %mul3A_343 = arith.constant 80 : i32
        %mul3A_344 = arith.muli %add3A_246, %mul3A_343 : i32
        %add3A_345 = arith.constant 64 : i32
        %add3A_346 = arith.addi %mul3A_344, %add3A_345 : i32
        %get3A_347 = arith.index_cast %add3A_346 : i32 to index
        %get3A_348 = tpu.vector_load %arg7[%get3A_347] {strides = array<i32>} : memref<4000xi32, #tpu.memory_space<vmem>>, vector<16xi32>,
        %get3A_349 = vector.shape_cast %get3A_348 : vector<16xi32> to vector<16xi32>
        %add3A_350 = vector.broadcast %mul3A_45 : i32 to vector<16xi32>
        %add3A_351 = arith.addi %get3A_349, %add3A_350 : vector<16xi32>
        %swap3A_352 = arith.constant 64 : index
        %swap3A_353 = tpu.vector_load %arg14[%swap3A_352] {strides = array<i32>} : memref<80xi32, #tpu.memory_space<vmem>>, vector<16xi32>,
        %swap3A_354 = vector.shape_cast %swap3A_353 : vector<16xi32> to vector<16xi32>
        %swap3A_355 = vector.shape_cast %add3A_351 : vector<16xi32> to vector<16xi32>
        tpu.vector_store %arg14[%swap3A_352], %swap3A_355 {strides = array<i32>} : memref<80xi32, #tpu.memory_space<vmem>>, vector<16xi32>,
        %mul3A_356 = arith.constant 80 : i32
        %mul3A_357 = arith.muli %add3A_246, %mul3A_356 : i32
        %add3A_358 = arith.constant 64 : i32
        %add3A_359 = arith.addi %mul3A_357, %add3A_358 : i32
        %get3A_360 = arith.index_cast %add3A_359 : i32 to index
        %get3A_361 = tpu.vector_load %arg8[%get3A_360] {strides = array<i32>} : memref<4000xi32, #tpu.memory_space<vmem>>, vector<16xi32>,
        %get3A_362 = vector.shape_cast %get3A_361 : vector<16xi32> to vector<16xi32>
        %swap3A_363 = arith.constant 64 : index
        %swap3A_364 = tpu.vector_load %arg17[%swap3A_363] {strides = array<i32>} : memref<80xi32, #tpu.memory_space<vmem>>, vector<16xi32>,
        %swap3A_365 = vector.shape_cast %swap3A_364 : vector<16xi32> to vector<16xi32>
        %swap3A_366 = vector.shape_cast %get3A_362 : vector<16xi32> to vector<16xi32>
        tpu.vector_store %arg17[%swap3A_363], %swap3A_366 {strides = array<i32>} : memref<80xi32, #tpu.memory_space<vmem>>, vector<16xi32>,
        %dma_start3A_367 = arith.constant 0 : i32
        %dma_start3A_368 = arith.constant 0 : i32
        %dma_start3A_369 = tpu.memref_slice %arg2[%dma_start3A_367, %dma_start3A_368] : memref<61440x128xf32, #tpu.memory_space<hbm>> -> memref<61440x128xf32, #tpu.memory_space<hbm>>
        tpu.enqueue_indirect_dma source(%dma_start3A_369 : memref<61440x128xf32, #tpu.memory_space<hbm>>) target(%arg11 : memref<80x128xf32, #tpu.memory_space<vmem>>) offsets(%arg14 : memref<80xi32, #tpu.memory_space<vmem>>) semaphore(%arg21 : memref<!tpu.dma_semaphore, #tpu.memory_space<semaphore_mem>>)
        %dma_wait3A_370 = arith.constant 0 : i32
        %dma_wait3A_371 = arith.constant 0 : i32
        %dma_wait3A_372 = tpu.memref_slice %arg2[%dma_wait3A_370, %dma_wait3A_371] : memref<61440x128xf32, #tpu.memory_space<hbm>> -> memref<61440x128xf32, #tpu.memory_space<hbm>>
        tpu.wait_indirect_dma semaphore(%arg19 : memref<!tpu.dma_semaphore, #tpu.memory_space<semaphore_mem>>) src(%dma_wait3A_372 : memref<61440x128xf32, #tpu.memory_space<hbm>>) dst(%arg9 : memref<80x128xf32, #tpu.memory_space<vmem>>)
        "tpu.region"() ({
          %run_scoped3A = tpu.sem_alloc : memref<!tpu.dma_semaphore, #tpu.memory_space<semaphore_mem>>
          %dma_start3A_629 = arith.constant 0 : i32
          %dma_start3A_630 = arith.constant 0 : i32
          %dma_start3A_631 = tpu.memref_slice %arg18[%dma_start3A_629, %dma_start3A_630] : memref<10240x128xf32, #tpu.memory_space<vmem_shared>> -> memref<10240x128xf32, #tpu.memory_space<vmem_shared>>
          tpu.enqueue_indirect_dma source(%arg9 : memref<80x128xf32, #tpu.memory_space<vmem>>) target(%dma_start3A_631 : memref<10240x128xf32, #tpu.memory_space<vmem_shared>>) offsets(%arg15 : memref<80xi32, #tpu.memory_space<vmem>>) semaphore(%run_scoped3A : memref<!tpu.dma_semaphore, #tpu.memory_space<semaphore_mem>>) {add = true}
          %dma_wait3A_632 = arith.constant 0 : i32
          %dma_wait3A_633 = arith.constant 0 : i32
          %dma_wait3A_634 = tpu.memref_slice %arg18[%dma_wait3A_632, %dma_wait3A_633] : memref<10240x128xf32, #tpu.memory_space<vmem_shared>> -> memref<10240x128xf32, #tpu.memory_space<vmem_shared>>
          tpu.wait_indirect_dma semaphore(%run_scoped3A : memref<!tpu.dma_semaphore, #tpu.memory_space<semaphore_mem>>) src(%arg9 : memref<80x128xf32, #tpu.memory_space<vmem>>) dst(%dma_wait3A_634 : memref<10240x128xf32, #tpu.memory_space<vmem_shared>>)
          tpu.yield
        }) : () -> ()
        %add3A_373 = arith.constant 3 : i32
        %add3A_374 = arith.addi %mul3A_244, %add3A_373 : i32
        %mul3A_375 = arith.constant 80 : i32
        %mul3A_376 = arith.muli %add3A_374, %mul3A_375 : i32
        %add3A_377 = arith.constant 0 : i32
        %add3A_378 = arith.addi %mul3A_376, %add3A_377 : i32
        %get3A_379 = arith.index_cast %add3A_378 : i32 to index
        %get3A_380 = tpu.vector_load %arg7[%get3A_379] {strides = array<i32>} : memref<4000xi32, #tpu.memory_space<vmem>>, vector<16xi32>,
        %get3A_381 = vector.shape_cast %get3A_380 : vector<16xi32> to vector<16xi32>
        %add3A_382 = vector.broadcast %mul3A_45 : i32 to vector<16xi32>
        %add3A_383 = arith.addi %get3A_381, %add3A_382 : vector<16xi32>
        %swap3A_384 = arith.constant 0 : index
        %swap3A_385 = tpu.vector_load %arg12[%swap3A_384] {strides = array<i32>} : memref<80xi32, #tpu.memory_space<vmem>>, vector<16xi32>,
        %swap3A_386 = vector.shape_cast %swap3A_385 : vector<16xi32> to vector<16xi32>
        %swap3A_387 = vector.shape_cast %add3A_383 : vector<16xi32> to vector<16xi32>
        tpu.vector_store %arg12[%swap3A_384], %swap3A_387 {strides = array<i32>} : memref<80xi32, #tpu.memory_space<vmem>>, vector<16xi32>,
        %mul3A_388 = arith.constant 80 : i32
        %mul3A_389 = arith.muli %add3A_374, %mul3A_388 : i32
        %add3A_390 = arith.constant 0 : i32
        %add3A_391 = arith.addi %mul3A_389, %add3A_390 : i32
        %get3A_392 = arith.index_cast %add3A_391 : i32 to index
        %get3A_393 = tpu.vector_load %arg8[%get3A_392] {strides = array<i32>} : memref<4000xi32, #tpu.memory_space<vmem>>, vector<16xi32>,
        %get3A_394 = vector.shape_cast %get3A_393 : vector<16xi32> to vector<16xi32>
        %swap3A_395 = arith.constant 0 : index
        %swap3A_396 = tpu.vector_load %arg15[%swap3A_395] {strides = array<i32>} : memref<80xi32, #tpu.memory_space<vmem>>, vector<16xi32>,
        %swap3A_397 = vector.shape_cast %swap3A_396 : vector<16xi32> to vector<16xi32>
        %swap3A_398 = vector.shape_cast %get3A_394 : vector<16xi32> to vector<16xi32>
        tpu.vector_store %arg15[%swap3A_395], %swap3A_398 {strides = array<i32>} : memref<80xi32, #tpu.memory_space<vmem>>, vector<16xi32>,
        %mul3A_399 = arith.constant 80 : i32
        %mul3A_400 = arith.muli %add3A_374, %mul3A_399 : i32
        %add3A_401 = arith.constant 16 : i32
        %add3A_402 = arith.addi %mul3A_400, %add3A_401 : i32
        %get3A_403 = arith.index_cast %add3A_402 : i32 to index
        %get3A_404 = tpu.vector_load %arg7[%get3A_403] {strides = array<i32>} : memref<4000xi32, #tpu.memory_space<vmem>>, vector<16xi32>,
        %get3A_405 = vector.shape_cast %get3A_404 : vector<16xi32> to vector<16xi32>
        %add3A_406 = vector.broadcast %mul3A_45 : i32 to vector<16xi32>
        %add3A_407 = arith.addi %get3A_405, %add3A_406 : vector<16xi32>
        %swap3A_408 = arith.constant 16 : index
        %swap3A_409 = tpu.vector_load %arg12[%swap3A_408] {strides = array<i32>} : memref<80xi32, #tpu.memory_space<vmem>>, vector<16xi32>,
        %swap3A_410 = vector.shape_cast %swap3A_409 : vector<16xi32> to vector<16xi32>
        %swap3A_411 = vector.shape_cast %add3A_407 : vector<16xi32> to vector<16xi32>
        tpu.vector_store %arg12[%swap3A_408], %swap3A_411 {strides = array<i32>} : memref<80xi32, #tpu.memory_space<vmem>>, vector<16xi32>,
        %mul3A_412 = arith.constant 80 : i32
        %mul3A_413 = arith.muli %add3A_374, %mul3A_412 : i32
        %add3A_414 = arith.constant 16 : i32
        %add3A_415 = arith.addi %mul3A_413, %add3A_414 : i32
        %get3A_416 = arith.index_cast %add3A_415 : i32 to index
        %get3A_417 = tpu.vector_load %arg8[%get3A_416] {strides = array<i32>} : memref<4000xi32, #tpu.memory_space<vmem>>, vector<16xi32>,
        %get3A_418 = vector.shape_cast %get3A_417 : vector<16xi32> to vector<16xi32>
        %swap3A_419 = arith.constant 16 : index
        %swap3A_420 = tpu.vector_load %arg15[%swap3A_419] {strides = array<i32>} : memref<80xi32, #tpu.memory_space<vmem>>, vector<16xi32>,
        %swap3A_421 = vector.shape_cast %swap3A_420 : vector<16xi32> to vector<16xi32>
        %swap3A_422 = vector.shape_cast %get3A_418 : vector<16xi32> to vector<16xi32>
        tpu.vector_store %arg15[%swap3A_419], %swap3A_422 {strides = array<i32>} : memref<80xi32, #tpu.memory_space<vmem>>, vector<16xi32>,
        %mul3A_423 = arith.constant 80 : i32
        %mul3A_424 = arith.muli %add3A_374, %mul3A_423 : i32
        %add3A_425 = arith.constant 32 : i32
        %add3A_426 = arith.addi %mul3A_424, %add3A_425 : i32
        %get3A_427 = arith.index_cast %add3A_426 : i32 to index
        %get3A_428 = tpu.vector_load %arg7[%get3A_427] {strides = array<i32>} : memref<4000xi32, #tpu.memory_space<vmem>>, vector<16xi32>,
        %get3A_429 = vector.shape_cast %get3A_428 : vector<16xi32> to vector<16xi32>
        %add3A_430 = vector.broadcast %mul3A_45 : i32 to vector<16xi32>
        %add3A_431 = arith.addi %get3A_429, %add3A_430 : vector<16xi32>
        %swap3A_432 = arith.constant 32 : index
        %swap3A_433 = tpu.vector_load %arg12[%swap3A_432] {strides = array<i32>} : memref<80xi32, #tpu.memory_space<vmem>>, vector<16xi32>,
        %swap3A_434 = vector.shape_cast %swap3A_433 : vector<16xi32> to vector<16xi32>
        %swap3A_435 = vector.shape_cast %add3A_431 : vector<16xi32> to vector<16xi32>
        tpu.vector_store %arg12[%swap3A_432], %swap3A_435 {strides = array<i32>} : memref<80xi32, #tpu.memory_space<vmem>>, vector<16xi32>,
        %mul3A_436 = arith.constant 80 : i32
        %mul3A_437 = arith.muli %add3A_374, %mul3A_436 : i32
        %add3A_438 = arith.constant 32 : i32
        %add3A_439 = arith.addi %mul3A_437, %add3A_438 : i32
        %get3A_440 = arith.index_cast %add3A_439 : i32 to index
        %get3A_441 = tpu.vector_load %arg8[%get3A_440] {strides = array<i32>} : memref<4000xi32, #tpu.memory_space<vmem>>, vector<16xi32>,
        %get3A_442 = vector.shape_cast %get3A_441 : vector<16xi32> to vector<16xi32>
        %swap3A_443 = arith.constant 32 : index
        %swap3A_444 = tpu.vector_load %arg15[%swap3A_443] {strides = array<i32>} : memref<80xi32, #tpu.memory_space<vmem>>, vector<16xi32>,
        %swap3A_445 = vector.shape_cast %swap3A_444 : vector<16xi32> to vector<16xi32>
        %swap3A_446 = vector.shape_cast %get3A_442 : vector<16xi32> to vector<16xi32>
        tpu.vector_store %arg15[%swap3A_443], %swap3A_446 {strides = array<i32>} : memref<80xi32, #tpu.memory_space<vmem>>, vector<16xi32>,
        %mul3A_447 = arith.constant 80 : i32
        %mul3A_448 = arith.muli %add3A_374, %mul3A_447 : i32
        %add3A_449 = arith.constant 48 : i32
        %add3A_450 = arith.addi %mul3A_448, %add3A_449 : i32
        %get3A_451 = arith.index_cast %add3A_450 : i32 to index
        %get3A_452 = tpu.vector_load %arg7[%get3A_451] {strides = array<i32>} : memref<4000xi32, #tpu.memory_space<vmem>>, vector<16xi32>,
        %get3A_453 = vector.shape_cast %get3A_452 : vector<16xi32> to vector<16xi32>
        %add3A_454 = vector.broadcast %mul3A_45 : i32 to vector<16xi32>
        %add3A_455 = arith.addi %get3A_453, %add3A_454 : vector<16xi32>
        %swap3A_456 = arith.constant 48 : index
        %swap3A_457 = tpu.vector_load %arg12[%swap3A_456] {strides = array<i32>} : memref<80xi32, #tpu.memory_space<vmem>>, vector<16xi32>,
        %swap3A_458 = vector.shape_cast %swap3A_457 : vector<16xi32> to vector<16xi32>
        %swap3A_459 = vector.shape_cast %add3A_455 : vector<16xi32> to vector<16xi32>
        tpu.vector_store %arg12[%swap3A_456], %swap3A_459 {strides = array<i32>} : memref<80xi32, #tpu.memory_space<vmem>>, vector<16xi32>,
        %mul3A_460 = arith.constant 80 : i32
        %mul3A_461 = arith.muli %add3A_374, %mul3A_460 : i32
        %add3A_462 = arith.constant 48 : i32
        %add3A_463 = arith.addi %mul3A_461, %add3A_462 : i32
        %get3A_464 = arith.index_cast %add3A_463 : i32 to index
        %get3A_465 = tpu.vector_load %arg8[%get3A_464] {strides = array<i32>} : memref<4000xi32, #tpu.memory_space<vmem>>, vector<16xi32>,
        %get3A_466 = vector.shape_cast %get3A_465 : vector<16xi32> to vector<16xi32>
        %swap3A_467 = arith.constant 48 : index
        %swap3A_468 = tpu.vector_load %arg15[%swap3A_467] {strides = array<i32>} : memref<80xi32, #tpu.memory_space<vmem>>, vector<16xi32>,
        %swap3A_469 = vector.shape_cast %swap3A_468 : vector<16xi32> to vector<16xi32>
        %swap3A_470 = vector.shape_cast %get3A_466 : vector<16xi32> to vector<16xi32>
        tpu.vector_store %arg15[%swap3A_467], %swap3A_470 {strides = array<i32>} : memref<80xi32, #tpu.memory_space<vmem>>, vector<16xi32>,
        %mul3A_471 = arith.constant 80 : i32
        %mul3A_472 = arith.muli %add3A_374, %mul3A_471 : i32
        %add3A_473 = arith.constant 64 : i32
        %add3A_474 = arith.addi %mul3A_472, %add3A_473 : i32
        %get3A_475 = arith.index_cast %add3A_474 : i32 to index
        %get3A_476 = tpu.vector_load %arg7[%get3A_475] {strides = array<i32>} : memref<4000xi32, #tpu.memory_space<vmem>>, vector<16xi32>,
        %get3A_477 = vector.shape_cast %get3A_476 : vector<16xi32> to vector<16xi32>
        %add3A_478 = vector.broadcast %mul3A_45 : i32 to vector<16xi32>
        %add3A_479 = arith.addi %get3A_477, %add3A_478 : vector<16xi32>
        %swap3A_480 = arith.constant 64 : index
        %swap3A_481 = tpu.vector_load %arg12[%swap3A_480] {strides = array<i32>} : memref<80xi32, #tpu.memory_space<vmem>>, vector<16xi32>,
        %swap3A_482 = vector.shape_cast %swap3A_481 : vector<16xi32> to vector<16xi32>
        %swap3A_483 = vector.shape_cast %add3A_479 : vector<16xi32> to vector<16xi32>
        tpu.vector_store %arg12[%swap3A_480], %swap3A_483 {strides = array<i32>} : memref<80xi32, #tpu.memory_space<vmem>>, vector<16xi32>,
        %mul3A_484 = arith.constant 80 : i32
        %mul3A_485 = arith.muli %add3A_374, %mul3A_484 : i32
        %add3A_486 = arith.constant 64 : i32
        %add3A_487 = arith.addi %mul3A_485, %add3A_486 : i32
        %get3A_488 = arith.index_cast %add3A_487 : i32 to index
        %get3A_489 = tpu.vector_load %arg8[%get3A_488] {strides = array<i32>} : memref<4000xi32, #tpu.memory_space<vmem>>, vector<16xi32>,
        %get3A_490 = vector.shape_cast %get3A_489 : vector<16xi32> to vector<16xi32>
        %swap3A_491 = arith.constant 64 : index
        %swap3A_492 = tpu.vector_load %arg15[%swap3A_491] {strides = array<i32>} : memref<80xi32, #tpu.memory_space<vmem>>, vector<16xi32>,
        %swap3A_493 = vector.shape_cast %swap3A_492 : vector<16xi32> to vector<16xi32>
        %swap3A_494 = vector.shape_cast %get3A_490 : vector<16xi32> to vector<16xi32>
        tpu.vector_store %arg15[%swap3A_491], %swap3A_494 {strides = array<i32>} : memref<80xi32, #tpu.memory_space<vmem>>, vector<16xi32>,
        %dma_start3A_495 = arith.constant 0 : i32
        %dma_start3A_496 = arith.constant 0 : i32
        %dma_start3A_497 = tpu.memref_slice %arg2[%dma_start3A_495, %dma_start3A_496] : memref<61440x128xf32, #tpu.memory_space<hbm>> -> memref<61440x128xf32, #tpu.memory_space<hbm>>
        tpu.enqueue_indirect_dma source(%dma_start3A_497 : memref<61440x128xf32, #tpu.memory_space<hbm>>) target(%arg9 : memref<80x128xf32, #tpu.memory_space<vmem>>) offsets(%arg12 : memref<80xi32, #tpu.memory_space<vmem>>) semaphore(%arg19 : memref<!tpu.dma_semaphore, #tpu.memory_space<semaphore_mem>>)
        %dma_wait3A_498 = arith.constant 0 : i32
        %dma_wait3A_499 = arith.constant 0 : i32
        %dma_wait3A_500 = tpu.memref_slice %arg2[%dma_wait3A_498, %dma_wait3A_499] : memref<61440x128xf32, #tpu.memory_space<hbm>> -> memref<61440x128xf32, #tpu.memory_space<hbm>>
        tpu.wait_indirect_dma semaphore(%arg20 : memref<!tpu.dma_semaphore, #tpu.memory_space<semaphore_mem>>) src(%dma_wait3A_500 : memref<61440x128xf32, #tpu.memory_space<hbm>>) dst(%arg10 : memref<80x128xf32, #tpu.memory_space<vmem>>)
        "tpu.region"() ({
          %run_scoped3A = tpu.sem_alloc : memref<!tpu.dma_semaphore, #tpu.memory_space<semaphore_mem>>
          %dma_start3A_629 = arith.constant 0 : i32
          %dma_start3A_630 = arith.constant 0 : i32
          %dma_start3A_631 = tpu.memref_slice %arg18[%dma_start3A_629, %dma_start3A_630] : memref<10240x128xf32, #tpu.memory_space<vmem_shared>> -> memref<10240x128xf32, #tpu.memory_space<vmem_shared>>
          tpu.enqueue_indirect_dma source(%arg10 : memref<80x128xf32, #tpu.memory_space<vmem>>) target(%dma_start3A_631 : memref<10240x128xf32, #tpu.memory_space<vmem_shared>>) offsets(%arg16 : memref<80xi32, #tpu.memory_space<vmem>>) semaphore(%run_scoped3A : memref<!tpu.dma_semaphore, #tpu.memory_space<semaphore_mem>>) {add = true}
          %dma_wait3A_632 = arith.constant 0 : i32
          %dma_wait3A_633 = arith.constant 0 : i32
          %dma_wait3A_634 = tpu.memref_slice %arg18[%dma_wait3A_632, %dma_wait3A_633] : memref<10240x128xf32, #tpu.memory_space<vmem_shared>> -> memref<10240x128xf32, #tpu.memory_space<vmem_shared>>
          tpu.wait_indirect_dma semaphore(%run_scoped3A : memref<!tpu.dma_semaphore, #tpu.memory_space<semaphore_mem>>) src(%arg10 : memref<80x128xf32, #tpu.memory_space<vmem>>) dst(%dma_wait3A_634 : memref<10240x128xf32, #tpu.memory_space<vmem_shared>>)
          tpu.yield
        }) : () -> ()
        %add3A_501 = arith.constant 4 : i32
        %add3A_502 = arith.addi %mul3A_244, %add3A_501 : i32
        %mul3A_503 = arith.constant 80 : i32
        %mul3A_504 = arith.muli %add3A_502, %mul3A_503 : i32
        %add3A_505 = arith.constant 0 : i32
        %add3A_506 = arith.addi %mul3A_504, %add3A_505 : i32
        %get3A_507 = arith.index_cast %add3A_506 : i32 to index
        %get3A_508 = tpu.vector_load %arg7[%get3A_507] {strides = array<i32>} : memref<4000xi32, #tpu.memory_space<vmem>>, vector<16xi32>,
        %get3A_509 = vector.shape_cast %get3A_508 : vector<16xi32> to vector<16xi32>
        %add3A_510 = vector.broadcast %mul3A_45 : i32 to vector<16xi32>
        %add3A_511 = arith.addi %get3A_509, %add3A_510 : vector<16xi32>
        %swap3A_512 = arith.constant 0 : index
        %swap3A_513 = tpu.vector_load %arg13[%swap3A_512] {strides = array<i32>} : memref<80xi32, #tpu.memory_space<vmem>>, vector<16xi32>,
        %swap3A_514 = vector.shape_cast %swap3A_513 : vector<16xi32> to vector<16xi32>
        %swap3A_515 = vector.shape_cast %add3A_511 : vector<16xi32> to vector<16xi32>
        tpu.vector_store %arg13[%swap3A_512], %swap3A_515 {strides = array<i32>} : memref<80xi32, #tpu.memory_space<vmem>>, vector<16xi32>,
        %mul3A_516 = arith.constant 80 : i32
        %mul3A_517 = arith.muli %add3A_502, %mul3A_516 : i32
        %add3A_518 = arith.constant 0 : i32
        %add3A_519 = arith.addi %mul3A_517, %add3A_518 : i32
        %get3A_520 = arith.index_cast %add3A_519 : i32 to index
        %get3A_521 = tpu.vector_load %arg8[%get3A_520] {strides = array<i32>} : memref<4000xi32, #tpu.memory_space<vmem>>, vector<16xi32>,
        %get3A_522 = vector.shape_cast %get3A_521 : vector<16xi32> to vector<16xi32>
        %swap3A_523 = arith.constant 0 : index
        %swap3A_524 = tpu.vector_load %arg16[%swap3A_523] {strides = array<i32>} : memref<80xi32, #tpu.memory_space<vmem>>, vector<16xi32>,
        %swap3A_525 = vector.shape_cast %swap3A_524 : vector<16xi32> to vector<16xi32>
        %swap3A_526 = vector.shape_cast %get3A_522 : vector<16xi32> to vector<16xi32>
        tpu.vector_store %arg16[%swap3A_523], %swap3A_526 {strides = array<i32>} : memref<80xi32, #tpu.memory_space<vmem>>, vector<16xi32>,
        %mul3A_527 = arith.constant 80 : i32
        %mul3A_528 = arith.muli %add3A_502, %mul3A_527 : i32
        %add3A_529 = arith.constant 16 : i32
        %add3A_530 = arith.addi %mul3A_528, %add3A_529 : i32
        %get3A_531 = arith.index_cast %add3A_530 : i32 to index
        %get3A_532 = tpu.vector_load %arg7[%get3A_531] {strides = array<i32>} : memref<4000xi32, #tpu.memory_space<vmem>>, vector<16xi32>,
        %get3A_533 = vector.shape_cast %get3A_532 : vector<16xi32> to vector<16xi32>
        %add3A_534 = vector.broadcast %mul3A_45 : i32 to vector<16xi32>
        %add3A_535 = arith.addi %get3A_533, %add3A_534 : vector<16xi32>
        %swap3A_536 = arith.constant 16 : index
        %swap3A_537 = tpu.vector_load %arg13[%swap3A_536] {strides = array<i32>} : memref<80xi32, #tpu.memory_space<vmem>>, vector<16xi32>,
        %swap3A_538 = vector.shape_cast %swap3A_537 : vector<16xi32> to vector<16xi32>
        %swap3A_539 = vector.shape_cast %add3A_535 : vector<16xi32> to vector<16xi32>
        tpu.vector_store %arg13[%swap3A_536], %swap3A_539 {strides = array<i32>} : memref<80xi32, #tpu.memory_space<vmem>>, vector<16xi32>,
        %mul3A_540 = arith.constant 80 : i32
        %mul3A_541 = arith.muli %add3A_502, %mul3A_540 : i32
        %add3A_542 = arith.constant 16 : i32
        %add3A_543 = arith.addi %mul3A_541, %add3A_542 : i32
        %get3A_544 = arith.index_cast %add3A_543 : i32 to index
        %get3A_545 = tpu.vector_load %arg8[%get3A_544] {strides = array<i32>} : memref<4000xi32, #tpu.memory_space<vmem>>, vector<16xi32>,
        %get3A_546 = vector.shape_cast %get3A_545 : vector<16xi32> to vector<16xi32>
        %swap3A_547 = arith.constant 16 : index
        %swap3A_548 = tpu.vector_load %arg16[%swap3A_547] {strides = array<i32>} : memref<80xi32, #tpu.memory_space<vmem>>, vector<16xi32>,
        %swap3A_549 = vector.shape_cast %swap3A_548 : vector<16xi32> to vector<16xi32>
        %swap3A_550 = vector.shape_cast %get3A_546 : vector<16xi32> to vector<16xi32>
        tpu.vector_store %arg16[%swap3A_547], %swap3A_550 {strides = array<i32>} : memref<80xi32, #tpu.memory_space<vmem>>, vector<16xi32>,
        %mul3A_551 = arith.constant 80 : i32
        %mul3A_552 = arith.muli %add3A_502, %mul3A_551 : i32
        %add3A_553 = arith.constant 32 : i32
        %add3A_554 = arith.addi %mul3A_552, %add3A_553 : i32
        %get3A_555 = arith.index_cast %add3A_554 : i32 to index
        %get3A_556 = tpu.vector_load %arg7[%get3A_555] {strides = array<i32>} : memref<4000xi32, #tpu.memory_space<vmem>>, vector<16xi32>,
        %get3A_557 = vector.shape_cast %get3A_556 : vector<16xi32> to vector<16xi32>
        %add3A_558 = vector.broadcast %mul3A_45 : i32 to vector<16xi32>
        %add3A_559 = arith.addi %get3A_557, %add3A_558 : vector<16xi32>
        %swap3A_560 = arith.constant 32 : index
        %swap3A_561 = tpu.vector_load %arg13[%swap3A_560] {strides = array<i32>} : memref<80xi32, #tpu.memory_space<vmem>>, vector<16xi32>,
        %swap3A_562 = vector.shape_cast %swap3A_561 : vector<16xi32> to vector<16xi32>
        %swap3A_563 = vector.shape_cast %add3A_559 : vector<16xi32> to vector<16xi32>
        tpu.vector_store %arg13[%swap3A_560], %swap3A_563 {strides = array<i32>} : memref<80xi32, #tpu.memory_space<vmem>>, vector<16xi32>,
        %mul3A_564 = arith.constant 80 : i32
        %mul3A_565 = arith.muli %add3A_502, %mul3A_564 : i32
        %add3A_566 = arith.constant 32 : i32
        %add3A_567 = arith.addi %mul3A_565, %add3A_566 : i32
        %get3A_568 = arith.index_cast %add3A_567 : i32 to index
        %get3A_569 = tpu.vector_load %arg8[%get3A_568] {strides = array<i32>} : memref<4000xi32, #tpu.memory_space<vmem>>, vector<16xi32>,
        %get3A_570 = vector.shape_cast %get3A_569 : vector<16xi32> to vector<16xi32>
        %swap3A_571 = arith.constant 32 : index
        %swap3A_572 = tpu.vector_load %arg16[%swap3A_571] {strides = array<i32>} : memref<80xi32, #tpu.memory_space<vmem>>, vector<16xi32>,
        %swap3A_573 = vector.shape_cast %swap3A_572 : vector<16xi32> to vector<16xi32>
        %swap3A_574 = vector.shape_cast %get3A_570 : vector<16xi32> to vector<16xi32>
        tpu.vector_store %arg16[%swap3A_571], %swap3A_574 {strides = array<i32>} : memref<80xi32, #tpu.memory_space<vmem>>, vector<16xi32>,
        %mul3A_575 = arith.constant 80 : i32
        %mul3A_576 = arith.muli %add3A_502, %mul3A_575 : i32
        %add3A_577 = arith.constant 48 : i32
        %add3A_578 = arith.addi %mul3A_576, %add3A_577 : i32
        %get3A_579 = arith.index_cast %add3A_578 : i32 to index
        %get3A_580 = tpu.vector_load %arg7[%get3A_579] {strides = array<i32>} : memref<4000xi32, #tpu.memory_space<vmem>>, vector<16xi32>,
        %get3A_581 = vector.shape_cast %get3A_580 : vector<16xi32> to vector<16xi32>
        %add3A_582 = vector.broadcast %mul3A_45 : i32 to vector<16xi32>
        %add3A_583 = arith.addi %get3A_581, %add3A_582 : vector<16xi32>
        %swap3A_584 = arith.constant 48 : index
        %swap3A_585 = tpu.vector_load %arg13[%swap3A_584] {strides = array<i32>} : memref<80xi32, #tpu.memory_space<vmem>>, vector<16xi32>,
        %swap3A_586 = vector.shape_cast %swap3A_585 : vector<16xi32> to vector<16xi32>
        %swap3A_587 = vector.shape_cast %add3A_583 : vector<16xi32> to vector<16xi32>
        tpu.vector_store %arg13[%swap3A_584], %swap3A_587 {strides = array<i32>} : memref<80xi32, #tpu.memory_space<vmem>>, vector<16xi32>,
        %mul3A_588 = arith.constant 80 : i32
        %mul3A_589 = arith.muli %add3A_502, %mul3A_588 : i32
        %add3A_590 = arith.constant 48 : i32
        %add3A_591 = arith.addi %mul3A_589, %add3A_590 : i32
        %get3A_592 = arith.index_cast %add3A_591 : i32 to index
        %get3A_593 = tpu.vector_load %arg8[%get3A_592] {strides = array<i32>} : memref<4000xi32, #tpu.memory_space<vmem>>, vector<16xi32>,
        %get3A_594 = vector.shape_cast %get3A_593 : vector<16xi32> to vector<16xi32>
        %swap3A_595 = arith.constant 48 : index
        %swap3A_596 = tpu.vector_load %arg16[%swap3A_595] {strides = array<i32>} : memref<80xi32, #tpu.memory_space<vmem>>, vector<16xi32>,
        %swap3A_597 = vector.shape_cast %swap3A_596 : vector<16xi32> to vector<16xi32>
        %swap3A_598 = vector.shape_cast %get3A_594 : vector<16xi32> to vector<16xi32>
        tpu.vector_store %arg16[%swap3A_595], %swap3A_598 {strides = array<i32>} : memref<80xi32, #tpu.memory_space<vmem>>, vector<16xi32>,
        %mul3A_599 = arith.constant 80 : i32
        %mul3A_600 = arith.muli %add3A_502, %mul3A_599 : i32
        %add3A_601 = arith.constant 64 : i32
        %add3A_602 = arith.addi %mul3A_600, %add3A_601 : i32
        %get3A_603 = arith.index_cast %add3A_602 : i32 to index
        %get3A_604 = tpu.vector_load %arg7[%get3A_603] {strides = array<i32>} : memref<4000xi32, #tpu.memory_space<vmem>>, vector<16xi32>,
        %get3A_605 = vector.shape_cast %get3A_604 : vector<16xi32> to vector<16xi32>
        %add3A_606 = vector.broadcast %mul3A_45 : i32 to vector<16xi32>
        %add3A_607 = arith.addi %get3A_605, %add3A_606 : vector<16xi32>
        %swap3A_608 = arith.constant 64 : index
        %swap3A_609 = tpu.vector_load %arg13[%swap3A_608] {strides = array<i32>} : memref<80xi32, #tpu.memory_space<vmem>>, vector<16xi32>,
        %swap3A_610 = vector.shape_cast %swap3A_609 : vector<16xi32> to vector<16xi32>
        %swap3A_611 = vector.shape_cast %add3A_607 : vector<16xi32> to vector<16xi32>
        tpu.vector_store %arg13[%swap3A_608], %swap3A_611 {strides = array<i32>} : memref<80xi32, #tpu.memory_space<vmem>>, vector<16xi32>,
        %mul3A_612 = arith.constant 80 : i32
        %mul3A_613 = arith.muli %add3A_502, %mul3A_612 : i32
        %add3A_614 = arith.constant 64 : i32
        %add3A_615 = arith.addi %mul3A_613, %add3A_614 : i32
        %get3A_616 = arith.index_cast %add3A_615 : i32 to index
        %get3A_617 = tpu.vector_load %arg8[%get3A_616] {strides = array<i32>} : memref<4000xi32, #tpu.memory_space<vmem>>, vector<16xi32>,
        %get3A_618 = vector.shape_cast %get3A_617 : vector<16xi32> to vector<16xi32>
        %swap3A_619 = arith.constant 64 : index
        %swap3A_620 = tpu.vector_load %arg16[%swap3A_619] {strides = array<i32>} : memref<80xi32, #tpu.memory_space<vmem>>, vector<16xi32>,
        %swap3A_621 = vector.shape_cast %swap3A_620 : vector<16xi32> to vector<16xi32>
        %swap3A_622 = vector.shape_cast %get3A_618 : vector<16xi32> to vector<16xi32>
        tpu.vector_store %arg16[%swap3A_619], %swap3A_622 {strides = array<i32>} : memref<80xi32, #tpu.memory_space<vmem>>, vector<16xi32>,
        %dma_start3A_623 = arith.constant 0 : i32
        %dma_start3A_624 = arith.constant 0 : i32
        %dma_start3A_625 = tpu.memref_slice %arg2[%dma_start3A_623, %dma_start3A_624] : memref<61440x128xf32, #tpu.memory_space<hbm>> -> memref<61440x128xf32, #tpu.memory_space<hbm>>
        tpu.enqueue_indirect_dma source(%dma_start3A_625 : memref<61440x128xf32, #tpu.memory_space<hbm>>) target(%arg10 : memref<80x128xf32, #tpu.memory_space<vmem>>) offsets(%arg13 : memref<80xi32, #tpu.memory_space<vmem>>) semaphore(%arg20 : memref<!tpu.dma_semaphore, #tpu.memory_space<semaphore_mem>>)
        %dma_wait3A_626 = arith.constant 0 : i32
        %dma_wait3A_627 = arith.constant 0 : i32
        %dma_wait3A_628 = tpu.memref_slice %arg2[%dma_wait3A_626, %dma_wait3A_627] : memref<61440x128xf32, #tpu.memory_space<hbm>> -> memref<61440x128xf32, #tpu.memory_space<hbm>>
        tpu.wait_indirect_dma semaphore(%arg21 : memref<!tpu.dma_semaphore, #tpu.memory_space<semaphore_mem>>) src(%dma_wait3A_628 : memref<61440x128xf32, #tpu.memory_space<hbm>>) dst(%arg11 : memref<80x128xf32, #tpu.memory_space<vmem>>)
        "tpu.region"() ({
          %run_scoped3A = tpu.sem_alloc : memref<!tpu.dma_semaphore, #tpu.memory_space<semaphore_mem>>
          %dma_start3A_629 = arith.constant 0 : i32
          %dma_start3A_630 = arith.constant 0 : i32
          %dma_start3A_631 = tpu.memref_slice %arg18[%dma_start3A_629, %dma_start3A_630] : memref<10240x128xf32, #tpu.memory_space<vmem_shared>> -> memref<10240x128xf32, #tpu.memory_space<vmem_shared>>
          tpu.enqueue_indirect_dma source(%arg11 : memref<80x128xf32, #tpu.memory_space<vmem>>) target(%dma_start3A_631 : memref<10240x128xf32, #tpu.memory_space<vmem_shared>>) offsets(%arg17 : memref<80xi32, #tpu.memory_space<vmem>>) semaphore(%run_scoped3A : memref<!tpu.dma_semaphore, #tpu.memory_space<semaphore_mem>>) {add = true}
          %dma_wait3A_632 = arith.constant 0 : i32
          %dma_wait3A_633 = arith.constant 0 : i32
          %dma_wait3A_634 = tpu.memref_slice %arg18[%dma_wait3A_632, %dma_wait3A_633] : memref<10240x128xf32, #tpu.memory_space<vmem_shared>> -> memref<10240x128xf32, #tpu.memory_space<vmem_shared>>
          tpu.wait_indirect_dma semaphore(%run_scoped3A : memref<!tpu.dma_semaphore, #tpu.memory_space<semaphore_mem>>) src(%arg11 : memref<80x128xf32, #tpu.memory_space<vmem>>) dst(%dma_wait3A_634 : memref<10240x128xf32, #tpu.memory_space<vmem_shared>>)
          tpu.yield
        }) : () -> ()
      }
      %scan3A_236 = arith.constant 16 : i32
      %dma_wait3A = arith.constant 0 : i32
      %dma_wait3A_237 = arith.constant 0 : i32
      %dma_wait3A_238 = tpu.memref_slice %arg2[%dma_wait3A, %dma_wait3A_237] : memref<61440x128xf32, #tpu.memory_space<hbm>> -> memref<61440x128xf32, #tpu.memory_space<hbm>>
      tpu.wait_indirect_dma semaphore(%arg19 : memref<!tpu.dma_semaphore, #tpu.memory_space<semaphore_mem>>) src(%dma_wait3A_238 : memref<61440x128xf32, #tpu.memory_space<hbm>>) dst(%arg9 : memref<80x128xf32, #tpu.memory_space<vmem>>)
      "tpu.region"() ({
        %run_scoped3A = tpu.sem_alloc : memref<!tpu.dma_semaphore, #tpu.memory_space<semaphore_mem>>
        %dma_start3A_242 = arith.constant 0 : i32
        %dma_start3A_243 = arith.constant 0 : i32
        %dma_start3A_244 = tpu.memref_slice %arg18[%dma_start3A_242, %dma_start3A_243] : memref<10240x128xf32, #tpu.memory_space<vmem_shared>> -> memref<10240x128xf32, #tpu.memory_space<vmem_shared>>
        tpu.enqueue_indirect_dma source(%arg9 : memref<80x128xf32, #tpu.memory_space<vmem>>) target(%dma_start3A_244 : memref<10240x128xf32, #tpu.memory_space<vmem_shared>>) offsets(%arg15 : memref<80xi32, #tpu.memory_space<vmem>>) semaphore(%run_scoped3A : memref<!tpu.dma_semaphore, #tpu.memory_space<semaphore_mem>>) {add = true}
        %dma_wait3A_245 = arith.constant 0 : i32
        %dma_wait3A_246 = arith.constant 0 : i32
        %dma_wait3A_247 = tpu.memref_slice %arg18[%dma_wait3A_245, %dma_wait3A_246] : memref<10240x128xf32, #tpu.memory_space<vmem_shared>> -> memref<10240x128xf32, #tpu.memory_space<vmem_shared>>
        tpu.wait_indirect_dma semaphore(%run_scoped3A : memref<!tpu.dma_semaphore, #tpu.memory_space<semaphore_mem>>) src(%arg9 : memref<80x128xf32, #tpu.memory_space<vmem>>) dst(%dma_wait3A_247 : memref<10240x128xf32, #tpu.memory_space<vmem_shared>>)
        tpu.yield
      }) : () -> ()
      %dma_wait3A_239 = arith.constant 0 : i32
      %dma_wait3A_240 = arith.constant 0 : i32
      %dma_wait3A_241 = tpu.memref_slice %arg2[%dma_wait3A_239, %dma_wait3A_240] : memref<61440x128xf32, #tpu.memory_space<hbm>> -> memref<61440x128xf32, #tpu.memory_space<hbm>>
      tpu.wait_indirect_dma semaphore(%arg20 : memref<!tpu.dma_semaphore, #tpu.memory_space<semaphore_mem>>) src(%dma_wait3A_241 : memref<61440x128xf32, #tpu.memory_space<hbm>>) dst(%arg10 : memref<80x128xf32, #tpu.memory_space<vmem>>)
      "tpu.region"() ({
        %run_scoped3A = tpu.sem_alloc : memref<!tpu.dma_semaphore, #tpu.memory_space<semaphore_mem>>
        %dma_start3A_242 = arith.constant 0 : i32
        %dma_start3A_243 = arith.constant 0 : i32
        %dma_start3A_244 = tpu.memref_slice %arg18[%dma_start3A_242, %dma_start3A_243] : memref<10240x128xf32, #tpu.memory_space<vmem_shared>> -> memref<10240x128xf32, #tpu.memory_space<vmem_shared>>
        tpu.enqueue_indirect_dma source(%arg10 : memref<80x128xf32, #tpu.memory_space<vmem>>) target(%dma_start3A_244 : memref<10240x128xf32, #tpu.memory_space<vmem_shared>>) offsets(%arg16 : memref<80xi32, #tpu.memory_space<vmem>>) semaphore(%run_scoped3A : memref<!tpu.dma_semaphore, #tpu.memory_space<semaphore_mem>>) {add = true}
        %dma_wait3A_245 = arith.constant 0 : i32
        %dma_wait3A_246 = arith.constant 0 : i32
        %dma_wait3A_247 = tpu.memref_slice %arg18[%dma_wait3A_245, %dma_wait3A_246] : memref<10240x128xf32, #tpu.memory_space<vmem_shared>> -> memref<10240x128xf32, #tpu.memory_space<vmem_shared>>
        tpu.wait_indirect_dma semaphore(%run_scoped3A : memref<!tpu.dma_semaphore, #tpu.memory_space<semaphore_mem>>) src(%arg10 : memref<80x128xf32, #tpu.memory_space<vmem>>) dst(%dma_wait3A_247 : memref<10240x128xf32, #tpu.memory_space<vmem_shared>>)
        tpu.yield
      }) : () -> ()
    }
    %scan3A_54 = arith.constant 5 : i32
    %barrier3A_55 = arith.constant 0 : index
    tpu.barrier barrier_id(%barrier3A_55)
    %mul3A_56 = arith.constant 640 : i32
    %mul3A_57 = arith.muli %arg1, %mul3A_56 : i32
    %mul3A_58 = arith.constant 640 : i32
    %mul3A_59 = arith.muli %arg1, %mul3A_58 : i32
    %add3A_60 = arith.addi %mul3A_45, %mul3A_59 : i32
    "tpu.region"() ({
      %run_scoped3A = tpu.sem_alloc : memref<!tpu.dma_semaphore, #tpu.memory_space<semaphore_mem>>
      %dma_start3A = arith.constant 0 : i32
      %dma_start3A_62 = tpu.memref_slice %arg6[%add3A_60, %dma_start3A] : memref<61440x128xf32, #tpu.memory_space<hbm>> -> memref<640x128xf32, #tpu.memory_space<hbm>>
      %dma_start3A_63 = arith.constant 0 : i32
      %dma_start3A_64 = tpu.memref_slice %arg18[%mul3A_57, %dma_start3A_63] : memref<10240x128xf32, #tpu.memory_space<vmem_shared>> -> memref<640x128xf32, #tpu.memory_space<vmem_shared>>
      tpu.enqueue_dma source(%dma_start3A_64 : memref<640x128xf32, #tpu.memory_space<vmem_shared>>) target(%dma_start3A_62 : memref<640x128xf32, #tpu.memory_space<hbm>>) target_semaphore(%run_scoped3A : memref<!tpu.dma_semaphore, #tpu.memory_space<semaphore_mem>>)
      %dma_wait3A = arith.constant 0 : i32
      %dma_wait3A_65 = tpu.memref_slice %arg6[%add3A_60, %dma_wait3A] : memref<61440x128xf32, #tpu.memory_space<hbm>> -> memref<640x128xf32, #tpu.memory_space<hbm>>
      %dma_wait3A_66 = arith.constant 0 : i32
      %dma_wait3A_67 = tpu.memref_slice %arg18[%mul3A_57, %dma_wait3A_66] : memref<10240x128xf32, #tpu.memory_space<vmem_shared>> -> memref<640x128xf32, #tpu.memory_space<vmem_shared>>
      tpu.wait_dma2 semaphore(%run_scoped3A : memref<!tpu.dma_semaphore, #tpu.memory_space<semaphore_mem>>) src(%dma_wait3A_67 : memref<640x128xf32, #tpu.memory_space<vmem_shared>>) dst(%dma_wait3A_65 : memref<640x128xf32, #tpu.memory_space<hbm>>)
      tpu.yield
    }) : () -> ()
    %barrier3A_61 = arith.constant 0 : index
    tpu.barrier barrier_id(%barrier3A_61)
    return
  }
}

#map = affine_map<(d0, d1) -> (0)>
#map1 = affine_map<(d0, d1) -> (0, 0)>
module attributes {stable_mosaic.version = 14 : i64} {
  func.func @_deg_body(%arg0: i32, %arg1: i32, %arg2: memref<320000xi32, #tpu.memory_space<hbm>>, %arg3: memref<80x128xf32, #tpu.memory_space<hbm>>, %arg4: memref<640x128xf32, #tpu.memory_space<hbm>>, %arg5: memref<20480x128xf32, #tpu.memory_space<hbm>>, %arg6: memref<10000xi32, #tpu.memory_space<vmem>>, %arg7: memref<80xi32, #tpu.memory_space<vmem>>, %arg8: memref<80x128xf32, #tpu.memory_space<vmem>>, %arg9: memref<10240x128xf32, #tpu.memory_space<vmem_shared>>) attributes {dimension_semantics = [#tpu.dimension_semantics<core_parallel>, #tpu.dimension_semantics<subcore_parallel>], iteration_bounds = array<i64: 2, 16>, scalar_prefetch = 0 : i64, scratch_operands = 4 : i64, tpu.core_type = #tpu.core_type<sc_vector_subcore>, window_params = [{transform_indices = #map}, {transform_indices = #map1}, {transform_indices = #map1}, {transform_indices = #map1}]} {
    %mul3A = arith.constant 2 : i32
    %mul3A_0 = arith.muli %arg1, %mul3A : i32
    %add3A = arith.addi %mul3A_0, %arg0 : i32
    %mul3A_1 = arith.constant 10000 : i32
    %mul3A_2 = arith.muli %add3A, %mul3A_1 : i32
    "tpu.region"() ({
      %run_scoped3A = tpu.sem_alloc : memref<!tpu.dma_semaphore, #tpu.memory_space<semaphore_mem>>
      %dma_start3A = tpu.memref_slice %arg2[%mul3A_2] : memref<320000xi32, #tpu.memory_space<hbm>> -> memref<10000xi32, #tpu.memory_space<hbm>>
      %dma_start3A_18 = tpu.memref_slice %arg2[%mul3A_2] : memref<320000xi32, #tpu.memory_space<hbm>> -> memref<10000xi32, #tpu.memory_space<hbm>>
      tpu.enqueue_dma source(%dma_start3A_18 : memref<10000xi32, #tpu.memory_space<hbm>>) target(%arg6 : memref<10000xi32, #tpu.memory_space<vmem>>) target_semaphore(%run_scoped3A : memref<!tpu.dma_semaphore, #tpu.memory_space<semaphore_mem>>)
      %dma_wait3A = tpu.memref_slice %arg2[%mul3A_2] : memref<320000xi32, #tpu.memory_space<hbm>> -> memref<10000xi32, #tpu.memory_space<hbm>>
      %dma_wait3A_19 = tpu.memref_slice %arg2[%mul3A_2] : memref<320000xi32, #tpu.memory_space<hbm>> -> memref<10000xi32, #tpu.memory_space<hbm>>
      tpu.wait_dma2 semaphore(%run_scoped3A : memref<!tpu.dma_semaphore, #tpu.memory_space<semaphore_mem>>) src(%dma_wait3A_19 : memref<10000xi32, #tpu.memory_space<hbm>>) dst(%arg6 : memref<10000xi32, #tpu.memory_space<vmem>>)
      tpu.yield
    }) : () -> ()
    "tpu.region"() ({
      %run_scoped3A = tpu.sem_alloc : memref<!tpu.dma_semaphore, #tpu.memory_space<semaphore_mem>>
      tpu.enqueue_dma source(%arg3 : memref<80x128xf32, #tpu.memory_space<hbm>>) target(%arg8 : memref<80x128xf32, #tpu.memory_space<vmem>>) target_semaphore(%run_scoped3A : memref<!tpu.dma_semaphore, #tpu.memory_space<semaphore_mem>>)
      tpu.wait_dma2 semaphore(%run_scoped3A : memref<!tpu.dma_semaphore, #tpu.memory_space<semaphore_mem>>) src(%arg3 : memref<80x128xf32, #tpu.memory_space<hbm>>) dst(%arg8 : memref<80x128xf32, #tpu.memory_space<vmem>>)
      tpu.yield
    }) : () -> ()
    %mul3A_3 = arith.constant 640 : i32
    %mul3A_4 = arith.muli %arg1, %mul3A_3 : i32
    "tpu.region"() ({
      %run_scoped3A = tpu.sem_alloc : memref<!tpu.dma_semaphore, #tpu.memory_space<semaphore_mem>>
      %dma_start3A = arith.constant 0 : i32
      %dma_start3A_18 = tpu.memref_slice %arg9[%mul3A_4, %dma_start3A] : memref<10240x128xf32, #tpu.memory_space<vmem_shared>> -> memref<640x128xf32, #tpu.memory_space<vmem_shared>>
      tpu.enqueue_dma source(%arg4 : memref<640x128xf32, #tpu.memory_space<hbm>>) target(%dma_start3A_18 : memref<640x128xf32, #tpu.memory_space<vmem_shared>>) target_semaphore(%run_scoped3A : memref<!tpu.dma_semaphore, #tpu.memory_space<semaphore_mem>>)
      %dma_wait3A = arith.constant 0 : i32
      %dma_wait3A_19 = tpu.memref_slice %arg9[%mul3A_4, %dma_wait3A] : memref<10240x128xf32, #tpu.memory_space<vmem_shared>> -> memref<640x128xf32, #tpu.memory_space<vmem_shared>>
      tpu.wait_dma2 semaphore(%run_scoped3A : memref<!tpu.dma_semaphore, #tpu.memory_space<semaphore_mem>>) src(%arg4 : memref<640x128xf32, #tpu.memory_space<hbm>>) dst(%dma_wait3A_19 : memref<640x128xf32, #tpu.memory_space<vmem_shared>>)
      tpu.yield
    }) : () -> ()
    %barrier3A = arith.constant 0 : index
    tpu.barrier barrier_id(%barrier3A)
    %scan3A = arith.constant 0 : i32
    %scan3A_5 = arith.constant 0 : i32
    %scan3A_6 = arith.constant 125 : i32
    %scan3A_7 = arith.addi %scan3A_5, %scan3A_6 : i32
    %scan3A_8 = arith.constant 1 : i32
    scf.for %scan3A_18 = %scan3A_5 to %scan3A_7 step %scan3A_8  : i32 {
      %mul3A_19 = arith.constant 80 : i32
      %mul3A_20 = arith.muli %scan3A_18, %mul3A_19 : i32
      %add3A_21 = arith.constant 0 : i32
      %add3A_22 = arith.addi %mul3A_20, %add3A_21 : i32
      %get3A = arith.index_cast %add3A_22 : i32 to index
      %get3A_23 = tpu.vector_load %arg6[%get3A] {strides = array<i32>} : memref<10000xi32, #tpu.memory_space<vmem>>, vector<16xi32>,
      %get3A_24 = vector.shape_cast %get3A_23 : vector<16xi32> to vector<16xi32>
      %swap3A = arith.constant 0 : index
      %swap3A_25 = tpu.vector_load %arg7[%swap3A] {strides = array<i32>} : memref<80xi32, #tpu.memory_space<vmem>>, vector<16xi32>,
      %swap3A_26 = vector.shape_cast %swap3A_25 : vector<16xi32> to vector<16xi32>
      %swap3A_27 = vector.shape_cast %get3A_24 : vector<16xi32> to vector<16xi32>
      tpu.vector_store %arg7[%swap3A], %swap3A_27 {strides = array<i32>} : memref<80xi32, #tpu.memory_space<vmem>>, vector<16xi32>,
      %mul3A_28 = arith.constant 80 : i32
      %mul3A_29 = arith.muli %scan3A_18, %mul3A_28 : i32
      %add3A_30 = arith.constant 16 : i32
      %add3A_31 = arith.addi %mul3A_29, %add3A_30 : i32
      %get3A_32 = arith.index_cast %add3A_31 : i32 to index
      %get3A_33 = tpu.vector_load %arg6[%get3A_32] {strides = array<i32>} : memref<10000xi32, #tpu.memory_space<vmem>>, vector<16xi32>,
      %get3A_34 = vector.shape_cast %get3A_33 : vector<16xi32> to vector<16xi32>
      %swap3A_35 = arith.constant 16 : index
      %swap3A_36 = tpu.vector_load %arg7[%swap3A_35] {strides = array<i32>} : memref<80xi32, #tpu.memory_space<vmem>>, vector<16xi32>,
      %swap3A_37 = vector.shape_cast %swap3A_36 : vector<16xi32> to vector<16xi32>
      %swap3A_38 = vector.shape_cast %get3A_34 : vector<16xi32> to vector<16xi32>
      tpu.vector_store %arg7[%swap3A_35], %swap3A_38 {strides = array<i32>} : memref<80xi32, #tpu.memory_space<vmem>>, vector<16xi32>,
      %mul3A_39 = arith.constant 80 : i32
      %mul3A_40 = arith.muli %scan3A_18, %mul3A_39 : i32
      %add3A_41 = arith.constant 32 : i32
      %add3A_42 = arith.addi %mul3A_40, %add3A_41 : i32
      %get3A_43 = arith.index_cast %add3A_42 : i32 to index
      %get3A_44 = tpu.vector_load %arg6[%get3A_43] {strides = array<i32>} : memref<10000xi32, #tpu.memory_space<vmem>>, vector<16xi32>,
      %get3A_45 = vector.shape_cast %get3A_44 : vector<16xi32> to vector<16xi32>
      %swap3A_46 = arith.constant 32 : index
      %swap3A_47 = tpu.vector_load %arg7[%swap3A_46] {strides = array<i32>} : memref<80xi32, #tpu.memory_space<vmem>>, vector<16xi32>,
      %swap3A_48 = vector.shape_cast %swap3A_47 : vector<16xi32> to vector<16xi32>
      %swap3A_49 = vector.shape_cast %get3A_45 : vector<16xi32> to vector<16xi32>
      tpu.vector_store %arg7[%swap3A_46], %swap3A_49 {strides = array<i32>} : memref<80xi32, #tpu.memory_space<vmem>>, vector<16xi32>,
      %mul3A_50 = arith.constant 80 : i32
      %mul3A_51 = arith.muli %scan3A_18, %mul3A_50 : i32
      %add3A_52 = arith.constant 48 : i32
      %add3A_53 = arith.addi %mul3A_51, %add3A_52 : i32
      %get3A_54 = arith.index_cast %add3A_53 : i32 to index
      %get3A_55 = tpu.vector_load %arg6[%get3A_54] {strides = array<i32>} : memref<10000xi32, #tpu.memory_space<vmem>>, vector<16xi32>,
      %get3A_56 = vector.shape_cast %get3A_55 : vector<16xi32> to vector<16xi32>
      %swap3A_57 = arith.constant 48 : index
      %swap3A_58 = tpu.vector_load %arg7[%swap3A_57] {strides = array<i32>} : memref<80xi32, #tpu.memory_space<vmem>>, vector<16xi32>,
      %swap3A_59 = vector.shape_cast %swap3A_58 : vector<16xi32> to vector<16xi32>
      %swap3A_60 = vector.shape_cast %get3A_56 : vector<16xi32> to vector<16xi32>
      tpu.vector_store %arg7[%swap3A_57], %swap3A_60 {strides = array<i32>} : memref<80xi32, #tpu.memory_space<vmem>>, vector<16xi32>,
      %mul3A_61 = arith.constant 80 : i32
      %mul3A_62 = arith.muli %scan3A_18, %mul3A_61 : i32
      %add3A_63 = arith.constant 64 : i32
      %add3A_64 = arith.addi %mul3A_62, %add3A_63 : i32
      %get3A_65 = arith.index_cast %add3A_64 : i32 to index
      %get3A_66 = tpu.vector_load %arg6[%get3A_65] {strides = array<i32>} : memref<10000xi32, #tpu.memory_space<vmem>>, vector<16xi32>,
      %get3A_67 = vector.shape_cast %get3A_66 : vector<16xi32> to vector<16xi32>
      %swap3A_68 = arith.constant 64 : index
      %swap3A_69 = tpu.vector_load %arg7[%swap3A_68] {strides = array<i32>} : memref<80xi32, #tpu.memory_space<vmem>>, vector<16xi32>,
      %swap3A_70 = vector.shape_cast %swap3A_69 : vector<16xi32> to vector<16xi32>
      %swap3A_71 = vector.shape_cast %get3A_67 : vector<16xi32> to vector<16xi32>
      tpu.vector_store %arg7[%swap3A_68], %swap3A_71 {strides = array<i32>} : memref<80xi32, #tpu.memory_space<vmem>>, vector<16xi32>,
      "tpu.region"() ({
        %run_scoped3A = tpu.sem_alloc : memref<!tpu.dma_semaphore, #tpu.memory_space<semaphore_mem>>
        %dma_start3A = arith.constant 0 : i32
        %dma_start3A_72 = arith.constant 0 : i32
        %dma_start3A_73 = tpu.memref_slice %arg9[%dma_start3A, %dma_start3A_72] : memref<10240x128xf32, #tpu.memory_space<vmem_shared>> -> memref<10240x128xf32, #tpu.memory_space<vmem_shared>>
        tpu.enqueue_indirect_dma source(%arg8 : memref<80x128xf32, #tpu.memory_space<vmem>>) target(%dma_start3A_73 : memref<10240x128xf32, #tpu.memory_space<vmem_shared>>) offsets(%arg7 : memref<80xi32, #tpu.memory_space<vmem>>) semaphore(%run_scoped3A : memref<!tpu.dma_semaphore, #tpu.memory_space<semaphore_mem>>) {add = true}
        %dma_wait3A = arith.constant 0 : i32
        %dma_wait3A_74 = arith.constant 0 : i32
        %dma_wait3A_75 = tpu.memref_slice %arg9[%dma_wait3A, %dma_wait3A_74] : memref<10240x128xf32, #tpu.memory_space<vmem_shared>> -> memref<10240x128xf32, #tpu.memory_space<vmem_shared>>
        tpu.wait_indirect_dma semaphore(%run_scoped3A : memref<!tpu.dma_semaphore, #tpu.memory_space<semaphore_mem>>) src(%arg8 : memref<80x128xf32, #tpu.memory_space<vmem>>) dst(%dma_wait3A_75 : memref<10240x128xf32, #tpu.memory_space<vmem_shared>>)
        tpu.yield
      }) : () -> ()
    }
    %scan3A_9 = arith.constant 125 : i32
    %barrier3A_10 = arith.constant 0 : index
    tpu.barrier barrier_id(%barrier3A_10)
    %mul3A_11 = arith.constant 640 : i32
    %mul3A_12 = arith.muli %arg1, %mul3A_11 : i32
    %mul3A_13 = arith.constant 10240 : i32
    %mul3A_14 = arith.muli %arg0, %mul3A_13 : i32
    %mul3A_15 = arith.constant 640 : i32
    %mul3A_16 = arith.muli %arg1, %mul3A_15 : i32
    %add3A_17 = arith.addi %mul3A_14, %mul3A_16 : i32
    "tpu.region"() ({
      %run_scoped3A = tpu.sem_alloc : memref<!tpu.dma_semaphore, #tpu.memory_space<semaphore_mem>>
      %dma_start3A = arith.constant 0 : i32
      %dma_start3A_18 = tpu.memref_slice %arg5[%add3A_17, %dma_start3A] : memref<20480x128xf32, #tpu.memory_space<hbm>> -> memref<640x128xf32, #tpu.memory_space<hbm>>
      %dma_start3A_19 = arith.constant 0 : i32
      %dma_start3A_20 = tpu.memref_slice %arg9[%mul3A_12, %dma_start3A_19] : memref<10240x128xf32, #tpu.memory_space<vmem_shared>> -> memref<640x128xf32, #tpu.memory_space<vmem_shared>>
      tpu.enqueue_dma source(%dma_start3A_20 : memref<640x128xf32, #tpu.memory_space<vmem_shared>>) target(%dma_start3A_18 : memref<640x128xf32, #tpu.memory_space<hbm>>) target_semaphore(%run_scoped3A : memref<!tpu.dma_semaphore, #tpu.memory_space<semaphore_mem>>)
      %dma_wait3A = arith.constant 0 : i32
      %dma_wait3A_21 = tpu.memref_slice %arg5[%add3A_17, %dma_wait3A] : memref<20480x128xf32, #tpu.memory_space<hbm>> -> memref<640x128xf32, #tpu.memory_space<hbm>>
      %dma_wait3A_22 = arith.constant 0 : i32
      %dma_wait3A_23 = tpu.memref_slice %arg9[%mul3A_12, %dma_wait3A_22] : memref<10240x128xf32, #tpu.memory_space<vmem_shared>> -> memref<640x128xf32, #tpu.memory_space<vmem_shared>>
      tpu.wait_dma2 semaphore(%run_scoped3A : memref<!tpu.dma_semaphore, #tpu.memory_space<semaphore_mem>>) src(%dma_wait3A_23 : memref<640x128xf32, #tpu.memory_space<vmem_shared>>) dst(%dma_wait3A_21 : memref<640x128xf32, #tpu.memory_space<hbm>>)
      tpu.yield
    }) : () -> ()
    return
  }
}

module attributes {stable_mosaic.version = 14 : i64} {
  func.func @_proj_body(%arg0: i32, %arg1: memref<12x1000x128xf32, #tpu.memory_space<vmem>>, %arg2: memref<1000x1xf32, #tpu.memory_space<vmem>>, %arg3: memref<128x32xf32, #tpu.memory_space<vmem>>, %arg4: memref<128x32xf32, #tpu.memory_space<vmem>>, %arg5: memref<64x32xf32, #tpu.memory_space<vmem>>, %arg6: memref<64x32xf32, #tpu.memory_space<vmem>>, %arg7: memref<6x1000x128xf32, #tpu.memory_space<vmem>>) attributes {dimension_semantics = [#tpu.dimension_semantics<arbitrary>], iteration_bounds = array<i64: 10>, scalar_prefetch = 0 : i64, scratch_operands = 0 : i64, tpu.core_type = #tpu.core_type<tc>, window_params = [{transform_indices = @transform_0, window_bounds = array<i64: 12, 1000, 128>}, {transform_indices = @transform_1, window_bounds = array<i64: 1000, 1>}, {pipeline_mode = #tpu.pipeline_mode<synchronous>, transform_indices = @transform_2, window_bounds = array<i64: 128, 32>}, {pipeline_mode = #tpu.pipeline_mode<synchronous>, transform_indices = @transform_3, window_bounds = array<i64: 128, 32>}, {pipeline_mode = #tpu.pipeline_mode<synchronous>, transform_indices = @transform_4, window_bounds = array<i64: 64, 32>}, {pipeline_mode = #tpu.pipeline_mode<synchronous>, transform_indices = @transform_5, window_bounds = array<i64: 64, 32>}, {transform_indices = @transform_6, window_bounds = array<i64: 6, 1000, 128>}]} {
    %get3A = arith.constant 0 : index
    %get3A_0 = arith.constant 0 : index
    %get3A_1 = vector.load %arg3[%get3A, %get3A_0] : memref<128x32xf32, #tpu.memory_space<vmem>>, vector<128x32xf32>
    %get3A_2 = arith.constant 0 : index
    %get3A_3 = arith.constant 0 : index
    %get3A_4 = vector.load %arg5[%get3A_2, %get3A_3] : memref<64x32xf32, #tpu.memory_space<vmem>>, vector<32x32xf32>
    %dot_general3A = arith.constant dense<0.000000e+00> : vector<128x32xf32>
    %dot_general3A_5 = tpu.matmul %get3A_1, %get3A_4, %dot_general3A {dimension_numbers = #tpu.dot_dimension_numbers<[1], [0], [0], [1], [0, 0, 1, 1], [], []>, transpose_lhs_hint = false} : vector<128x32xf32>, vector<32x32xf32>, vector<128x32xf32> -> vector<128x32xf32>
    %get3A_6 = arith.constant 0 : index
    %get3A_7 = arith.constant 0 : index
    %get3A_8 = vector.load %arg4[%get3A_6, %get3A_7] : memref<128x32xf32, #tpu.memory_space<vmem>>, vector<128x32xf32>
    %get3A_9 = arith.constant 0 : index
    %get3A_10 = arith.constant 0 : index
    %get3A_11 = vector.load %arg6[%get3A_9, %get3A_10] : memref<64x32xf32, #tpu.memory_space<vmem>>, vector<32x32xf32>
    %dot_general3A_12 = arith.constant dense<0.000000e+00> : vector<128x32xf32>
    %dot_general3A_13 = tpu.matmul %get3A_8, %get3A_11, %dot_general3A_12 {dimension_numbers = #tpu.dot_dimension_numbers<[1], [0], [0], [1], [0, 0, 1, 1], [], []>, transpose_lhs_hint = false} : vector<128x32xf32>, vector<32x32xf32>, vector<128x32xf32> -> vector<128x32xf32>
    %get3A_14 = arith.constant 0 : index
    %get3A_15 = arith.constant 0 : index
    %get3A_16 = vector.load %arg2[%get3A_14, %get3A_15] : memref<1000x1xf32, #tpu.memory_space<vmem>>, vector<1000x1xf32>
    %get3A_17 = arith.constant 0 : index
    %get3A_18 = arith.constant 0 : index
    %get3A_19 = arith.constant 0 : index
    %get3A_20 = vector.load %arg1[%get3A_17, %get3A_18, %get3A_19] : memref<12x1000x128xf32, #tpu.memory_space<vmem>>, vector<1x1000x128xf32>
    %get3A_21 = vector.shape_cast %get3A_20 : vector<1x1000x128xf32> to vector<1000x128xf32>
    %dot_general3A_22 = arith.constant dense<0.000000e+00> : vector<1000x32xf32>
    %dot_general3A_23 = tpu.matmul %get3A_21, %dot_general3A_5, %dot_general3A_22 {dimension_numbers = #tpu.dot_dimension_numbers<[1], [0], [0], [1], [0, 0, 1, 1], [], []>, transpose_lhs_hint = false} : vector<1000x128xf32>, vector<128x32xf32>, vector<1000x32xf32> -> vector<1000x32xf32>
    %get3A_24 = arith.constant 1 : index
    %get3A_25 = arith.constant 0 : index
    %get3A_26 = arith.constant 0 : index
    %get3A_27 = vector.load %arg1[%get3A_24, %get3A_25, %get3A_26] : memref<12x1000x128xf32, #tpu.memory_space<vmem>>, vector<1x1000x128xf32>
    %get3A_28 = vector.shape_cast %get3A_27 : vector<1x1000x128xf32> to vector<1000x128xf32>
    %dot_general3A_29 = arith.constant dense<0.000000e+00> : vector<1000x32xf32>
    %dot_general3A_30 = tpu.matmul %get3A_28, %dot_general3A_5, %dot_general3A_29 {dimension_numbers = #tpu.dot_dimension_numbers<[1], [0], [0], [1], [0, 0, 1, 1], [], []>, transpose_lhs_hint = false} : vector<1000x128xf32>, vector<128x32xf32>, vector<1000x32xf32> -> vector<1000x32xf32>
    %get3A_31 = arith.constant 2 : index
    %get3A_32 = arith.constant 0 : index
    %get3A_33 = arith.constant 0 : index
    %get3A_34 = vector.load %arg1[%get3A_31, %get3A_32, %get3A_33] : memref<12x1000x128xf32, #tpu.memory_space<vmem>>, vector<1x1000x128xf32>
    %get3A_35 = vector.shape_cast %get3A_34 : vector<1x1000x128xf32> to vector<1000x128xf32>
    %dot_general3A_36 = arith.constant dense<0.000000e+00> : vector<1000x32xf32>
    %dot_general3A_37 = tpu.matmul %get3A_35, %dot_general3A_5, %dot_general3A_36 {dimension_numbers = #tpu.dot_dimension_numbers<[1], [0], [0], [1], [0, 0, 1, 1], [], []>, transpose_lhs_hint = false} : vector<1000x128xf32>, vector<128x32xf32>, vector<1000x32xf32> -> vector<1000x32xf32>
    %get3A_38 = arith.constant 3 : index
    %get3A_39 = arith.constant 0 : index
    %get3A_40 = arith.constant 0 : index
    %get3A_41 = vector.load %arg1[%get3A_38, %get3A_39, %get3A_40] : memref<12x1000x128xf32, #tpu.memory_space<vmem>>, vector<1x1000x128xf32>
    %get3A_42 = vector.shape_cast %get3A_41 : vector<1x1000x128xf32> to vector<1000x128xf32>
    %dot_general3A_43 = arith.constant dense<0.000000e+00> : vector<1000x32xf32>
    %dot_general3A_44 = tpu.matmul %get3A_42, %dot_general3A_5, %dot_general3A_43 {dimension_numbers = #tpu.dot_dimension_numbers<[1], [0], [0], [1], [0, 0, 1, 1], [], []>, transpose_lhs_hint = false} : vector<1000x128xf32>, vector<128x32xf32>, vector<1000x32xf32> -> vector<1000x32xf32>
    %get3A_45 = arith.constant 4 : index
    %get3A_46 = arith.constant 0 : index
    %get3A_47 = arith.constant 0 : index
    %get3A_48 = vector.load %arg1[%get3A_45, %get3A_46, %get3A_47] : memref<12x1000x128xf32, #tpu.memory_space<vmem>>, vector<1x1000x128xf32>
    %get3A_49 = vector.shape_cast %get3A_48 : vector<1x1000x128xf32> to vector<1000x128xf32>
    %dot_general3A_50 = arith.constant dense<0.000000e+00> : vector<1000x32xf32>
    %dot_general3A_51 = tpu.matmul %get3A_49, %dot_general3A_5, %dot_general3A_50 {dimension_numbers = #tpu.dot_dimension_numbers<[1], [0], [0], [1], [0, 0, 1, 1], [], []>, transpose_lhs_hint = false} : vector<1000x128xf32>, vector<128x32xf32>, vector<1000x32xf32> -> vector<1000x32xf32>
    %get3A_52 = arith.constant 5 : index
    %get3A_53 = arith.constant 0 : index
    %get3A_54 = arith.constant 0 : index
    %get3A_55 = vector.load %arg1[%get3A_52, %get3A_53, %get3A_54] : memref<12x1000x128xf32, #tpu.memory_space<vmem>>, vector<1x1000x128xf32>
    %get3A_56 = vector.shape_cast %get3A_55 : vector<1x1000x128xf32> to vector<1000x128xf32>
    %dot_general3A_57 = arith.constant dense<0.000000e+00> : vector<1000x32xf32>
    %dot_general3A_58 = tpu.matmul %get3A_56, %dot_general3A_5, %dot_general3A_57 {dimension_numbers = #tpu.dot_dimension_numbers<[1], [0], [0], [1], [0, 0, 1, 1], [], []>, transpose_lhs_hint = false} : vector<1000x128xf32>, vector<128x32xf32>, vector<1000x32xf32> -> vector<1000x32xf32>
    %get3A_59 = arith.constant 6 : index
    %get3A_60 = arith.constant 0 : index
    %get3A_61 = arith.constant 0 : index
    %get3A_62 = vector.load %arg1[%get3A_59, %get3A_60, %get3A_61] : memref<12x1000x128xf32, #tpu.memory_space<vmem>>, vector<1x1000x128xf32>
    %get3A_63 = vector.shape_cast %get3A_62 : vector<1x1000x128xf32> to vector<1000x128xf32>
    %dot_general3A_64 = arith.constant dense<0.000000e+00> : vector<1000x32xf32>
    %dot_general3A_65 = tpu.matmul %get3A_63, %dot_general3A_5, %dot_general3A_64 {dimension_numbers = #tpu.dot_dimension_numbers<[1], [0], [0], [1], [0, 0, 1, 1], [], []>, transpose_lhs_hint = false} : vector<1000x128xf32>, vector<128x32xf32>, vector<1000x32xf32> -> vector<1000x32xf32>
    %get3A_66 = arith.constant 7 : index
    %get3A_67 = arith.constant 0 : index
    %get3A_68 = arith.constant 0 : index
    %get3A_69 = vector.load %arg1[%get3A_66, %get3A_67, %get3A_68] : memref<12x1000x128xf32, #tpu.memory_space<vmem>>, vector<1x1000x128xf32>
    %get3A_70 = vector.shape_cast %get3A_69 : vector<1x1000x128xf32> to vector<1000x128xf32>
    %dot_general3A_71 = arith.constant dense<0.000000e+00> : vector<1000x32xf32>
    %dot_general3A_72 = tpu.matmul %get3A_70, %dot_general3A_5, %dot_general3A_71 {dimension_numbers = #tpu.dot_dimension_numbers<[1], [0], [0], [1], [0, 0, 1, 1], [], []>, transpose_lhs_hint = false} : vector<1000x128xf32>, vector<128x32xf32>, vector<1000x32xf32> -> vector<1000x32xf32>
    %get3A_73 = arith.constant 8 : index
    %get3A_74 = arith.constant 0 : index
    %get3A_75 = arith.constant 0 : index
    %get3A_76 = vector.load %arg1[%get3A_73, %get3A_74, %get3A_75] : memref<12x1000x128xf32, #tpu.memory_space<vmem>>, vector<1x1000x128xf32>
    %get3A_77 = vector.shape_cast %get3A_76 : vector<1x1000x128xf32> to vector<1000x128xf32>
    %dot_general3A_78 = arith.constant dense<0.000000e+00> : vector<1000x32xf32>
    %dot_general3A_79 = tpu.matmul %get3A_77, %dot_general3A_5, %dot_general3A_78 {dimension_numbers = #tpu.dot_dimension_numbers<[1], [0], [0], [1], [0, 0, 1, 1], [], []>, transpose_lhs_hint = false} : vector<1000x128xf32>, vector<128x32xf32>, vector<1000x32xf32> -> vector<1000x32xf32>
    %get3A_80 = arith.constant 9 : index
    %get3A_81 = arith.constant 0 : index
    %get3A_82 = arith.constant 0 : index
    %get3A_83 = vector.load %arg1[%get3A_80, %get3A_81, %get3A_82] : memref<12x1000x128xf32, #tpu.memory_space<vmem>>, vector<1x1000x128xf32>
    %get3A_84 = vector.shape_cast %get3A_83 : vector<1x1000x128xf32> to vector<1000x128xf32>
    %dot_general3A_85 = arith.constant dense<0.000000e+00> : vector<1000x32xf32>
    %dot_general3A_86 = tpu.matmul %get3A_84, %dot_general3A_5, %dot_general3A_85 {dimension_numbers = #tpu.dot_dimension_numbers<[1], [0], [0], [1], [0, 0, 1, 1], [], []>, transpose_lhs_hint = false} : vector<1000x128xf32>, vector<128x32xf32>, vector<1000x32xf32> -> vector<1000x32xf32>
    %get3A_87 = arith.constant 10 : index
    %get3A_88 = arith.constant 0 : index
    %get3A_89 = arith.constant 0 : index
    %get3A_90 = vector.load %arg1[%get3A_87, %get3A_88, %get3A_89] : memref<12x1000x128xf32, #tpu.memory_space<vmem>>, vector<1x1000x128xf32>
    %get3A_91 = vector.shape_cast %get3A_90 : vector<1x1000x128xf32> to vector<1000x128xf32>
    %dot_general3A_92 = arith.constant dense<0.000000e+00> : vector<1000x32xf32>
    %dot_general3A_93 = tpu.matmul %get3A_91, %dot_general3A_5, %dot_general3A_92 {dimension_numbers = #tpu.dot_dimension_numbers<[1], [0], [0], [1], [0, 0, 1, 1], [], []>, transpose_lhs_hint = false} : vector<1000x128xf32>, vector<128x32xf32>, vector<1000x32xf32> -> vector<1000x32xf32>
    %get3A_94 = arith.constant 11 : index
    %get3A_95 = arith.constant 0 : index
    %get3A_96 = arith.constant 0 : index
    %get3A_97 = vector.load %arg1[%get3A_94, %get3A_95, %get3A_96] : memref<12x1000x128xf32, #tpu.memory_space<vmem>>, vector<1x1000x128xf32>
    %get3A_98 = vector.shape_cast %get3A_97 : vector<1x1000x128xf32> to vector<1000x128xf32>
    %dot_general3A_99 = arith.constant dense<0.000000e+00> : vector<1000x32xf32>
    %dot_general3A_100 = tpu.matmul %get3A_98, %dot_general3A_5, %dot_general3A_99 {dimension_numbers = #tpu.dot_dimension_numbers<[1], [0], [0], [1], [0, 0, 1, 1], [], []>, transpose_lhs_hint = false} : vector<1000x128xf32>, vector<128x32xf32>, vector<1000x32xf32> -> vector<1000x32xf32>
    %get3A_101 = arith.constant 0 : index
    %get3A_102 = arith.constant 0 : index
    %get3A_103 = arith.constant 0 : index
    %get3A_104 = vector.load %arg1[%get3A_101, %get3A_102, %get3A_103] : memref<12x1000x128xf32, #tpu.memory_space<vmem>>, vector<1x1000x128xf32>
    %get3A_105 = vector.shape_cast %get3A_104 : vector<1x1000x128xf32> to vector<1000x128xf32>
    %dot_general3A_106 = arith.constant dense<0.000000e+00> : vector<1000x32xf32>
    %dot_general3A_107 = tpu.matmul %get3A_105, %dot_general3A_13, %dot_general3A_106 {dimension_numbers = #tpu.dot_dimension_numbers<[1], [0], [0], [1], [0, 0, 1, 1], [], []>, transpose_lhs_hint = false} : vector<1000x128xf32>, vector<128x32xf32>, vector<1000x32xf32> -> vector<1000x32xf32>
    %get3A_108 = arith.constant 1 : index
    %get3A_109 = arith.constant 0 : index
    %get3A_110 = arith.constant 0 : index
    %get3A_111 = vector.load %arg1[%get3A_108, %get3A_109, %get3A_110] : memref<12x1000x128xf32, #tpu.memory_space<vmem>>, vector<1x1000x128xf32>
    %get3A_112 = vector.shape_cast %get3A_111 : vector<1x1000x128xf32> to vector<1000x128xf32>
    %dot_general3A_113 = arith.constant dense<0.000000e+00> : vector<1000x32xf32>
    %dot_general3A_114 = tpu.matmul %get3A_112, %dot_general3A_13, %dot_general3A_113 {dimension_numbers = #tpu.dot_dimension_numbers<[1], [0], [0], [1], [0, 0, 1, 1], [], []>, transpose_lhs_hint = false} : vector<1000x128xf32>, vector<128x32xf32>, vector<1000x32xf32> -> vector<1000x32xf32>
    %get3A_115 = arith.constant 2 : index
    %get3A_116 = arith.constant 0 : index
    %get3A_117 = arith.constant 0 : index
    %get3A_118 = vector.load %arg1[%get3A_115, %get3A_116, %get3A_117] : memref<12x1000x128xf32, #tpu.memory_space<vmem>>, vector<1x1000x128xf32>
    %get3A_119 = vector.shape_cast %get3A_118 : vector<1x1000x128xf32> to vector<1000x128xf32>
    %dot_general3A_120 = arith.constant dense<0.000000e+00> : vector<1000x32xf32>
    %dot_general3A_121 = tpu.matmul %get3A_119, %dot_general3A_13, %dot_general3A_120 {dimension_numbers = #tpu.dot_dimension_numbers<[1], [0], [0], [1], [0, 0, 1, 1], [], []>, transpose_lhs_hint = false} : vector<1000x128xf32>, vector<128x32xf32>, vector<1000x32xf32> -> vector<1000x32xf32>
    %get3A_122 = arith.constant 3 : index
    %get3A_123 = arith.constant 0 : index
    %get3A_124 = arith.constant 0 : index
    %get3A_125 = vector.load %arg1[%get3A_122, %get3A_123, %get3A_124] : memref<12x1000x128xf32, #tpu.memory_space<vmem>>, vector<1x1000x128xf32>
    %get3A_126 = vector.shape_cast %get3A_125 : vector<1x1000x128xf32> to vector<1000x128xf32>
    %dot_general3A_127 = arith.constant dense<0.000000e+00> : vector<1000x32xf32>
    %dot_general3A_128 = tpu.matmul %get3A_126, %dot_general3A_13, %dot_general3A_127 {dimension_numbers = #tpu.dot_dimension_numbers<[1], [0], [0], [1], [0, 0, 1, 1], [], []>, transpose_lhs_hint = false} : vector<1000x128xf32>, vector<128x32xf32>, vector<1000x32xf32> -> vector<1000x32xf32>
    %get3A_129 = arith.constant 4 : index
    %get3A_130 = arith.constant 0 : index
    %get3A_131 = arith.constant 0 : index
    %get3A_132 = vector.load %arg1[%get3A_129, %get3A_130, %get3A_131] : memref<12x1000x128xf32, #tpu.memory_space<vmem>>, vector<1x1000x128xf32>
    %get3A_133 = vector.shape_cast %get3A_132 : vector<1x1000x128xf32> to vector<1000x128xf32>
    %dot_general3A_134 = arith.constant dense<0.000000e+00> : vector<1000x32xf32>
    %dot_general3A_135 = tpu.matmul %get3A_133, %dot_general3A_13, %dot_general3A_134 {dimension_numbers = #tpu.dot_dimension_numbers<[1], [0], [0], [1], [0, 0, 1, 1], [], []>, transpose_lhs_hint = false} : vector<1000x128xf32>, vector<128x32xf32>, vector<1000x32xf32> -> vector<1000x32xf32>
    %get3A_136 = arith.constant 5 : index
    %get3A_137 = arith.constant 0 : index
    %get3A_138 = arith.constant 0 : index
    %get3A_139 = vector.load %arg1[%get3A_136, %get3A_137, %get3A_138] : memref<12x1000x128xf32, #tpu.memory_space<vmem>>, vector<1x1000x128xf32>
    %get3A_140 = vector.shape_cast %get3A_139 : vector<1x1000x128xf32> to vector<1000x128xf32>
    %dot_general3A_141 = arith.constant dense<0.000000e+00> : vector<1000x32xf32>
    %dot_general3A_142 = tpu.matmul %get3A_140, %dot_general3A_13, %dot_general3A_141 {dimension_numbers = #tpu.dot_dimension_numbers<[1], [0], [0], [1], [0, 0, 1, 1], [], []>, transpose_lhs_hint = false} : vector<1000x128xf32>, vector<128x32xf32>, vector<1000x32xf32> -> vector<1000x32xf32>
    %get3A_143 = arith.constant 6 : index
    %get3A_144 = arith.constant 0 : index
    %get3A_145 = arith.constant 0 : index
    %get3A_146 = vector.load %arg1[%get3A_143, %get3A_144, %get3A_145] : memref<12x1000x128xf32, #tpu.memory_space<vmem>>, vector<1x1000x128xf32>
    %get3A_147 = vector.shape_cast %get3A_146 : vector<1x1000x128xf32> to vector<1000x128xf32>
    %dot_general3A_148 = arith.constant dense<0.000000e+00> : vector<1000x32xf32>
    %dot_general3A_149 = tpu.matmul %get3A_147, %dot_general3A_13, %dot_general3A_148 {dimension_numbers = #tpu.dot_dimension_numbers<[1], [0], [0], [1], [0, 0, 1, 1], [], []>, transpose_lhs_hint = false} : vector<1000x128xf32>, vector<128x32xf32>, vector<1000x32xf32> -> vector<1000x32xf32>
    %get3A_150 = arith.constant 7 : index
    %get3A_151 = arith.constant 0 : index
    %get3A_152 = arith.constant 0 : index
    %get3A_153 = vector.load %arg1[%get3A_150, %get3A_151, %get3A_152] : memref<12x1000x128xf32, #tpu.memory_space<vmem>>, vector<1x1000x128xf32>
    %get3A_154 = vector.shape_cast %get3A_153 : vector<1x1000x128xf32> to vector<1000x128xf32>
    %dot_general3A_155 = arith.constant dense<0.000000e+00> : vector<1000x32xf32>
    %dot_general3A_156 = tpu.matmul %get3A_154, %dot_general3A_13, %dot_general3A_155 {dimension_numbers = #tpu.dot_dimension_numbers<[1], [0], [0], [1], [0, 0, 1, 1], [], []>, transpose_lhs_hint = false} : vector<1000x128xf32>, vector<128x32xf32>, vector<1000x32xf32> -> vector<1000x32xf32>
    %get3A_157 = arith.constant 8 : index
    %get3A_158 = arith.constant 0 : index
    %get3A_159 = arith.constant 0 : index
    %get3A_160 = vector.load %arg1[%get3A_157, %get3A_158, %get3A_159] : memref<12x1000x128xf32, #tpu.memory_space<vmem>>, vector<1x1000x128xf32>
    %get3A_161 = vector.shape_cast %get3A_160 : vector<1x1000x128xf32> to vector<1000x128xf32>
    %dot_general3A_162 = arith.constant dense<0.000000e+00> : vector<1000x32xf32>
    %dot_general3A_163 = tpu.matmul %get3A_161, %dot_general3A_13, %dot_general3A_162 {dimension_numbers = #tpu.dot_dimension_numbers<[1], [0], [0], [1], [0, 0, 1, 1], [], []>, transpose_lhs_hint = false} : vector<1000x128xf32>, vector<128x32xf32>, vector<1000x32xf32> -> vector<1000x32xf32>
    %get3A_164 = arith.constant 9 : index
    %get3A_165 = arith.constant 0 : index
    %get3A_166 = arith.constant 0 : index
    %get3A_167 = vector.load %arg1[%get3A_164, %get3A_165, %get3A_166] : memref<12x1000x128xf32, #tpu.memory_space<vmem>>, vector<1x1000x128xf32>
    %get3A_168 = vector.shape_cast %get3A_167 : vector<1x1000x128xf32> to vector<1000x128xf32>
    %dot_general3A_169 = arith.constant dense<0.000000e+00> : vector<1000x32xf32>
    %dot_general3A_170 = tpu.matmul %get3A_168, %dot_general3A_13, %dot_general3A_169 {dimension_numbers = #tpu.dot_dimension_numbers<[1], [0], [0], [1], [0, 0, 1, 1], [], []>, transpose_lhs_hint = false} : vector<1000x128xf32>, vector<128x32xf32>, vector<1000x32xf32> -> vector<1000x32xf32>
    %get3A_171 = arith.constant 10 : index
    %get3A_172 = arith.constant 0 : index
    %get3A_173 = arith.constant 0 : index
    %get3A_174 = vector.load %arg1[%get3A_171, %get3A_172, %get3A_173] : memref<12x1000x128xf32, #tpu.memory_space<vmem>>, vector<1x1000x128xf32>
    %get3A_175 = vector.shape_cast %get3A_174 : vector<1x1000x128xf32> to vector<1000x128xf32>
    %dot_general3A_176 = arith.constant dense<0.000000e+00> : vector<1000x32xf32>
    %dot_general3A_177 = tpu.matmul %get3A_175, %dot_general3A_13, %dot_general3A_176 {dimension_numbers = #tpu.dot_dimension_numbers<[1], [0], [0], [1], [0, 0, 1, 1], [], []>, transpose_lhs_hint = false} : vector<1000x128xf32>, vector<128x32xf32>, vector<1000x32xf32> -> vector<1000x32xf32>
    %get3A_178 = arith.constant 11 : index
    %get3A_179 = arith.constant 0 : index
    %get3A_180 = arith.constant 0 : index
    %get3A_181 = vector.load %arg1[%get3A_178, %get3A_179, %get3A_180] : memref<12x1000x128xf32, #tpu.memory_space<vmem>>, vector<1x1000x128xf32>
    %get3A_182 = vector.shape_cast %get3A_181 : vector<1x1000x128xf32> to vector<1000x128xf32>
    %dot_general3A_183 = arith.constant dense<0.000000e+00> : vector<1000x32xf32>
    %dot_general3A_184 = tpu.matmul %get3A_182, %dot_general3A_13, %dot_general3A_183 {dimension_numbers = #tpu.dot_dimension_numbers<[1], [0], [0], [1], [0, 0, 1, 1], [], []>, transpose_lhs_hint = false} : vector<1000x128xf32>, vector<128x32xf32>, vector<1000x32xf32> -> vector<1000x32xf32>
    %concatenate3A = tpu.concatenate %dot_general3A_23, %dot_general3A_30, %dot_general3A_37, %dot_general3A_44 in 1 : vector<1000x32xf32>, vector<1000x32xf32>, vector<1000x32xf32>, vector<1000x32xf32> -> vector<1000x128xf32>
    %mul3A = vector.broadcast %get3A_16 : vector<1000x1xf32> to vector<1000x128xf32>
    %mul3A_185 = arith.mulf %mul3A, %concatenate3A : vector<1000x128xf32>
    %swap3A = arith.constant 0 : index
    %swap3A_186 = arith.constant 0 : index
    %swap3A_187 = arith.constant 0 : index
    %swap3A_188 = vector.load %arg7[%swap3A, %swap3A_186, %swap3A_187] : memref<6x1000x128xf32, #tpu.memory_space<vmem>>, vector<1x1000x128xf32>
    %swap3A_189 = vector.shape_cast %swap3A_188 : vector<1x1000x128xf32> to vector<1000x128xf32>
    %swap3A_190 = vector.shape_cast %mul3A_185 : vector<1000x128xf32> to vector<1x1000x128xf32>
    tpu.vector_store %arg7[%swap3A, %swap3A_186, %swap3A_187], %swap3A_190 {strides = array<i32>} : memref<6x1000x128xf32, #tpu.memory_space<vmem>>, vector<1x1000x128xf32>,
    %concatenate3A_191 = tpu.concatenate %dot_general3A_107, %dot_general3A_114, %dot_general3A_121, %dot_general3A_128 in 1 : vector<1000x32xf32>, vector<1000x32xf32>, vector<1000x32xf32>, vector<1000x32xf32> -> vector<1000x128xf32>
    %mul3A_192 = vector.broadcast %get3A_16 : vector<1000x1xf32> to vector<1000x128xf32>
    %mul3A_193 = arith.mulf %mul3A_192, %concatenate3A_191 : vector<1000x128xf32>
    %swap3A_194 = arith.constant 3 : index
    %swap3A_195 = arith.constant 0 : index
    %swap3A_196 = arith.constant 0 : index
    %swap3A_197 = vector.load %arg7[%swap3A_194, %swap3A_195, %swap3A_196] : memref<6x1000x128xf32, #tpu.memory_space<vmem>>, vector<1x1000x128xf32>
    %swap3A_198 = vector.shape_cast %swap3A_197 : vector<1x1000x128xf32> to vector<1000x128xf32>
    %swap3A_199 = vector.shape_cast %mul3A_193 : vector<1000x128xf32> to vector<1x1000x128xf32>
    tpu.vector_store %arg7[%swap3A_194, %swap3A_195, %swap3A_196], %swap3A_199 {strides = array<i32>} : memref<6x1000x128xf32, #tpu.memory_space<vmem>>, vector<1x1000x128xf32>,
    %concatenate3A_200 = tpu.concatenate %dot_general3A_51, %dot_general3A_58, %dot_general3A_65, %dot_general3A_72 in 1 : vector<1000x32xf32>, vector<1000x32xf32>, vector<1000x32xf32>, vector<1000x32xf32> -> vector<1000x128xf32>
    %mul3A_201 = vector.broadcast %get3A_16 : vector<1000x1xf32> to vector<1000x128xf32>
    %mul3A_202 = arith.mulf %mul3A_201, %concatenate3A_200 : vector<1000x128xf32>
    %swap3A_203 = arith.constant 1 : index
    %swap3A_204 = arith.constant 0 : index
    %swap3A_205 = arith.constant 0 : index
    %swap3A_206 = vector.load %arg7[%swap3A_203, %swap3A_204, %swap3A_205] : memref<6x1000x128xf32, #tpu.memory_space<vmem>>, vector<1x1000x128xf32>
    %swap3A_207 = vector.shape_cast %swap3A_206 : vector<1x1000x128xf32> to vector<1000x128xf32>
    %swap3A_208 = vector.shape_cast %mul3A_202 : vector<1000x128xf32> to vector<1x1000x128xf32>
    tpu.vector_store %arg7[%swap3A_203, %swap3A_204, %swap3A_205], %swap3A_208 {strides = array<i32>} : memref<6x1000x128xf32, #tpu.memory_space<vmem>>, vector<1x1000x128xf32>,
    %concatenate3A_209 = tpu.concatenate %dot_general3A_135, %dot_general3A_142, %dot_general3A_149, %dot_general3A_156 in 1 : vector<1000x32xf32>, vector<1000x32xf32>, vector<1000x32xf32>, vector<1000x32xf32> -> vector<1000x128xf32>
    %mul3A_210 = vector.broadcast %get3A_16 : vector<1000x1xf32> to vector<1000x128xf32>
    %mul3A_211 = arith.mulf %mul3A_210, %concatenate3A_209 : vector<1000x128xf32>
    %swap3A_212 = arith.constant 4 : index
    %swap3A_213 = arith.constant 0 : index
    %swap3A_214 = arith.constant 0 : index
    %swap3A_215 = vector.load %arg7[%swap3A_212, %swap3A_213, %swap3A_214] : memref<6x1000x128xf32, #tpu.memory_space<vmem>>, vector<1x1000x128xf32>
    %swap3A_216 = vector.shape_cast %swap3A_215 : vector<1x1000x128xf32> to vector<1000x128xf32>
    %swap3A_217 = vector.shape_cast %mul3A_211 : vector<1000x128xf32> to vector<1x1000x128xf32>
    tpu.vector_store %arg7[%swap3A_212, %swap3A_213, %swap3A_214], %swap3A_217 {strides = array<i32>} : memref<6x1000x128xf32, #tpu.memory_space<vmem>>, vector<1x1000x128xf32>,
    %concatenate3A_218 = tpu.concatenate %dot_general3A_79, %dot_general3A_86, %dot_general3A_93, %dot_general3A_100 in 1 : vector<1000x32xf32>, vector<1000x32xf32>, vector<1000x32xf32>, vector<1000x32xf32> -> vector<1000x128xf32>
    %mul3A_219 = vector.broadcast %get3A_16 : vector<1000x1xf32> to vector<1000x128xf32>
    %mul3A_220 = arith.mulf %mul3A_219, %concatenate3A_218 : vector<1000x128xf32>
    %swap3A_221 = arith.constant 2 : index
    %swap3A_222 = arith.constant 0 : index
    %swap3A_223 = arith.constant 0 : index
    %swap3A_224 = vector.load %arg7[%swap3A_221, %swap3A_222, %swap3A_223] : memref<6x1000x128xf32, #tpu.memory_space<vmem>>, vector<1x1000x128xf32>
    %swap3A_225 = vector.shape_cast %swap3A_224 : vector<1x1000x128xf32> to vector<1000x128xf32>
    %swap3A_226 = vector.shape_cast %mul3A_220 : vector<1000x128xf32> to vector<1x1000x128xf32>
    tpu.vector_store %arg7[%swap3A_221, %swap3A_222, %swap3A_223], %swap3A_226 {strides = array<i32>} : memref<6x1000x128xf32, #tpu.memory_space<vmem>>, vector<1x1000x128xf32>,
    %concatenate3A_227 = tpu.concatenate %dot_general3A_163, %dot_general3A_170, %dot_general3A_177, %dot_general3A_184 in 1 : vector<1000x32xf32>, vector<1000x32xf32>, vector<1000x32xf32>, vector<1000x32xf32> -> vector<1000x128xf32>
    %mul3A_228 = vector.broadcast %get3A_16 : vector<1000x1xf32> to vector<1000x128xf32>
    %mul3A_229 = arith.mulf %mul3A_228, %concatenate3A_227 : vector<1000x128xf32>
    %swap3A_230 = arith.constant 5 : index
    %swap3A_231 = arith.constant 0 : index
    %swap3A_232 = arith.constant 0 : index
    %swap3A_233 = vector.load %arg7[%swap3A_230, %swap3A_231, %swap3A_232] : memref<6x1000x128xf32, #tpu.memory_space<vmem>>, vector<1x1000x128xf32>
    %swap3A_234 = vector.shape_cast %swap3A_233 : vector<1x1000x128xf32> to vector<1000x128xf32>
    %swap3A_235 = vector.shape_cast %mul3A_229 : vector<1000x128xf32> to vector<1x1000x128xf32>
    tpu.vector_store %arg7[%swap3A_230, %swap3A_231, %swap3A_232], %swap3A_235 {strides = array<i32>} : memref<6x1000x128xf32, #tpu.memory_space<vmem>>, vector<1x1000x128xf32>,
    return
  }
  func.func @transform_0(%arg0: i32) -> (i32, i32, i32) {
    %c0_i32 = arith.constant 0 : i32
    %c0_i32_0 = arith.constant 0 : i32
    %c0_i32_1 = arith.constant 0 : i32
    return %c0_i32, %arg0, %c0_i32_0 : i32, i32, i32
  }
  func.func @transform_1(%arg0: i32) -> (i32, i32) {
    %c0_i32 = arith.constant 0 : i32
    %c0_i32_0 = arith.constant 0 : i32
    return %arg0, %c0_i32 : i32, i32
  }
  func.func @transform_2(%arg0: i32) -> (i32, i32) {
    %c0_i32 = arith.constant 0 : i32
    %c0_i32_0 = arith.constant 0 : i32
    %c0_i32_1 = arith.constant 0 : i32
    return %c0_i32, %c0_i32_0 : i32, i32
  }
  func.func @transform_3(%arg0: i32) -> (i32, i32) {
    %c0_i32 = arith.constant 0 : i32
    %c0_i32_0 = arith.constant 0 : i32
    %c0_i32_1 = arith.constant 0 : i32
    return %c0_i32, %c0_i32_0 : i32, i32
  }
  func.func @transform_4(%arg0: i32) -> (i32, i32) {
    %c0_i32 = arith.constant 0 : i32
    %c0_i32_0 = arith.constant 0 : i32
    %c0_i32_1 = arith.constant 0 : i32
    return %c0_i32, %c0_i32_0 : i32, i32
  }
  func.func @transform_5(%arg0: i32) -> (i32, i32) {
    %c0_i32 = arith.constant 0 : i32
    %c0_i32_0 = arith.constant 0 : i32
    %c0_i32_1 = arith.constant 0 : i32
    return %c0_i32, %c0_i32_0 : i32, i32
  }
  func.func @transform_6(%arg0: i32) -> (i32, i32, i32) {
    %c0_i32 = arith.constant 0 : i32
    %c0_i32_0 = arith.constant 0 : i32
    %c0_i32_1 = arith.constant 0 : i32
    return %c0_i32, %arg0, %c0_i32_0 : i32, i32, i32
  }
}

module attributes {stable_mosaic.version = 14 : i64} {
  func.func @_dis_body(%arg0: memref<2x10240x128xf32, #tpu.memory_space<vmem>>, %arg1: memref<10000x1xf32, #tpu.memory_space<vmem>>) attributes {dimension_semantics = [], scalar_prefetch = 0 : i64, scratch_operands = 0 : i64, tpu.core_type = #tpu.core_type<tc>} {
    %get3A = arith.constant 0 : index
    %get3A_0 = arith.constant 0 : index
    %get3A_1 = arith.constant 0 : index
    %get3A_2 = vector.load %arg0[%get3A, %get3A_0, %get3A_1] : memref<2x10240x128xf32, #tpu.memory_space<vmem>>, vector<1x10000x1xf32>
    %get3A_3 = vector.shape_cast %get3A_2 : vector<1x10000x1xf32> to vector<10000x1xf32>
    %get3A_4 = arith.constant 1 : index
    %get3A_5 = arith.constant 0 : index
    %get3A_6 = arith.constant 0 : index
    %get3A_7 = vector.load %arg0[%get3A_4, %get3A_5, %get3A_6] : memref<2x10240x128xf32, #tpu.memory_space<vmem>>, vector<1x10000x1xf32>
    %get3A_8 = vector.shape_cast %get3A_7 : vector<1x10000x1xf32> to vector<10000x1xf32>
    %add3A = arith.addf %get3A_3, %get3A_8 : vector<10000x1xf32>
    %add3A_9 = arith.constant 1.000000e+00 : f32
    %add3A_10 = vector.broadcast %add3A_9 : f32 to vector<10000x1xf32>
    %add3A_11 = arith.addf %add3A, %add3A_10 : vector<10000x1xf32>
    %rsqrt3A = math.rsqrt %add3A_11 : vector<10000x1xf32>
    %swap3A = arith.constant 0 : index
    %swap3A_12 = arith.constant 0 : index
    %swap3A_13 = vector.load %arg1[%swap3A, %swap3A_12] : memref<10000x1xf32, #tpu.memory_space<vmem>>, vector<10000x1xf32>
    tpu.vector_store %arg1[%swap3A, %swap3A_12], %rsqrt3A {strides = array<i32>} : memref<10000x1xf32, #tpu.memory_space<vmem>>, vector<10000x1xf32>,
    return
  }
}

module attributes {stable_mosaic.version = 14 : i64} {
  func.func @_out_body(%arg0: i32, %arg1: memref<6x1000x128xf32, #tpu.memory_space<vmem>>, %arg2: memref<6x1000x128xf32, #tpu.memory_space<vmem>>, %arg3: memref<1000x1xf32, #tpu.memory_space<vmem>>, %arg4: memref<1x12xf32, #tpu.memory_space<vmem>>, %arg5: memref<1x384xf32, #tpu.memory_space<vmem>>, %arg6: memref<1x384xf32, #tpu.memory_space<vmem>>, %arg7: memref<32x12xf32, #tpu.memory_space<vmem>>, %arg8: memref<1x12xf32, #tpu.memory_space<vmem>>, %arg9: memref<1000x12xf32, #tpu.memory_space<vmem>>) attributes {dimension_semantics = [#tpu.dimension_semantics<arbitrary>], iteration_bounds = array<i64: 10>, scalar_prefetch = 0 : i64, scratch_operands = 0 : i64, tpu.core_type = #tpu.core_type<tc>, window_params = [{transform_indices = @transform_0, window_bounds = array<i64: 6, 1000, 128>}, {transform_indices = @transform_1, window_bounds = array<i64: 6, 1000, 128>}, {transform_indices = @transform_2, window_bounds = array<i64: 1000, 1>}, {pipeline_mode = #tpu.pipeline_mode<synchronous>, transform_indices = @transform_3, window_bounds = array<i64: 1, 12>}, {pipeline_mode = #tpu.pipeline_mode<synchronous>, transform_indices = @transform_4, window_bounds = array<i64: 1, 384>}, {pipeline_mode = #tpu.pipeline_mode<synchronous>, transform_indices = @transform_5, window_bounds = array<i64: 1, 384>}, {pipeline_mode = #tpu.pipeline_mode<synchronous>, transform_indices = @transform_6, window_bounds = array<i64: 32, 12>}, {pipeline_mode = #tpu.pipeline_mode<synchronous>, transform_indices = @transform_7, window_bounds = array<i64: 1, 12>}, {transform_indices = @transform_8, window_bounds = array<i64: 1000, 12>}]} {
    %get3A = arith.constant 0 : index
    %get3A_0 = arith.constant 0 : index
    %get3A_1 = vector.load %arg3[%get3A, %get3A_0] : memref<1000x1xf32, #tpu.memory_space<vmem>>, vector<1000x1xf32>
    %get3A_2 = arith.constant 0 : index
    %get3A_3 = arith.constant 0 : index
    %get3A_4 = arith.constant 0 : index
    %get3A_5 = vector.load %arg1[%get3A_2, %get3A_3, %get3A_4] : memref<6x1000x128xf32, #tpu.memory_space<vmem>>, vector<1x1000x128xf32>
    %get3A_6 = vector.shape_cast %get3A_5 : vector<1x1000x128xf32> to vector<1000x128xf32>
    %get3A_7 = arith.constant 0 : index
    %get3A_8 = arith.constant 0 : index
    %get3A_9 = arith.constant 0 : index
    %get3A_10 = vector.load %arg2[%get3A_7, %get3A_8, %get3A_9] : memref<6x1000x128xf32, #tpu.memory_space<vmem>>, vector<1x1000x128xf32>
    %get3A_11 = vector.shape_cast %get3A_10 : vector<1x1000x128xf32> to vector<1000x128xf32>
    %add3A = arith.addf %get3A_6, %get3A_11 : vector<1000x128xf32>
    %mul3A = vector.broadcast %get3A_1 : vector<1000x1xf32> to vector<1000x128xf32>
    %mul3A_12 = arith.mulf %add3A, %mul3A : vector<1000x128xf32>
    %get3A_13 = arith.constant 1 : index
    %get3A_14 = arith.constant 0 : index
    %get3A_15 = arith.constant 0 : index
    %get3A_16 = vector.load %arg1[%get3A_13, %get3A_14, %get3A_15] : memref<6x1000x128xf32, #tpu.memory_space<vmem>>, vector<1x1000x128xf32>
    %get3A_17 = vector.shape_cast %get3A_16 : vector<1x1000x128xf32> to vector<1000x128xf32>
    %get3A_18 = arith.constant 1 : index
    %get3A_19 = arith.constant 0 : index
    %get3A_20 = arith.constant 0 : index
    %get3A_21 = vector.load %arg2[%get3A_18, %get3A_19, %get3A_20] : memref<6x1000x128xf32, #tpu.memory_space<vmem>>, vector<1x1000x128xf32>
    %get3A_22 = vector.shape_cast %get3A_21 : vector<1x1000x128xf32> to vector<1000x128xf32>
    %add3A_23 = arith.addf %get3A_17, %get3A_22 : vector<1000x128xf32>
    %mul3A_24 = vector.broadcast %get3A_1 : vector<1000x1xf32> to vector<1000x128xf32>
    %mul3A_25 = arith.mulf %add3A_23, %mul3A_24 : vector<1000x128xf32>
    %get3A_26 = arith.constant 2 : index
    %get3A_27 = arith.constant 0 : index
    %get3A_28 = arith.constant 0 : index
    %get3A_29 = vector.load %arg1[%get3A_26, %get3A_27, %get3A_28] : memref<6x1000x128xf32, #tpu.memory_space<vmem>>, vector<1x1000x128xf32>
    %get3A_30 = vector.shape_cast %get3A_29 : vector<1x1000x128xf32> to vector<1000x128xf32>
    %get3A_31 = arith.constant 2 : index
    %get3A_32 = arith.constant 0 : index
    %get3A_33 = arith.constant 0 : index
    %get3A_34 = vector.load %arg2[%get3A_31, %get3A_32, %get3A_33] : memref<6x1000x128xf32, #tpu.memory_space<vmem>>, vector<1x1000x128xf32>
    %get3A_35 = vector.shape_cast %get3A_34 : vector<1x1000x128xf32> to vector<1000x128xf32>
    %add3A_36 = arith.addf %get3A_30, %get3A_35 : vector<1000x128xf32>
    %mul3A_37 = vector.broadcast %get3A_1 : vector<1000x1xf32> to vector<1000x128xf32>
    %mul3A_38 = arith.mulf %add3A_36, %mul3A_37 : vector<1000x128xf32>
    %get3A_39 = arith.constant 3 : index
    %get3A_40 = arith.constant 0 : index
    %get3A_41 = arith.constant 0 : index
    %get3A_42 = vector.load %arg1[%get3A_39, %get3A_40, %get3A_41] : memref<6x1000x128xf32, #tpu.memory_space<vmem>>, vector<1x1000x128xf32>
    %get3A_43 = vector.shape_cast %get3A_42 : vector<1x1000x128xf32> to vector<1000x128xf32>
    %get3A_44 = arith.constant 3 : index
    %get3A_45 = arith.constant 0 : index
    %get3A_46 = arith.constant 0 : index
    %get3A_47 = vector.load %arg2[%get3A_44, %get3A_45, %get3A_46] : memref<6x1000x128xf32, #tpu.memory_space<vmem>>, vector<1x1000x128xf32>
    %get3A_48 = vector.shape_cast %get3A_47 : vector<1x1000x128xf32> to vector<1000x128xf32>
    %add3A_49 = arith.addf %get3A_43, %get3A_48 : vector<1000x128xf32>
    %mul3A_50 = vector.broadcast %get3A_1 : vector<1000x1xf32> to vector<1000x128xf32>
    %mul3A_51 = arith.mulf %add3A_49, %mul3A_50 : vector<1000x128xf32>
    %get3A_52 = arith.constant 4 : index
    %get3A_53 = arith.constant 0 : index
    %get3A_54 = arith.constant 0 : index
    %get3A_55 = vector.load %arg1[%get3A_52, %get3A_53, %get3A_54] : memref<6x1000x128xf32, #tpu.memory_space<vmem>>, vector<1x1000x128xf32>
    %get3A_56 = vector.shape_cast %get3A_55 : vector<1x1000x128xf32> to vector<1000x128xf32>
    %get3A_57 = arith.constant 4 : index
    %get3A_58 = arith.constant 0 : index
    %get3A_59 = arith.constant 0 : index
    %get3A_60 = vector.load %arg2[%get3A_57, %get3A_58, %get3A_59] : memref<6x1000x128xf32, #tpu.memory_space<vmem>>, vector<1x1000x128xf32>
    %get3A_61 = vector.shape_cast %get3A_60 : vector<1x1000x128xf32> to vector<1000x128xf32>
    %add3A_62 = arith.addf %get3A_56, %get3A_61 : vector<1000x128xf32>
    %mul3A_63 = vector.broadcast %get3A_1 : vector<1000x1xf32> to vector<1000x128xf32>
    %mul3A_64 = arith.mulf %add3A_62, %mul3A_63 : vector<1000x128xf32>
    %get3A_65 = arith.constant 5 : index
    %get3A_66 = arith.constant 0 : index
    %get3A_67 = arith.constant 0 : index
    %get3A_68 = vector.load %arg1[%get3A_65, %get3A_66, %get3A_67] : memref<6x1000x128xf32, #tpu.memory_space<vmem>>, vector<1x1000x128xf32>
    %get3A_69 = vector.shape_cast %get3A_68 : vector<1x1000x128xf32> to vector<1000x128xf32>
    %get3A_70 = arith.constant 5 : index
    %get3A_71 = arith.constant 0 : index
    %get3A_72 = arith.constant 0 : index
    %get3A_73 = vector.load %arg2[%get3A_70, %get3A_71, %get3A_72] : memref<6x1000x128xf32, #tpu.memory_space<vmem>>, vector<1x1000x128xf32>
    %get3A_74 = vector.shape_cast %get3A_73 : vector<1x1000x128xf32> to vector<1000x128xf32>
    %add3A_75 = arith.addf %get3A_69, %get3A_74 : vector<1000x128xf32>
    %mul3A_76 = vector.broadcast %get3A_1 : vector<1000x1xf32> to vector<1000x128xf32>
    %mul3A_77 = arith.mulf %add3A_75, %mul3A_76 : vector<1000x128xf32>
    %concatenate3A = tpu.concatenate %mul3A_12, %mul3A_25, %mul3A_38 in 1 : vector<1000x128xf32>, vector<1000x128xf32>, vector<1000x128xf32> -> vector<1000x384xf32>
    %get3A_78 = arith.constant 0 : index
    %get3A_79 = arith.constant 0 : index
    %get3A_80 = vector.load %arg5[%get3A_78, %get3A_79] : memref<1x384xf32, #tpu.memory_space<vmem>>, vector<1x384xf32>
    %add3A_81 = vector.broadcast %get3A_80 : vector<1x384xf32> to vector<1000x384xf32>
    %add3A_82 = arith.addf %concatenate3A, %add3A_81 : vector<1000x384xf32>
    %concatenate3A_83 = tpu.concatenate %mul3A_51, %mul3A_64, %mul3A_77 in 1 : vector<1000x128xf32>, vector<1000x128xf32>, vector<1000x128xf32> -> vector<1000x384xf32>
    %get3A_84 = arith.constant 0 : index
    %get3A_85 = arith.constant 0 : index
    %get3A_86 = vector.load %arg6[%get3A_84, %get3A_85] : memref<1x384xf32, #tpu.memory_space<vmem>>, vector<1x384xf32>
    %add3A_87 = vector.broadcast %get3A_86 : vector<1x384xf32> to vector<1000x384xf32>
    %add3A_88 = arith.addf %concatenate3A_83, %add3A_87 : vector<1000x384xf32>
    %logistic3A = arith.negf %add3A_82 : vector<1000x384xf32>
    %logistic3A_89 = math.exp %logistic3A : vector<1000x384xf32>
    %logistic3A_90 = arith.constant 1.000000e+00 : f32
    %logistic3A_91 = vector.broadcast %logistic3A_90 : f32 to vector<1000x384xf32>
    %logistic3A_92 = arith.addf %logistic3A_91, %logistic3A_89 : vector<1000x384xf32>
    %logistic3A_93 = arith.divf %logistic3A_91, %logistic3A_92 : vector<1000x384xf32>
    %sub3A = arith.constant 1.000000e+00 : f32
    %sub3A_94 = vector.broadcast %sub3A : f32 to vector<1000x384xf32>
    %sub3A_95 = arith.subf %sub3A_94, %logistic3A_93 : vector<1000x384xf32>
    %tanh3A = math.tanh %add3A_88 : vector<1000x384xf32>
    %mul3A_96 = arith.mulf %sub3A_95, %tanh3A : vector<1000x384xf32>
    %get3A_97 = arith.constant 0 : index
    %get3A_98 = arith.constant 0 : index
    %get3A_99 = vector.load %arg4[%get3A_97, %get3A_98] : memref<1x12xf32, #tpu.memory_space<vmem>>, vector<1x12xf32>
    %reduce_max3A = arith.constant dense<0xFF800000> : vector<1xf32>
    %reduce_max3A_100 = vector.multi_reduction <maximumf>, %get3A_99, %reduce_max3A [1] : vector<1x12xf32> to vector<1xf32>
    %broadcast_in_dim3A = vector.shape_cast %reduce_max3A_100 : vector<1xf32> to vector<1x1xf32>
    %sub3A_101 = vector.broadcast %broadcast_in_dim3A : vector<1x1xf32> to vector<1x12xf32>
    %sub3A_102 = arith.subf %get3A_99, %sub3A_101 : vector<1x12xf32>
    %exp3A = math.exp %sub3A_102 : vector<1x12xf32>
    %reduce_sum3A = arith.constant dense<0.000000e+00> : vector<1xf32>
    %reduce_sum3A_103 = vector.multi_reduction <add>, %exp3A, %reduce_sum3A [1] : vector<1x12xf32> to vector<1xf32>
    %broadcast_in_dim3A_104 = vector.shape_cast %reduce_sum3A_103 : vector<1xf32> to vector<1x1xf32>
    %div3A = vector.broadcast %broadcast_in_dim3A_104 : vector<1x1xf32> to vector<1x12xf32>
    %div3A_105 = arith.divf %exp3A, %div3A : vector<1x12xf32>
    %iota3A = tpu.iota {dimensions = array<i32: 0>} : vector<384x12xi32>
    %jit3A = arith.constant 32 : i32
    %div3A_106 = vector.broadcast %jit3A : i32 to vector<384x12xi32>
    %div3A_107 = arith.divsi %iota3A, %div3A_106 : vector<384x12xi32>
    %sign3A = arith.constant 0 : i32
    %sign3A_108 = vector.broadcast %sign3A : i32 to vector<384x12xi32>
    %sign3A_109 = arith.cmpi sgt, %iota3A, %sign3A_108 : vector<384x12xi32>
    %sign3A_110 = arith.extui %sign3A_109 : vector<384x12xi1> to vector<384x12xi32>
    %sign3A_111 = arith.constant 0 : i32
    %sign3A_112 = vector.broadcast %sign3A_111 : i32 to vector<384x12xi32>
    %sign3A_113 = arith.cmpi slt, %iota3A, %sign3A_112 : vector<384x12xi32>
    %sign3A_114 = arith.extui %sign3A_113 : vector<384x12xi1> to vector<384x12xi32>
    %sign3A_115 = arith.subi %sign3A_110, %sign3A_114 : vector<384x12xi32>
    %sign3A_116 = arith.constant 0 : i32
    %sign3A_117 = arith.cmpi sgt, %jit3A, %sign3A_116 : i32
    %sign3A_118 = arith.extui %sign3A_117 : i1 to i32
    %sign3A_119 = arith.constant 0 : i32
    %sign3A_120 = arith.cmpi slt, %jit3A, %sign3A_119 : i32
    %sign3A_121 = arith.extui %sign3A_120 : i1 to i32
    %sign3A_122 = arith.subi %sign3A_118, %sign3A_121 : i32
    %ne3A = vector.broadcast %sign3A_122 : i32 to vector<384x12xi32>
    %ne3A_123 = arith.cmpi ne, %sign3A_115, %ne3A : vector<384x12xi32>
    %rem3A = vector.broadcast %jit3A : i32 to vector<384x12xi32>
    %rem3A_124 = arith.remsi %iota3A, %rem3A : vector<384x12xi32>
    %ne3A_125 = arith.constant 0 : i32
    %ne3A_126 = vector.broadcast %ne3A_125 : i32 to vector<384x12xi32>
    %ne3A_127 = arith.cmpi ne, %rem3A_124, %ne3A_126 : vector<384x12xi32>
    %and3A = arith.andi %ne3A_123, %ne3A_127 : vector<384x12xi1>
    %sub3A_128 = arith.constant 1 : i32
    %sub3A_129 = vector.broadcast %sub3A_128 : i32 to vector<384x12xi32>
    %sub3A_130 = arith.subi %div3A_107, %sub3A_129 : vector<384x12xi32>
    %select_n3A = arith.select %and3A, %sub3A_130, %div3A_107 : vector<384x12xi1>, vector<384x12xi32>
    %iota3A_131 = tpu.iota {dimensions = array<i32: 1>} : vector<384x12xi32>
    %eq3A = arith.cmpi eq, %select_n3A, %iota3A_131 : vector<384x12xi32>
    %convert_element_type3A = arith.extui %eq3A : vector<384x12xi1> to vector<384x12xi32>
    %convert_element_type3A_132 = arith.sitofp %convert_element_type3A : vector<384x12xi32> to vector<384x12xf32>
    %dot_general3A = arith.constant dense<0.000000e+00> : vector<384x1xf32>
    %dot_general3A_133 = tpu.matmul %convert_element_type3A_132, %div3A_105, %dot_general3A {dimension_numbers = #tpu.dot_dimension_numbers<[1], [1], [0], [0], [0, 0, 1, 0], [], []>, transpose_lhs_hint = false} : vector<384x12xf32>, vector<1x12xf32>, vector<384x1xf32> -> vector<384x1xf32>
    %iota3A_134 = tpu.iota {dimensions = array<i32: 0>} : vector<384x32xi32>
    %jit3A_135 = arith.constant 32 : i32
    %eq3A_136 = arith.constant 0 : i32
    %eq3A_137 = arith.cmpi eq, %jit3A_135, %eq3A_136 : i32
    %jit3A_138 = arith.constant 1 : i32
    %select_n3A_139 = arith.select %eq3A_137, %jit3A_138, %jit3A_135 : i32
    %rem3A_140 = vector.broadcast %select_n3A_139 : i32 to vector<384x32xi32>
    %rem3A_141 = arith.remsi %iota3A_134, %rem3A_140 : vector<384x32xi32>
    %ne3A_142 = arith.constant 0 : i32
    %ne3A_143 = vector.broadcast %ne3A_142 : i32 to vector<384x32xi32>
    %ne3A_144 = arith.cmpi ne, %rem3A_141, %ne3A_143 : vector<384x32xi32>
    %lt3A = arith.constant 0 : i32
    %lt3A_145 = vector.broadcast %lt3A : i32 to vector<384x32xi32>
    %lt3A_146 = arith.cmpi slt, %rem3A_141, %lt3A_145 : vector<384x32xi32>
    %lt3A_147 = arith.constant 0 : i32
    %lt3A_148 = arith.cmpi slt, %select_n3A_139, %lt3A_147 : i32
    %ne3A_149 = vector.broadcast %lt3A_148 : i1 to vector<384x32xi1>
    %ne3A_150 = vector.broadcast %ne3A_149 : vector<384x32xi1> to vector<384x32xi1>
    %ne3A_151 = arith.xori %lt3A_146, %ne3A_150 : vector<384x32xi1>
    %and3A_152 = arith.andi %ne3A_151, %ne3A_144 : vector<384x32xi1>
    %add3A_153 = vector.broadcast %select_n3A_139 : i32 to vector<384x32xi32>
    %add3A_154 = arith.addi %rem3A_141, %add3A_153 : vector<384x32xi32>
    %select_n3A_155 = arith.select %and3A_152, %add3A_154, %rem3A_141 : vector<384x32xi1>, vector<384x32xi32>
    %iota3A_156 = tpu.iota {dimensions = array<i32: 1>} : vector<384x32xi32>
    %eq3A_157 = arith.cmpi eq, %select_n3A_155, %iota3A_156 : vector<384x32xi32>
    %jit3A_158 = arith.constant 0.000000e+00 : f32
    %broadcast_in_dim3A_159 = vector.shape_cast %dot_general3A_133 : vector<384x1xf32> to vector<384x1xf32>
    %broadcast_in_dim3A_160 = vector.broadcast %broadcast_in_dim3A_159 : vector<384x1xf32> to vector<384x32xf32>
    %broadcast_in_dim3A_161 = vector.broadcast %jit3A_158 : f32 to vector<384x32xf32>
    %select_n3A_162 = arith.select %eq3A_157, %broadcast_in_dim3A_160, %broadcast_in_dim3A_161 : vector<384x32xi1>, vector<384x32xf32>
    %dot_general3A_163 = arith.constant dense<0.000000e+00> : vector<1000x32xf32>
    %dot_general3A_164 = tpu.matmul %mul3A_96, %select_n3A_162, %dot_general3A_163 {dimension_numbers = #tpu.dot_dimension_numbers<[1], [0], [0], [1], [0, 0, 1, 1], [], []>, transpose_lhs_hint = false} : vector<1000x384xf32>, vector<384x32xf32>, vector<1000x32xf32> -> vector<1000x32xf32>
    %max3A = arith.constant 0.000000e+00 : f32
    %max3A_165 = vector.broadcast %max3A : f32 to vector<1000x32xf32>
    %max3A_166 = arith.maximumf %dot_general3A_164, %max3A_165 : vector<1000x32xf32>
    %get3A_167 = arith.constant 0 : index
    %get3A_168 = arith.constant 0 : index
    %get3A_169 = vector.load %arg7[%get3A_167, %get3A_168] : memref<32x12xf32, #tpu.memory_space<vmem>>, vector<32x12xf32>
    %dot_general3A_170 = arith.constant dense<0.000000e+00> : vector<1000x12xf32>
    %dot_general3A_171 = tpu.matmul %max3A_166, %get3A_169, %dot_general3A_170 {dimension_numbers = #tpu.dot_dimension_numbers<[1], [0], [0], [1], [0, 0, 1, 1], [], []>, transpose_lhs_hint = false} : vector<1000x32xf32>, vector<32x12xf32>, vector<1000x12xf32> -> vector<1000x12xf32>
    %get3A_172 = arith.constant 0 : index
    %get3A_173 = arith.constant 0 : index
    %get3A_174 = vector.load %arg8[%get3A_172, %get3A_173] : memref<1x12xf32, #tpu.memory_space<vmem>>, vector<1x12xf32>
    %add3A_175 = vector.broadcast %get3A_174 : vector<1x12xf32> to vector<1000x12xf32>
    %add3A_176 = arith.addf %dot_general3A_171, %add3A_175 : vector<1000x12xf32>
    %swap3A = arith.constant 0 : index
    %swap3A_177 = arith.constant 0 : index
    %swap3A_178 = vector.load %arg9[%swap3A, %swap3A_177] : memref<1000x12xf32, #tpu.memory_space<vmem>>, vector<1000x12xf32>
    tpu.vector_store %arg9[%swap3A, %swap3A_177], %add3A_176 {strides = array<i32>} : memref<1000x12xf32, #tpu.memory_space<vmem>>, vector<1000x12xf32>,
    return
  }
  func.func @transform_0(%arg0: i32) -> (i32, i32, i32) {
    %c0_i32 = arith.constant 0 : i32
    %c0_i32_0 = arith.constant 0 : i32
    %c0_i32_1 = arith.constant 0 : i32
    return %c0_i32, %arg0, %c0_i32_0 : i32, i32, i32
  }
  func.func @transform_1(%arg0: i32) -> (i32, i32, i32) {
    %c0_i32 = arith.constant 0 : i32
    %c0_i32_0 = arith.constant 0 : i32
    %c0_i32_1 = arith.constant 0 : i32
    return %c0_i32, %arg0, %c0_i32_0 : i32, i32, i32
  }
  func.func @transform_2(%arg0: i32) -> (i32, i32) {
    %c0_i32 = arith.constant 0 : i32
    %c0_i32_0 = arith.constant 0 : i32
    return %arg0, %c0_i32 : i32, i32
  }
  func.func @transform_3(%arg0: i32) -> (i32, i32) {
    %c0_i32 = arith.constant 0 : i32
    %c0_i32_0 = arith.constant 0 : i32
    %c0_i32_1 = arith.constant 0 : i32
    return %c0_i32, %c0_i32_0 : i32, i32
  }
  func.func @transform_4(%arg0: i32) -> (i32, i32) {
    %c0_i32 = arith.constant 0 : i32
    %c0_i32_0 = arith.constant 0 : i32
    %c0_i32_1 = arith.constant 0 : i32
    return %c0_i32, %c0_i32_0 : i32, i32
  }
  func.func @transform_5(%arg0: i32) -> (i32, i32) {
    %c0_i32 = arith.constant 0 : i32
    %c0_i32_0 = arith.constant 0 : i32
    %c0_i32_1 = arith.constant 0 : i32
    return %c0_i32, %c0_i32_0 : i32, i32
  }
  func.func @transform_6(%arg0: i32) -> (i32, i32) {
    %c0_i32 = arith.constant 0 : i32
    %c0_i32_0 = arith.constant 0 : i32
    %c0_i32_1 = arith.constant 0 : i32
    return %c0_i32, %c0_i32_0 : i32, i32
  }
  func.func @transform_7(%arg0: i32) -> (i32, i32) {
    %c0_i32 = arith.constant 0 : i32
    %c0_i32_0 = arith.constant 0 : i32
    %c0_i32_1 = arith.constant 0 : i32
    return %c0_i32, %c0_i32_0 : i32, i32
  }
  func.func @transform_8(%arg0: i32) -> (i32, i32) {
    %c0_i32 = arith.constant 0 : i32
    %c0_i32_0 = arith.constant 0 : i32
    return %arg0, %c0_i32 : i32, i32
  }
}

</mosaic_0001>

<sc_bundles>
// kernel: kernel.10.cloned.1.call-start
scs
__scs_entry_jumppad:
0x0: {  	(pc) =	sbr.rel $0x88, $3  }
0x1: {  	(tag) =	ssettag $0x0;
	lr =	simm.s32 $0x1  }
0x2: {  	[smem:$0x3F94] =	sst lr;
	_ =	strace $0xD0000000  }
0x3: {  	_ = 	snop  }
0x4: {  	_ = 	snop  }
0x5: {  	_ = 	snop  }
0x6: {  	_ = 	snop  }
0x7: {  	_ = 	snop  }
__scs_overlays_trampoline_lowered:
0x8: {  	[smem:$0x3FA3] =	sst s0  }
0x9: {  	[smem:$0x3FA4] =	sst s1  }
0xa: {  	[smem:$0x3FA5] =	sst s2  }
0xb: {  	[smem:$0x3FA6] =	sst s3  }
0xc: {  	[smem:$0x3FA7] =	sst s4  }
0xd: {  	[smem:$0x3FA8] =	sst s5  }
0xe: {  	[smem:$0x3FA9] =	sst s6  }
0xf: {  	[smem:$0x3FAA] =	sst s7  }
0x10: {  	[smem:$0x3FAB] =	sst s8  }
0x11: {  	[smem:$0x3FAC] =	sst s9;
	s0 =	simm.s32 @!p0 $0x0  }
0x12: {  	s1 =	sld [smem:$0x3F92];
	s0 =	simm.s32 @p0 $0x1  }
0x13: {  	[smem:$0x3FAD] =	sst s0;
	s0 =	simm.s32 @!p1 $0x0  }
0x14: {  	s2 =	sld [smem:$0x3F91];
	s0 =	simm.s32 @p1 $0x1  }
0x15: {  	[smem:$0x3FAE] =	sst s0;
	s0 =	simm.s32 @!p2 $0x0  }
0x16: {  	s3 =	sld [smem:$0x3FDB];
	s0 =	simm.s32 @p2 $0x1  }
0x17: {  	s4 =	simm.s32 $0x1BF5;
	[smem:$0x3FB0] =	sst s0  }
0x18: {  	s0 =	sld [smem:$0x3F93];
	_ =	swait.ge [sflag:s4], $0x0  }
0x19: {  	s7 =	sld [smem:$0x3F94]  }
0x1a: {  	s8 =	sadd.s32 $0xFFFFE003, lr  }
0x1b: {  	s9 =	sadd.s32 $0xFFFFFEF7, lr;
	s5 =	simm.s32 $0xFFFFFFFF;
	p2 =	slt.u32 s8, $0xFFFFF086  }
0x1c: {  	p1 =	slt.u32 s9, $0xF7A;
	s5 =	simm.s32 @!p2 $0x0  }
0x1d: {  	s5 =	simm.s32 @p1 $0x1;
	p0 =	seq.s32 s7, s2  }
0x1e: {  	s7 =	smul.u32 @!p0 $0xF7A, s2;
	p2 =	seq.s32 @!p0 s5, $0x0  }
0x1f: {  	s9 =	smul.u32 $0xF7A, s1;
	s8 =	simm.s32 @!p0 $0x1BF5;
	p2 =	por !p2, p0  }
0x20: {  	[sflag:s8] =	ssyncset.s32 @!p0 $0xFFFFF086;
	s6 =	sadd.s32 @!p0 s3, s7;
	s7 =	simm.s32 @!p0 $0x108  }
0x21: {  	s3 =	sadd.s32 s3, s9;
	s6 =	sadd.s32 @!p0 $0x88, s6;
	s7 =	simm.s32 @p2 $0x1082  }
0x22: {  	[simem:s7], [sflag:s8] =	dma.local @!p0 [hbm:s6], $0xF7A  }
0x23: {  	s9 =	sor.u32 $0xD0000000, s2;
	s6 =	simm.s32 $0x108;
	_ =	swait.ge @!p0 [sflag:s8], $0x0  }
0x24: {  	s3 =	sadd.s32 $0x88, s3;
	s6 =	simm.s32 @!p1 $0x1082;
	[sflag:s4] =	ssyncset.s32 $0xFFFFF086  }
0x25: {  	[simem:s6], [sflag:s4] =	dma.local [hbm:s3], $0xF7A  }
0x26: {  	[smem:$0x3F94] =	sst s1;
	(tag) =	ssettag s2;
	_ =	strace s9  }
0x27: {  	s1 =	sld [smem:$0x3FA4]  }
0x28: {  	s2 =	sld [smem:$0x3FA5]  }
0x29: {  	s4 =	sld [smem:$0x3FA7]  }
0x2a: {  	p0 =	seq.s32 s5, $0x0;
	s5 =	sld [smem:$0x3FA8]  }
0x2b: {  	s6 =	sld [smem:$0x3FA9]  }
0x2c: {  	s7 =	sld [smem:$0x3FAA]  }
0x2d: {  	s3 =	simm.s32 $0x108;
	s8 =	sld [smem:$0x3FAB]  }
0x2e: {  	s3 =	simm.s32 @!p0 $0x1082;
	s9 =	sld [smem:$0x3FAC]  }
0x2f: {  	lr =	sadd.s32 s0, s3;
	s0 =	sld [smem:$0x3FA3]  }
0x30: {  	s3 =	sld [smem:$0x3FA6]  }
0x31: {  	[smem:$0x3FAF] =	sst s10  }
0x32: {  	s10 =	sld [smem:$0x3FAD];
	_ =	sdelay $0x3  }
0x33: {  	p0 =	seq.s32 s10, $0x1;
	s10 =	sld [smem:$0x3FAF];
	_ =	sdelay $0x3  }
0x34: {  	[smem:$0x3FAF] =	sst s10  }
0x35: {  	s10 =	sld [smem:$0x3FAE];
	_ =	sdelay $0x3  }
0x36: {  	p1 =	seq.s32 s10, $0x1;
	s10 =	sld [smem:$0x3FAF];
	_ =	sdelay $0x3  }
0x37: {  	[smem:$0x3FAF] =	sst s10  }
0x38: {  	s10 =	sld [smem:$0x3FB0]  }
0x39: {  	_ = 	snop;
	(pc) =	sbr.ind lr, $3  }
0x3a: {  	_ = 	snop  }
0x3b: {  	_ = 	snop  }
0x3c: {  	p2 =	seq.s32 s10, $0x1;
	s10 =	sld [smem:$0x3FAF]  }
0x3d: {  	_ =	shalt  }
0x3e: {  	_ =	shalt  }
0x3f: {  	_ =	shalt  }
0x40: {  	_ =	shalt  }
0x41: {  	_ =	shalt  }
0x42: {  	_ =	shalt  }
0x43: {  	_ =	shalt  }
0x44: {  	_ =	shalt  }
0x45: {  	_ =	shalt  }
0x46: {  	_ =	shalt  }
0x47: {  	_ =	shalt  }
0x48: {  	_ =	shalt  }
0x49: {  	_ =	shalt  }
0x4a: {  	_ =	shalt  }
0x4b: {  	_ =	shalt  }
0x4c: {  	_ =	shalt  }
0x4d: {  	_ =	shalt  }
0x4e: {  	_ =	shalt  }
0x4f: {  	_ =	shalt  }
0x50: {  	_ =	shalt  }
0x51: {  	_ =	shalt  }
0x52: {  	_ =	shalt  }
0x53: {  	_ =	shalt  }
0x54: {  	_ =	shalt  }
0x55: {  	_ =	shalt  }
0x56: {  	_ =	shalt  }
0x57: {  	_ =	shalt  }
0x58: {  	_ =	shalt  }
0x59: {  	_ =	shalt  }
0x5a: {  	_ =	shalt  }
0x5b: {  	_ =	shalt  }
0x5c: {  	_ =	shalt  }
0x5d: {  	_ =	shalt  }
0x5e: {  	_ =	shalt  }
0x5f: {  	_ =	shalt  }
0x60: {  	_ =	shalt  }
0x61: {  	_ =	shalt  }
0x62: {  	_ =	shalt  }
0x63: {  	_ =	shalt  }
0x64: {  	_ =	shalt  }
0x65: {  	_ =	shalt  }
0x66: {  	_ =	shalt  }
0x67: {  	_ =	shalt  }
0x68: {  	_ =	shalt  }
0x69: {  	_ =	shalt  }
0x6a: {  	_ =	shalt  }
0x6b: {  	_ =	shalt  }
0x6c: {  	_ =	shalt  }
0x6d: {  	_ =	shalt  }
0x6e: {  	_ =	shalt  }
0x6f: {  	_ =	shalt  }
0x70: {  	_ =	shalt  }
0x71: {  	_ =	shalt  }
0x72: {  	_ =	shalt  }
0x73: {  	_ =	shalt  }
0x74: {  	_ =	shalt  }
0x75: {  	_ =	shalt  }
0x76: {  	_ =	shalt  }
0x77: {  	_ =	shalt  }
0x78: {  	_ =	shalt  }
0x79: {  	_ =	shalt  }
0x7a: {  	_ =	shalt  }
0x7b: {  	_ =	shalt  }
0x7c: {  	_ =	shalt  }
0x7d: {  	_ =	shalt  }
0x7e: {  	_ =	shalt  }
0x7f: {  	_ =	shalt  }
0x80: {  	_ =	shalt  }
0x81: {  	_ =	shalt  }
0x82: {  	_ =	shalt  }
0x83: {  	_ =	shalt  }
0x84: {  	_ =	shalt  }
0x85: {  	_ =	shalt  }
0x86: {  	_ =	shalt  }
0x87: {  	_ =	shalt  }
.Lfunc_end0:
.L_simem_size_0:
called_computation.1_lowered:
.L_overlay_start_0:
0x88: {  	s2 =	sld [smem:$0x3FD9]  }
0x89: {  	s3 =	sld [smem:$0x3FFE];
	_ =	sdelay $0x1  }
0x8a: {  	s1 =	srdreg.scid  }
0x8b: {  	s0 =	sand.u32 $0x1, s1  }
0x8c: {  	s17 =	sshll.u32 s0, $0xA;
	s2 =	sadd.s32 s3, s2  }
0x8d: {  	s2 =	sadd.s32 s2, s17  }
0x8e: {  	[smem:$0x3FBB] =	sst s2  }
0x8f: {  	_ = 	snop  }
0x90: {  	s2 =	sld [smem:$0x3FD0];
	(tm) =	ssettm $0x1  }
0x91: {  	s18 =	sld [smem:$0x3FFB];
	_ =	sdelay $0x3  }
0x92: {  	_ =	strace s18  }
0x93: {  	s3 =	sld [smem:$0x3FFC];
	_ =	sdelay $0x3  }
0x94: {  	_ =	strace s3  }
0x95: {  	s3 =	sld [smem:$0x3FFD];
	_ =	sdelay $0x3  }
0x96: {  	_ =	strace s3  }
0x97: {  	_ =	strace $0x8FFFFFFF  }
0x98: {  	s19 =	sld [smem:$0x3FDB];
	_ =	sdelay $0x1  }
0x99: {  	s4 =	simm.s32 $_scs_section_size  }
0x9a: {  	s5 =	simm.s32 $_size__tile_overlayer_lowered;
	s6 =	simm.s32 $_tile_overlayer_lowered  }
0x9b: {  	s22 =	simm.s32 $0x1BFF;
	s21 =	sshll.u32 s6, $0x1;
	s3 =	sadd.s32 s4, s19  }
0x9c: {  	s7 =	simm.s32 $0x0;
	s20 =	sshll.u32 s5, $0x1;
	s5 =	sadd.s32 s21, s3  }
0x9d: {  	[timem:s7], [sflag:s22] =	dma.local [hbm:s5], s20  }
0x9e: {  	_ =	swait.ge [sflag:s22], s20  }
0x9f: {  	s4 =	ssub.s32 $0x0, s20;
	[sflag:s22] =	ssyncset.done $0x0  }
0xa0: {  	[sflag:s22] =	ssyncadd.s32 s4;
	_ =	sdelay $0x1  }
0xa1: {  	s23 =	simm.s32 $0x1B8B  }
0xa2: {  	_ =	swait.ge [sflag:s23], $0x1  }
0xa3: {  	[sflag:s23] =	ssyncset.done $0x0  }
0xa4: {  	s25 =	simm.s32 $0x1B8E;
	s24 =	sld [smem:$0x3FFE];
	[sflag:s23] =	ssyncadd.s32 $0xFFFFFFFF  }
0xa5: {  	s26 =	simm.s32 $execute0_lowered;
	[smem:$0x3FD2] =	sst s25  }
0xa6: {  	s5 =	sshll.u32 s26, $0x1;
	_ =	strace $0x80000049;
	[dreg:$0x1] =	wrdreg $0xFFFFFFFF  }
0xa7: {  	s28 =	simm.s32 $_size_execute0_lowered;
	s3 =	sadd.s32 s3, s5;
	[dreg:$0x0] =	wrdreg $0x0  }
0xa8: {  	s5 =	sshll.u32 s28, $0x1;
	[dreg:$0x2] =	wrdreg s3  }
0xa9: {  	[dreg:$0x3] =	wrdreg s5  }
0xaa: {  	[dreg:$0x4] =	wrdreg $0xC0  }
0xab: {  	_ =	task [dreg:s7], $0x5FFFF  }
0xac: {  	[dreg:$0x1] =	wrdreg $0xFFFFFFFF  }
0xad: {  	[dreg:$0x0] =	wrdreg $0x60  }
0xae: {  	[dreg:$0x2] =	wrdreg s24  }
0xaf: {  	[dreg:$0x3] =	wrdreg s2  }
0xb0: {  	[dreg:$0x4] =	wrdreg $0x9B000  }
0xb1: {  	[dreg:$0x5] =	wrdreg $0x9  }
0xb2: {  	_ =	task.clear_ibuf [dreg:s7], $0x6FFFF;
	_ =	strace $0x90000049  }
0xb3: {  	s29 =	simm.s32 $0x9;
	_ =	strace $0x8000004B  }
0xb4: {  	_ =	swait.ge [sflag:s29], $0x1  }
0xb5: {  	[sflag:s29] =	ssyncadd.s32 $0xFFFFFFFF  }
0xb6: {  	_ =	strace $0x9000004B  }
0xb7: {  	_ =	sfence  }
0xb8: {  	s30 =	sld [smem:$0x0];
	_ =	sdelay $0x2  }
0xb9: {  	s31 =	sshll.u32 s1, $0xD;
	s1 =	sshrl.u32 s1, $0x2  }
0xba: {  	s3 =	sand.u32 $0x4000, s31;
	s1 =	sadd.s32 s1, s30  }
0xbb: {  	s0 =	sor.u32 s3, s0;
	s1 =	sshll.u32 s1, $0x11  }
0xbc: {  	s0 =	sor.u32 s1, s0  }
0xbd: {  	s0 =	sadd.s32 $0x8F2B, s0  }
0xbe: {  	[sflag:s0] =	ssyncadd.remote.s32 $0x1  }
0xbf: {  	_ =	sfence.sel $0xFFFF  }
0xc0: {  	[dreg:$0x0] =	wrdreg $0xFFFFFFFF;
	(pc) =	sbr.abs _section_cstart, $3  }
0xc1: {  	[dreg:$0x1] =	wrdreg $0xFFFFFFFF  }
0xc2: {  	_ =	task.clear_ibuf [dreg:s7], $0x2FFFF;
	_ =	strace $0x9FFFFFFF  }
0xc3: {  	(tm) =	ssettm $0x7FFFFFFF  }
tec
execute0_lowered:
.L_overlay_start_1:
0x0: {  	(tag) =	ssettag $0x1  }
0x1: {  	s0 =	rddreg [dreg:$0x0]  }
0x2: {  	s1 =	rddreg [dreg:$0x1]  }
0x3: {  	s2 =	rddreg [dreg:$0x2];
	s3 =	simm.s32 $0x0  }
0x4: {  	s4 =	srdreg.scid;
	s13 =	stileid.u32;
	s15 =	simm.s32 $0x4  }
0x5: {  	s16 =	simm.s32 $0x1000;
	s17 =	simm.s32 $0x50;
	s18 =	simm.s32 $0x9800  }
0x6: {  	s19 =	simm.s32 $0x2000;
	s20 =	simm.s32 $0x9880;
	s21 =	simm.s32 $0x4800  }
0x7: {  	s22 =	simm.s32 $0x9900;
	s23 =	simm.s32 $0x7000;
	s30 =	simm.s32 $0x9A80  }
0x8: {  	[smem:$0x7FF] =	sst s3;
	s5 =	sadd.s32 $0x15400, s0;
	s4 =	sand.u32 $0x1, s4  }
0x9: {  	s6 =	sadd.s32 $0x1800, s0;
	s9 =	smul.u32 $0x50000, s13;
	s7 =	sadd.s32 $0xB600, s0  }
0xa: {  	s0 =	sadd.s32 $0x105400, s0;
	s11 =	smul.u32 $0x280, s13;
	s25 =	sshll.u32 s13, $0x6  }
0xb: {  	_ =	strace $0x8000004A;
	s8 =	ssub.s32 $0x2, s4;
	s4 =	smul.u32 $0x7800, s4  }
0xc: {  	s10 =	sshrl.u32 s8, $0x1;
	s24 =	sshrl.u32 s9, $0x2;
	s9 =	smul.u32 $0x4E20, s13  }
0xd: {  	s10 =	ssub.s32 s8, s10;
	s12 =	sadd.s32 s24, s2;
	s8 =	sor.u32 $0x1C04, s25  }
0xe: {  	s28 =	sadd.s32 $0x2800, s4;
	s26 =	sadd.s32 s11, s4;
	s29 =	sadd.s32 $0x5000, s4  }
0xf: {  	s24 =	simm.s32 $0x1;
	s25 =	simm.s32 $0x9980;
	s14 =	sadd.s32 s11, s28  }
0x10: {  	s13 =	sshll.u32 s26, $0x4;
	s11 =	sadd.s32 s11, s29;
	s26 =	simm.s32 $0x2  }
0x11: {  	v1 =	vmov s28;
	s28 =	simm.s32 $0x9A00;
	s14 =	sshll.u32 s14, $0x4;
	s13 =	sadd.s32 s0, s13  }
0x12: {  	s11 =	sshll.u32 s11, $0x4;
	[dreg:$0x4] =	wrdreg s13;
	s31 =	sadd.s32 s0, s14  }
0x13: {  	v2 =	vmov s29;
	s29 =	simm.s32 $0x3;
	s0 =	sadd.s32 s0, s11;
	[dreg:$0x5] =	wrdreg s31  }
0x14: {  	v0 =	vmov s4;
	s13 =	smax.u32 s10, $0x1;
	s14 =	sshrl.u32 s12, $0x3;
	[dreg:$0x6] =	wrdreg s0  }
.LBB2_1:
0x15: {  	[spmem:s14], [sflag:s8] =	dma.local [hbm:s1], $0x2800  }
0x16: {  	_ =	swait.ge [sflag:s15], $0x2800  }
0x17: {  	[sflag:s15] =	ssyncset.done $0x0  }
0x18: {  	[sflag:s15] =	ssyncadd.s32 $0xFFFFD800  }
0x19: {  	s31 =	simm.s32 $0x0;
	[bflag:$0x0] =	sbarrier.arrive $0xFFFF  }
.LBB2_2:
0x1a: {  	s0 =	smul.u32 $0xFA0, s31;
	_ =	sdelay $0x1  }
0x1b: {  	s0 =	sadd.s32 s9, s0  }
0x1c: {  	s0 =	sshrl.u32 s0, $0x3  }
0x1d: {  	s10 =	simm.s32 $0x0;
	s4 =	sadd.s32 s6, s0  }
0x1e: {  	[tilespmem:s10], [sflag:$0x4] =	stream.linear.gather [hbm4b:s4+s10], $0xFA0, $0x38;
	[tilespmem:$0x1DB00] =	vst v63  }
0x1f: {  	_ =	swait.ge [sflag:s15], $0xFA0  }
0x20: {  	[sflag:s15] =	ssyncset.done $0x0  }
0x21: {  	s0 =	sadd.s32 s7, s0;
	[sflag:s15] =	ssyncadd.s32 $0xFFFFF060  }
0x22: {  	[tilespmem:s16], [sflag:$0x4] =	stream.linear.gather [hbm4b:s0+s10], $0xFA0, $0x38;
	[tilespmem:$0x1DB00] =	vst v63  }
0x23: {  	_ =	swait.ge [sflag:s15], $0xFA0  }
0x24: {  	[sflag:s15] =	ssyncset.done $0x0  }
0x25: {  	[sflag:s15] =	ssyncadd.s32 $0xFFFFF060  }
0x26: {  	v3 =	vld [tilespmem:$0x0]  }
0x27: {  	v4 =	vld [tilespmem:$0x1000]  }
0x28: {  	v6 =	vld [tilespmem:$0x1010]  }
0x29: {  	v5 =	vld [tilespmem:$0x10]  }
0x2a: {  	v8 =	vld [tilespmem:$0x1020]  }
0x2b: {  	v50 =	vld [tilespmem:$0x1030]  }
0x2c: {  	v53 =	vld [tilespmem:$0x1040];
	[tilespmem:$0x9980] =	vst v4  }
0x2d: {  	v7 =	vld [tilespmem:$0x20];
	v3 =	vadd.s32 v0, v3;
	[tilespmem:$0x9990] =	vst v6  }
0x2e: {  	[tilespmem:$0x9800] =	vst v3;
	v3 =	vld [tilespmem:$0x30]  }
0x2f: {  	v51 =	vld [tilespmem:$0x40];
	[tilespmem:$0x99A0] =	vst v8  }
0x30: {  	[tilespmem:$0x99B0] =	vst v50  }
0x31: {  	v49 =	vadd.s32 v0, v5;
	[tilespmem:$0x99C0] =	vst v53  }
0x32: {  	v52 =	vadd.s32 v0, v7;
	[tilespmem:$0x9810] =	vst v49  }
0x33: {  	[tilespmem:$0x9820] =	vst v52;
	v3 =	vadd.s32 v0, v3  }
0x34: {  	[tilespmem:$0x9830] =	vst v3;
	v3 =	vadd.s32 v0, v51  }
0x35: {  	[tilespmem:$0x9840] =	vst v3  }
0x36: {  	[tilespmem:s19], [sflag:$0x1] =	stream.indirect.gather [hbm4b:s5+s17], $0x80, s18, s17, $0xb8;
	[tilespmem:$0x1DB00] =	vst v63  }
0x37: {  	v3 =	vld [tilespmem:$0x50]  }
0x38: {  	v54 =	vld [tilespmem:$0x1050]  }
0x39: {  	v56 =	vld [tilespmem:$0x1060]  }
0x3a: {  	v55 =	vld [tilespmem:$0x60]  }
0x3b: {  	v58 =	vld [tilespmem:$0x1070]  }
0x3c: {  	v60 =	vld [tilespmem:$0x1080]  }
0x3d: {  	v63 =	vld [tilespmem:$0x1090];
	[tilespmem:$0x9A00] =	vst v54  }
0x3e: {  	v57 =	vld [tilespmem:$0x70];
	v3 =	vadd.s32 v0, v3;
	[tilespmem:$0x9A10] =	vst v56  }
0x3f: {  	[tilespmem:$0x9880] =	vst v3;
	v3 =	vld [tilespmem:$0x80]  }
0x40: {  	v61 =	vld [tilespmem:$0x90];
	[tilespmem:$0x9A20] =	vst v58  }
0x41: {  	[tilespmem:$0x9A30] =	vst v60  }
0x42: {  	v59 =	vadd.s32 v0, v55;
	[tilespmem:$0x9A40] =	vst v63  }
0x43: {  	v62 =	vadd.s32 v0, v57;
	[tilespmem:$0x9890] =	vst v59  }
0x44: {  	[tilespmem:$0x98A0] =	vst v62;
	v3 =	vadd.s32 v0, v3  }
0x45: {  	[tilespmem:$0x98B0] =	vst v3;
	v3 =	vadd.s32 v0, v61  }
0x46: {  	s0 =	simm.s32 $0xC0;
	[tilespmem:$0x98C0] =	vst v3  }
0x47: {  	[tilespmem:s21], [sflag:$0x2] =	stream.indirect.gather [hbm4b:s5+s17], $0x80, s20, s17, $0xb8;
	[tilespmem:$0x1DB00] =	vst v63  }
0x48: {  	v3 =	vld [tilespmem:s0+$0xFFFFFFE0];
	_ =	sdelay $0x4  }
0x49: {  	v3 =	vadd.s32 v0, v3  }
0x4a: {  	s4 =	simm.s32 $0x10C0;
	[tilespmem:$0x9900] =	vst v3  }
0x4b: {  	v3 =	vld [tilespmem:s4+$0xFFFFFFE0];
	_ =	sdelay $0x4  }
0x4c: {  	[tilespmem:$0x9A80] =	vst v3  }
0x4d: {  	v3 =	vld [tilespmem:s0+$0xFFFFFFF0];
	_ =	sdelay $0x4  }
0x4e: {  	v3 =	vadd.s32 v0, v3  }
0x4f: {  	[tilespmem:$0x9910] =	vst v3  }
0x50: {  	v3 =	vld [tilespmem:s4+$0xFFFFFFF0];
	_ =	sdelay $0x4  }
0x51: {  	[tilespmem:$0x9A90] =	vst v3  }
0x52: {  	v3 =	vld [tilespmem:s0+$0x0];
	_ =	sdelay $0x4  }
0x53: {  	v3 =	vadd.s32 v0, v3  }
0x54: {  	[tilespmem:$0x9920] =	vst v3  }
0x55: {  	v3 =	vld [tilespmem:s4+$0x0];
	_ =	sdelay $0x4  }
0x56: {  	[tilespmem:$0x9AA0] =	vst v3  }
0x57: {  	v3 =	vld [tilespmem:s0+$0x10];
	_ =	sdelay $0x4  }
0x58: {  	v3 =	vadd.s32 v0, v3  }
0x59: {  	[tilespmem:$0x9930] =	vst v3  }
0x5a: {  	v3 =	vld [tilespmem:s4+$0x10];
	_ =	sdelay $0x4  }
0x5b: {  	[tilespmem:$0x9AB0] =	vst v3  }
0x5c: {  	v3 =	vld [tilespmem:s0+$0x20];
	_ =	sdelay $0x4  }
0x5d: {  	v3 =	vadd.s32 v0, v3  }
0x5e: {  	[tilespmem:$0x9940] =	vst v3  }
0x5f: {  	v3 =	vld [tilespmem:s4+$0x20];
	_ =	sdelay $0x4  }
0x60: {  	[tilespmem:$0x9AC0] =	vst v3  }
0x61: {  	[tilespmem:s23], [sflag:$0x3] =	stream.indirect.gather [hbm4b:s5+s17], $0x80, s22, s17, $0xb8;
	[tilespmem:$0x1DB00] =	vst v63  }
0x62: {  	_ =	swait.ge [sflag:s24], $0x2800  }
0x63: {  	[sflag:s24] =	ssyncset.done $0x0  }
0x64: {  	[sflag:s24] =	ssyncadd.s32 $0xFFFFD800  }
0x65: {  	[spmem:s2] =	stream.indirect.scatter.add.f32 [tilespmem:s19], [sflag:$0x4], $0x80, s25, s17, $0xb8;
	[tilespmem:$0x1DB00] =	vst v63  }
0x66: {  	_ =	swait.ge [sflag:s15], $0x2800  }
0x67: {  	[sflag:s15] =	ssyncset.done $0x0  }
0x68: {  	[sflag:s15] =	ssyncadd.s32 $0xFFFFD800  }
0x69: {  	v3 =	vld [tilespmem:s0+$0x30];
	_ =	sdelay $0x4  }
0x6a: {  	v3 =	vadd.s32 v0, v3  }
0x6b: {  	[tilespmem:$0x9800] =	vst v3  }
0x6c: {  	v3 =	vld [tilespmem:s4+$0x30];
	_ =	sdelay $0x4  }
0x6d: {  	s10 =	sand.u32 $0xFF0, s10;
	[tilespmem:$0x9980] =	vst v3  }
0x6e: {  	v3 =	vld [tilespmem:s10+$0x100];
	_ =	sdelay $0x4  }
0x6f: {  	v3 =	vadd.s32 v0, v3  }
0x70: {  	[tilespmem:$0x9810] =	vst v3  }
0x71: {  	v3 =	vld [tilespmem:s10+$0x1100];
	_ =	sdelay $0x4  }
0x72: {  	[tilespmem:$0x9990] =	vst v3  }
0x73: {  	v3 =	vld [tilespmem:s0+$0x50];
	_ =	sdelay $0x4  }
0x74: {  	v3 =	vadd.s32 v0, v3  }
0x75: {  	[tilespmem:$0x9820] =	vst v3  }
0x76: {  	v3 =	vld [tilespmem:s4+$0x50];
	_ =	sdelay $0x4  }
0x77: {  	[tilespmem:$0x99A0] =	vst v3  }
0x78: {  	v3 =	vld [tilespmem:s0+$0x60];
	_ =	sdelay $0x4  }
0x79: {  	v3 =	vadd.s32 v0, v3  }
0x7a: {  	[tilespmem:$0x9830] =	vst v3  }
0x7b: {  	v3 =	vld [tilespmem:s4+$0x60];
	_ =	sdelay $0x4  }
0x7c: {  	[tilespmem:$0x99B0] =	vst v3  }
0x7d: {  	v3 =	vld [tilespmem:s0+$0x70];
	_ =	sdelay $0x4  }
0x7e: {  	v3 =	vadd.s32 v0, v3  }
0x7f: {  	[tilespmem:$0x9840] =	vst v3  }
0x80: {  	v3 =	vld [tilespmem:s4+$0x70];
	_ =	sdelay $0x4  }
0x81: {  	[tilespmem:$0x99C0] =	vst v3  }
0x82: {  	[tilespmem:s19], [sflag:$0x1] =	stream.indirect.gather [hbm4b:s5+s17], $0x80, s18, s17, $0xb8;
	[tilespmem:$0x1DB00] =	vst v63  }
0x83: {  	_ =	swait.ge [sflag:s26], $0x2800  }
0x84: {  	[sflag:s26] =	ssyncset.done $0x0  }
0x85: {  	[sflag:s26] =	ssyncadd.s32 $0xFFFFD800  }
0x86: {  	[spmem:s2] =	stream.indirect.scatter.add.f32 [tilespmem:s21], [sflag:$0x4], $0x80, s28, s17, $0xb8;
	[tilespmem:$0x1DB00] =	vst v63  }
0x87: {  	_ =	swait.ge [sflag:s15], $0x2800  }
0x88: {  	[sflag:s15] =	ssyncset.done $0x0  }
0x89: {  	[sflag:s15] =	ssyncadd.s32 $0xFFFFD800  }
0x8a: {  	v3 =	vld [tilespmem:s0+$0x80];
	_ =	sdelay $0x4  }
0x8b: {  	v3 =	vadd.s32 v0, v3  }
0x8c: {  	[tilespmem:$0x9880] =	vst v3  }
0x8d: {  	v3 =	vld [tilespmem:s4+$0x80];
	_ =	sdelay $0x4  }
0x8e: {  	[tilespmem:$0x9A00] =	vst v3  }
0x8f: {  	v3 =	vld [tilespmem:s0+$0x90];
	_ =	sdelay $0x4  }
0x90: {  	v3 =	vadd.s32 v0, v3  }
0x91: {  	[tilespmem:$0x9890] =	vst v3  }
0x92: {  	v3 =	vld [tilespmem:s4+$0x90];
	_ =	sdelay $0x4  }
0x93: {  	[tilespmem:$0x9A10] =	vst v3  }
0x94: {  	v3 =	vld [tilespmem:s0+$0xA0];
	_ =	sdelay $0x4  }
0x95: {  	v3 =	vadd.s32 v0, v3  }
0x96: {  	[tilespmem:$0x98A0] =	vst v3  }
0x97: {  	v3 =	vld [tilespmem:s4+$0xA0];
	_ =	sdelay $0x4  }
0x98: {  	[tilespmem:$0x9A20] =	vst v3  }
0x99: {  	v3 =	vld [tilespmem:s0+$0xB0];
	_ =	sdelay $0x4  }
0x9a: {  	v3 =	vadd.s32 v0, v3  }
0x9b: {  	[tilespmem:$0x98B0] =	vst v3  }
0x9c: {  	v3 =	vld [tilespmem:s4+$0xB0];
	_ =	sdelay $0x4  }
0x9d: {  	[tilespmem:$0x9A30] =	vst v3  }
0x9e: {  	v3 =	vld [tilespmem:s10+$0x180];
	_ =	sdelay $0x4  }
0x9f: {  	v3 =	vadd.s32 v0, v3  }
0xa0: {  	[tilespmem:$0x98C0] =	vst v3  }
0xa1: {  	v3 =	vld [tilespmem:s10+$0x1180];
	_ =	sdelay $0x4  }
0xa2: {  	[tilespmem:$0x9A40] =	vst v3  }
0xa3: {  	[tilespmem:s21], [sflag:$0x2] =	stream.indirect.gather [hbm4b:s5+s17], $0x80, s20, s17, $0xb8;
	[tilespmem:$0x1DB00] =	vst v63  }
0xa4: {  	_ =	swait.ge [sflag:s29], $0x2800  }
0xa5: {  	[sflag:s29] =	ssyncset.done $0x0  }
0xa6: {  	[sflag:s29] =	ssyncadd.s32 $0xFFFFD800  }
0xa7: {  	[spmem:s2] =	stream.indirect.scatter.add.f32 [tilespmem:s23], [sflag:$0x4], $0x80, s30, s17, $0xb8;
	[tilespmem:$0x1DB00] =	vst v63  }
0xa8: {  	_ =	swait.ge [sflag:s15], $0x2800  }
0xa9: {  	s10 =	simm.s32 $0xF0;
	[sflag:s15] =	ssyncset.done $0x0  }
.LBB2_3:
0xaa: {  	[sflag:s15] =	ssyncadd.s32 $0xFFFFD800;
	s4 =	sadd.s32 $0xF0, s4;
	s0 =	sadd.s32 $0xF0, s0  }
0xab: {  	p0 =	sne.s32 s10, $0xE10;
	s11 =	smov.u32 s10;
	s10 =	sadd.s32 $0xF0, s10;
	v3 =	vld [tilespmem:s0+$0xFFFFFFE0]  }
0xac: {  	_ =	sdelay $0x3  }
0xad: {  	v3 =	vadd.s32 v0, v3  }
0xae: {  	[tilespmem:$0x9900] =	vst v3  }
0xaf: {  	v3 =	vld [tilespmem:s4+$0xFFFFFFE0];
	_ =	sdelay $0x4  }
0xb0: {  	[tilespmem:$0x9A80] =	vst v3  }
0xb1: {  	v3 =	vld [tilespmem:s0+$0xFFFFFFF0];
	_ =	sdelay $0x4  }
0xb2: {  	v3 =	vadd.s32 v0, v3  }
0xb3: {  	[tilespmem:$0x9910] =	vst v3  }
0xb4: {  	v3 =	vld [tilespmem:s4+$0xFFFFFFF0];
	_ =	sdelay $0x4  }
0xb5: {  	[tilespmem:$0x9A90] =	vst v3  }
0xb6: {  	v3 =	vld [tilespmem:s0+$0x0];
	_ =	sdelay $0x4  }
0xb7: {  	v3 =	vadd.s32 v0, v3  }
0xb8: {  	[tilespmem:$0x9920] =	vst v3  }
0xb9: {  	v3 =	vld [tilespmem:s4+$0x0];
	_ =	sdelay $0x4  }
0xba: {  	[tilespmem:$0x9AA0] =	vst v3  }
0xbb: {  	v3 =	vld [tilespmem:s0+$0x10];
	_ =	sdelay $0x4  }
0xbc: {  	v3 =	vadd.s32 v0, v3  }
0xbd: {  	[tilespmem:$0x9930] =	vst v3  }
0xbe: {  	v3 =	vld [tilespmem:s4+$0x10];
	_ =	sdelay $0x4  }
0xbf: {  	[tilespmem:$0x9AB0] =	vst v3  }
0xc0: {  	v3 =	vld [tilespmem:s0+$0x20];
	_ =	sdelay $0x4  }
0xc1: {  	v3 =	vadd.s32 v0, v3  }
0xc2: {  	[tilespmem:$0x9940] =	vst v3  }
0xc3: {  	v3 =	vld [tilespmem:s4+$0x20];
	_ =	sdelay $0x4  }
0xc4: {  	[tilespmem:$0x9AC0] =	vst v3  }
0xc5: {  	[tilespmem:s23], [sflag:$0x3] =	stream.indirect.gather [hbm4b:s5+s17], $0x80, s22, s17, $0xb8;
	[tilespmem:$0x1DB00] =	vst v63  }
0xc6: {  	_ =	swait.ge [sflag:s24], $0x2800  }
0xc7: {  	[sflag:s24] =	ssyncset.done $0x0  }
0xc8: {  	[sflag:s24] =	ssyncadd.s32 $0xFFFFD800  }
0xc9: {  	[spmem:s2] =	stream.indirect.scatter.add.f32 [tilespmem:s19], [sflag:$0x4], $0x80, s25, s17, $0xb8;
	[tilespmem:$0x1DB00] =	vst v63  }
0xca: {  	_ =	swait.ge [sflag:s15], $0x2800  }
0xcb: {  	[sflag:s15] =	ssyncset.done $0x0  }
0xcc: {  	[sflag:s15] =	ssyncadd.s32 $0xFFFFD800  }
0xcd: {  	v3 =	vld [tilespmem:s0+$0x30];
	_ =	sdelay $0x4  }
0xce: {  	v3 =	vadd.s32 v0, v3  }
0xcf: {  	[tilespmem:$0x9800] =	vst v3  }
0xd0: {  	v3 =	vld [tilespmem:s4+$0x30];
	_ =	sdelay $0x4  }
0xd1: {  	s11 =	sand.u32 $0xFF0, s11;
	[tilespmem:$0x9980] =	vst v3  }
0xd2: {  	v3 =	vld [tilespmem:s11+$0x100];
	_ =	sdelay $0x4  }
0xd3: {  	v3 =	vadd.s32 v0, v3  }
0xd4: {  	[tilespmem:$0x9810] =	vst v3  }
0xd5: {  	v3 =	vld [tilespmem:s11+$0x1100];
	_ =	sdelay $0x4  }
0xd6: {  	[tilespmem:$0x9990] =	vst v3  }
0xd7: {  	v3 =	vld [tilespmem:s0+$0x50];
	_ =	sdelay $0x4  }
0xd8: {  	v3 =	vadd.s32 v0, v3  }
0xd9: {  	[tilespmem:$0x9820] =	vst v3  }
0xda: {  	v3 =	vld [tilespmem:s4+$0x50];
	_ =	sdelay $0x4  }
0xdb: {  	[tilespmem:$0x99A0] =	vst v3  }
0xdc: {  	v3 =	vld [tilespmem:s0+$0x60];
	_ =	sdelay $0x4  }
0xdd: {  	v3 =	vadd.s32 v0, v3  }
0xde: {  	[tilespmem:$0x9830] =	vst v3  }
0xdf: {  	v3 =	vld [tilespmem:s4+$0x60];
	_ =	sdelay $0x4  }
0xe0: {  	[tilespmem:$0x99B0] =	vst v3  }
0xe1: {  	v3 =	vld [tilespmem:s0+$0x70];
	_ =	sdelay $0x4  }
0xe2: {  	v3 =	vadd.s32 v0, v3  }
0xe3: {  	[tilespmem:$0x9840] =	vst v3  }
0xe4: {  	v3 =	vld [tilespmem:s4+$0x70];
	_ =	sdelay $0x4  }
0xe5: {  	[tilespmem:$0x99C0] =	vst v3  }
0xe6: {  	[tilespmem:s19], [sflag:$0x1] =	stream.indirect.gather [hbm4b:s5+s17], $0x80, s18, s17, $0xb8;
	[tilespmem:$0x1DB00] =	vst v63  }
0xe7: {  	_ =	swait.ge [sflag:s26], $0x2800  }
0xe8: {  	[sflag:s26] =	ssyncset.done $0x0  }
0xe9: {  	[sflag:s26] =	ssyncadd.s32 $0xFFFFD800  }
0xea: {  	[spmem:s2] =	stream.indirect.scatter.add.f32 [tilespmem:s21], [sflag:$0x4], $0x80, s28, s17, $0xb8;
	[tilespmem:$0x1DB00] =	vst v63  }
0xeb: {  	_ =	swait.ge [sflag:s15], $0x2800  }
0xec: {  	[sflag:s15] =	ssyncset.done $0x0  }
0xed: {  	[sflag:s15] =	ssyncadd.s32 $0xFFFFD800  }
0xee: {  	v3 =	vld [tilespmem:s0+$0x80];
	_ =	sdelay $0x4  }
0xef: {  	v3 =	vadd.s32 v0, v3  }
0xf0: {  	[tilespmem:$0x9880] =	vst v3  }
0xf1: {  	v3 =	vld [tilespmem:s4+$0x80];
	_ =	sdelay $0x4  }
0xf2: {  	[tilespmem:$0x9A00] =	vst v3  }
0xf3: {  	v3 =	vld [tilespmem:s0+$0x90];
	_ =	sdelay $0x4  }
0xf4: {  	v3 =	vadd.s32 v0, v3  }
0xf5: {  	[tilespmem:$0x9890] =	vst v3  }
0xf6: {  	v3 =	vld [tilespmem:s4+$0x90];
	_ =	sdelay $0x4  }
0xf7: {  	[tilespmem:$0x9A10] =	vst v3  }
0xf8: {  	v3 =	vld [tilespmem:s0+$0xA0];
	_ =	sdelay $0x4  }
0xf9: {  	v3 =	vadd.s32 v0, v3  }
0xfa: {  	[tilespmem:$0x98A0] =	vst v3  }
0xfb: {  	v3 =	vld [tilespmem:s4+$0xA0];
	_ =	sdelay $0x4  }
0xfc: {  	[tilespmem:$0x9A20] =	vst v3  }
0xfd: {  	v3 =	vld [tilespmem:s0+$0xB0];
	_ =	sdelay $0x4  }
0xfe: {  	v3 =	vadd.s32 v0, v3  }
0xff: {  	[tilespmem:$0x98B0] =	vst v3  }
0x100: {  	v3 =	vld [tilespmem:s4+$0xB0];
	_ =	sdelay $0x4  }
0x101: {  	[tilespmem:$0x9A30] =	vst v3  }
0x102: {  	v3 =	vld [tilespmem:s11+$0x180];
	_ =	sdelay $0x4  }
0x103: {  	v3 =	vadd.s32 v0, v3  }
0x104: {  	[tilespmem:$0x98C0] =	vst v3  }
0x105: {  	v3 =	vld [tilespmem:s11+$0x1180];
	_ =	sdelay $0x4  }
0x106: {  	[tilespmem:$0x9A40] =	vst v3  }
0x107: {  	[tilespmem:s21], [sflag:$0x2] =	stream.indirect.gather [hbm4b:s5+s17], $0x80, s20, s17, $0xb8;
	[tilespmem:$0x1DB00] =	vst v63  }
0x108: {  	_ =	swait.ge [sflag:s29], $0x2800  }
.Ltmp0:
0x109: {  	[sflag:s29] =	ssyncset.done $0x0;
	(pc) =	sbr.rel @p0 .LBB2_3-.Ltmp0, $4  }
0x10a: {  	[sflag:s29] =	ssyncadd.s32 $0xFFFFD800  }
0x10b: {  	[spmem:s2] =	stream.indirect.scatter.add.f32 [tilespmem:s23], [sflag:$0x4], $0x80, s30, s17, $0xb8;
	[tilespmem:$0x1DB00] =	vst v63  }
0x10c: {  	_ =	swait.ge [sflag:s15], $0x2800  }
0x10d: {  	[sflag:s15] =	ssyncset.done $0x0  }
0x10e: {  	[sflag:s15] =	ssyncadd.s32 $0xFFFFD800  }
0x10f: {  	_ =	swait.ge [sflag:s24], $0x2800  }
0x110: {  	[sflag:s24] =	ssyncset.done $0x0  }
0x111: {  	[sflag:s24] =	ssyncadd.s32 $0xFFFFD800  }
0x112: {  	[spmem:s2] =	stream.indirect.scatter.add.f32 [tilespmem:s19], [sflag:$0x4], $0x80, s25, s17, $0xb8;
	[tilespmem:$0x1DB00] =	vst v63  }
0x113: {  	_ =	swait.ge [sflag:s15], $0x2800  }
0x114: {  	[sflag:s15] =	ssyncset.done $0x0  }
0x115: {  	[sflag:s15] =	ssyncadd.s32 $0xFFFFD800  }
0x116: {  	s31 =	sadd.s32 $0x1, s31;
	_ =	swait.ge [sflag:s26], $0x2800  }
0x117: {  	p0 =	sne.s32 s31, $0x5;
	[sflag:s26] =	ssyncset.done $0x0  }
.Ltmp1:
0x118: {  	[sflag:s26] =	ssyncadd.s32 $0xFFFFD800;
	(pc) =	sbr.rel @p0 .LBB2_2-.Ltmp1, $4  }
0x119: {  	[spmem:s2] =	stream.indirect.scatter.add.f32 [tilespmem:s21], [sflag:$0x4], $0x80, s28, s17, $0xb8;
	[tilespmem:$0x1DB00] =	vst v63  }
0x11a: {  	_ =	swait.ge [sflag:s15], $0x2800  }
0x11b: {  	[sflag:s15] =	ssyncset.done $0x0  }
0x11c: {  	[sflag:s15] =	ssyncadd.s32 $0xFFFFD800  }
0x11d: {  	[bflag:$0x0] =	sbarrier.arrive $0xFFFF  }
0x11e: {  	s0 =	rddreg [dreg:$0x4]  }
0x11f: {  	[hbm:s0], [sflag:s8] =	dma.local [spmem:s14], $0x2800  }
0x120: {  	_ =	swait.ge [sflag:s15], $0x2800  }
0x121: {  	[sflag:s15] =	ssyncset.done $0x0  }
0x122: {  	[sflag:s15] =	ssyncadd.s32 $0xFFFFD800  }
0x123: {  	[bflag:$0x0] =	sbarrier.arrive $0xFFFF  }
0x124: {  	[spmem:s14], [sflag:s8] =	dma.local [hbm:s1], $0x2800  }
0x125: {  	_ =	swait.ge [sflag:s15], $0x2800  }
0x126: {  	[sflag:s15] =	ssyncset.done $0x0  }
0x127: {  	[sflag:s15] =	ssyncadd.s32 $0xFFFFD800  }
0x128: {  	s31 =	simm.s32 $0x0;
	s0 =	simm.s32 $0x0;
	[bflag:$0x0] =	sbarrier.arrive $0xFFFF  }
.LBB2_6:
0x129: {  	s4 =	smul.u32 $0xFA0, s0;
	_ =	sdelay $0x1  }
0x12a: {  	s4 =	sadd.s32 s9, s4  }
0x12b: {  	s4 =	sshrl.u32 s4, $0x3  }
0x12c: {  	s10 =	sadd.s32 s6, s4  }
0x12d: {  	[tilespmem:s31], [sflag:$0x4] =	stream.linear.gather [hbm4b:s10+s31], $0xFA0, $0x38;
	[tilespmem:$0x1DB00] =	vst v63  }
0x12e: {  	_ =	swait.ge [sflag:s15], $0xFA0  }
0x12f: {  	[sflag:s15] =	ssyncset.done $0x0  }
0x130: {  	s4 =	sadd.s32 s7, s4;
	[sflag:s15] =	ssyncadd.s32 $0xFFFFF060  }
0x131: {  	[tilespmem:s16], [sflag:$0x4] =	stream.linear.gather [hbm4b:s4+s31], $0xFA0, $0x38;
	[tilespmem:$0x1DB00] =	vst v63  }
0x132: {  	_ =	swait.ge [sflag:s15], $0xFA0  }
0x133: {  	[sflag:s15] =	ssyncset.done $0x0  }
0x134: {  	[sflag:s15] =	ssyncadd.s32 $0xFFFFF060  }
0x135: {  	v3 =	vld [tilespmem:$0x0]  }
0x136: {  	v4 =	vld [tilespmem:$0x1000]  }
0x137: {  	v6 =	vld [tilespmem:$0x1010]  }
0x138: {  	v5 =	vld [tilespmem:$0x10]  }
0x139: {  	v8 =	vld [tilespmem:$0x1020]  }
0x13a: {  	v50 =	vld [tilespmem:$0x1030]  }
0x13b: {  	v53 =	vld [tilespmem:$0x1040];
	[tilespmem:$0x9980] =	vst v4  }
0x13c: {  	v7 =	vld [tilespmem:$0x20];
	v3 =	vadd.s32 v1, v3;
	[tilespmem:$0x9990] =	vst v6  }
0x13d: {  	[tilespmem:$0x9800] =	vst v3;
	v3 =	vld [tilespmem:$0x30]  }
0x13e: {  	v51 =	vld [tilespmem:$0x40];
	[tilespmem:$0x99A0] =	vst v8  }
0x13f: {  	[tilespmem:$0x99B0] =	vst v50  }
0x140: {  	v49 =	vadd.s32 v1, v5;
	[tilespmem:$0x99C0] =	vst v53  }
0x141: {  	v52 =	vadd.s32 v1, v7;
	[tilespmem:$0x9810] =	vst v49  }
0x142: {  	[tilespmem:$0x9820] =	vst v52;
	v3 =	vadd.s32 v1, v3  }
0x143: {  	[tilespmem:$0x9830] =	vst v3;
	v3 =	vadd.s32 v1, v51  }
0x144: {  	[tilespmem:$0x9840] =	vst v3  }
0x145: {  	[tilespmem:s19], [sflag:$0x1] =	stream.indirect.gather [hbm4b:s5+s17], $0x80, s18, s17, $0xb8;
	[tilespmem:$0x1DB00] =	vst v63  }
0x146: {  	v3 =	vld [tilespmem:$0x50]  }
0x147: {  	v54 =	vld [tilespmem:$0x1050]  }
0x148: {  	v56 =	vld [tilespmem:$0x1060]  }
0x149: {  	v55 =	vld [tilespmem:$0x60]  }
0x14a: {  	v58 =	vld [tilespmem:$0x1070]  }
0x14b: {  	v60 =	vld [tilespmem:$0x1080]  }
0x14c: {  	v63 =	vld [tilespmem:$0x1090];
	[tilespmem:$0x9A00] =	vst v54  }
0x14d: {  	v57 =	vld [tilespmem:$0x70];
	v3 =	vadd.s32 v1, v3;
	[tilespmem:$0x9A10] =	vst v56  }
0x14e: {  	[tilespmem:$0x9880] =	vst v3;
	v3 =	vld [tilespmem:$0x80]  }
0x14f: {  	v61 =	vld [tilespmem:$0x90];
	[tilespmem:$0x9A20] =	vst v58  }
0x150: {  	[tilespmem:$0x9A30] =	vst v60  }
0x151: {  	v59 =	vadd.s32 v1, v55;
	[tilespmem:$0x9A40] =	vst v63  }
0x152: {  	v62 =	vadd.s32 v1, v57;
	[tilespmem:$0x9890] =	vst v59  }
0x153: {  	[tilespmem:$0x98A0] =	vst v62;
	v3 =	vadd.s32 v1, v3  }
0x154: {  	[tilespmem:$0x98B0] =	vst v3;
	v3 =	vadd.s32 v1, v61  }
0x155: {  	s4 =	simm.s32 $0xC0;
	[tilespmem:$0x98C0] =	vst v3  }
0x156: {  	[tilespmem:s21], [sflag:$0x2] =	stream.indirect.gather [hbm4b:s5+s17], $0x80, s20, s17, $0xb8;
	[tilespmem:$0x1DB00] =	vst v63  }
0x157: {  	v3 =	vld [tilespmem:s4+$0xFFFFFFE0];
	_ =	sdelay $0x4  }
0x158: {  	v3 =	vadd.s32 v1, v3  }
0x159: {  	s10 =	simm.s32 $0x10C0;
	[tilespmem:$0x9900] =	vst v3  }
0x15a: {  	v3 =	vld [tilespmem:s10+$0xFFFFFFE0];
	_ =	sdelay $0x4  }
0x15b: {  	[tilespmem:$0x9A80] =	vst v3  }
0x15c: {  	v3 =	vld [tilespmem:s4+$0xFFFFFFF0];
	_ =	sdelay $0x4  }
0x15d: {  	v3 =	vadd.s32 v1, v3  }
0x15e: {  	[tilespmem:$0x9910] =	vst v3  }
0x15f: {  	v3 =	vld [tilespmem:s10+$0xFFFFFFF0];
	_ =	sdelay $0x4  }
0x160: {  	[tilespmem:$0x9A90] =	vst v3  }
0x161: {  	v3 =	vld [tilespmem:s4+$0x0];
	_ =	sdelay $0x4  }
0x162: {  	v3 =	vadd.s32 v1, v3  }
0x163: {  	[tilespmem:$0x9920] =	vst v3  }
0x164: {  	v3 =	vld [tilespmem:s10+$0x0];
	_ =	sdelay $0x4  }
0x165: {  	[tilespmem:$0x9AA0] =	vst v3  }
0x166: {  	v3 =	vld [tilespmem:s4+$0x10];
	_ =	sdelay $0x4  }
0x167: {  	v3 =	vadd.s32 v1, v3  }
0x168: {  	[tilespmem:$0x9930] =	vst v3  }
0x169: {  	v3 =	vld [tilespmem:s10+$0x10];
	_ =	sdelay $0x4  }
0x16a: {  	[tilespmem:$0x9AB0] =	vst v3  }
0x16b: {  	v3 =	vld [tilespmem:s4+$0x20];
	_ =	sdelay $0x4  }
0x16c: {  	v3 =	vadd.s32 v1, v3  }
0x16d: {  	[tilespmem:$0x9940] =	vst v3  }
0x16e: {  	v3 =	vld [tilespmem:s10+$0x20];
	_ =	sdelay $0x4  }
0x16f: {  	[tilespmem:$0x9AC0] =	vst v3  }
0x170: {  	[tilespmem:s23], [sflag:$0x3] =	stream.indirect.gather [hbm4b:s5+s17], $0x80, s22, s17, $0xb8;
	[tilespmem:$0x1DB00] =	vst v63  }
0x171: {  	_ =	swait.ge [sflag:s24], $0x2800  }
0x172: {  	[sflag:s24] =	ssyncset.done $0x0  }
0x173: {  	[sflag:s24] =	ssyncadd.s32 $0xFFFFD800  }
0x174: {  	[spmem:s2] =	stream.indirect.scatter.add.f32 [tilespmem:s19], [sflag:$0x4], $0x80, s25, s17, $0xb8;
	[tilespmem:$0x1DB00] =	vst v63  }
0x175: {  	_ =	swait.ge [sflag:s15], $0x2800  }
0x176: {  	[sflag:s15] =	ssyncset.done $0x0  }
0x177: {  	[sflag:s15] =	ssyncadd.s32 $0xFFFFD800  }
0x178: {  	v3 =	vld [tilespmem:s4+$0x30];
	_ =	sdelay $0x4  }
0x179: {  	v3 =	vadd.s32 v1, v3  }
0x17a: {  	[tilespmem:$0x9800] =	vst v3  }
0x17b: {  	v3 =	vld [tilespmem:s10+$0x30];
	_ =	sdelay $0x4  }
0x17c: {  	s11 =	sand.u32 $0xFF0, s31;
	[tilespmem:$0x9980] =	vst v3  }
0x17d: {  	v3 =	vld [tilespmem:s11+$0x100];
	_ =	sdelay $0x4  }
0x17e: {  	v3 =	vadd.s32 v1, v3  }
0x17f: {  	[tilespmem:$0x9810] =	vst v3  }
0x180: {  	v3 =	vld [tilespmem:s11+$0x1100];
	_ =	sdelay $0x4  }
0x181: {  	[tilespmem:$0x9990] =	vst v3  }
0x182: {  	v3 =	vld [tilespmem:s4+$0x50];
	_ =	sdelay $0x4  }
0x183: {  	v3 =	vadd.s32 v1, v3  }
0x184: {  	[tilespmem:$0x9820] =	vst v3  }
0x185: {  	v3 =	vld [tilespmem:s10+$0x50];
	_ =	sdelay $0x4  }
0x186: {  	[tilespmem:$0x99A0] =	vst v3  }
0x187: {  	v3 =	vld [tilespmem:s4+$0x60];
	_ =	sdelay $0x4  }
0x188: {  	v3 =	vadd.s32 v1, v3  }
0x189: {  	[tilespmem:$0x9830] =	vst v3  }
0x18a: {  	v3 =	vld [tilespmem:s10+$0x60];
	_ =	sdelay $0x4  }
0x18b: {  	[tilespmem:$0x99B0] =	vst v3  }
0x18c: {  	v3 =	vld [tilespmem:s4+$0x70];
	_ =	sdelay $0x4  }
0x18d: {  	v3 =	vadd.s32 v1, v3  }
0x18e: {  	[tilespmem:$0x9840] =	vst v3  }
0x18f: {  	v3 =	vld [tilespmem:s10+$0x70];
	_ =	sdelay $0x4  }
0x190: {  	[tilespmem:$0x99C0] =	vst v3  }
0x191: {  	[tilespmem:s19], [sflag:$0x1] =	stream.indirect.gather [hbm4b:s5+s17], $0x80, s18, s17, $0xb8;
	[tilespmem:$0x1DB00] =	vst v63  }
0x192: {  	_ =	swait.ge [sflag:s26], $0x2800  }
0x193: {  	[sflag:s26] =	ssyncset.done $0x0  }
0x194: {  	[sflag:s26] =	ssyncadd.s32 $0xFFFFD800  }
0x195: {  	[spmem:s2] =	stream.indirect.scatter.add.f32 [tilespmem:s21], [sflag:$0x4], $0x80, s28, s17, $0xb8;
	[tilespmem:$0x1DB00] =	vst v63  }
0x196: {  	_ =	swait.ge [sflag:s15], $0x2800  }
0x197: {  	[sflag:s15] =	ssyncset.done $0x0  }
0x198: {  	[sflag:s15] =	ssyncadd.s32 $0xFFFFD800  }
0x199: {  	v3 =	vld [tilespmem:s4+$0x80];
	_ =	sdelay $0x4  }
0x19a: {  	v3 =	vadd.s32 v1, v3  }
0x19b: {  	[tilespmem:$0x9880] =	vst v3  }
0x19c: {  	v3 =	vld [tilespmem:s10+$0x80];
	_ =	sdelay $0x4  }
0x19d: {  	[tilespmem:$0x9A00] =	vst v3  }
0x19e: {  	v3 =	vld [tilespmem:s4+$0x90];
	_ =	sdelay $0x4  }
0x19f: {  	v3 =	vadd.s32 v1, v3  }
0x1a0: {  	[tilespmem:$0x9890] =	vst v3  }
0x1a1: {  	v3 =	vld [tilespmem:s10+$0x90];
	_ =	sdelay $0x4  }
0x1a2: {  	[tilespmem:$0x9A10] =	vst v3  }
0x1a3: {  	v3 =	vld [tilespmem:s4+$0xA0];
	_ =	sdelay $0x4  }
0x1a4: {  	v3 =	vadd.s32 v1, v3  }
0x1a5: {  	[tilespmem:$0x98A0] =	vst v3  }
0x1a6: {  	v3 =	vld [tilespmem:s10+$0xA0];
	_ =	sdelay $0x4  }
0x1a7: {  	[tilespmem:$0x9A20] =	vst v3  }
0x1a8: {  	v3 =	vld [tilespmem:s4+$0xB0];
	_ =	sdelay $0x4  }
0x1a9: {  	v3 =	vadd.s32 v1, v3  }
0x1aa: {  	[tilespmem:$0x98B0] =	vst v3  }
0x1ab: {  	v3 =	vld [tilespmem:s10+$0xB0];
	_ =	sdelay $0x4  }
0x1ac: {  	[tilespmem:$0x9A30] =	vst v3  }
0x1ad: {  	v3 =	vld [tilespmem:s11+$0x180];
	_ =	sdelay $0x4  }
0x1ae: {  	v3 =	vadd.s32 v1, v3  }
0x1af: {  	[tilespmem:$0x98C0] =	vst v3  }
0x1b0: {  	v3 =	vld [tilespmem:s11+$0x1180];
	_ =	sdelay $0x4  }
0x1b1: {  	[tilespmem:$0x9A40] =	vst v3  }
0x1b2: {  	[tilespmem:s21], [sflag:$0x2] =	stream.indirect.gather [hbm4b:s5+s17], $0x80, s20, s17, $0xb8;
	[tilespmem:$0x1DB00] =	vst v63  }
0x1b3: {  	_ =	swait.ge [sflag:s29], $0x2800  }
0x1b4: {  	[sflag:s29] =	ssyncset.done $0x0  }
0x1b5: {  	[sflag:s29] =	ssyncadd.s32 $0xFFFFD800  }
0x1b6: {  	[spmem:s2] =	stream.indirect.scatter.add.f32 [tilespmem:s23], [sflag:$0x4], $0x80, s30, s17, $0xb8;
	[tilespmem:$0x1DB00] =	vst v63  }
0x1b7: {  	_ =	swait.ge [sflag:s15], $0x2800  }
0x1b8: {  	s11 =	simm.s32 $0xF0;
	[sflag:s15] =	ssyncset.done $0x0  }
.LBB2_7:
0x1b9: {  	[sflag:s15] =	ssyncadd.s32 $0xFFFFD800;
	s10 =	sadd.s32 $0xF0, s10;
	s4 =	sadd.s32 $0xF0, s4  }
0x1ba: {  	p0 =	sne.s32 s11, $0xE10;
	s12 =	smov.u32 s11;
	s11 =	sadd.s32 $0xF0, s11;
	v3 =	vld [tilespmem:s4+$0xFFFFFFE0]  }
0x1bb: {  	_ =	sdelay $0x3  }
0x1bc: {  	v3 =	vadd.s32 v1, v3  }
0x1bd: {  	[tilespmem:$0x9900] =	vst v3  }
0x1be: {  	v3 =	vld [tilespmem:s10+$0xFFFFFFE0];
	_ =	sdelay $0x4  }
0x1bf: {  	[tilespmem:$0x9A80] =	vst v3  }
0x1c0: {  	v3 =	vld [tilespmem:s4+$0xFFFFFFF0];
	_ =	sdelay $0x4  }
0x1c1: {  	v3 =	vadd.s32 v1, v3  }
0x1c2: {  	[tilespmem:$0x9910] =	vst v3  }
0x1c3: {  	v3 =	vld [tilespmem:s10+$0xFFFFFFF0];
	_ =	sdelay $0x4  }
0x1c4: {  	[tilespmem:$0x9A90] =	vst v3  }
0x1c5: {  	v3 =	vld [tilespmem:s4+$0x0];
	_ =	sdelay $0x4  }
0x1c6: {  	v3 =	vadd.s32 v1, v3  }
0x1c7: {  	[tilespmem:$0x9920] =	vst v3  }
0x1c8: {  	v3 =	vld [tilespmem:s10+$0x0];
	_ =	sdelay $0x4  }
0x1c9: {  	[tilespmem:$0x9AA0] =	vst v3  }
0x1ca: {  	v3 =	vld [tilespmem:s4+$0x10];
	_ =	sdelay $0x4  }
0x1cb: {  	v3 =	vadd.s32 v1, v3  }
0x1cc: {  	[tilespmem:$0x9930] =	vst v3  }
0x1cd: {  	v3 =	vld [tilespmem:s10+$0x10];
	_ =	sdelay $0x4  }
0x1ce: {  	[tilespmem:$0x9AB0] =	vst v3  }
0x1cf: {  	v3 =	vld [tilespmem:s4+$0x20];
	_ =	sdelay $0x4  }
0x1d0: {  	v3 =	vadd.s32 v1, v3  }
0x1d1: {  	[tilespmem:$0x9940] =	vst v3  }
0x1d2: {  	v3 =	vld [tilespmem:s10+$0x20];
	_ =	sdelay $0x4  }
0x1d3: {  	[tilespmem:$0x9AC0] =	vst v3  }
0x1d4: {  	[tilespmem:s23], [sflag:$0x3] =	stream.indirect.gather [hbm4b:s5+s17], $0x80, s22, s17, $0xb8;
	[tilespmem:$0x1DB00] =	vst v63  }
0x1d5: {  	_ =	swait.ge [sflag:s24], $0x2800  }
0x1d6: {  	[sflag:s24] =	ssyncset.done $0x0  }
0x1d7: {  	[sflag:s24] =	ssyncadd.s32 $0xFFFFD800  }
0x1d8: {  	[spmem:s2] =	stream.indirect.scatter.add.f32 [tilespmem:s19], [sflag:$0x4], $0x80, s25, s17, $0xb8;
	[tilespmem:$0x1DB00] =	vst v63  }
0x1d9: {  	_ =	swait.ge [sflag:s15], $0x2800  }
0x1da: {  	[sflag:s15] =	ssyncset.done $0x0  }
0x1db: {  	[sflag:s15] =	ssyncadd.s32 $0xFFFFD800  }
0x1dc: {  	v3 =	vld [tilespmem:s4+$0x30];
	_ =	sdelay $0x4  }
0x1dd: {  	v3 =	vadd.s32 v1, v3  }
0x1de: {  	[tilespmem:$0x9800] =	vst v3  }
0x1df: {  	v3 =	vld [tilespmem:s10+$0x30];
	_ =	sdelay $0x4  }
0x1e0: {  	s12 =	sand.u32 $0xFF0, s12;
	[tilespmem:$0x9980] =	vst v3  }
0x1e1: {  	v3 =	vld [tilespmem:s12+$0x100];
	_ =	sdelay $0x4  }
0x1e2: {  	v3 =	vadd.s32 v1, v3  }
0x1e3: {  	[tilespmem:$0x9810] =	vst v3  }
0x1e4: {  	v3 =	vld [tilespmem:s12+$0x1100];
	_ =	sdelay $0x4  }
0x1e5: {  	[tilespmem:$0x9990] =	vst v3  }
0x1e6: {  	v3 =	vld [tilespmem:s4+$0x50];
	_ =	sdelay $0x4  }
0x1e7: {  	v3 =	vadd.s32 v1, v3  }
0x1e8: {  	[tilespmem:$0x9820] =	vst v3  }
0x1e9: {  	v3 =	vld [tilespmem:s10+$0x50];
	_ =	sdelay $0x4  }
0x1ea: {  	[tilespmem:$0x99A0] =	vst v3  }
0x1eb: {  	v3 =	vld [tilespmem:s4+$0x60];
	_ =	sdelay $0x4  }
0x1ec: {  	v3 =	vadd.s32 v1, v3  }
0x1ed: {  	[tilespmem:$0x9830] =	vst v3  }
0x1ee: {  	v3 =	vld [tilespmem:s10+$0x60];
	_ =	sdelay $0x4  }
0x1ef: {  	[tilespmem:$0x99B0] =	vst v3  }
0x1f0: {  	v3 =	vld [tilespmem:s4+$0x70];
	_ =	sdelay $0x4  }
0x1f1: {  	v3 =	vadd.s32 v1, v3  }
0x1f2: {  	[tilespmem:$0x9840] =	vst v3  }
0x1f3: {  	v3 =	vld [tilespmem:s10+$0x70];
	_ =	sdelay $0x4  }
0x1f4: {  	[tilespmem:$0x99C0] =	vst v3  }
0x1f5: {  	[tilespmem:s19], [sflag:$0x1] =	stream.indirect.gather [hbm4b:s5+s17], $0x80, s18, s17, $0xb8;
	[tilespmem:$0x1DB00] =	vst v63  }
0x1f6: {  	_ =	swait.ge [sflag:s26], $0x2800  }
0x1f7: {  	[sflag:s26] =	ssyncset.done $0x0  }
0x1f8: {  	[sflag:s26] =	ssyncadd.s32 $0xFFFFD800  }
0x1f9: {  	[spmem:s2] =	stream.indirect.scatter.add.f32 [tilespmem:s21], [sflag:$0x4], $0x80, s28, s17, $0xb8;
	[tilespmem:$0x1DB00] =	vst v63  }
0x1fa: {  	_ =	swait.ge [sflag:s15], $0x2800  }
0x1fb: {  	[sflag:s15] =	ssyncset.done $0x0  }
0x1fc: {  	[sflag:s15] =	ssyncadd.s32 $0xFFFFD800  }
0x1fd: {  	v3 =	vld [tilespmem:s4+$0x80];
	_ =	sdelay $0x4  }
0x1fe: {  	v3 =	vadd.s32 v1, v3  }
0x1ff: {  	[tilespmem:$0x9880] =	vst v3  }
0x200: {  	v3 =	vld [tilespmem:s10+$0x80];
	_ =	sdelay $0x4  }
0x201: {  	[tilespmem:$0x9A00] =	vst v3  }
0x202: {  	v3 =	vld [tilespmem:s4+$0x90];
	_ =	sdelay $0x4  }
0x203: {  	v3 =	vadd.s32 v1, v3  }
0x204: {  	[tilespmem:$0x9890] =	vst v3  }
0x205: {  	v3 =	vld [tilespmem:s10+$0x90];
	_ =	sdelay $0x4  }
0x206: {  	[tilespmem:$0x9A10] =	vst v3  }
0x207: {  	v3 =	vld [tilespmem:s4+$0xA0];
	_ =	sdelay $0x4  }
0x208: {  	v3 =	vadd.s32 v1, v3  }
0x209: {  	[tilespmem:$0x98A0] =	vst v3  }
0x20a: {  	v3 =	vld [tilespmem:s10+$0xA0];
	_ =	sdelay $0x4  }
0x20b: {  	[tilespmem:$0x9A20] =	vst v3  }
0x20c: {  	v3 =	vld [tilespmem:s4+$0xB0];
	_ =	sdelay $0x4  }
0x20d: {  	v3 =	vadd.s32 v1, v3  }
0x20e: {  	[tilespmem:$0x98B0] =	vst v3  }
0x20f: {  	v3 =	vld [tilespmem:s10+$0xB0];
	_ =	sdelay $0x4  }
0x210: {  	[tilespmem:$0x9A30] =	vst v3  }
0x211: {  	v3 =	vld [tilespmem:s12+$0x180];
	_ =	sdelay $0x4  }
0x212: {  	v3 =	vadd.s32 v1, v3  }
0x213: {  	[tilespmem:$0x98C0] =	vst v3  }
0x214: {  	v3 =	vld [tilespmem:s12+$0x1180];
	_ =	sdelay $0x4  }
0x215: {  	[tilespmem:$0x9A40] =	vst v3  }
0x216: {  	[tilespmem:s21], [sflag:$0x2] =	stream.indirect.gather [hbm4b:s5+s17], $0x80, s20, s17, $0xb8;
	[tilespmem:$0x1DB00] =	vst v63  }
0x217: {  	_ =	swait.ge [sflag:s29], $0x2800  }
.Ltmp2:
0x218: {  	[sflag:s29] =	ssyncset.done $0x0;
	(pc) =	sbr.rel @p0 .LBB2_7-.Ltmp2, $4  }
0x219: {  	[sflag:s29] =	ssyncadd.s32 $0xFFFFD800  }
0x21a: {  	[spmem:s2] =	stream.indirect.scatter.add.f32 [tilespmem:s23], [sflag:$0x4], $0x80, s30, s17, $0xb8;
	[tilespmem:$0x1DB00] =	vst v63  }
0x21b: {  	_ =	swait.ge [sflag:s15], $0x2800  }
0x21c: {  	[sflag:s15] =	ssyncset.done $0x0  }
0x21d: {  	[sflag:s15] =	ssyncadd.s32 $0xFFFFD800  }
0x21e: {  	_ =	swait.ge [sflag:s24], $0x2800  }
0x21f: {  	[sflag:s24] =	ssyncset.done $0x0  }
0x220: {  	[sflag:s24] =	ssyncadd.s32 $0xFFFFD800  }
0x221: {  	[spmem:s2] =	stream.indirect.scatter.add.f32 [tilespmem:s19], [sflag:$0x4], $0x80, s25, s17, $0xb8;
	[tilespmem:$0x1DB00] =	vst v63  }
0x222: {  	_ =	swait.ge [sflag:s15], $0x2800  }
0x223: {  	[sflag:s15] =	ssyncset.done $0x0  }
0x224: {  	[sflag:s15] =	ssyncadd.s32 $0xFFFFD800  }
0x225: {  	s0 =	sadd.s32 $0x1, s0;
	_ =	swait.ge [sflag:s26], $0x2800  }
0x226: {  	p0 =	sne.s32 s0, $0x5;
	[sflag:s26] =	ssyncset.done $0x0  }
.Ltmp3:
0x227: {  	[sflag:s26] =	ssyncadd.s32 $0xFFFFD800;
	(pc) =	sbr.rel @p0 .LBB2_6-.Ltmp3, $4  }
0x228: {  	[spmem:s2] =	stream.indirect.scatter.add.f32 [tilespmem:s21], [sflag:$0x4], $0x80, s28, s17, $0xb8;
	[tilespmem:$0x1DB00] =	vst v63  }
0x229: {  	_ =	swait.ge [sflag:s15], $0x2800  }
0x22a: {  	[sflag:s15] =	ssyncset.done $0x0  }
0x22b: {  	[sflag:s15] =	ssyncadd.s32 $0xFFFFD800  }
0x22c: {  	[bflag:$0x0] =	sbarrier.arrive $0xFFFF  }
0x22d: {  	s0 =	rddreg [dreg:$0x5]  }
0x22e: {  	[hbm:s0], [sflag:s8] =	dma.local [spmem:s14], $0x2800  }
0x22f: {  	_ =	swait.ge [sflag:s15], $0x2800  }
0x230: {  	[sflag:s15] =	ssyncset.done $0x0  }
0x231: {  	[sflag:s15] =	ssyncadd.s32 $0xFFFFD800  }
0x232: {  	[bflag:$0x0] =	sbarrier.arrive $0xFFFF  }
0x233: {  	[spmem:s14], [sflag:s8] =	dma.local [hbm:s1], $0x2800  }
0x234: {  	_ =	swait.ge [sflag:s15], $0x2800  }
0x235: {  	[sflag:s15] =	ssyncset.done $0x0  }
0x236: {  	[sflag:s15] =	ssyncadd.s32 $0xFFFFD800  }
0x237: {  	s31 =	simm.s32 $0x0;
	s0 =	simm.s32 $0x0;
	[bflag:$0x0] =	sbarrier.arrive $0xFFFF  }
.LBB2_10:
0x238: {  	s4 =	smul.u32 $0xFA0, s0;
	_ =	sdelay $0x1  }
0x239: {  	s4 =	sadd.s32 s9, s4  }
0x23a: {  	s4 =	sshrl.u32 s4, $0x3  }
0x23b: {  	s10 =	sadd.s32 s6, s4  }
0x23c: {  	[tilespmem:s31], [sflag:$0x4] =	stream.linear.gather [hbm4b:s10+s31], $0xFA0, $0x38;
	[tilespmem:$0x1DB00] =	vst v63  }
0x23d: {  	_ =	swait.ge [sflag:s15], $0xFA0  }
0x23e: {  	[sflag:s15] =	ssyncset.done $0x0  }
0x23f: {  	s4 =	sadd.s32 s7, s4;
	[sflag:s15] =	ssyncadd.s32 $0xFFFFF060  }
0x240: {  	[tilespmem:s16], [sflag:$0x4] =	stream.linear.gather [hbm4b:s4+s31], $0xFA0, $0x38;
	[tilespmem:$0x1DB00] =	vst v63  }
0x241: {  	_ =	swait.ge [sflag:s15], $0xFA0  }
0x242: {  	[sflag:s15] =	ssyncset.done $0x0  }
0x243: {  	[sflag:s15] =	ssyncadd.s32 $0xFFFFF060  }
0x244: {  	v3 =	vld [tilespmem:$0x0]  }
0x245: {  	v4 =	vld [tilespmem:$0x1000]  }
0x246: {  	v6 =	vld [tilespmem:$0x1010]  }
0x247: {  	v5 =	vld [tilespmem:$0x10]  }
0x248: {  	v8 =	vld [tilespmem:$0x1020]  }
0x249: {  	v50 =	vld [tilespmem:$0x1030]  }
0x24a: {  	v53 =	vld [tilespmem:$0x1040];
	[tilespmem:$0x9980] =	vst v4  }
0x24b: {  	v7 =	vld [tilespmem:$0x20];
	v3 =	vadd.s32 v2, v3;
	[tilespmem:$0x9990] =	vst v6  }
0x24c: {  	[tilespmem:$0x9800] =	vst v3;
	v3 =	vld [tilespmem:$0x30]  }
0x24d: {  	v51 =	vld [tilespmem:$0x40];
	[tilespmem:$0x99A0] =	vst v8  }
0x24e: {  	[tilespmem:$0x99B0] =	vst v50  }
0x24f: {  	v49 =	vadd.s32 v2, v5;
	[tilespmem:$0x99C0] =	vst v53  }
0x250: {  	v52 =	vadd.s32 v2, v7;
	[tilespmem:$0x9810] =	vst v49  }
0x251: {  	[tilespmem:$0x9820] =	vst v52;
	v3 =	vadd.s32 v2, v3  }
0x252: {  	[tilespmem:$0x9830] =	vst v3;
	v3 =	vadd.s32 v2, v51  }
0x253: {  	[tilespmem:$0x9840] =	vst v3  }
0x254: {  	[tilespmem:s19], [sflag:$0x1] =	stream.indirect.gather [hbm4b:s5+s17], $0x80, s18, s17, $0xb8;
	[tilespmem:$0x1DB00] =	vst v63  }
0x255: {  	v3 =	vld [tilespmem:$0x50]  }
0x256: {  	v54 =	vld [tilespmem:$0x1050]  }
0x257: {  	v56 =	vld [tilespmem:$0x1060]  }
0x258: {  	v55 =	vld [tilespmem:$0x60]  }
0x259: {  	v58 =	vld [tilespmem:$0x1070]  }
0x25a: {  	v60 =	vld [tilespmem:$0x1080]  }
0x25b: {  	v63 =	vld [tilespmem:$0x1090];
	[tilespmem:$0x9A00] =	vst v54  }
0x25c: {  	v57 =	vld [tilespmem:$0x70];
	v3 =	vadd.s32 v2, v3;
	[tilespmem:$0x9A10] =	vst v56  }
0x25d: {  	[tilespmem:$0x9880] =	vst v3;
	v3 =	vld [tilespmem:$0x80]  }
0x25e: {  	v61 =	vld [tilespmem:$0x90];
	[tilespmem:$0x9A20] =	vst v58  }
0x25f: {  	[tilespmem:$0x9A30] =	vst v60  }
0x260: {  	v59 =	vadd.s32 v2, v55;
	[tilespmem:$0x9A40] =	vst v63  }
0x261: {  	v62 =	vadd.s32 v2, v57;
	[tilespmem:$0x9890] =	vst v59  }
0x262: {  	[tilespmem:$0x98A0] =	vst v62;
	v3 =	vadd.s32 v2, v3  }
0x263: {  	[tilespmem:$0x98B0] =	vst v3;
	v3 =	vadd.s32 v2, v61  }
0x264: {  	s4 =	simm.s32 $0xC0;
	[tilespmem:$0x98C0] =	vst v3  }
0x265: {  	[tilespmem:s21], [sflag:$0x2] =	stream.indirect.gather [hbm4b:s5+s17], $0x80, s20, s17, $0xb8;
	[tilespmem:$0x1DB00] =	vst v63  }
0x266: {  	v3 =	vld [tilespmem:s4+$0xFFFFFFE0];
	_ =	sdelay $0x4  }
0x267: {  	v3 =	vadd.s32 v2, v3  }
0x268: {  	s10 =	simm.s32 $0x10C0;
	[tilespmem:$0x9900] =	vst v3  }
0x269: {  	v3 =	vld [tilespmem:s10+$0xFFFFFFE0];
	_ =	sdelay $0x4  }
0x26a: {  	[tilespmem:$0x9A80] =	vst v3  }
0x26b: {  	v3 =	vld [tilespmem:s4+$0xFFFFFFF0];
	_ =	sdelay $0x4  }
0x26c: {  	v3 =	vadd.s32 v2, v3  }
0x26d: {  	[tilespmem:$0x9910] =	vst v3  }
0x26e: {  	v3 =	vld [tilespmem:s10+$0xFFFFFFF0];
	_ =	sdelay $0x4  }
0x26f: {  	[tilespmem:$0x9A90] =	vst v3  }
0x270: {  	v3 =	vld [tilespmem:s4+$0x0];
	_ =	sdelay $0x4  }
0x271: {  	v3 =	vadd.s32 v2, v3  }
0x272: {  	[tilespmem:$0x9920] =	vst v3  }
0x273: {  	v3 =	vld [tilespmem:s10+$0x0];
	_ =	sdelay $0x4  }
0x274: {  	[tilespmem:$0x9AA0] =	vst v3  }
0x275: {  	v3 =	vld [tilespmem:s4+$0x10];
	_ =	sdelay $0x4  }
0x276: {  	v3 =	vadd.s32 v2, v3  }
0x277: {  	[tilespmem:$0x9930] =	vst v3  }
0x278: {  	v3 =	vld [tilespmem:s10+$0x10];
	_ =	sdelay $0x4  }
0x279: {  	[tilespmem:$0x9AB0] =	vst v3  }
0x27a: {  	v3 =	vld [tilespmem:s4+$0x20];
	_ =	sdelay $0x4  }
0x27b: {  	v3 =	vadd.s32 v2, v3  }
0x27c: {  	[tilespmem:$0x9940] =	vst v3  }
0x27d: {  	v3 =	vld [tilespmem:s10+$0x20];
	_ =	sdelay $0x4  }
0x27e: {  	[tilespmem:$0x9AC0] =	vst v3  }
0x27f: {  	[tilespmem:s23], [sflag:$0x3] =	stream.indirect.gather [hbm4b:s5+s17], $0x80, s22, s17, $0xb8;
	[tilespmem:$0x1DB00] =	vst v63  }
0x280: {  	_ =	swait.ge [sflag:s24], $0x2800  }
0x281: {  	[sflag:s24] =	ssyncset.done $0x0  }
0x282: {  	[sflag:s24] =	ssyncadd.s32 $0xFFFFD800  }
0x283: {  	[spmem:s2] =	stream.indirect.scatter.add.f32 [tilespmem:s19], [sflag:$0x4], $0x80, s25, s17, $0xb8;
	[tilespmem:$0x1DB00] =	vst v63  }
0x284: {  	_ =	swait.ge [sflag:s15], $0x2800  }
0x285: {  	[sflag:s15] =	ssyncset.done $0x0  }
0x286: {  	[sflag:s15] =	ssyncadd.s32 $0xFFFFD800  }
0x287: {  	v3 =	vld [tilespmem:s4+$0x30];
	_ =	sdelay $0x4  }
0x288: {  	v3 =	vadd.s32 v2, v3  }
0x289: {  	[tilespmem:$0x9800] =	vst v3  }
0x28a: {  	v3 =	vld [tilespmem:s10+$0x30];
	_ =	sdelay $0x4  }
0x28b: {  	s11 =	sand.u32 $0xFF0, s31;
	[tilespmem:$0x9980] =	vst v3  }
0x28c: {  	v3 =	vld [tilespmem:s11+$0x100];
	_ =	sdelay $0x4  }
0x28d: {  	v3 =	vadd.s32 v2, v3  }
0x28e: {  	[tilespmem:$0x9810] =	vst v3  }
0x28f: {  	v3 =	vld [tilespmem:s11+$0x1100];
	_ =	sdelay $0x4  }
0x290: {  	[tilespmem:$0x9990] =	vst v3  }
0x291: {  	v3 =	vld [tilespmem:s4+$0x50];
	_ =	sdelay $0x4  }
0x292: {  	v3 =	vadd.s32 v2, v3  }
0x293: {  	[tilespmem:$0x9820] =	vst v3  }
0x294: {  	v3 =	vld [tilespmem:s10+$0x50];
	_ =	sdelay $0x4  }
0x295: {  	[tilespmem:$0x99A0] =	vst v3  }
0x296: {  	v3 =	vld [tilespmem:s4+$0x60];
	_ =	sdelay $0x4  }
0x297: {  	v3 =	vadd.s32 v2, v3  }
0x298: {  	[tilespmem:$0x9830] =	vst v3  }
0x299: {  	v3 =	vld [tilespmem:s10+$0x60];
	_ =	sdelay $0x4  }
0x29a: {  	[tilespmem:$0x99B0] =	vst v3  }
0x29b: {  	v3 =	vld [tilespmem:s4+$0x70];
	_ =	sdelay $0x4  }
0x29c: {  	v3 =	vadd.s32 v2, v3  }
0x29d: {  	[tilespmem:$0x9840] =	vst v3  }
0x29e: {  	v3 =	vld [tilespmem:s10+$0x70];
	_ =	sdelay $0x4  }
0x29f: {  	[tilespmem:$0x99C0] =	vst v3  }
0x2a0: {  	[tilespmem:s19], [sflag:$0x1] =	stream.indirect.gather [hbm4b:s5+s17], $0x80, s18, s17, $0xb8;
	[tilespmem:$0x1DB00] =	vst v63  }
0x2a1: {  	_ =	swait.ge [sflag:s26], $0x2800  }
0x2a2: {  	[sflag:s26] =	ssyncset.done $0x0  }
0x2a3: {  	[sflag:s26] =	ssyncadd.s32 $0xFFFFD800  }
0x2a4: {  	[spmem:s2] =	stream.indirect.scatter.add.f32 [tilespmem:s21], [sflag:$0x4], $0x80, s28, s17, $0xb8;
	[tilespmem:$0x1DB00] =	vst v63  }
0x2a5: {  	_ =	swait.ge [sflag:s15], $0x2800  }
0x2a6: {  	[sflag:s15] =	ssyncset.done $0x0  }
0x2a7: {  	[sflag:s15] =	ssyncadd.s32 $0xFFFFD800  }
0x2a8: {  	v3 =	vld [tilespmem:s4+$0x80];
	_ =	sdelay $0x4  }
0x2a9: {  	v3 =	vadd.s32 v2, v3  }
0x2aa: {  	[tilespmem:$0x9880] =	vst v3  }
0x2ab: {  	v3 =	vld [tilespmem:s10+$0x80];
	_ =	sdelay $0x4  }
0x2ac: {  	[tilespmem:$0x9A00] =	vst v3  }
0x2ad: {  	v3 =	vld [tilespmem:s4+$0x90];
	_ =	sdelay $0x4  }
0x2ae: {  	v3 =	vadd.s32 v2, v3  }
0x2af: {  	[tilespmem:$0x9890] =	vst v3  }
0x2b0: {  	v3 =	vld [tilespmem:s10+$0x90];
	_ =	sdelay $0x4  }
0x2b1: {  	[tilespmem:$0x9A10] =	vst v3  }
0x2b2: {  	v3 =	vld [tilespmem:s4+$0xA0];
	_ =	sdelay $0x4  }
0x2b3: {  	v3 =	vadd.s32 v2, v3  }
0x2b4: {  	[tilespmem:$0x98A0] =	vst v3  }
0x2b5: {  	v3 =	vld [tilespmem:s10+$0xA0];
	_ =	sdelay $0x4  }
0x2b6: {  	[tilespmem:$0x9A20] =	vst v3  }
0x2b7: {  	v3 =	vld [tilespmem:s4+$0xB0];
	_ =	sdelay $0x4  }
0x2b8: {  	v3 =	vadd.s32 v2, v3  }
0x2b9: {  	[tilespmem:$0x98B0] =	vst v3  }
0x2ba: {  	v3 =	vld [tilespmem:s10+$0xB0];
	_ =	sdelay $0x4  }
0x2bb: {  	[tilespmem:$0x9A30] =	vst v3  }
0x2bc: {  	v3 =	vld [tilespmem:s11+$0x180];
	_ =	sdelay $0x4  }
0x2bd: {  	v3 =	vadd.s32 v2, v3  }
0x2be: {  	[tilespmem:$0x98C0] =	vst v3  }
0x2bf: {  	v3 =	vld [tilespmem:s11+$0x1180];
	_ =	sdelay $0x4  }
0x2c0: {  	[tilespmem:$0x9A40] =	vst v3  }
0x2c1: {  	[tilespmem:s21], [sflag:$0x2] =	stream.indirect.gather [hbm4b:s5+s17], $0x80, s20, s17, $0xb8;
	[tilespmem:$0x1DB00] =	vst v63  }
0x2c2: {  	_ =	swait.ge [sflag:s29], $0x2800  }
0x2c3: {  	[sflag:s29] =	ssyncset.done $0x0  }
0x2c4: {  	[sflag:s29] =	ssyncadd.s32 $0xFFFFD800  }
0x2c5: {  	[spmem:s2] =	stream.indirect.scatter.add.f32 [tilespmem:s23], [sflag:$0x4], $0x80, s30, s17, $0xb8;
	[tilespmem:$0x1DB00] =	vst v63  }
0x2c6: {  	_ =	swait.ge [sflag:s15], $0x2800  }
0x2c7: {  	s11 =	simm.s32 $0xF0;
	[sflag:s15] =	ssyncset.done $0x0  }
.LBB2_11:
0x2c8: {  	[sflag:s15] =	ssyncadd.s32 $0xFFFFD800;
	s10 =	sadd.s32 $0xF0, s10;
	s4 =	sadd.s32 $0xF0, s4  }
0x2c9: {  	p0 =	sne.s32 s11, $0xE10;
	s12 =	smov.u32 s11;
	s11 =	sadd.s32 $0xF0, s11;
	v3 =	vld [tilespmem:s4+$0xFFFFFFE0]  }
0x2ca: {  	_ =	sdelay $0x3  }
0x2cb: {  	v3 =	vadd.s32 v2, v3  }
0x2cc: {  	[tilespmem:$0x9900] =	vst v3  }
0x2cd: {  	v3 =	vld [tilespmem:s10+$0xFFFFFFE0];
	_ =	sdelay $0x4  }
0x2ce: {  	[tilespmem:$0x9A80] =	vst v3  }
0x2cf: {  	v3 =	vld [tilespmem:s4+$0xFFFFFFF0];
	_ =	sdelay $0x4  }
0x2d0: {  	v3 =	vadd.s32 v2, v3  }
0x2d1: {  	[tilespmem:$0x9910] =	vst v3  }
0x2d2: {  	v3 =	vld [tilespmem:s10+$0xFFFFFFF0];
	_ =	sdelay $0x4  }
0x2d3: {  	[tilespmem:$0x9A90] =	vst v3  }
0x2d4: {  	v3 =	vld [tilespmem:s4+$0x0];
	_ =	sdelay $0x4  }
0x2d5: {  	v3 =	vadd.s32 v2, v3  }
0x2d6: {  	[tilespmem:$0x9920] =	vst v3  }
0x2d7: {  	v3 =	vld [tilespmem:s10+$0x0];
	_ =	sdelay $0x4  }
0x2d8: {  	[tilespmem:$0x9AA0] =	vst v3  }
0x2d9: {  	v3 =	vld [tilespmem:s4+$0x10];
	_ =	sdelay $0x4  }
0x2da: {  	v3 =	vadd.s32 v2, v3  }
0x2db: {  	[tilespmem:$0x9930] =	vst v3  }
0x2dc: {  	v3 =	vld [tilespmem:s10+$0x10];
	_ =	sdelay $0x4  }
0x2dd: {  	[tilespmem:$0x9AB0] =	vst v3  }
0x2de: {  	v3 =	vld [tilespmem:s4+$0x20];
	_ =	sdelay $0x4  }
0x2df: {  	v3 =	vadd.s32 v2, v3  }
0x2e0: {  	[tilespmem:$0x9940] =	vst v3  }
0x2e1: {  	v3 =	vld [tilespmem:s10+$0x20];
	_ =	sdelay $0x4  }
0x2e2: {  	[tilespmem:$0x9AC0] =	vst v3  }
0x2e3: {  	[tilespmem:s23], [sflag:$0x3] =	stream.indirect.gather [hbm4b:s5+s17], $0x80, s22, s17, $0xb8;
	[tilespmem:$0x1DB00] =	vst v63  }
0x2e4: {  	_ =	swait.ge [sflag:s24], $0x2800  }
0x2e5: {  	[sflag:s24] =	ssyncset.done $0x0  }
0x2e6: {  	[sflag:s24] =	ssyncadd.s32 $0xFFFFD800  }
0x2e7: {  	[spmem:s2] =	stream.indirect.scatter.add.f32 [tilespmem:s19], [sflag:$0x4], $0x80, s25, s17, $0xb8;
	[tilespmem:$0x1DB00] =	vst v63  }
0x2e8: {  	_ =	swait.ge [sflag:s15], $0x2800  }
0x2e9: {  	[sflag:s15] =	ssyncset.done $0x0  }
0x2ea: {  	[sflag:s15] =	ssyncadd.s32 $0xFFFFD800  }
0x2eb: {  	v3 =	vld [tilespmem:s4+$0x30];
	_ =	sdelay $0x4  }
0x2ec: {  	v3 =	vadd.s32 v2, v3  }
0x2ed: {  	[tilespmem:$0x9800] =	vst v3  }
0x2ee: {  	v3 =	vld [tilespmem:s10+$0x30];
	_ =	sdelay $0x4  }
0x2ef: {  	s12 =	sand.u32 $0xFF0, s12;
	[tilespmem:$0x9980] =	vst v3  }
0x2f0: {  	v3 =	vld [tilespmem:s12+$0x100];
	_ =	sdelay $0x4  }
0x2f1: {  	v3 =	vadd.s32 v2, v3  }
0x2f2: {  	[tilespmem:$0x9810] =	vst v3  }
0x2f3: {  	v3 =	vld [tilespmem:s12+$0x1100];
	_ =	sdelay $0x4  }
0x2f4: {  	[tilespmem:$0x9990] =	vst v3  }
0x2f5: {  	v3 =	vld [tilespmem:s4+$0x50];
	_ =	sdelay $0x4  }
0x2f6: {  	v3 =	vadd.s32 v2, v3  }
0x2f7: {  	[tilespmem:$0x9820] =	vst v3  }
0x2f8: {  	v3 =	vld [tilespmem:s10+$0x50];
	_ =	sdelay $0x4  }
0x2f9: {  	[tilespmem:$0x99A0] =	vst v3  }
0x2fa: {  	v3 =	vld [tilespmem:s4+$0x60];
	_ =	sdelay $0x4  }
0x2fb: {  	v3 =	vadd.s32 v2, v3  }
0x2fc: {  	[tilespmem:$0x9830] =	vst v3  }
0x2fd: {  	v3 =	vld [tilespmem:s10+$0x60];
	_ =	sdelay $0x4  }
0x2fe: {  	[tilespmem:$0x99B0] =	vst v3  }
0x2ff: {  	v3 =	vld [tilespmem:s4+$0x70];
	_ =	sdelay $0x4  }
0x300: {  	v3 =	vadd.s32 v2, v3  }
0x301: {  	[tilespmem:$0x9840] =	vst v3  }
0x302: {  	v3 =	vld [tilespmem:s10+$0x70];
	_ =	sdelay $0x4  }
0x303: {  	[tilespmem:$0x99C0] =	vst v3  }
0x304: {  	[tilespmem:s19], [sflag:$0x1] =	stream.indirect.gather [hbm4b:s5+s17], $0x80, s18, s17, $0xb8;
	[tilespmem:$0x1DB00] =	vst v63  }
0x305: {  	_ =	swait.ge [sflag:s26], $0x2800  }
0x306: {  	[sflag:s26] =	ssyncset.done $0x0  }
0x307: {  	[sflag:s26] =	ssyncadd.s32 $0xFFFFD800  }
0x308: {  	[spmem:s2] =	stream.indirect.scatter.add.f32 [tilespmem:s21], [sflag:$0x4], $0x80, s28, s17, $0xb8;
	[tilespmem:$0x1DB00] =	vst v63  }
0x309: {  	_ =	swait.ge [sflag:s15], $0x2800  }
0x30a: {  	[sflag:s15] =	ssyncset.done $0x0  }
0x30b: {  	[sflag:s15] =	ssyncadd.s32 $0xFFFFD800  }
0x30c: {  	v3 =	vld [tilespmem:s4+$0x80];
	_ =	sdelay $0x4  }
0x30d: {  	v3 =	vadd.s32 v2, v3  }
0x30e: {  	[tilespmem:$0x9880] =	vst v3  }
0x30f: {  	v3 =	vld [tilespmem:s10+$0x80];
	_ =	sdelay $0x4  }
0x310: {  	[tilespmem:$0x9A00] =	vst v3  }
0x311: {  	v3 =	vld [tilespmem:s4+$0x90];
	_ =	sdelay $0x4  }
0x312: {  	v3 =	vadd.s32 v2, v3  }
0x313: {  	[tilespmem:$0x9890] =	vst v3  }
0x314: {  	v3 =	vld [tilespmem:s10+$0x90];
	_ =	sdelay $0x4  }
0x315: {  	[tilespmem:$0x9A10] =	vst v3  }
0x316: {  	v3 =	vld [tilespmem:s4+$0xA0];
	_ =	sdelay $0x4  }
0x317: {  	v3 =	vadd.s32 v2, v3  }
0x318: {  	[tilespmem:$0x98A0] =	vst v3  }
0x319: {  	v3 =	vld [tilespmem:s10+$0xA0];
	_ =	sdelay $0x4  }
0x31a: {  	[tilespmem:$0x9A20] =	vst v3  }
0x31b: {  	v3 =	vld [tilespmem:s4+$0xB0];
	_ =	sdelay $0x4  }
0x31c: {  	v3 =	vadd.s32 v2, v3  }
0x31d: {  	[tilespmem:$0x98B0] =	vst v3  }
0x31e: {  	v3 =	vld [tilespmem:s10+$0xB0];
	_ =	sdelay $0x4  }
0x31f: {  	[tilespmem:$0x9A30] =	vst v3  }
0x320: {  	v3 =	vld [tilespmem:s12+$0x180];
	_ =	sdelay $0x4  }
0x321: {  	v3 =	vadd.s32 v2, v3  }
0x322: {  	[tilespmem:$0x98C0] =	vst v3  }
0x323: {  	v3 =	vld [tilespmem:s12+$0x1180];
	_ =	sdelay $0x4  }
0x324: {  	[tilespmem:$0x9A40] =	vst v3  }
0x325: {  	[tilespmem:s21], [sflag:$0x2] =	stream.indirect.gather [hbm4b:s5+s17], $0x80, s20, s17, $0xb8;
	[tilespmem:$0x1DB00] =	vst v63  }
0x326: {  	_ =	swait.ge [sflag:s29], $0x2800  }
.Ltmp4:
0x327: {  	[sflag:s29] =	ssyncset.done $0x0;
	(pc) =	sbr.rel @p0 .LBB2_11-.Ltmp4, $4  }
0x328: {  	[sflag:s29] =	ssyncadd.s32 $0xFFFFD800  }
0x329: {  	[spmem:s2] =	stream.indirect.scatter.add.f32 [tilespmem:s23], [sflag:$0x4], $0x80, s30, s17, $0xb8;
	[tilespmem:$0x1DB00] =	vst v63  }
0x32a: {  	_ =	swait.ge [sflag:s15], $0x2800  }
0x32b: {  	[sflag:s15] =	ssyncset.done $0x0  }
0x32c: {  	[sflag:s15] =	ssyncadd.s32 $0xFFFFD800  }
0x32d: {  	_ =	swait.ge [sflag:s24], $0x2800  }
0x32e: {  	[sflag:s24] =	ssyncset.done $0x0  }
0x32f: {  	[sflag:s24] =	ssyncadd.s32 $0xFFFFD800  }
0x330: {  	[spmem:s2] =	stream.indirect.scatter.add.f32 [tilespmem:s19], [sflag:$0x4], $0x80, s25, s17, $0xb8;
	[tilespmem:$0x1DB00] =	vst v63  }
0x331: {  	_ =	swait.ge [sflag:s15], $0x2800  }
0x332: {  	[sflag:s15] =	ssyncset.done $0x0  }
0x333: {  	[sflag:s15] =	ssyncadd.s32 $0xFFFFD800  }
0x334: {  	s0 =	sadd.s32 $0x1, s0;
	_ =	swait.ge [sflag:s26], $0x2800  }
0x335: {  	p0 =	sne.s32 s0, $0x5;
	[sflag:s26] =	ssyncset.done $0x0  }
.Ltmp5:
0x336: {  	[sflag:s26] =	ssyncadd.s32 $0xFFFFD800;
	(pc) =	sbr.rel @p0 .LBB2_10-.Ltmp5, $4  }
0x337: {  	[spmem:s2] =	stream.indirect.scatter.add.f32 [tilespmem:s21], [sflag:$0x4], $0x80, s28, s17, $0xb8;
	[tilespmem:$0x1DB00] =	vst v63  }
0x338: {  	_ =	swait.ge [sflag:s15], $0x2800  }
0x339: {  	[sflag:s15] =	ssyncset.done $0x0  }
0x33a: {  	[sflag:s15] =	ssyncadd.s32 $0xFFFFD800  }
0x33b: {  	[bflag:$0x0] =	sbarrier.arrive $0xFFFF;
	s3 =	sadd.s32 $0x1, s3  }
0x33c: {  	s0 =	rddreg [dreg:$0x6];
	p0 =	sne.s32 s3, s13  }
0x33d: {  	[hbm:s0], [sflag:s8] =	dma.local [spmem:s14], $0x2800  }
.Ltmp6:
0x33e: {  	_ =	swait.ge [sflag:s15], $0x2800;
	(pc) =	sbr.rel @p0 .LBB2_1-.Ltmp6, $3  }
0x33f: {  	[sflag:s15] =	ssyncset.done $0x0  }
0x340: {  	[sflag:s15] =	ssyncadd.s32 $0xFFFFD800  }
0x341: {  	[bflag:$0x0] =	sbarrier.arrive $0xFFFF;
	_ =	sdelay $0x1  }
0x342: {  	_ =	sfence.sel $0x180000  }
0x343: {  	[bflag:$0x0] =	sbarrier.arrive $0xFFFF  }
0x344: {  	_ =	strace $0x9000004A  }
0x345: {  	s0 =	stileid.u32;
	[bflag:$0x2] =	sbarrier.arrive $0xFFFF  }
0x346: {  	p0 =	sne.s32 s0, $0x0;
	s0 =	rddreg [dreg:$0x3]  }
0x347: {  	s0 =	sadd.s32 @!p0 $0x100000, s0  }
0x348: {  	[sflag:s0] =	ssyncadd.tile.s32 @!p0 $0x1;
	_ =	shalt  }
.Lfunc_end2:
_tile_overlayer_lowered:
.L_overlay_start_2:
0x349: {  	(tag) =	ssettag $0x2  }
0x34a: {  	s0 =	rddreg [dreg:$0x0];
	s2 =	stileid.u32  }
0x34b: {  	s1 =	rddreg [dreg:$0x1];
	p0 =	sne.s32 s2, $0x0  }
0x34c: {  	s3 =	rddreg [dreg:$0x2];
	[bflag:$0x3] =	sbarrier.arrive $0xFFFF;
	s2 =	simm.s32 @!p0 $0x1C04  }
0x34d: {  	[timem:s3], [sflag:s2] =	dma.local @!p0 [hbm:s0], s1  }
0x34e: {  	s0 =	simm.s32 @!p0 $0x4  }
0x34f: {  	_ =	swait.ge @!p0 [sflag:s0], s1  }
0x350: {  	s1 =	ssub.s32 @!p0 $0x0, s1;
	[sflag:s0] =	ssyncset.done @!p0 $0x0  }
0x351: {  	[sflag:s0] =	ssyncadd.s32 @!p0 s1  }
0x352: {  	[bflag:$0x3] =	sbarrier.arrive $0xFFFF  }
0x353: {  	_ =	shalt  }

// kernel: kernel.7.cloned.1.call-start
scs
__scs_entry_jumppad:
0x0: {  	(pc) =	sbr.rel $0x88, $3  }
0x1: {  	(tag) =	ssettag $0x0;
	lr =	simm.s32 $0x1  }
0x2: {  	[smem:$0x3F94] =	sst lr;
	_ =	strace $0xD0000000  }
0x3: {  	_ = 	snop  }
0x4: {  	_ = 	snop  }
0x5: {  	_ = 	snop  }
0x6: {  	_ = 	snop  }
0x7: {  	_ = 	snop  }
__scs_overlays_trampoline_lowered:
0x8: {  	[smem:$0x3FA3] =	sst s0  }
0x9: {  	[smem:$0x3FA4] =	sst s1  }
0xa: {  	[smem:$0x3FA5] =	sst s2  }
0xb: {  	[smem:$0x3FA6] =	sst s3  }
0xc: {  	[smem:$0x3FA7] =	sst s4  }
0xd: {  	[smem:$0x3FA8] =	sst s5  }
0xe: {  	[smem:$0x3FA9] =	sst s6  }
0xf: {  	[smem:$0x3FAA] =	sst s7  }
0x10: {  	[smem:$0x3FAB] =	sst s8  }
0x11: {  	[smem:$0x3FAC] =	sst s9;
	s0 =	simm.s32 @!p0 $0x0  }
0x12: {  	s1 =	sld [smem:$0x3F92];
	s0 =	simm.s32 @p0 $0x1  }
0x13: {  	[smem:$0x3FAD] =	sst s0;
	s0 =	simm.s32 @!p1 $0x0  }
0x14: {  	s2 =	sld [smem:$0x3F91];
	s0 =	simm.s32 @p1 $0x1  }
0x15: {  	[smem:$0x3FAE] =	sst s0;
	s0 =	simm.s32 @!p2 $0x0  }
0x16: {  	s3 =	sld [smem:$0x3FDB];
	s0 =	simm.s32 @p2 $0x1  }
0x17: {  	s4 =	simm.s32 $0x1BF5;
	[smem:$0x3FB0] =	sst s0  }
0x18: {  	s0 =	sld [smem:$0x3F93];
	_ =	swait.ge [sflag:s4], $0x0  }
0x19: {  	s7 =	sld [smem:$0x3F94]  }
0x1a: {  	s8 =	sadd.s32 $0xFFFFE003, lr  }
0x1b: {  	s9 =	sadd.s32 $0xFFFFFEF7, lr;
	s5 =	simm.s32 $0xFFFFFFFF;
	p2 =	slt.u32 s8, $0xFFFFF086  }
0x1c: {  	p1 =	slt.u32 s9, $0xF7A;
	s5 =	simm.s32 @!p2 $0x0  }
0x1d: {  	s5 =	simm.s32 @p1 $0x1;
	p0 =	seq.s32 s7, s2  }
0x1e: {  	s7 =	smul.u32 @!p0 $0xF7A, s2;
	p2 =	seq.s32 @!p0 s5, $0x0  }
0x1f: {  	s9 =	smul.u32 $0xF7A, s1;
	s8 =	simm.s32 @!p0 $0x1BF5;
	p2 =	por !p2, p0  }
0x20: {  	[sflag:s8] =	ssyncset.s32 @!p0 $0xFFFFF086;
	s6 =	sadd.s32 @!p0 s3, s7;
	s7 =	simm.s32 @!p0 $0x108  }
0x21: {  	s3 =	sadd.s32 s3, s9;
	s6 =	sadd.s32 @!p0 $0x88, s6;
	s7 =	simm.s32 @p2 $0x1082  }
0x22: {  	[simem:s7], [sflag:s8] =	dma.local @!p0 [hbm:s6], $0xF7A  }
0x23: {  	s9 =	sor.u32 $0xD0000000, s2;
	s6 =	simm.s32 $0x108;
	_ =	swait.ge @!p0 [sflag:s8], $0x0  }
0x24: {  	s3 =	sadd.s32 $0x88, s3;
	s6 =	simm.s32 @!p1 $0x1082;
	[sflag:s4] =	ssyncset.s32 $0xFFFFF086  }
0x25: {  	[simem:s6], [sflag:s4] =	dma.local [hbm:s3], $0xF7A  }
0x26: {  	[smem:$0x3F94] =	sst s1;
	(tag) =	ssettag s2;
	_ =	strace s9  }
0x27: {  	s1 =	sld [smem:$0x3FA4]  }
0x28: {  	s2 =	sld [smem:$0x3FA5]  }
0x29: {  	s4 =	sld [smem:$0x3FA7]  }
0x2a: {  	p0 =	seq.s32 s5, $0x0;
	s5 =	sld [smem:$0x3FA8]  }
0x2b: {  	s6 =	sld [smem:$0x3FA9]  }
0x2c: {  	s7 =	sld [smem:$0x3FAA]  }
0x2d: {  	s3 =	simm.s32 $0x108;
	s8 =	sld [smem:$0x3FAB]  }
0x2e: {  	s3 =	simm.s32 @!p0 $0x1082;
	s9 =	sld [smem:$0x3FAC]  }
0x2f: {  	lr =	sadd.s32 s0, s3;
	s0 =	sld [smem:$0x3FA3]  }
0x30: {  	s3 =	sld [smem:$0x3FA6]  }
0x31: {  	[smem:$0x3FAF] =	sst s10  }
0x32: {  	s10 =	sld [smem:$0x3FAD];
	_ =	sdelay $0x3  }
0x33: {  	p0 =	seq.s32 s10, $0x1;
	s10 =	sld [smem:$0x3FAF];
	_ =	sdelay $0x3  }
0x34: {  	[smem:$0x3FAF] =	sst s10  }
0x35: {  	s10 =	sld [smem:$0x3FAE];
	_ =	sdelay $0x3  }
0x36: {  	p1 =	seq.s32 s10, $0x1;
	s10 =	sld [smem:$0x3FAF];
	_ =	sdelay $0x3  }
0x37: {  	[smem:$0x3FAF] =	sst s10  }
0x38: {  	s10 =	sld [smem:$0x3FB0]  }
0x39: {  	_ = 	snop;
	(pc) =	sbr.ind lr, $3  }
0x3a: {  	_ = 	snop  }
0x3b: {  	_ = 	snop  }
0x3c: {  	p2 =	seq.s32 s10, $0x1;
	s10 =	sld [smem:$0x3FAF]  }
0x3d: {  	_ =	shalt  }
0x3e: {  	_ =	shalt  }
0x3f: {  	_ =	shalt  }
0x40: {  	_ =	shalt  }
0x41: {  	_ =	shalt  }
0x42: {  	_ =	shalt  }
0x43: {  	_ =	shalt  }
0x44: {  	_ =	shalt  }
0x45: {  	_ =	shalt  }
0x46: {  	_ =	shalt  }
0x47: {  	_ =	shalt  }
0x48: {  	_ =	shalt  }
0x49: {  	_ =	shalt  }
0x4a: {  	_ =	shalt  }
0x4b: {  	_ =	shalt  }
0x4c: {  	_ =	shalt  }
0x4d: {  	_ =	shalt  }
0x4e: {  	_ =	shalt  }
0x4f: {  	_ =	shalt  }
0x50: {  	_ =	shalt  }
0x51: {  	_ =	shalt  }
0x52: {  	_ =	shalt  }
0x53: {  	_ =	shalt  }
0x54: {  	_ =	shalt  }
0x55: {  	_ =	shalt  }
0x56: {  	_ =	shalt  }
0x57: {  	_ =	shalt  }
0x58: {  	_ =	shalt  }
0x59: {  	_ =	shalt  }
0x5a: {  	_ =	shalt  }
0x5b: {  	_ =	shalt  }
0x5c: {  	_ =	shalt  }
0x5d: {  	_ =	shalt  }
0x5e: {  	_ =	shalt  }
0x5f: {  	_ =	shalt  }
0x60: {  	_ =	shalt  }
0x61: {  	_ =	shalt  }
0x62: {  	_ =	shalt  }
0x63: {  	_ =	shalt  }
0x64: {  	_ =	shalt  }
0x65: {  	_ =	shalt  }
0x66: {  	_ =	shalt  }
0x67: {  	_ =	shalt  }
0x68: {  	_ =	shalt  }
0x69: {  	_ =	shalt  }
0x6a: {  	_ =	shalt  }
0x6b: {  	_ =	shalt  }
0x6c: {  	_ =	shalt  }
0x6d: {  	_ =	shalt  }
0x6e: {  	_ =	shalt  }
0x6f: {  	_ =	shalt  }
0x70: {  	_ =	shalt  }
0x71: {  	_ =	shalt  }
0x72: {  	_ =	shalt  }
0x73: {  	_ =	shalt  }
0x74: {  	_ =	shalt  }
0x75: {  	_ =	shalt  }
0x76: {  	_ =	shalt  }
0x77: {  	_ =	shalt  }
0x78: {  	_ =	shalt  }
0x79: {  	_ =	shalt  }
0x7a: {  	_ =	shalt  }
0x7b: {  	_ =	shalt  }
0x7c: {  	_ =	shalt  }
0x7d: {  	_ =	shalt  }
0x7e: {  	_ =	shalt  }
0x7f: {  	_ =	shalt  }
0x80: {  	_ =	shalt  }
0x81: {  	_ =	shalt  }
0x82: {  	_ =	shalt  }
0x83: {  	_ =	shalt  }
0x84: {  	_ =	shalt  }
0x85: {  	_ =	shalt  }
0x86: {  	_ =	shalt  }
0x87: {  	_ =	shalt  }
.Lfunc_end0:
.L_simem_size_0:
called_computation_lowered:
.L_overlay_start_0:
0x88: {  	s2 =	sld [smem:$0x3FD9]  }
0x89: {  	s3 =	sld [smem:$0x3FFE];
	_ =	sdelay $0x1  }
0x8a: {  	s1 =	srdreg.scid  }
0x8b: {  	s0 =	sand.u32 $0x1, s1  }
0x8c: {  	s17 =	sshll.u32 s0, $0xA;
	s2 =	sadd.s32 s3, s2  }
0x8d: {  	s2 =	sadd.s32 s2, s17  }
0x8e: {  	[smem:$0x3FBB] =	sst s2  }
0x8f: {  	_ = 	snop  }
0x90: {  	s2 =	sld [smem:$0x3FD0];
	(tm) =	ssettm $0x1  }
0x91: {  	s18 =	sld [smem:$0x3FFB];
	_ =	sdelay $0x3  }
0x92: {  	_ =	strace s18  }
0x93: {  	s3 =	sld [smem:$0x3FFC];
	_ =	sdelay $0x3  }
0x94: {  	_ =	strace s3  }
0x95: {  	s3 =	sld [smem:$0x3FFD];
	_ =	sdelay $0x3  }
0x96: {  	_ =	strace s3  }
0x97: {  	_ =	strace $0x8FFFFFFF  }
0x98: {  	s19 =	sld [smem:$0x3FDB];
	_ =	sdelay $0x1  }
0x99: {  	s4 =	simm.s32 $_scs_section_size  }
0x9a: {  	s5 =	simm.s32 $_size__tile_overlayer_lowered;
	s6 =	simm.s32 $_tile_overlayer_lowered  }
0x9b: {  	s22 =	simm.s32 $0x1BFF;
	s21 =	sshll.u32 s6, $0x1;
	s3 =	sadd.s32 s4, s19  }
0x9c: {  	s7 =	simm.s32 $0x0;
	s20 =	sshll.u32 s5, $0x1;
	s5 =	sadd.s32 s21, s3  }
0x9d: {  	[timem:s7], [sflag:s22] =	dma.local [hbm:s5], s20  }
0x9e: {  	_ =	swait.ge [sflag:s22], s20  }
0x9f: {  	s4 =	ssub.s32 $0x0, s20;
	[sflag:s22] =	ssyncset.done $0x0  }
0xa0: {  	[sflag:s22] =	ssyncadd.s32 s4;
	_ =	sdelay $0x1  }
0xa1: {  	s23 =	simm.s32 $0x1B8B  }
0xa2: {  	_ =	swait.ge [sflag:s23], $0x1  }
0xa3: {  	[sflag:s23] =	ssyncset.done $0x0  }
0xa4: {  	s25 =	simm.s32 $0x1B8E;
	s24 =	sld [smem:$0x3FFE];
	[sflag:s23] =	ssyncadd.s32 $0xFFFFFFFF  }
0xa5: {  	s26 =	simm.s32 $execute0_lowered;
	[smem:$0x3FD2] =	sst s25  }
0xa6: {  	s5 =	sshll.u32 s26, $0x1;
	_ =	strace $0x80000046;
	[dreg:$0x1] =	wrdreg $0xFFFFFFFF  }
0xa7: {  	s28 =	simm.s32 $_size_execute0_lowered;
	s3 =	sadd.s32 s3, s5;
	[dreg:$0x0] =	wrdreg $0x0  }
0xa8: {  	s5 =	sshll.u32 s28, $0x1;
	[dreg:$0x2] =	wrdreg s3  }
0xa9: {  	[dreg:$0x3] =	wrdreg s5  }
0xaa: {  	[dreg:$0x4] =	wrdreg $0xC0  }
0xab: {  	_ =	task [dreg:s7], $0x5FFFF  }
0xac: {  	[dreg:$0x1] =	wrdreg $0xFFFFFFFF  }
0xad: {  	[dreg:$0x0] =	wrdreg $0x60  }
0xae: {  	[dreg:$0x2] =	wrdreg s24  }
0xaf: {  	[dreg:$0x3] =	wrdreg s2  }
0xb0: {  	[dreg:$0x4] =	wrdreg $0x50000  }
0xb1: {  	[dreg:$0x5] =	wrdreg $0x9  }
0xb2: {  	_ =	task.clear_ibuf [dreg:s7], $0x6FFFF;
	_ =	strace $0x90000046  }
0xb3: {  	s29 =	simm.s32 $0x9;
	_ =	strace $0x80000048  }
0xb4: {  	_ =	swait.ge [sflag:s29], $0x1  }
0xb5: {  	[sflag:s29] =	ssyncadd.s32 $0xFFFFFFFF  }
0xb6: {  	_ =	strace $0x90000048  }
0xb7: {  	_ =	sfence  }
0xb8: {  	s30 =	sld [smem:$0x0];
	_ =	sdelay $0x2  }
0xb9: {  	s31 =	sshll.u32 s1, $0xD;
	s1 =	sshrl.u32 s1, $0x2  }
0xba: {  	s3 =	sand.u32 $0x4000, s31;
	s1 =	sadd.s32 s1, s30  }
0xbb: {  	s0 =	sor.u32 s3, s0;
	s1 =	sshll.u32 s1, $0x11  }
0xbc: {  	s0 =	sor.u32 s1, s0  }
0xbd: {  	s0 =	sadd.s32 $0x8F2B, s0  }
0xbe: {  	[sflag:s0] =	ssyncadd.remote.s32 $0x1  }
0xbf: {  	_ =	sfence.sel $0xFFFF  }
0xc0: {  	[dreg:$0x0] =	wrdreg $0xFFFFFFFF;
	(pc) =	sbr.abs _section_cstart, $3  }
0xc1: {  	[dreg:$0x1] =	wrdreg $0xFFFFFFFF  }
0xc2: {  	_ =	task.clear_ibuf [dreg:s7], $0x2FFFF;
	_ =	strace $0x9FFFFFFF  }
0xc3: {  	(tm) =	ssettm $0x7FFFFFFF  }
tec
execute0_lowered:
.L_overlay_start_1:
0x0: {  	(tag) =	ssettag $0x1  }
0x1: {  	s6 =	rddreg [dreg:$0x0]  }
0x2: {  	s1 =	srdreg.scid;
	s2 =	rddreg [dreg:$0x1]  }
0x3: {  	s0 =	stileid.u32;
	s3 =	rddreg [dreg:$0x2];
	s4 =	simm.s32 $0x0  }
0x4: {  	s13 =	simm.s32 $0x50;
	s14 =	simm.s32 $0x2780;
	s15 =	simm.s32 $0x0  }
0x5: {  	s5 =	sand.u32 $0x1, s1;
	s1 =	rddreg [dreg:$0x3];
	s8 =	smul.u32 $0x2800, s0  }
0x6: {  	s28 =	sshll.u32 s0, $0x1;
	[smem:$0x7FF] =	sst s4;
	s11 =	smul.u32 $0x50000, s0  }
0x7: {  	s31 =	sshll.u32 s0, $0x6;
	s7 =	sor.u32 s5, s28;
	_ =	strace $0x80000047  }
0x8: {  	s9 =	smul.u32 $0x28000, s5;
	s10 =	ssub.s32 $0x2, s5;
	s5 =	sadd.s32 $0x15400, s6  }
0x9: {  	s7 =	smul.u32 $0x4E2, s7;
	s29 =	sshrl.u32 s10, $0x1;
	s30 =	sshrl.u32 s11, $0x2  }
0xa: {  	s11 =	sor.u32 $0x1C01, s31;
	s8 =	sadd.s32 s8, s9;
	s9 =	ssub.s32 s10, s29  }
0xb: {  	s12 =	sadd.s32 s30, s3;
	s10 =	simm.s32 $0x2800;
	s7 =	sadd.s32 s7, s6  }
0xc: {  	s8 =	sadd.s32 s8, s6;
	s12 =	sshrl.u32 s12, $0x3;
	s6 =	sadd.s32 $0xB600, s7  }
0xd: {  	s7 =	sadd.s32 $0x15A00, s8;
	s8 =	smax.u32 s9, $0x1;
	s9 =	simm.s32 $0x1  }
.LBB2_1:
0xe: {  	[tilespmem:s4], [sflag:$0x1] =	stream.linear.gather [hbm4b:s6+s4], $0x2710, $0x38;
	[tilespmem:$0x19000] =	vst v63  }
0xf: {  	_ =	swait.ge [sflag:s9], $0x2710  }
0x10: {  	[sflag:s9] =	ssyncset.done $0x0  }
0x11: {  	[sflag:s9] =	ssyncadd.s32 $0xFFFFD8F0  }
0x12: {  	[tilespmem:s10], [sflag:$0x1] =	stream.linear.gather [hbm4b:s5+s4], $0x2800, $0x38;
	[tilespmem:$0x19000] =	vst v63  }
0x13: {  	_ =	swait.ge [sflag:s9], $0x2800  }
0x14: {  	[sflag:s9] =	ssyncset.done $0x0  }
0x15: {  	[sflag:s9] =	ssyncadd.s32 $0xFFFFD800  }
0x16: {  	[spmem:s12], [sflag:s11] =	dma.local [hbm:s2], $0x2800  }
0x17: {  	_ =	swait.ge [sflag:s9], $0x2800  }
0x18: {  	[sflag:s9] =	ssyncset.done $0x0  }
0x19: {  	[sflag:s9] =	ssyncadd.s32 $0xFFFFD800  }
0x1a: {  	s16 =	simm.s32 $0x0;
	[bflag:$0x0] =	sbarrier.arrive $0xFFFF  }
0x1b: {  	v0 =	vld [tilespmem:s16+$0x0];
	_ =	sdelay $0x4  }
0x1c: {  	[tilespmem:$0x2780] =	vst v0  }
0x1d: {  	v0 =	vld [tilespmem:s16+$0x10];
	_ =	sdelay $0x4  }
0x1e: {  	[tilespmem:$0x2790] =	vst v0  }
0x1f: {  	v0 =	vld [tilespmem:s16+$0x20];
	_ =	sdelay $0x4  }
0x20: {  	[tilespmem:$0x27A0] =	vst v0  }
0x21: {  	v0 =	vld [tilespmem:s16+$0x30];
	_ =	sdelay $0x4  }
0x22: {  	[tilespmem:$0x27B0] =	vst v0  }
0x23: {  	v0 =	vld [tilespmem:s16+$0x40];
	_ =	sdelay $0x4  }
0x24: {  	[tilespmem:$0x27C0] =	vst v0  }
0x25: {  	[spmem:s3] =	stream.indirect.scatter.add.f32 [tilespmem:s10], [sflag:$0x1], $0x80, s14, s13, $0xb8;
	[tilespmem:$0x19000] =	vst v63  }
0x26: {  	_ =	swait.ge [sflag:s9], $0x2800  }
0x27: {  	s17 =	simm.s32 $0x280;
	s16 =	simm.s32 $0x140;
	[sflag:s9] =	ssyncset.done $0x0  }
.LBB2_2:
0x28: {  	s18 =	sshra.s32 s16, $0x2  }
0x29: {  	[sflag:s9] =	ssyncadd.s32 $0xFFFFD800;
	s16 =	smov.u32 s17;
	s19 =	sadd.s32 $0x140, s17  }
0x2a: {  	p0 =	sne.s32 s17, $0x9B00;
	v0 =	vld [tilespmem:s18+$0x0];
	_ =	sdelay $0x4  }
0x2b: {  	[tilespmem:$0x2780] =	vst v0  }
0x2c: {  	v0 =	vld [tilespmem:s18+$0x10];
	_ =	sdelay $0x4  }
0x2d: {  	[tilespmem:$0x2790] =	vst v0  }
0x2e: {  	v0 =	vld [tilespmem:s18+$0x20];
	_ =	sdelay $0x4  }
0x2f: {  	[tilespmem:$0x27A0] =	vst v0  }
0x30: {  	v0 =	vld [tilespmem:s18+$0x30];
	_ =	sdelay $0x4  }
0x31: {  	[tilespmem:$0x27B0] =	vst v0  }
0x32: {  	v0 =	vld [tilespmem:s18+$0x40];
	_ =	sdelay $0x3  }
.Ltmp0:
0x33: {  	(pc) =	sbr.rel @p0 .LBB2_2-.Ltmp0, $4  }
0x34: {  	[tilespmem:$0x27C0] =	vst v0  }
0x35: {  	[spmem:s3] =	stream.indirect.scatter.add.f32 [tilespmem:s10], [sflag:$0x1], $0x80, s14, s13, $0xb8;
	[tilespmem:$0x19000] =	vst v63  }
0x36: {  	_ =	swait.ge [sflag:s9], $0x2800  }
0x37: {  	s17 =	smov.u32 s19;
	[sflag:s9] =	ssyncset.done $0x0  }
0x38: {  	s16 =	sshra.s32 s16, $0x2;
	[sflag:s9] =	ssyncadd.s32 $0xFFFFD800  }
0x39: {  	v0 =	vld [tilespmem:s16+$0x0];
	_ =	sdelay $0x4  }
0x3a: {  	[tilespmem:$0x2780] =	vst v0  }
0x3b: {  	v0 =	vld [tilespmem:s16+$0x10];
	_ =	sdelay $0x4  }
0x3c: {  	[tilespmem:$0x2790] =	vst v0  }
0x3d: {  	v0 =	vld [tilespmem:s16+$0x20];
	_ =	sdelay $0x4  }
0x3e: {  	[tilespmem:$0x27A0] =	vst v0  }
0x3f: {  	v0 =	vld [tilespmem:s16+$0x30];
	_ =	sdelay $0x4  }
0x40: {  	[tilespmem:$0x27B0] =	vst v0  }
0x41: {  	v0 =	vld [tilespmem:s16+$0x40];
	_ =	sdelay $0x4  }
0x42: {  	[tilespmem:$0x27C0] =	vst v0  }
0x43: {  	[spmem:s3] =	stream.indirect.scatter.add.f32 [tilespmem:s10], [sflag:$0x1], $0x80, s14, s13, $0xb8;
	[tilespmem:$0x19000] =	vst v63  }
0x44: {  	_ =	swait.ge [sflag:s9], $0x2800  }
0x45: {  	s15 =	sadd.s32 $0x1, s15;
	[sflag:s9] =	ssyncset.done $0x0  }
0x46: {  	p0 =	sne.s32 s15, s8;
	[sflag:s9] =	ssyncadd.s32 $0xFFFFD800  }
.Ltmp1:
0x47: {  	[bflag:$0x0] =	sbarrier.arrive $0xFFFF;
	(pc) =	sbr.rel @p0 .LBB2_1-.Ltmp1, $4  }
0x48: {  	[hbm:s7], [sflag:s11] =	dma.local [spmem:s12], $0x2800  }
0x49: {  	_ =	swait.ge [sflag:s9], $0x2800  }
0x4a: {  	[sflag:s9] =	ssyncset.done $0x0  }
0x4b: {  	[sflag:s9] =	ssyncadd.s32 $0xFFFFD800  }
0x4c: {  	_ =	sfence.sel $0x180000  }
0x4d: {  	[bflag:$0x0] =	sbarrier.arrive $0xFFFF  }
0x4e: {  	p0 =	sne.s32 s0, $0x0;
	_ =	strace $0x90000047  }
0x4f: {  	s0 =	sadd.s32 @!p0 $0x100000, s1;
	[bflag:$0x2] =	sbarrier.arrive $0xFFFF  }
0x50: {  	[sflag:s0] =	ssyncadd.tile.s32 @!p0 $0x1;
	_ =	shalt  }
.Lfunc_end2:
_tile_overlayer_lowered:
.L_overlay_start_2:
0x51: {  	(tag) =	ssettag $0x2  }
0x52: {  	s0 =	rddreg [dreg:$0x0];
	s2 =	stileid.u32  }
0x53: {  	s1 =	rddreg [dreg:$0x1];
	p0 =	sne.s32 s2, $0x0  }
0x54: {  	s3 =	rddreg [dreg:$0x2];
	[bflag:$0x3] =	sbarrier.arrive $0xFFFF;
	s2 =	simm.s32 @!p0 $0x1C01  }
0x55: {  	[timem:s3], [sflag:s2] =	dma.local @!p0 [hbm:s0], s1  }
0x56: {  	s0 =	simm.s32 @!p0 $0x1  }
0x57: {  	_ =	swait.ge @!p0 [sflag:s0], s1  }
0x58: {  	s1 =	ssub.s32 @!p0 $0x0, s1;
	[sflag:s0] =	ssyncset.done @!p0 $0x0  }
0x59: {  	[sflag:s0] =	ssyncadd.s32 @!p0 s1  }
0x5a: {  	[bflag:$0x3] =	sbarrier.arrive $0xFFFF  }
0x5b: {  	_ =	shalt  }

</sc_bundles>
